<compile_context>
chip_gen: v7x
topology: tpu7x:2x2x1
jax: 0.10.2.dev20260603
libtpu: 0.0.44.dev20260713+nightly
codegen_flags: <defaults>
</compile_context>

<pallas_src>
import functools

import jax
import jax.numpy as jnp
from jax import lax
from jax.experimental import pallas as pl
from jax.experimental.pallas import tpu as pltpu
from jax.experimental.pallas import tpu_sc as plsc

VOCAB = 100000
D = 64
WPAD = 128
BATCH = 4096
SEQ = 50
LANES = 16

NC = 2
NS = 16
NW = NC * NS

BATCH_W = BATCH // NW
SEQ_CHUNK = 4
CHUNK = SEQ_CHUNK * SEQ
DMA_ROWS = 40
Q = CHUNK // DMA_ROWS
NCHUNK = BATCH_W // SEQ_CHUNK
NTOT_CHUNK = BATCH * SEQ // CHUNK
NBUF = 2


def _pos_table():
    pos = jnp.arange(SEQ, dtype=jnp.float32)[:, None]
    i = jnp.arange(D, dtype=jnp.float32)[None, :]
    angle = pos / jnp.power(10000.0, 2.0 * jnp.floor(i / 2.0) / D)
    angle = angle.at[:, 0::2].set(jnp.sin(angle[:, 0::2]))
    angle = angle.at[:, 1::2].set(jnp.cos(angle[:, 1::2]))
    return angle


def _sc_embed(wpack, idx3d, comb):
    mesh = plsc.VectorSubcoreMesh(core_axis_name="c", subcore_axis_name="s")

    @functools.partial(
        pl.kernel,
        mesh=mesh,
        compiler_params=pltpu.CompilerParams(use_tc_tiling_on_sc=True),
        out_type=jax.ShapeDtypeStruct((BATCH, SEQ, D), jnp.float32),
        scratch_types=[
            pltpu.VMEM((NBUF, Q, DMA_ROWS), jnp.int32),
            pltpu.VMEM((NBUF, SEQ, WPAD), jnp.float32),
            pltpu.VMEM((NBUF, CHUNK, WPAD), jnp.float32),
            pltpu.VMEM((NBUF, SEQ_CHUNK, SEQ, D), jnp.float32),
            pltpu.SemaphoreType.DMA((NBUF,)),
            pltpu.SemaphoreType.DMA((NBUF,)),
            pltpu.SemaphoreType.DMA((NBUF,)),
        ],
    )
    def k(w_hbm, idx_hbm, comb_hbm, out_hbm, idx_v, comb_v, gbuf,
          wbuf, isem, gsem, wsem):
        wid = lax.axis_index("s") * NC + lax.axis_index("c")
        out_w = wid * BATCH_W
        idx_w = wid * NCHUNK

        def stage_idx(c, b):
            pltpu.async_copy(idx_hbm.at[idx_w + c], idx_v.at[b], isem.at[b])
            pltpu.async_copy(comb_hbm.at[idx_w + c], comb_v.at[b],
                             isem.at[b])

        def fire_gathers(b):
            pltpu.make_async_copy(idx_hbm.at[pl.ds(0, 1)],
                                  idx_v.at[b], isem.at[b]).wait()
            pltpu.make_async_copy(comb_hbm.at[pl.ds(0, 1)],
                                  comb_v.at[b], isem.at[b]).wait()
            for q in range(Q):
                pltpu.async_copy(
                    w_hbm.at[idx_v.at[b].at[q]],
                    gbuf.at[b].at[pl.ds(q * DMA_ROWS, DMA_ROWS)],
                    gsem.at[b])

        for b in range(NBUF):
            stage_idx(b, b)
        for b in range(NBUF):
            fire_gathers(b)

        def pair_body(i, carry):
            for b in range(NBUF):
                c = i * NBUF + b
                pltpu.make_async_copy(w_hbm.at[pl.ds(0, CHUNK)], gbuf.at[b],
                                      gsem.at[b]).wait()

                @pl.when(i > 0)
                def _():
                    pltpu.make_async_copy(wbuf.at[b],
                                          out_hbm.at[pl.ds(0, SEQ_CHUNK)],
                                          wsem.at[b]).wait()

                @plsc.parallel_loop(0, SEQ, unroll=5)
                def _(s):
                    pv = [comb_v[b, s, pl.ds(D + j * LANES, LANES)]
                          for j in range(D // LANES)]
                    for t in range(SEQ_CHUNK):
                        r = t * SEQ + s
                        a = comb_v[b, s, pl.ds(t * LANES, LANES)]
                        bc = 0.125 - a
                        for j in range(D // LANES):
                            sl = pl.ds(j * LANES, LANES)
                            hs = pl.ds(D + j * LANES, LANES)
                            wbuf[b, t, s, sl] = (
                                gbuf[b, r, sl] * bc + gbuf[b, r, hs] * a
                                + pv[j])

                @pl.when(i < NCHUNK // NBUF - 1)
                def _():
                    stage_idx(c + NBUF, b)

                pltpu.async_copy(
                    wbuf.at[b],
                    out_hbm.at[pl.ds(out_w + c * SEQ_CHUNK, SEQ_CHUNK)],
                    wsem.at[b])

                @pl.when(i < NCHUNK // NBUF - 1)
                def _():
                    fire_gathers(b)
            return carry

        lax.fori_loop(0, NCHUNK // NBUF, pair_body, 0)

        for b in range(NBUF):
            pltpu.make_async_copy(wbuf.at[b], out_hbm.at[pl.ds(0, SEQ_CHUNK)],
                                  wsem.at[b]).wait()

    return k(wpack, idx3d, comb)


def kernel(input, weight):
    wpack = weight.reshape(VOCAB // 2, WPAD)
    flat = input.reshape(BATCH * SEQ)
    idx3d = (flat >> 1).reshape(NTOT_CHUNK, Q, DMA_ROWS)
    bits = ((flat & 1).astype(jnp.float32) * 0.125).reshape(
        NTOT_CHUNK, SEQ_CHUNK, SEQ)
    acoef = jnp.broadcast_to(
        jnp.transpose(bits, (0, 2, 1))[..., None],
        (NTOT_CHUNK, SEQ, SEQ_CHUNK, LANES)).reshape(NTOT_CHUNK, SEQ, D)
    posb = jnp.broadcast_to(_pos_table()[None], (NTOT_CHUNK, SEQ, D))
    comb = jnp.concatenate([acoef, posb], axis=-1)
    return _sc_embed(wpack, idx3d, comb)

# --- scband reference (transcript-rebuilt; emitter-appended) ---
"""Pipeline reference for scband-embedding-19748259627166 (READ-ONLY COPY).

The authoritative reference and input builder live on the scoring server;
editing this copy changes nothing except your own understanding.
"""

import jax, jax.numpy as jnp
import numpy as np

INPUT_SIZE = 100000
EMBEDDING_SIZE = 64
BATCH = 4096
SEQ_LEN = 50


def _sinusoid_table(seq_len, embedding_size):
    pos = jnp.arange(seq_len, dtype=jnp.float32)[:, None]
    i = jnp.arange(embedding_size, dtype=jnp.float32)[None, :]
    angle = pos / jnp.power(10000.0, 2.0 * jnp.floor(i / 2.0) / embedding_size)
    angle = angle.at[:, 0::2].set(jnp.sin(angle[:, 0::2]))
    angle = angle.at[:, 1::2].set(jnp.cos(angle[:, 1::2]))
    return angle


def setup_inputs(seed: int = 0) -> dict:
    key = jax.random.key(seed)
    k1, k2 = jax.random.split(key)
    indices = jax.random.randint(k1, (BATCH, SEQ_LEN), 0, INPUT_SIZE, dtype=jnp.int32)
    # nn.Embedding default init: N(0, 1)
    weight = jax.random.normal(k2, (INPUT_SIZE, EMBEDDING_SIZE), dtype=jnp.float32)
    return {"input": indices, "weight": weight}


def reference(input, weight):
    embedding_size = weight.shape[1]
    seq_len = input.shape[1]
    # embedding lookup (gather) scaled by 1/sqrt(d)
    embedding_input = jnp.take(weight, input, axis=0) / (embedding_size ** 0.5)
    # sinusoidal positional encoding table [seq_len, d], broadcast over batch
    pos_embedding = _sinusoid_table(seq_len, embedding_size)
    return embedding_input + pos_embedding[None, :, :]

if __name__ == "__main__":
    import jax
    _d = setup_inputs()
    print(jax.jit(kernel)(*tuple(_d.values())))

</pallas_src>

<mosaic_0001>
#map = affine_map<(d0, d1) -> (0, 0)>
#map1 = affine_map<(d0, d1) -> (0, 0, 0)>
module attributes {stable_mosaic.version = 14 : i64} {
  func.func @k(%arg0: i32, %arg1: i32, %arg2: memref<50000x128xf32, #tpu.memory_space<hbm>>, %arg3: memref<1024x5x40xi32, #tpu.memory_space<hbm>>, %arg4: memref<1024x50x128xf32, #tpu.memory_space<hbm>>, %arg5: memref<4096x50x64xf32, #tpu.memory_space<hbm>>, %arg6: memref<2x5x40xi32, #tpu.memory_space<vmem>>, %arg7: memref<2x50x128xf32, #tpu.memory_space<vmem>>, %arg8: memref<2x200x128xf32, #tpu.memory_space<vmem>>, %arg9: memref<2x4x50x64xf32, #tpu.memory_space<vmem>>, %arg10: memref<2x!tpu.dma_semaphore, #tpu.memory_space<semaphore_mem>>, %arg11: memref<2x!tpu.dma_semaphore, #tpu.memory_space<semaphore_mem>>, %arg12: memref<2x!tpu.dma_semaphore, #tpu.memory_space<semaphore_mem>>) attributes {dimension_semantics = [#tpu.dimension_semantics<core_parallel>, #tpu.dimension_semantics<subcore_parallel>], iteration_bounds = array<i64: 2, 16>, scalar_prefetch = 0 : i64, scratch_operands = 7 : i64, tpu.core_type = #tpu.core_type<sc_vector_subcore>, window_params = [{transform_indices = #map}, {transform_indices = #map1}, {transform_indices = #map1}, {transform_indices = #map1}]} {
    %mul3A = arith.constant 2 : i32
    %mul3A_0 = arith.muli %arg1, %mul3A : i32
    %add3A = arith.addi %mul3A_0, %arg0 : i32
    %mul3A_1 = arith.constant 128 : i32
    %mul3A_2 = arith.muli %add3A, %mul3A_1 : i32
    %mul3A_3 = arith.constant 32 : i32
    %mul3A_4 = arith.muli %add3A, %mul3A_3 : i32
    %add3A_5 = arith.constant 0 : i32
    %add3A_6 = arith.addi %mul3A_4, %add3A_5 : i32
    %dma_start3A = arith.constant 0 : i32
    %dma_start3A_7 = arith.constant 0 : i32
    %dma_start3A_8 = arith.constant 0 : i32
    %dma_start3A_9 = arith.constant 0 : i32
    %dma_start3A_10 = tpu.memref_slice %arg6[%dma_start3A, %dma_start3A_8, %dma_start3A_9] : memref<2x5x40xi32, #tpu.memory_space<vmem>> -> memref<1x5x40xi32, #tpu.memory_space<vmem>>
    %dma_start3A_11 = tpu.memref_squeeze %dma_start3A_10 : memref<1x5x40xi32, #tpu.memory_space<vmem>> -> memref<5x40xi32, #tpu.memory_space<vmem>>
    %dma_start3A_12 = arith.constant 0 : i32
    %dma_start3A_13 = arith.constant 0 : i32
    %dma_start3A_14 = tpu.memref_slice %arg3[%add3A_6, %dma_start3A_12, %dma_start3A_13] : memref<1024x5x40xi32, #tpu.memory_space<hbm>> -> memref<1x5x40xi32, #tpu.memory_space<hbm>>
    %dma_start3A_15 = tpu.memref_squeeze %dma_start3A_14 : memref<1x5x40xi32, #tpu.memory_space<hbm>> -> memref<5x40xi32, #tpu.memory_space<hbm>>
    %dma_start3A_16 = tpu.memref_slice %arg10[%dma_start3A_7] : memref<2x!tpu.dma_semaphore, #tpu.memory_space<semaphore_mem>> -> memref<1x!tpu.dma_semaphore, #tpu.memory_space<semaphore_mem>>
    %dma_start3A_17 = tpu.memref_squeeze %dma_start3A_16 : memref<1x!tpu.dma_semaphore, #tpu.memory_space<semaphore_mem>> -> memref<!tpu.dma_semaphore, #tpu.memory_space<semaphore_mem>>
    %dma_start3A_18 = arith.constant 0 : i32
    %dma_start3A_19 = arith.constant 0 : i32
    %dma_start3A_20 = tpu.memref_slice %arg6[%dma_start3A, %dma_start3A_18, %dma_start3A_19] : memref<2x5x40xi32, #tpu.memory_space<vmem>> -> memref<1x5x40xi32, #tpu.memory_space<vmem>>
    %dma_start3A_21 = tpu.memref_squeeze %dma_start3A_20 : memref<1x5x40xi32, #tpu.memory_space<vmem>> -> memref<5x40xi32, #tpu.memory_space<vmem>>
    %dma_start3A_22 = arith.constant 0 : i32
    %dma_start3A_23 = arith.constant 0 : i32
    %dma_start3A_24 = tpu.memref_slice %arg3[%add3A_6, %dma_start3A_22, %dma_start3A_23] : memref<1024x5x40xi32, #tpu.memory_space<hbm>> -> memref<1x5x40xi32, #tpu.memory_space<hbm>>
    %dma_start3A_25 = tpu.memref_squeeze %dma_start3A_24 : memref<1x5x40xi32, #tpu.memory_space<hbm>> -> memref<5x40xi32, #tpu.memory_space<hbm>>
    tpu.enqueue_dma source(%dma_start3A_25 : memref<5x40xi32, #tpu.memory_space<hbm>>) target(%dma_start3A_21 : memref<5x40xi32, #tpu.memory_space<vmem>>) target_semaphore(%dma_start3A_17 : memref<!tpu.dma_semaphore, #tpu.memory_space<semaphore_mem>>)
    %add3A_26 = arith.constant 0 : i32
    %add3A_27 = arith.addi %mul3A_4, %add3A_26 : i32
    %dma_start3A_28 = arith.constant 0 : i32
    %dma_start3A_29 = arith.constant 0 : i32
    %dma_start3A_30 = arith.constant 0 : i32
    %dma_start3A_31 = arith.constant 0 : i32
    %dma_start3A_32 = tpu.memref_slice %arg7[%dma_start3A_28, %dma_start3A_30, %dma_start3A_31] : memref<2x50x128xf32, #tpu.memory_space<vmem>> -> memref<1x50x128xf32, #tpu.memory_space<vmem>>
    %dma_start3A_33 = tpu.memref_squeeze %dma_start3A_32 : memref<1x50x128xf32, #tpu.memory_space<vmem>> -> memref<50x128xf32, #tpu.memory_space<vmem>>
    %dma_start3A_34 = arith.constant 0 : i32
    %dma_start3A_35 = arith.constant 0 : i32
    %dma_start3A_36 = tpu.memref_slice %arg4[%add3A_27, %dma_start3A_34, %dma_start3A_35] : memref<1024x50x128xf32, #tpu.memory_space<hbm>> -> memref<1x50x128xf32, #tpu.memory_space<hbm>>
    %dma_start3A_37 = tpu.memref_squeeze %dma_start3A_36 : memref<1x50x128xf32, #tpu.memory_space<hbm>> -> memref<50x128xf32, #tpu.memory_space<hbm>>
    %dma_start3A_38 = tpu.memref_slice %arg10[%dma_start3A_29] : memref<2x!tpu.dma_semaphore, #tpu.memory_space<semaphore_mem>> -> memref<1x!tpu.dma_semaphore, #tpu.memory_space<semaphore_mem>>
    %dma_start3A_39 = tpu.memref_squeeze %dma_start3A_38 : memref<1x!tpu.dma_semaphore, #tpu.memory_space<semaphore_mem>> -> memref<!tpu.dma_semaphore, #tpu.memory_space<semaphore_mem>>
    %dma_start3A_40 = arith.constant 0 : i32
    %dma_start3A_41 = arith.constant 0 : i32
    %dma_start3A_42 = tpu.memref_slice %arg7[%dma_start3A_28, %dma_start3A_40, %dma_start3A_41] : memref<2x50x128xf32, #tpu.memory_space<vmem>> -> memref<1x50x128xf32, #tpu.memory_space<vmem>>
    %dma_start3A_43 = tpu.memref_squeeze %dma_start3A_42 : memref<1x50x128xf32, #tpu.memory_space<vmem>> -> memref<50x128xf32, #tpu.memory_space<vmem>>
    %dma_start3A_44 = arith.constant 0 : i32
    %dma_start3A_45 = arith.constant 0 : i32
    %dma_start3A_46 = tpu.memref_slice %arg4[%add3A_27, %dma_start3A_44, %dma_start3A_45] : memref<1024x50x128xf32, #tpu.memory_space<hbm>> -> memref<1x50x128xf32, #tpu.memory_space<hbm>>
    %dma_start3A_47 = tpu.memref_squeeze %dma_start3A_46 : memref<1x50x128xf32, #tpu.memory_space<hbm>> -> memref<50x128xf32, #tpu.memory_space<hbm>>
    tpu.enqueue_dma source(%dma_start3A_47 : memref<50x128xf32, #tpu.memory_space<hbm>>) target(%dma_start3A_43 : memref<50x128xf32, #tpu.memory_space<vmem>>) target_semaphore(%dma_start3A_39 : memref<!tpu.dma_semaphore, #tpu.memory_space<semaphore_mem>>)
    %add3A_48 = arith.constant 1 : i32
    %add3A_49 = arith.addi %mul3A_4, %add3A_48 : i32
    %dma_start3A_50 = arith.constant 1 : i32
    %dma_start3A_51 = arith.constant 1 : i32
    %dma_start3A_52 = arith.constant 0 : i32
    %dma_start3A_53 = arith.constant 0 : i32
    %dma_start3A_54 = tpu.memref_slice %arg6[%dma_start3A_50, %dma_start3A_52, %dma_start3A_53] : memref<2x5x40xi32, #tpu.memory_space<vmem>> -> memref<1x5x40xi32, #tpu.memory_space<vmem>>
    %dma_start3A_55 = tpu.memref_squeeze %dma_start3A_54 : memref<1x5x40xi32, #tpu.memory_space<vmem>> -> memref<5x40xi32, #tpu.memory_space<vmem>>
    %dma_start3A_56 = arith.constant 0 : i32
    %dma_start3A_57 = arith.constant 0 : i32
    %dma_start3A_58 = tpu.memref_slice %arg3[%add3A_49, %dma_start3A_56, %dma_start3A_57] : memref<1024x5x40xi32, #tpu.memory_space<hbm>> -> memref<1x5x40xi32, #tpu.memory_space<hbm>>
    %dma_start3A_59 = tpu.memref_squeeze %dma_start3A_58 : memref<1x5x40xi32, #tpu.memory_space<hbm>> -> memref<5x40xi32, #tpu.memory_space<hbm>>
    %dma_start3A_60 = tpu.memref_slice %arg10[%dma_start3A_51] : memref<2x!tpu.dma_semaphore, #tpu.memory_space<semaphore_mem>> -> memref<1x!tpu.dma_semaphore, #tpu.memory_space<semaphore_mem>>
    %dma_start3A_61 = tpu.memref_squeeze %dma_start3A_60 : memref<1x!tpu.dma_semaphore, #tpu.memory_space<semaphore_mem>> -> memref<!tpu.dma_semaphore, #tpu.memory_space<semaphore_mem>>
    %dma_start3A_62 = arith.constant 0 : i32
    %dma_start3A_63 = arith.constant 0 : i32
    %dma_start3A_64 = tpu.memref_slice %arg6[%dma_start3A_50, %dma_start3A_62, %dma_start3A_63] : memref<2x5x40xi32, #tpu.memory_space<vmem>> -> memref<1x5x40xi32, #tpu.memory_space<vmem>>
    %dma_start3A_65 = tpu.memref_squeeze %dma_start3A_64 : memref<1x5x40xi32, #tpu.memory_space<vmem>> -> memref<5x40xi32, #tpu.memory_space<vmem>>
    %dma_start3A_66 = arith.constant 0 : i32
    %dma_start3A_67 = arith.constant 0 : i32
    %dma_start3A_68 = tpu.memref_slice %arg3[%add3A_49, %dma_start3A_66, %dma_start3A_67] : memref<1024x5x40xi32, #tpu.memory_space<hbm>> -> memref<1x5x40xi32, #tpu.memory_space<hbm>>
    %dma_start3A_69 = tpu.memref_squeeze %dma_start3A_68 : memref<1x5x40xi32, #tpu.memory_space<hbm>> -> memref<5x40xi32, #tpu.memory_space<hbm>>
    tpu.enqueue_dma source(%dma_start3A_69 : memref<5x40xi32, #tpu.memory_space<hbm>>) target(%dma_start3A_65 : memref<5x40xi32, #tpu.memory_space<vmem>>) target_semaphore(%dma_start3A_61 : memref<!tpu.dma_semaphore, #tpu.memory_space<semaphore_mem>>)
    %add3A_70 = arith.constant 1 : i32
    %add3A_71 = arith.addi %mul3A_4, %add3A_70 : i32
    %dma_start3A_72 = arith.constant 1 : i32
    %dma_start3A_73 = arith.constant 1 : i32
    %dma_start3A_74 = arith.constant 0 : i32
    %dma_start3A_75 = arith.constant 0 : i32
    %dma_start3A_76 = tpu.memref_slice %arg7[%dma_start3A_72, %dma_start3A_74, %dma_start3A_75] : memref<2x50x128xf32, #tpu.memory_space<vmem>> -> memref<1x50x128xf32, #tpu.memory_space<vmem>>
    %dma_start3A_77 = tpu.memref_squeeze %dma_start3A_76 : memref<1x50x128xf32, #tpu.memory_space<vmem>> -> memref<50x128xf32, #tpu.memory_space<vmem>>
    %dma_start3A_78 = arith.constant 0 : i32
    %dma_start3A_79 = arith.constant 0 : i32
    %dma_start3A_80 = tpu.memref_slice %arg4[%add3A_71, %dma_start3A_78, %dma_start3A_79] : memref<1024x50x128xf32, #tpu.memory_space<hbm>> -> memref<1x50x128xf32, #tpu.memory_space<hbm>>
    %dma_start3A_81 = tpu.memref_squeeze %dma_start3A_80 : memref<1x50x128xf32, #tpu.memory_space<hbm>> -> memref<50x128xf32, #tpu.memory_space<hbm>>
    %dma_start3A_82 = tpu.memref_slice %arg10[%dma_start3A_73] : memref<2x!tpu.dma_semaphore, #tpu.memory_space<semaphore_mem>> -> memref<1x!tpu.dma_semaphore, #tpu.memory_space<semaphore_mem>>
    %dma_start3A_83 = tpu.memref_squeeze %dma_start3A_82 : memref<1x!tpu.dma_semaphore, #tpu.memory_space<semaphore_mem>> -> memref<!tpu.dma_semaphore, #tpu.memory_space<semaphore_mem>>
    %dma_start3A_84 = arith.constant 0 : i32
    %dma_start3A_85 = arith.constant 0 : i32
    %dma_start3A_86 = tpu.memref_slice %arg7[%dma_start3A_72, %dma_start3A_84, %dma_start3A_85] : memref<2x50x128xf32, #tpu.memory_space<vmem>> -> memref<1x50x128xf32, #tpu.memory_space<vmem>>
    %dma_start3A_87 = tpu.memref_squeeze %dma_start3A_86 : memref<1x50x128xf32, #tpu.memory_space<vmem>> -> memref<50x128xf32, #tpu.memory_space<vmem>>
    %dma_start3A_88 = arith.constant 0 : i32
    %dma_start3A_89 = arith.constant 0 : i32
    %dma_start3A_90 = tpu.memref_slice %arg4[%add3A_71, %dma_start3A_88, %dma_start3A_89] : memref<1024x50x128xf32, #tpu.memory_space<hbm>> -> memref<1x50x128xf32, #tpu.memory_space<hbm>>
    %dma_start3A_91 = tpu.memref_squeeze %dma_start3A_90 : memref<1x50x128xf32, #tpu.memory_space<hbm>> -> memref<50x128xf32, #tpu.memory_space<hbm>>
    tpu.enqueue_dma source(%dma_start3A_91 : memref<50x128xf32, #tpu.memory_space<hbm>>) target(%dma_start3A_87 : memref<50x128xf32, #tpu.memory_space<vmem>>) target_semaphore(%dma_start3A_83 : memref<!tpu.dma_semaphore, #tpu.memory_space<semaphore_mem>>)
    %dma_wait3A = arith.constant 0 : i32
    %dma_wait3A_92 = arith.constant 0 : i32
    %dma_wait3A_93 = arith.constant 0 : i32
    %dma_wait3A_94 = arith.constant 0 : i32
    %dma_wait3A_95 = tpu.memref_slice %arg6[%dma_wait3A, %dma_wait3A_93, %dma_wait3A_94] : memref<2x5x40xi32, #tpu.memory_space<vmem>> -> memref<1x5x40xi32, #tpu.memory_space<vmem>>
    %dma_wait3A_96 = tpu.memref_squeeze %dma_wait3A_95 : memref<1x5x40xi32, #tpu.memory_space<vmem>> -> memref<5x40xi32, #tpu.memory_space<vmem>>
    %dma_wait3A_97 = arith.constant 0 : i32
    %dma_wait3A_98 = arith.constant 0 : i32
    %dma_wait3A_99 = arith.constant 0 : i32
    %dma_wait3A_100 = tpu.memref_slice %arg3[%dma_wait3A_97, %dma_wait3A_98, %dma_wait3A_99] : memref<1024x5x40xi32, #tpu.memory_space<hbm>> -> memref<1x5x40xi32, #tpu.memory_space<hbm>>
    %dma_wait3A_101 = tpu.memref_slice %arg10[%dma_wait3A_92] : memref<2x!tpu.dma_semaphore, #tpu.memory_space<semaphore_mem>> -> memref<1x!tpu.dma_semaphore, #tpu.memory_space<semaphore_mem>>
    %dma_wait3A_102 = tpu.memref_squeeze %dma_wait3A_101 : memref<1x!tpu.dma_semaphore, #tpu.memory_space<semaphore_mem>> -> memref<!tpu.dma_semaphore, #tpu.memory_space<semaphore_mem>>
    %dma_wait3A_103 = arith.constant 0 : i32
    %dma_wait3A_104 = arith.constant 0 : i32
    %dma_wait3A_105 = tpu.memref_slice %arg6[%dma_wait3A, %dma_wait3A_103, %dma_wait3A_104] : memref<2x5x40xi32, #tpu.memory_space<vmem>> -> memref<1x5x40xi32, #tpu.memory_space<vmem>>
    %dma_wait3A_106 = tpu.memref_squeeze %dma_wait3A_105 : memref<1x5x40xi32, #tpu.memory_space<vmem>> -> memref<5x40xi32, #tpu.memory_space<vmem>>
    %dma_wait3A_107 = arith.constant 0 : i32
    %dma_wait3A_108 = arith.constant 0 : i32
    %dma_wait3A_109 = arith.constant 0 : i32
    %dma_wait3A_110 = tpu.memref_slice %arg3[%dma_wait3A_107, %dma_wait3A_108, %dma_wait3A_109] : memref<1024x5x40xi32, #tpu.memory_space<hbm>> -> memref<1x5x40xi32, #tpu.memory_space<hbm>>
    tpu.wait_dma2 semaphore(%dma_wait3A_102 : memref<!tpu.dma_semaphore, #tpu.memory_space<semaphore_mem>>) src(%dma_wait3A_110 : memref<1x5x40xi32, #tpu.memory_space<hbm>>) dst(%dma_wait3A_106 : memref<5x40xi32, #tpu.memory_space<vmem>>)
    %dma_wait3A_111 = arith.constant 0 : i32
    %dma_wait3A_112 = arith.constant 0 : i32
    %dma_wait3A_113 = arith.constant 0 : i32
    %dma_wait3A_114 = arith.constant 0 : i32
    %dma_wait3A_115 = tpu.memref_slice %arg7[%dma_wait3A_111, %dma_wait3A_113, %dma_wait3A_114] : memref<2x50x128xf32, #tpu.memory_space<vmem>> -> memref<1x50x128xf32, #tpu.memory_space<vmem>>
    %dma_wait3A_116 = tpu.memref_squeeze %dma_wait3A_115 : memref<1x50x128xf32, #tpu.memory_space<vmem>> -> memref<50x128xf32, #tpu.memory_space<vmem>>
    %dma_wait3A_117 = arith.constant 0 : i32
    %dma_wait3A_118 = arith.constant 0 : i32
    %dma_wait3A_119 = arith.constant 0 : i32
    %dma_wait3A_120 = tpu.memref_slice %arg4[%dma_wait3A_117, %dma_wait3A_118, %dma_wait3A_119] : memref<1024x50x128xf32, #tpu.memory_space<hbm>> -> memref<1x50x128xf32, #tpu.memory_space<hbm>>
    %dma_wait3A_121 = tpu.memref_slice %arg10[%dma_wait3A_112] : memref<2x!tpu.dma_semaphore, #tpu.memory_space<semaphore_mem>> -> memref<1x!tpu.dma_semaphore, #tpu.memory_space<semaphore_mem>>
    %dma_wait3A_122 = tpu.memref_squeeze %dma_wait3A_121 : memref<1x!tpu.dma_semaphore, #tpu.memory_space<semaphore_mem>> -> memref<!tpu.dma_semaphore, #tpu.memory_space<semaphore_mem>>
    %dma_wait3A_123 = arith.constant 0 : i32
    %dma_wait3A_124 = arith.constant 0 : i32
    %dma_wait3A_125 = tpu.memref_slice %arg7[%dma_wait3A_111, %dma_wait3A_123, %dma_wait3A_124] : memref<2x50x128xf32, #tpu.memory_space<vmem>> -> memref<1x50x128xf32, #tpu.memory_space<vmem>>
    %dma_wait3A_126 = tpu.memref_squeeze %dma_wait3A_125 : memref<1x50x128xf32, #tpu.memory_space<vmem>> -> memref<50x128xf32, #tpu.memory_space<vmem>>
    %dma_wait3A_127 = arith.constant 0 : i32
    %dma_wait3A_128 = arith.constant 0 : i32
    %dma_wait3A_129 = arith.constant 0 : i32
    %dma_wait3A_130 = tpu.memref_slice %arg4[%dma_wait3A_127, %dma_wait3A_128, %dma_wait3A_129] : memref<1024x50x128xf32, #tpu.memory_space<hbm>> -> memref<1x50x128xf32, #tpu.memory_space<hbm>>
    tpu.wait_dma2 semaphore(%dma_wait3A_122 : memref<!tpu.dma_semaphore, #tpu.memory_space<semaphore_mem>>) src(%dma_wait3A_130 : memref<1x50x128xf32, #tpu.memory_space<hbm>>) dst(%dma_wait3A_126 : memref<50x128xf32, #tpu.memory_space<vmem>>)
    %dma_start3A_131 = arith.constant 0 : i32
    %dma_start3A_132 = arith.constant 0 : i32
    %dma_start3A_133 = arith.constant 0 : i32
    %dma_start3A_134 = arith.constant 0 : i32
    %dma_start3A_135 = arith.constant 0 : i32
    %dma_start3A_136 = arith.constant 0 : i32
    %dma_start3A_137 = tpu.memref_slice %arg8[%dma_start3A_133, %dma_start3A_135, %dma_start3A_136] : memref<2x200x128xf32, #tpu.memory_space<vmem>> -> memref<1x200x128xf32, #tpu.memory_space<vmem>>
    %dma_start3A_138 = tpu.memref_squeeze %dma_start3A_137 : memref<1x200x128xf32, #tpu.memory_space<vmem>> -> memref<200x128xf32, #tpu.memory_space<vmem>>
    %dma_start3A_139 = arith.constant 0 : i32
    %dma_start3A_140 = arith.constant 0 : i32
    %dma_start3A_141 = tpu.memref_slice %dma_start3A_138[%dma_start3A_139, %dma_start3A_140] : memref<200x128xf32, #tpu.memory_space<vmem>> -> memref<40x128xf32, #tpu.memory_space<vmem>>
    %dma_start3A_142 = arith.constant 0 : i32
    %dma_start3A_143 = arith.constant 0 : i32
    %dma_start3A_144 = tpu.memref_slice %arg6[%dma_start3A_131, %dma_start3A_142, %dma_start3A_143] : memref<2x5x40xi32, #tpu.memory_space<vmem>> -> memref<1x5x40xi32, #tpu.memory_space<vmem>>
    %dma_start3A_145 = tpu.memref_squeeze %dma_start3A_144 : memref<1x5x40xi32, #tpu.memory_space<vmem>> -> memref<5x40xi32, #tpu.memory_space<vmem>>
    %dma_start3A_146 = arith.constant 0 : i32
    %dma_start3A_147 = tpu.memref_slice %dma_start3A_145[%dma_start3A_132, %dma_start3A_146] : memref<5x40xi32, #tpu.memory_space<vmem>> -> memref<1x40xi32, #tpu.memory_space<vmem>>
    %dma_start3A_148 = tpu.memref_squeeze %dma_start3A_147 : memref<1x40xi32, #tpu.memory_space<vmem>> -> memref<40xi32, #tpu.memory_space<vmem>>
    %dma_start3A_149 = arith.constant 0 : i32
    %dma_start3A_150 = arith.constant 0 : i32
    %dma_start3A_151 = tpu.memref_slice %arg2[%dma_start3A_149, %dma_start3A_150] : memref<50000x128xf32, #tpu.memory_space<hbm>> -> memref<50000x128xf32, #tpu.memory_space<hbm>>
    %dma_start3A_152 = tpu.memref_slice %arg11[%dma_start3A_134] : memref<2x!tpu.dma_semaphore, #tpu.memory_space<semaphore_mem>> -> memref<1x!tpu.dma_semaphore, #tpu.memory_space<semaphore_mem>>
    %dma_start3A_153 = tpu.memref_squeeze %dma_start3A_152 : memref<1x!tpu.dma_semaphore, #tpu.memory_space<semaphore_mem>> -> memref<!tpu.dma_semaphore, #tpu.memory_space<semaphore_mem>>
    tpu.enqueue_indirect_dma source(%dma_start3A_151 : memref<50000x128xf32, #tpu.memory_space<hbm>>) target(%dma_start3A_141 : memref<40x128xf32, #tpu.memory_space<vmem>>) offsets(%dma_start3A_148 : memref<40xi32, #tpu.memory_space<vmem>>) semaphore(%dma_start3A_153 : memref<!tpu.dma_semaphore, #tpu.memory_space<semaphore_mem>>)
    %dma_start3A_154 = arith.constant 0 : i32
    %dma_start3A_155 = arith.constant 1 : i32
    %dma_start3A_156 = arith.constant 0 : i32
    %dma_start3A_157 = arith.constant 0 : i32
    %dma_start3A_158 = arith.constant 0 : i32
    %dma_start3A_159 = arith.constant 0 : i32
    %dma_start3A_160 = tpu.memref_slice %arg8[%dma_start3A_156, %dma_start3A_158, %dma_start3A_159] : memref<2x200x128xf32, #tpu.memory_space<vmem>> -> memref<1x200x128xf32, #tpu.memory_space<vmem>>
    %dma_start3A_161 = tpu.memref_squeeze %dma_start3A_160 : memref<1x200x128xf32, #tpu.memory_space<vmem>> -> memref<200x128xf32, #tpu.memory_space<vmem>>
    %dma_start3A_162 = arith.constant 40 : i32
    %dma_start3A_163 = arith.constant 0 : i32
    %dma_start3A_164 = tpu.memref_slice %dma_start3A_161[%dma_start3A_162, %dma_start3A_163] : memref<200x128xf32, #tpu.memory_space<vmem>> -> memref<40x128xf32, #tpu.memory_space<vmem>>
    %dma_start3A_165 = arith.constant 0 : i32
    %dma_start3A_166 = arith.constant 0 : i32
    %dma_start3A_167 = tpu.memref_slice %arg6[%dma_start3A_154, %dma_start3A_165, %dma_start3A_166] : memref<2x5x40xi32, #tpu.memory_space<vmem>> -> memref<1x5x40xi32, #tpu.memory_space<vmem>>
    %dma_start3A_168 = tpu.memref_squeeze %dma_start3A_167 : memref<1x5x40xi32, #tpu.memory_space<vmem>> -> memref<5x40xi32, #tpu.memory_space<vmem>>
    %dma_start3A_169 = arith.constant 0 : i32
    %dma_start3A_170 = tpu.memref_slice %dma_start3A_168[%dma_start3A_155, %dma_start3A_169] : memref<5x40xi32, #tpu.memory_space<vmem>> -> memref<1x40xi32, #tpu.memory_space<vmem>>
    %dma_start3A_171 = tpu.memref_squeeze %dma_start3A_170 : memref<1x40xi32, #tpu.memory_space<vmem>> -> memref<40xi32, #tpu.memory_space<vmem>>
    %dma_start3A_172 = arith.constant 0 : i32
    %dma_start3A_173 = arith.constant 0 : i32
    %dma_start3A_174 = tpu.memref_slice %arg2[%dma_start3A_172, %dma_start3A_173] : memref<50000x128xf32, #tpu.memory_space<hbm>> -> memref<50000x128xf32, #tpu.memory_space<hbm>>
    %dma_start3A_175 = tpu.memref_slice %arg11[%dma_start3A_157] : memref<2x!tpu.dma_semaphore, #tpu.memory_space<semaphore_mem>> -> memref<1x!tpu.dma_semaphore, #tpu.memory_space<semaphore_mem>>
    %dma_start3A_176 = tpu.memref_squeeze %dma_start3A_175 : memref<1x!tpu.dma_semaphore, #tpu.memory_space<semaphore_mem>> -> memref<!tpu.dma_semaphore, #tpu.memory_space<semaphore_mem>>
    tpu.enqueue_indirect_dma source(%dma_start3A_174 : memref<50000x128xf32, #tpu.memory_space<hbm>>) target(%dma_start3A_164 : memref<40x128xf32, #tpu.memory_space<vmem>>) offsets(%dma_start3A_171 : memref<40xi32, #tpu.memory_space<vmem>>) semaphore(%dma_start3A_176 : memref<!tpu.dma_semaphore, #tpu.memory_space<semaphore_mem>>)
    %dma_start3A_177 = arith.constant 0 : i32
    %dma_start3A_178 = arith.constant 2 : i32
    %dma_start3A_179 = arith.constant 0 : i32
    %dma_start3A_180 = arith.constant 0 : i32
    %dma_start3A_181 = arith.constant 0 : i32
    %dma_start3A_182 = arith.constant 0 : i32
    %dma_start3A_183 = tpu.memref_slice %arg8[%dma_start3A_179, %dma_start3A_181, %dma_start3A_182] : memref<2x200x128xf32, #tpu.memory_space<vmem>> -> memref<1x200x128xf32, #tpu.memory_space<vmem>>
    %dma_start3A_184 = tpu.memref_squeeze %dma_start3A_183 : memref<1x200x128xf32, #tpu.memory_space<vmem>> -> memref<200x128xf32, #tpu.memory_space<vmem>>
    %dma_start3A_185 = arith.constant 80 : i32
    %dma_start3A_186 = arith.constant 0 : i32
    %dma_start3A_187 = tpu.memref_slice %dma_start3A_184[%dma_start3A_185, %dma_start3A_186] : memref<200x128xf32, #tpu.memory_space<vmem>> -> memref<40x128xf32, #tpu.memory_space<vmem>>
    %dma_start3A_188 = arith.constant 0 : i32
    %dma_start3A_189 = arith.constant 0 : i32
    %dma_start3A_190 = tpu.memref_slice %arg6[%dma_start3A_177, %dma_start3A_188, %dma_start3A_189] : memref<2x5x40xi32, #tpu.memory_space<vmem>> -> memref<1x5x40xi32, #tpu.memory_space<vmem>>
    %dma_start3A_191 = tpu.memref_squeeze %dma_start3A_190 : memref<1x5x40xi32, #tpu.memory_space<vmem>> -> memref<5x40xi32, #tpu.memory_space<vmem>>
    %dma_start3A_192 = arith.constant 0 : i32
    %dma_start3A_193 = tpu.memref_slice %dma_start3A_191[%dma_start3A_178, %dma_start3A_192] : memref<5x40xi32, #tpu.memory_space<vmem>> -> memref<1x40xi32, #tpu.memory_space<vmem>>
    %dma_start3A_194 = tpu.memref_squeeze %dma_start3A_193 : memref<1x40xi32, #tpu.memory_space<vmem>> -> memref<40xi32, #tpu.memory_space<vmem>>
    %dma_start3A_195 = arith.constant 0 : i32
    %dma_start3A_196 = arith.constant 0 : i32
    %dma_start3A_197 = tpu.memref_slice %arg2[%dma_start3A_195, %dma_start3A_196] : memref<50000x128xf32, #tpu.memory_space<hbm>> -> memref<50000x128xf32, #tpu.memory_space<hbm>>
    %dma_start3A_198 = tpu.memref_slice %arg11[%dma_start3A_180] : memref<2x!tpu.dma_semaphore, #tpu.memory_space<semaphore_mem>> -> memref<1x!tpu.dma_semaphore, #tpu.memory_space<semaphore_mem>>
    %dma_start3A_199 = tpu.memref_squeeze %dma_start3A_198 : memref<1x!tpu.dma_semaphore, #tpu.memory_space<semaphore_mem>> -> memref<!tpu.dma_semaphore, #tpu.memory_space<semaphore_mem>>
    tpu.enqueue_indirect_dma source(%dma_start3A_197 : memref<50000x128xf32, #tpu.memory_space<hbm>>) target(%dma_start3A_187 : memref<40x128xf32, #tpu.memory_space<vmem>>) offsets(%dma_start3A_194 : memref<40xi32, #tpu.memory_space<vmem>>) semaphore(%dma_start3A_199 : memref<!tpu.dma_semaphore, #tpu.memory_space<semaphore_mem>>)
    %dma_start3A_200 = arith.constant 0 : i32
    %dma_start3A_201 = arith.constant 3 : i32
    %dma_start3A_202 = arith.constant 0 : i32
    %dma_start3A_203 = arith.constant 0 : i32
    %dma_start3A_204 = arith.constant 0 : i32
    %dma_start3A_205 = arith.constant 0 : i32
    %dma_start3A_206 = tpu.memref_slice %arg8[%dma_start3A_202, %dma_start3A_204, %dma_start3A_205] : memref<2x200x128xf32, #tpu.memory_space<vmem>> -> memref<1x200x128xf32, #tpu.memory_space<vmem>>
    %dma_start3A_207 = tpu.memref_squeeze %dma_start3A_206 : memref<1x200x128xf32, #tpu.memory_space<vmem>> -> memref<200x128xf32, #tpu.memory_space<vmem>>
    %dma_start3A_208 = arith.constant 120 : i32
    %dma_start3A_209 = arith.constant 0 : i32
    %dma_start3A_210 = tpu.memref_slice %dma_start3A_207[%dma_start3A_208, %dma_start3A_209] : memref<200x128xf32, #tpu.memory_space<vmem>> -> memref<40x128xf32, #tpu.memory_space<vmem>>
    %dma_start3A_211 = arith.constant 0 : i32
    %dma_start3A_212 = arith.constant 0 : i32
    %dma_start3A_213 = tpu.memref_slice %arg6[%dma_start3A_200, %dma_start3A_211, %dma_start3A_212] : memref<2x5x40xi32, #tpu.memory_space<vmem>> -> memref<1x5x40xi32, #tpu.memory_space<vmem>>
    %dma_start3A_214 = tpu.memref_squeeze %dma_start3A_213 : memref<1x5x40xi32, #tpu.memory_space<vmem>> -> memref<5x40xi32, #tpu.memory_space<vmem>>
    %dma_start3A_215 = arith.constant 0 : i32
    %dma_start3A_216 = tpu.memref_slice %dma_start3A_214[%dma_start3A_201, %dma_start3A_215] : memref<5x40xi32, #tpu.memory_space<vmem>> -> memref<1x40xi32, #tpu.memory_space<vmem>>
    %dma_start3A_217 = tpu.memref_squeeze %dma_start3A_216 : memref<1x40xi32, #tpu.memory_space<vmem>> -> memref<40xi32, #tpu.memory_space<vmem>>
    %dma_start3A_218 = arith.constant 0 : i32
    %dma_start3A_219 = arith.constant 0 : i32
    %dma_start3A_220 = tpu.memref_slice %arg2[%dma_start3A_218, %dma_start3A_219] : memref<50000x128xf32, #tpu.memory_space<hbm>> -> memref<50000x128xf32, #tpu.memory_space<hbm>>
    %dma_start3A_221 = tpu.memref_slice %arg11[%dma_start3A_203] : memref<2x!tpu.dma_semaphore, #tpu.memory_space<semaphore_mem>> -> memref<1x!tpu.dma_semaphore, #tpu.memory_space<semaphore_mem>>
    %dma_start3A_222 = tpu.memref_squeeze %dma_start3A_221 : memref<1x!tpu.dma_semaphore, #tpu.memory_space<semaphore_mem>> -> memref<!tpu.dma_semaphore, #tpu.memory_space<semaphore_mem>>
    tpu.enqueue_indirect_dma source(%dma_start3A_220 : memref<50000x128xf32, #tpu.memory_space<hbm>>) target(%dma_start3A_210 : memref<40x128xf32, #tpu.memory_space<vmem>>) offsets(%dma_start3A_217 : memref<40xi32, #tpu.memory_space<vmem>>) semaphore(%dma_start3A_222 : memref<!tpu.dma_semaphore, #tpu.memory_space<semaphore_mem>>)
    %dma_start3A_223 = arith.constant 0 : i32
    %dma_start3A_224 = arith.constant 4 : i32
    %dma_start3A_225 = arith.constant 0 : i32
    %dma_start3A_226 = arith.constant 0 : i32
    %dma_start3A_227 = arith.constant 0 : i32
    %dma_start3A_228 = arith.constant 0 : i32
    %dma_start3A_229 = tpu.memref_slice %arg8[%dma_start3A_225, %dma_start3A_227, %dma_start3A_228] : memref<2x200x128xf32, #tpu.memory_space<vmem>> -> memref<1x200x128xf32, #tpu.memory_space<vmem>>
    %dma_start3A_230 = tpu.memref_squeeze %dma_start3A_229 : memref<1x200x128xf32, #tpu.memory_space<vmem>> -> memref<200x128xf32, #tpu.memory_space<vmem>>
    %dma_start3A_231 = arith.constant 160 : i32
    %dma_start3A_232 = arith.constant 0 : i32
    %dma_start3A_233 = tpu.memref_slice %dma_start3A_230[%dma_start3A_231, %dma_start3A_232] : memref<200x128xf32, #tpu.memory_space<vmem>> -> memref<40x128xf32, #tpu.memory_space<vmem>>
    %dma_start3A_234 = arith.constant 0 : i32
    %dma_start3A_235 = arith.constant 0 : i32
    %dma_start3A_236 = tpu.memref_slice %arg6[%dma_start3A_223, %dma_start3A_234, %dma_start3A_235] : memref<2x5x40xi32, #tpu.memory_space<vmem>> -> memref<1x5x40xi32, #tpu.memory_space<vmem>>
    %dma_start3A_237 = tpu.memref_squeeze %dma_start3A_236 : memref<1x5x40xi32, #tpu.memory_space<vmem>> -> memref<5x40xi32, #tpu.memory_space<vmem>>
    %dma_start3A_238 = arith.constant 0 : i32
    %dma_start3A_239 = tpu.memref_slice %dma_start3A_237[%dma_start3A_224, %dma_start3A_238] : memref<5x40xi32, #tpu.memory_space<vmem>> -> memref<1x40xi32, #tpu.memory_space<vmem>>
    %dma_start3A_240 = tpu.memref_squeeze %dma_start3A_239 : memref<1x40xi32, #tpu.memory_space<vmem>> -> memref<40xi32, #tpu.memory_space<vmem>>
    %dma_start3A_241 = arith.constant 0 : i32
    %dma_start3A_242 = arith.constant 0 : i32
    %dma_start3A_243 = tpu.memref_slice %arg2[%dma_start3A_241, %dma_start3A_242] : memref<50000x128xf32, #tpu.memory_space<hbm>> -> memref<50000x128xf32, #tpu.memory_space<hbm>>
    %dma_start3A_244 = tpu.memref_slice %arg11[%dma_start3A_226] : memref<2x!tpu.dma_semaphore, #tpu.memory_space<semaphore_mem>> -> memref<1x!tpu.dma_semaphore, #tpu.memory_space<semaphore_mem>>
    %dma_start3A_245 = tpu.memref_squeeze %dma_start3A_244 : memref<1x!tpu.dma_semaphore, #tpu.memory_space<semaphore_mem>> -> memref<!tpu.dma_semaphore, #tpu.memory_space<semaphore_mem>>
    tpu.enqueue_indirect_dma source(%dma_start3A_243 : memref<50000x128xf32, #tpu.memory_space<hbm>>) target(%dma_start3A_233 : memref<40x128xf32, #tpu.memory_space<vmem>>) offsets(%dma_start3A_240 : memref<40xi32, #tpu.memory_space<vmem>>) semaphore(%dma_start3A_245 : memref<!tpu.dma_semaphore, #tpu.memory_space<semaphore_mem>>)
    %dma_wait3A_246 = arith.constant 1 : i32
    %dma_wait3A_247 = arith.constant 1 : i32
    %dma_wait3A_248 = arith.constant 0 : i32
    %dma_wait3A_249 = arith.constant 0 : i32
    %dma_wait3A_250 = tpu.memref_slice %arg6[%dma_wait3A_246, %dma_wait3A_248, %dma_wait3A_249] : memref<2x5x40xi32, #tpu.memory_space<vmem>> -> memref<1x5x40xi32, #tpu.memory_space<vmem>>
    %dma_wait3A_251 = tpu.memref_squeeze %dma_wait3A_250 : memref<1x5x40xi32, #tpu.memory_space<vmem>> -> memref<5x40xi32, #tpu.memory_space<vmem>>
    %dma_wait3A_252 = arith.constant 0 : i32
    %dma_wait3A_253 = arith.constant 0 : i32
    %dma_wait3A_254 = arith.constant 0 : i32
    %dma_wait3A_255 = tpu.memref_slice %arg3[%dma_wait3A_252, %dma_wait3A_253, %dma_wait3A_254] : memref<1024x5x40xi32, #tpu.memory_space<hbm>> -> memref<1x5x40xi32, #tpu.memory_space<hbm>>
    %dma_wait3A_256 = tpu.memref_slice %arg10[%dma_wait3A_247] : memref<2x!tpu.dma_semaphore, #tpu.memory_space<semaphore_mem>> -> memref<1x!tpu.dma_semaphore, #tpu.memory_space<semaphore_mem>>
    %dma_wait3A_257 = tpu.memref_squeeze %dma_wait3A_256 : memref<1x!tpu.dma_semaphore, #tpu.memory_space<semaphore_mem>> -> memref<!tpu.dma_semaphore, #tpu.memory_space<semaphore_mem>>
    %dma_wait3A_258 = arith.constant 0 : i32
    %dma_wait3A_259 = arith.constant 0 : i32
    %dma_wait3A_260 = tpu.memref_slice %arg6[%dma_wait3A_246, %dma_wait3A_258, %dma_wait3A_259] : memref<2x5x40xi32, #tpu.memory_space<vmem>> -> memref<1x5x40xi32, #tpu.memory_space<vmem>>
    %dma_wait3A_261 = tpu.memref_squeeze %dma_wait3A_260 : memref<1x5x40xi32, #tpu.memory_space<vmem>> -> memref<5x40xi32, #tpu.memory_space<vmem>>
    %dma_wait3A_262 = arith.constant 0 : i32
    %dma_wait3A_263 = arith.constant 0 : i32
    %dma_wait3A_264 = arith.constant 0 : i32
    %dma_wait3A_265 = tpu.memref_slice %arg3[%dma_wait3A_262, %dma_wait3A_263, %dma_wait3A_264] : memref<1024x5x40xi32, #tpu.memory_space<hbm>> -> memref<1x5x40xi32, #tpu.memory_space<hbm>>
    tpu.wait_dma2 semaphore(%dma_wait3A_257 : memref<!tpu.dma_semaphore, #tpu.memory_space<semaphore_mem>>) src(%dma_wait3A_265 : memref<1x5x40xi32, #tpu.memory_space<hbm>>) dst(%dma_wait3A_261 : memref<5x40xi32, #tpu.memory_space<vmem>>)
    %dma_wait3A_266 = arith.constant 1 : i32
    %dma_wait3A_267 = arith.constant 1 : i32
    %dma_wait3A_268 = arith.constant 0 : i32
    %dma_wait3A_269 = arith.constant 0 : i32
    %dma_wait3A_270 = tpu.memref_slice %arg7[%dma_wait3A_266, %dma_wait3A_268, %dma_wait3A_269] : memref<2x50x128xf32, #tpu.memory_space<vmem>> -> memref<1x50x128xf32, #tpu.memory_space<vmem>>
    %dma_wait3A_271 = tpu.memref_squeeze %dma_wait3A_270 : memref<1x50x128xf32, #tpu.memory_space<vmem>> -> memref<50x128xf32, #tpu.memory_space<vmem>>
    %dma_wait3A_272 = arith.constant 0 : i32
    %dma_wait3A_273 = arith.constant 0 : i32
    %dma_wait3A_274 = arith.constant 0 : i32
    %dma_wait3A_275 = tpu.memref_slice %arg4[%dma_wait3A_272, %dma_wait3A_273, %dma_wait3A_274] : memref<1024x50x128xf32, #tpu.memory_space<hbm>> -> memref<1x50x128xf32, #tpu.memory_space<hbm>>
    %dma_wait3A_276 = tpu.memref_slice %arg10[%dma_wait3A_267] : memref<2x!tpu.dma_semaphore, #tpu.memory_space<semaphore_mem>> -> memref<1x!tpu.dma_semaphore, #tpu.memory_space<semaphore_mem>>
    %dma_wait3A_277 = tpu.memref_squeeze %dma_wait3A_276 : memref<1x!tpu.dma_semaphore, #tpu.memory_space<semaphore_mem>> -> memref<!tpu.dma_semaphore, #tpu.memory_space<semaphore_mem>>
    %dma_wait3A_278 = arith.constant 0 : i32
    %dma_wait3A_279 = arith.constant 0 : i32
    %dma_wait3A_280 = tpu.memref_slice %arg7[%dma_wait3A_266, %dma_wait3A_278, %dma_wait3A_279] : memref<2x50x128xf32, #tpu.memory_space<vmem>> -> memref<1x50x128xf32, #tpu.memory_space<vmem>>
    %dma_wait3A_281 = tpu.memref_squeeze %dma_wait3A_280 : memref<1x50x128xf32, #tpu.memory_space<vmem>> -> memref<50x128xf32, #tpu.memory_space<vmem>>
    %dma_wait3A_282 = arith.constant 0 : i32
    %dma_wait3A_283 = arith.constant 0 : i32
    %dma_wait3A_284 = arith.constant 0 : i32
    %dma_wait3A_285 = tpu.memref_slice %arg4[%dma_wait3A_282, %dma_wait3A_283, %dma_wait3A_284] : memref<1024x50x128xf32, #tpu.memory_space<hbm>> -> memref<1x50x128xf32, #tpu.memory_space<hbm>>
    tpu.wait_dma2 semaphore(%dma_wait3A_277 : memref<!tpu.dma_semaphore, #tpu.memory_space<semaphore_mem>>) src(%dma_wait3A_285 : memref<1x50x128xf32, #tpu.memory_space<hbm>>) dst(%dma_wait3A_281 : memref<50x128xf32, #tpu.memory_space<vmem>>)
    %dma_start3A_286 = arith.constant 1 : i32
    %dma_start3A_287 = arith.constant 0 : i32
    %dma_start3A_288 = arith.constant 1 : i32
    %dma_start3A_289 = arith.constant 1 : i32
    %dma_start3A_290 = arith.constant 0 : i32
    %dma_start3A_291 = arith.constant 0 : i32
    %dma_start3A_292 = tpu.memref_slice %arg8[%dma_start3A_288, %dma_start3A_290, %dma_start3A_291] : memref<2x200x128xf32, #tpu.memory_space<vmem>> -> memref<1x200x128xf32, #tpu.memory_space<vmem>>
    %dma_start3A_293 = tpu.memref_squeeze %dma_start3A_292 : memref<1x200x128xf32, #tpu.memory_space<vmem>> -> memref<200x128xf32, #tpu.memory_space<vmem>>
    %dma_start3A_294 = arith.constant 0 : i32
    %dma_start3A_295 = arith.constant 0 : i32
    %dma_start3A_296 = tpu.memref_slice %dma_start3A_293[%dma_start3A_294, %dma_start3A_295] : memref<200x128xf32, #tpu.memory_space<vmem>> -> memref<40x128xf32, #tpu.memory_space<vmem>>
    %dma_start3A_297 = arith.constant 0 : i32
    %dma_start3A_298 = arith.constant 0 : i32
    %dma_start3A_299 = tpu.memref_slice %arg6[%dma_start3A_286, %dma_start3A_297, %dma_start3A_298] : memref<2x5x40xi32, #tpu.memory_space<vmem>> -> memref<1x5x40xi32, #tpu.memory_space<vmem>>
    %dma_start3A_300 = tpu.memref_squeeze %dma_start3A_299 : memref<1x5x40xi32, #tpu.memory_space<vmem>> -> memref<5x40xi32, #tpu.memory_space<vmem>>
    %dma_start3A_301 = arith.constant 0 : i32
    %dma_start3A_302 = tpu.memref_slice %dma_start3A_300[%dma_start3A_287, %dma_start3A_301] : memref<5x40xi32, #tpu.memory_space<vmem>> -> memref<1x40xi32, #tpu.memory_space<vmem>>
    %dma_start3A_303 = tpu.memref_squeeze %dma_start3A_302 : memref<1x40xi32, #tpu.memory_space<vmem>> -> memref<40xi32, #tpu.memory_space<vmem>>
    %dma_start3A_304 = arith.constant 0 : i32
    %dma_start3A_305 = arith.constant 0 : i32
    %dma_start3A_306 = tpu.memref_slice %arg2[%dma_start3A_304, %dma_start3A_305] : memref<50000x128xf32, #tpu.memory_space<hbm>> -> memref<50000x128xf32, #tpu.memory_space<hbm>>
    %dma_start3A_307 = tpu.memref_slice %arg11[%dma_start3A_289] : memref<2x!tpu.dma_semaphore, #tpu.memory_space<semaphore_mem>> -> memref<1x!tpu.dma_semaphore, #tpu.memory_space<semaphore_mem>>
    %dma_start3A_308 = tpu.memref_squeeze %dma_start3A_307 : memref<1x!tpu.dma_semaphore, #tpu.memory_space<semaphore_mem>> -> memref<!tpu.dma_semaphore, #tpu.memory_space<semaphore_mem>>
    tpu.enqueue_indirect_dma source(%dma_start3A_306 : memref<50000x128xf32, #tpu.memory_space<hbm>>) target(%dma_start3A_296 : memref<40x128xf32, #tpu.memory_space<vmem>>) offsets(%dma_start3A_303 : memref<40xi32, #tpu.memory_space<vmem>>) semaphore(%dma_start3A_308 : memref<!tpu.dma_semaphore, #tpu.memory_space<semaphore_mem>>)
    %dma_start3A_309 = arith.constant 1 : i32
    %dma_start3A_310 = arith.constant 1 : i32
    %dma_start3A_311 = arith.constant 1 : i32
    %dma_start3A_312 = arith.constant 1 : i32
    %dma_start3A_313 = arith.constant 0 : i32
    %dma_start3A_314 = arith.constant 0 : i32
    %dma_start3A_315 = tpu.memref_slice %arg8[%dma_start3A_311, %dma_start3A_313, %dma_start3A_314] : memref<2x200x128xf32, #tpu.memory_space<vmem>> -> memref<1x200x128xf32, #tpu.memory_space<vmem>>
    %dma_start3A_316 = tpu.memref_squeeze %dma_start3A_315 : memref<1x200x128xf32, #tpu.memory_space<vmem>> -> memref<200x128xf32, #tpu.memory_space<vmem>>
    %dma_start3A_317 = arith.constant 40 : i32
    %dma_start3A_318 = arith.constant 0 : i32
    %dma_start3A_319 = tpu.memref_slice %dma_start3A_316[%dma_start3A_317, %dma_start3A_318] : memref<200x128xf32, #tpu.memory_space<vmem>> -> memref<40x128xf32, #tpu.memory_space<vmem>>
    %dma_start3A_320 = arith.constant 0 : i32
    %dma_start3A_321 = arith.constant 0 : i32
    %dma_start3A_322 = tpu.memref_slice %arg6[%dma_start3A_309, %dma_start3A_320, %dma_start3A_321] : memref<2x5x40xi32, #tpu.memory_space<vmem>> -> memref<1x5x40xi32, #tpu.memory_space<vmem>>
    %dma_start3A_323 = tpu.memref_squeeze %dma_start3A_322 : memref<1x5x40xi32, #tpu.memory_space<vmem>> -> memref<5x40xi32, #tpu.memory_space<vmem>>
    %dma_start3A_324 = arith.constant 0 : i32
    %dma_start3A_325 = tpu.memref_slice %dma_start3A_323[%dma_start3A_310, %dma_start3A_324] : memref<5x40xi32, #tpu.memory_space<vmem>> -> memref<1x40xi32, #tpu.memory_space<vmem>>
    %dma_start3A_326 = tpu.memref_squeeze %dma_start3A_325 : memref<1x40xi32, #tpu.memory_space<vmem>> -> memref<40xi32, #tpu.memory_space<vmem>>
    %dma_start3A_327 = arith.constant 0 : i32
    %dma_start3A_328 = arith.constant 0 : i32
    %dma_start3A_329 = tpu.memref_slice %arg2[%dma_start3A_327, %dma_start3A_328] : memref<50000x128xf32, #tpu.memory_space<hbm>> -> memref<50000x128xf32, #tpu.memory_space<hbm>>
    %dma_start3A_330 = tpu.memref_slice %arg11[%dma_start3A_312] : memref<2x!tpu.dma_semaphore, #tpu.memory_space<semaphore_mem>> -> memref<1x!tpu.dma_semaphore, #tpu.memory_space<semaphore_mem>>
    %dma_start3A_331 = tpu.memref_squeeze %dma_start3A_330 : memref<1x!tpu.dma_semaphore, #tpu.memory_space<semaphore_mem>> -> memref<!tpu.dma_semaphore, #tpu.memory_space<semaphore_mem>>
    tpu.enqueue_indirect_dma source(%dma_start3A_329 : memref<50000x128xf32, #tpu.memory_space<hbm>>) target(%dma_start3A_319 : memref<40x128xf32, #tpu.memory_space<vmem>>) offsets(%dma_start3A_326 : memref<40xi32, #tpu.memory_space<vmem>>) semaphore(%dma_start3A_331 : memref<!tpu.dma_semaphore, #tpu.memory_space<semaphore_mem>>)
    %dma_start3A_332 = arith.constant 1 : i32
    %dma_start3A_333 = arith.constant 2 : i32
    %dma_start3A_334 = arith.constant 1 : i32
    %dma_start3A_335 = arith.constant 1 : i32
    %dma_start3A_336 = arith.constant 0 : i32
    %dma_start3A_337 = arith.constant 0 : i32
    %dma_start3A_338 = tpu.memref_slice %arg8[%dma_start3A_334, %dma_start3A_336, %dma_start3A_337] : memref<2x200x128xf32, #tpu.memory_space<vmem>> -> memref<1x200x128xf32, #tpu.memory_space<vmem>>
    %dma_start3A_339 = tpu.memref_squeeze %dma_start3A_338 : memref<1x200x128xf32, #tpu.memory_space<vmem>> -> memref<200x128xf32, #tpu.memory_space<vmem>>
    %dma_start3A_340 = arith.constant 80 : i32
    %dma_start3A_341 = arith.constant 0 : i32
    %dma_start3A_342 = tpu.memref_slice %dma_start3A_339[%dma_start3A_340, %dma_start3A_341] : memref<200x128xf32, #tpu.memory_space<vmem>> -> memref<40x128xf32, #tpu.memory_space<vmem>>
    %dma_start3A_343 = arith.constant 0 : i32
    %dma_start3A_344 = arith.constant 0 : i32
    %dma_start3A_345 = tpu.memref_slice %arg6[%dma_start3A_332, %dma_start3A_343, %dma_start3A_344] : memref<2x5x40xi32, #tpu.memory_space<vmem>> -> memref<1x5x40xi32, #tpu.memory_space<vmem>>
    %dma_start3A_346 = tpu.memref_squeeze %dma_start3A_345 : memref<1x5x40xi32, #tpu.memory_space<vmem>> -> memref<5x40xi32, #tpu.memory_space<vmem>>
    %dma_start3A_347 = arith.constant 0 : i32
    %dma_start3A_348 = tpu.memref_slice %dma_start3A_346[%dma_start3A_333, %dma_start3A_347] : memref<5x40xi32, #tpu.memory_space<vmem>> -> memref<1x40xi32, #tpu.memory_space<vmem>>
    %dma_start3A_349 = tpu.memref_squeeze %dma_start3A_348 : memref<1x40xi32, #tpu.memory_space<vmem>> -> memref<40xi32, #tpu.memory_space<vmem>>
    %dma_start3A_350 = arith.constant 0 : i32
    %dma_start3A_351 = arith.constant 0 : i32
    %dma_start3A_352 = tpu.memref_slice %arg2[%dma_start3A_350, %dma_start3A_351] : memref<50000x128xf32, #tpu.memory_space<hbm>> -> memref<50000x128xf32, #tpu.memory_space<hbm>>
    %dma_start3A_353 = tpu.memref_slice %arg11[%dma_start3A_335] : memref<2x!tpu.dma_semaphore, #tpu.memory_space<semaphore_mem>> -> memref<1x!tpu.dma_semaphore, #tpu.memory_space<semaphore_mem>>
    %dma_start3A_354 = tpu.memref_squeeze %dma_start3A_353 : memref<1x!tpu.dma_semaphore, #tpu.memory_space<semaphore_mem>> -> memref<!tpu.dma_semaphore, #tpu.memory_space<semaphore_mem>>
    tpu.enqueue_indirect_dma source(%dma_start3A_352 : memref<50000x128xf32, #tpu.memory_space<hbm>>) target(%dma_start3A_342 : memref<40x128xf32, #tpu.memory_space<vmem>>) offsets(%dma_start3A_349 : memref<40xi32, #tpu.memory_space<vmem>>) semaphore(%dma_start3A_354 : memref<!tpu.dma_semaphore, #tpu.memory_space<semaphore_mem>>)
    %dma_start3A_355 = arith.constant 1 : i32
    %dma_start3A_356 = arith.constant 3 : i32
    %dma_start3A_357 = arith.constant 1 : i32
    %dma_start3A_358 = arith.constant 1 : i32
    %dma_start3A_359 = arith.constant 0 : i32
    %dma_start3A_360 = arith.constant 0 : i32
    %dma_start3A_361 = tpu.memref_slice %arg8[%dma_start3A_357, %dma_start3A_359, %dma_start3A_360] : memref<2x200x128xf32, #tpu.memory_space<vmem>> -> memref<1x200x128xf32, #tpu.memory_space<vmem>>
    %dma_start3A_362 = tpu.memref_squeeze %dma_start3A_361 : memref<1x200x128xf32, #tpu.memory_space<vmem>> -> memref<200x128xf32, #tpu.memory_space<vmem>>
    %dma_start3A_363 = arith.constant 120 : i32
    %dma_start3A_364 = arith.constant 0 : i32
    %dma_start3A_365 = tpu.memref_slice %dma_start3A_362[%dma_start3A_363, %dma_start3A_364] : memref<200x128xf32, #tpu.memory_space<vmem>> -> memref<40x128xf32, #tpu.memory_space<vmem>>
    %dma_start3A_366 = arith.constant 0 : i32
    %dma_start3A_367 = arith.constant 0 : i32
    %dma_start3A_368 = tpu.memref_slice %arg6[%dma_start3A_355, %dma_start3A_366, %dma_start3A_367] : memref<2x5x40xi32, #tpu.memory_space<vmem>> -> memref<1x5x40xi32, #tpu.memory_space<vmem>>
    %dma_start3A_369 = tpu.memref_squeeze %dma_start3A_368 : memref<1x5x40xi32, #tpu.memory_space<vmem>> -> memref<5x40xi32, #tpu.memory_space<vmem>>
    %dma_start3A_370 = arith.constant 0 : i32
    %dma_start3A_371 = tpu.memref_slice %dma_start3A_369[%dma_start3A_356, %dma_start3A_370] : memref<5x40xi32, #tpu.memory_space<vmem>> -> memref<1x40xi32, #tpu.memory_space<vmem>>
    %dma_start3A_372 = tpu.memref_squeeze %dma_start3A_371 : memref<1x40xi32, #tpu.memory_space<vmem>> -> memref<40xi32, #tpu.memory_space<vmem>>
    %dma_start3A_373 = arith.constant 0 : i32
    %dma_start3A_374 = arith.constant 0 : i32
    %dma_start3A_375 = tpu.memref_slice %arg2[%dma_start3A_373, %dma_start3A_374] : memref<50000x128xf32, #tpu.memory_space<hbm>> -> memref<50000x128xf32, #tpu.memory_space<hbm>>
    %dma_start3A_376 = tpu.memref_slice %arg11[%dma_start3A_358] : memref<2x!tpu.dma_semaphore, #tpu.memory_space<semaphore_mem>> -> memref<1x!tpu.dma_semaphore, #tpu.memory_space<semaphore_mem>>
    %dma_start3A_377 = tpu.memref_squeeze %dma_start3A_376 : memref<1x!tpu.dma_semaphore, #tpu.memory_space<semaphore_mem>> -> memref<!tpu.dma_semaphore, #tpu.memory_space<semaphore_mem>>
    tpu.enqueue_indirect_dma source(%dma_start3A_375 : memref<50000x128xf32, #tpu.memory_space<hbm>>) target(%dma_start3A_365 : memref<40x128xf32, #tpu.memory_space<vmem>>) offsets(%dma_start3A_372 : memref<40xi32, #tpu.memory_space<vmem>>) semaphore(%dma_start3A_377 : memref<!tpu.dma_semaphore, #tpu.memory_space<semaphore_mem>>)
    %dma_start3A_378 = arith.constant 1 : i32
    %dma_start3A_379 = arith.constant 4 : i32
    %dma_start3A_380 = arith.constant 1 : i32
    %dma_start3A_381 = arith.constant 1 : i32
    %dma_start3A_382 = arith.constant 0 : i32
    %dma_start3A_383 = arith.constant 0 : i32
    %dma_start3A_384 = tpu.memref_slice %arg8[%dma_start3A_380, %dma_start3A_382, %dma_start3A_383] : memref<2x200x128xf32, #tpu.memory_space<vmem>> -> memref<1x200x128xf32, #tpu.memory_space<vmem>>
    %dma_start3A_385 = tpu.memref_squeeze %dma_start3A_384 : memref<1x200x128xf32, #tpu.memory_space<vmem>> -> memref<200x128xf32, #tpu.memory_space<vmem>>
    %dma_start3A_386 = arith.constant 160 : i32
    %dma_start3A_387 = arith.constant 0 : i32
    %dma_start3A_388 = tpu.memref_slice %dma_start3A_385[%dma_start3A_386, %dma_start3A_387] : memref<200x128xf32, #tpu.memory_space<vmem>> -> memref<40x128xf32, #tpu.memory_space<vmem>>
    %dma_start3A_389 = arith.constant 0 : i32
    %dma_start3A_390 = arith.constant 0 : i32
    %dma_start3A_391 = tpu.memref_slice %arg6[%dma_start3A_378, %dma_start3A_389, %dma_start3A_390] : memref<2x5x40xi32, #tpu.memory_space<vmem>> -> memref<1x5x40xi32, #tpu.memory_space<vmem>>
    %dma_start3A_392 = tpu.memref_squeeze %dma_start3A_391 : memref<1x5x40xi32, #tpu.memory_space<vmem>> -> memref<5x40xi32, #tpu.memory_space<vmem>>
    %dma_start3A_393 = arith.constant 0 : i32
    %dma_start3A_394 = tpu.memref_slice %dma_start3A_392[%dma_start3A_379, %dma_start3A_393] : memref<5x40xi32, #tpu.memory_space<vmem>> -> memref<1x40xi32, #tpu.memory_space<vmem>>
    %dma_start3A_395 = tpu.memref_squeeze %dma_start3A_394 : memref<1x40xi32, #tpu.memory_space<vmem>> -> memref<40xi32, #tpu.memory_space<vmem>>
    %dma_start3A_396 = arith.constant 0 : i32
    %dma_start3A_397 = arith.constant 0 : i32
    %dma_start3A_398 = tpu.memref_slice %arg2[%dma_start3A_396, %dma_start3A_397] : memref<50000x128xf32, #tpu.memory_space<hbm>> -> memref<50000x128xf32, #tpu.memory_space<hbm>>
    %dma_start3A_399 = tpu.memref_slice %arg11[%dma_start3A_381] : memref<2x!tpu.dma_semaphore, #tpu.memory_space<semaphore_mem>> -> memref<1x!tpu.dma_semaphore, #tpu.memory_space<semaphore_mem>>
    %dma_start3A_400 = tpu.memref_squeeze %dma_start3A_399 : memref<1x!tpu.dma_semaphore, #tpu.memory_space<semaphore_mem>> -> memref<!tpu.dma_semaphore, #tpu.memory_space<semaphore_mem>>
    tpu.enqueue_indirect_dma source(%dma_start3A_398 : memref<50000x128xf32, #tpu.memory_space<hbm>>) target(%dma_start3A_388 : memref<40x128xf32, #tpu.memory_space<vmem>>) offsets(%dma_start3A_395 : memref<40xi32, #tpu.memory_space<vmem>>) semaphore(%dma_start3A_400 : memref<!tpu.dma_semaphore, #tpu.memory_space<semaphore_mem>>)
    %scan3A = arith.constant 0 : i32
    %scan3A_401 = arith.constant 0 : i32
    %scan3A_402 = arith.constant 16 : i32
    %scan3A_403 = arith.addi %scan3A_401, %scan3A_402 : i32
    %scan3A_404 = arith.constant 1 : i32
    scf.for %scan3A_450 = %scan3A_401 to %scan3A_403 step %scan3A_404  : i32 {
      %mul3A_451 = arith.constant 2 : i32
      %mul3A_452 = arith.muli %scan3A_450, %mul3A_451 : i32
      %add3A_453 = arith.constant 0 : i32
      %add3A_454 = arith.addi %mul3A_452, %add3A_453 : i32
      %dma_wait3A_455 = arith.constant 0 : i32
      %dma_wait3A_456 = arith.constant 0 : i32
      %dma_wait3A_457 = arith.constant 0 : i32
      %dma_wait3A_458 = arith.constant 0 : i32
      %dma_wait3A_459 = tpu.memref_slice %arg8[%dma_wait3A_455, %dma_wait3A_457, %dma_wait3A_458] : memref<2x200x128xf32, #tpu.memory_space<vmem>> -> memref<1x200x128xf32, #tpu.memory_space<vmem>>
      %dma_wait3A_460 = tpu.memref_squeeze %dma_wait3A_459 : memref<1x200x128xf32, #tpu.memory_space<vmem>> -> memref<200x128xf32, #tpu.memory_space<vmem>>
      %dma_wait3A_461 = arith.constant 0 : i32
      %dma_wait3A_462 = arith.constant 0 : i32
      %dma_wait3A_463 = tpu.memref_slice %arg2[%dma_wait3A_461, %dma_wait3A_462] : memref<50000x128xf32, #tpu.memory_space<hbm>> -> memref<200x128xf32, #tpu.memory_space<hbm>>
      %dma_wait3A_464 = tpu.memref_slice %arg11[%dma_wait3A_456] : memref<2x!tpu.dma_semaphore, #tpu.memory_space<semaphore_mem>> -> memref<1x!tpu.dma_semaphore, #tpu.memory_space<semaphore_mem>>
      %dma_wait3A_465 = tpu.memref_squeeze %dma_wait3A_464 : memref<1x!tpu.dma_semaphore, #tpu.memory_space<semaphore_mem>> -> memref<!tpu.dma_semaphore, #tpu.memory_space<semaphore_mem>>
      %dma_wait3A_466 = arith.constant 0 : i32
      %dma_wait3A_467 = arith.constant 0 : i32
      %dma_wait3A_468 = tpu.memref_slice %arg8[%dma_wait3A_455, %dma_wait3A_466, %dma_wait3A_467] : memref<2x200x128xf32, #tpu.memory_space<vmem>> -> memref<1x200x128xf32, #tpu.memory_space<vmem>>
      %dma_wait3A_469 = tpu.memref_squeeze %dma_wait3A_468 : memref<1x200x128xf32, #tpu.memory_space<vmem>> -> memref<200x128xf32, #tpu.memory_space<vmem>>
      %dma_wait3A_470 = arith.constant 0 : i32
      %dma_wait3A_471 = arith.constant 0 : i32
      %dma_wait3A_472 = tpu.memref_slice %arg2[%dma_wait3A_470, %dma_wait3A_471] : memref<50000x128xf32, #tpu.memory_space<hbm>> -> memref<200x128xf32, #tpu.memory_space<hbm>>
      tpu.wait_dma2 semaphore(%dma_wait3A_465 : memref<!tpu.dma_semaphore, #tpu.memory_space<semaphore_mem>>) src(%dma_wait3A_472 : memref<200x128xf32, #tpu.memory_space<hbm>>) dst(%dma_wait3A_469 : memref<200x128xf32, #tpu.memory_space<vmem>>)
      %gt3A = arith.constant 0 : i32
      %gt3A_473 = arith.cmpi sgt, %scan3A_450, %gt3A : i32
      %convert_element_type3A = arith.extui %gt3A_473 : i1 to i32
      %cond3A = arith.constant 0 : i32
      %cond3A_474 = arith.cmpi ne, %convert_element_type3A, %cond3A : i32
      scf.if %cond3A_474 {
        %dma_wait3A_572 = arith.constant 0 : i32
        %dma_wait3A_573 = arith.constant 0 : i32
        %dma_wait3A_574 = arith.constant 0 : i32
        %dma_wait3A_575 = arith.constant 0 : i32
        %dma_wait3A_576 = arith.constant 0 : i32
        %dma_wait3A_577 = tpu.memref_slice %arg9[%dma_wait3A_572, %dma_wait3A_574, %dma_wait3A_575, %dma_wait3A_576] : memref<2x4x50x64xf32, #tpu.memory_space<vmem>> -> memref<1x4x50x64xf32, #tpu.memory_space<vmem>>
        %dma_wait3A_578 = tpu.memref_squeeze %dma_wait3A_577 : memref<1x4x50x64xf32, #tpu.memory_space<vmem>> -> memref<4x50x64xf32, #tpu.memory_space<vmem>>
        %dma_wait3A_579 = arith.constant 0 : i32
        %dma_wait3A_580 = arith.constant 0 : i32
        %dma_wait3A_581 = arith.constant 0 : i32
        %dma_wait3A_582 = tpu.memref_slice %arg5[%dma_wait3A_579, %dma_wait3A_580, %dma_wait3A_581] : memref<4096x50x64xf32, #tpu.memory_space<hbm>> -> memref<4x50x64xf32, #tpu.memory_space<hbm>>
        %dma_wait3A_583 = tpu.memref_slice %arg12[%dma_wait3A_573] : memref<2x!tpu.dma_semaphore, #tpu.memory_space<semaphore_mem>> -> memref<1x!tpu.dma_semaphore, #tpu.memory_space<semaphore_mem>>
        %dma_wait3A_584 = tpu.memref_squeeze %dma_wait3A_583 : memref<1x!tpu.dma_semaphore, #tpu.memory_space<semaphore_mem>> -> memref<!tpu.dma_semaphore, #tpu.memory_space<semaphore_mem>>
        %dma_wait3A_585 = arith.constant 0 : i32
        %dma_wait3A_586 = arith.constant 0 : i32
        %dma_wait3A_587 = arith.constant 0 : i32
        %dma_wait3A_588 = tpu.memref_slice %arg5[%dma_wait3A_585, %dma_wait3A_586, %dma_wait3A_587] : memref<4096x50x64xf32, #tpu.memory_space<hbm>> -> memref<4x50x64xf32, #tpu.memory_space<hbm>>
        %dma_wait3A_589 = arith.constant 0 : i32
        %dma_wait3A_590 = arith.constant 0 : i32
        %dma_wait3A_591 = arith.constant 0 : i32
        %dma_wait3A_592 = tpu.memref_slice %arg9[%dma_wait3A_572, %dma_wait3A_589, %dma_wait3A_590, %dma_wait3A_591] : memref<2x4x50x64xf32, #tpu.memory_space<vmem>> -> memref<1x4x50x64xf32, #tpu.memory_space<vmem>>
        %dma_wait3A_593 = tpu.memref_squeeze %dma_wait3A_592 : memref<1x4x50x64xf32, #tpu.memory_space<vmem>> -> memref<4x50x64xf32, #tpu.memory_space<vmem>>
        tpu.wait_dma2 semaphore(%dma_wait3A_584 : memref<!tpu.dma_semaphore, #tpu.memory_space<semaphore_mem>>) src(%dma_wait3A_593 : memref<4x50x64xf32, #tpu.memory_space<vmem>>) dst(%dma_wait3A_588 : memref<4x50x64xf32, #tpu.memory_space<hbm>>)
      } else {
      }
      %parallel_loop3A = arith.constant 0 : i32
      %parallel_loop3A_475 = arith.constant 50 : i32
      %parallel_loop3A_476 = arith.constant 1 : i32
      scf.for %parallel_loop3A_572 = %parallel_loop3A to %parallel_loop3A_475 step %parallel_loop3A_476  : i32 {
        %parallel_loop3A_573 = arith.constant 0 : i32
        %parallel_loop3A_574 = arith.index_cast %parallel_loop3A_573 : i32 to index
        %parallel_loop3A_575 = arith.index_cast %parallel_loop3A_572 : i32 to index
        %parallel_loop3A_576 = arith.constant 64 : index
        %parallel_loop3A_577 = tpu.vector_load %arg7[%parallel_loop3A_574, %parallel_loop3A_575, %parallel_loop3A_576] {strides = array<i32>} : memref<2x50x128xf32, #tpu.memory_space<vmem>>, vector<1x1x16xf32>,
        %parallel_loop3A_578 = vector.shape_cast %parallel_loop3A_577 : vector<1x1x16xf32> to vector<16xf32>
        %parallel_loop3A_579 = arith.constant 0 : i32
        %parallel_loop3A_580 = arith.index_cast %parallel_loop3A_579 : i32 to index
        %parallel_loop3A_581 = arith.index_cast %parallel_loop3A_572 : i32 to index
        %parallel_loop3A_582 = arith.constant 80 : index
        %parallel_loop3A_583 = tpu.vector_load %arg7[%parallel_loop3A_580, %parallel_loop3A_581, %parallel_loop3A_582] {strides = array<i32>} : memref<2x50x128xf32, #tpu.memory_space<vmem>>, vector<1x1x16xf32>,
        %parallel_loop3A_584 = vector.shape_cast %parallel_loop3A_583 : vector<1x1x16xf32> to vector<16xf32>
        %parallel_loop3A_585 = arith.constant 0 : i32
        %parallel_loop3A_586 = arith.index_cast %parallel_loop3A_585 : i32 to index
        %parallel_loop3A_587 = arith.index_cast %parallel_loop3A_572 : i32 to index
        %parallel_loop3A_588 = arith.constant 96 : index
        %parallel_loop3A_589 = tpu.vector_load %arg7[%parallel_loop3A_586, %parallel_loop3A_587, %parallel_loop3A_588] {strides = array<i32>} : memref<2x50x128xf32, #tpu.memory_space<vmem>>, vector<1x1x16xf32>,
        %parallel_loop3A_590 = vector.shape_cast %parallel_loop3A_589 : vector<1x1x16xf32> to vector<16xf32>
        %parallel_loop3A_591 = arith.constant 0 : i32
        %parallel_loop3A_592 = arith.index_cast %parallel_loop3A_591 : i32 to index
        %parallel_loop3A_593 = arith.index_cast %parallel_loop3A_572 : i32 to index
        %parallel_loop3A_594 = arith.constant 112 : index
        %parallel_loop3A_595 = tpu.vector_load %arg7[%parallel_loop3A_592, %parallel_loop3A_593, %parallel_loop3A_594] {strides = array<i32>} : memref<2x50x128xf32, #tpu.memory_space<vmem>>, vector<1x1x16xf32>,
        %parallel_loop3A_596 = vector.shape_cast %parallel_loop3A_595 : vector<1x1x16xf32> to vector<16xf32>
        %parallel_loop3A_597 = arith.constant 0 : i32
        %parallel_loop3A_598 = arith.addi %parallel_loop3A_597, %parallel_loop3A_572 : i32
        %parallel_loop3A_599 = arith.constant 0 : i32
        %parallel_loop3A_600 = arith.index_cast %parallel_loop3A_599 : i32 to index
        %parallel_loop3A_601 = arith.index_cast %parallel_loop3A_572 : i32 to index
        %parallel_loop3A_602 = arith.constant 0 : index
        %parallel_loop3A_603 = tpu.vector_load %arg7[%parallel_loop3A_600, %parallel_loop3A_601, %parallel_loop3A_602] {strides = array<i32>} : memref<2x50x128xf32, #tpu.memory_space<vmem>>, vector<1x1x16xf32>,
        %parallel_loop3A_604 = vector.shape_cast %parallel_loop3A_603 : vector<1x1x16xf32> to vector<16xf32>
        %parallel_loop3A_605 = arith.constant 1.250000e-01 : f32
        %parallel_loop3A_606 = vector.broadcast %parallel_loop3A_605 : f32 to vector<16xf32>
        %parallel_loop3A_607 = arith.subf %parallel_loop3A_606, %parallel_loop3A_604 : vector<16xf32>
        %parallel_loop3A_608 = arith.constant 0 : i32
        %parallel_loop3A_609 = arith.index_cast %parallel_loop3A_608 : i32 to index
        %parallel_loop3A_610 = arith.index_cast %parallel_loop3A_598 : i32 to index
        %parallel_loop3A_611 = arith.constant 0 : index
        %parallel_loop3A_612 = tpu.vector_load %arg8[%parallel_loop3A_609, %parallel_loop3A_610, %parallel_loop3A_611] {strides = array<i32>} : memref<2x200x128xf32, #tpu.memory_space<vmem>>, vector<1x1x16xf32>,
        %parallel_loop3A_613 = vector.shape_cast %parallel_loop3A_612 : vector<1x1x16xf32> to vector<16xf32>
        %parallel_loop3A_614 = arith.mulf %parallel_loop3A_613, %parallel_loop3A_607 : vector<16xf32>
        %parallel_loop3A_615 = arith.constant 0 : i32
        %parallel_loop3A_616 = arith.index_cast %parallel_loop3A_615 : i32 to index
        %parallel_loop3A_617 = arith.index_cast %parallel_loop3A_598 : i32 to index
        %parallel_loop3A_618 = arith.constant 64 : index
        %parallel_loop3A_619 = tpu.vector_load %arg8[%parallel_loop3A_616, %parallel_loop3A_617, %parallel_loop3A_618] {strides = array<i32>} : memref<2x200x128xf32, #tpu.memory_space<vmem>>, vector<1x1x16xf32>,
        %parallel_loop3A_620 = vector.shape_cast %parallel_loop3A_619 : vector<1x1x16xf32> to vector<16xf32>
        %parallel_loop3A_621 = arith.mulf %parallel_loop3A_620, %parallel_loop3A_604 : vector<16xf32>
        %parallel_loop3A_622 = arith.addf %parallel_loop3A_614, %parallel_loop3A_621 : vector<16xf32>
        %parallel_loop3A_623 = arith.addf %parallel_loop3A_622, %parallel_loop3A_578 : vector<16xf32>
        %parallel_loop3A_624 = arith.constant 0 : i32
        %parallel_loop3A_625 = arith.constant 0 : i32
        %parallel_loop3A_626 = arith.index_cast %parallel_loop3A_624 : i32 to index
        %parallel_loop3A_627 = arith.index_cast %parallel_loop3A_625 : i32 to index
        %parallel_loop3A_628 = arith.index_cast %parallel_loop3A_572 : i32 to index
        %parallel_loop3A_629 = arith.constant 0 : index
        %parallel_loop3A_630 = tpu.vector_load %arg9[%parallel_loop3A_626, %parallel_loop3A_627, %parallel_loop3A_628, %parallel_loop3A_629] {strides = array<i32>} : memref<2x4x50x64xf32, #tpu.memory_space<vmem>>, vector<1x1x1x16xf32>,
        %parallel_loop3A_631 = vector.shape_cast %parallel_loop3A_630 : vector<1x1x1x16xf32> to vector<16xf32>
        %parallel_loop3A_632 = vector.shape_cast %parallel_loop3A_623 : vector<16xf32> to vector<1x1x1x16xf32>
        tpu.vector_store %arg9[%parallel_loop3A_626, %parallel_loop3A_627, %parallel_loop3A_628, %parallel_loop3A_629], %parallel_loop3A_632 {strides = array<i32>} : memref<2x4x50x64xf32, #tpu.memory_space<vmem>>, vector<1x1x1x16xf32>,
        %parallel_loop3A_633 = arith.constant 0 : i32
        %parallel_loop3A_634 = arith.index_cast %parallel_loop3A_633 : i32 to index
        %parallel_loop3A_635 = arith.index_cast %parallel_loop3A_598 : i32 to index
        %parallel_loop3A_636 = arith.constant 16 : index
        %parallel_loop3A_637 = tpu.vector_load %arg8[%parallel_loop3A_634, %parallel_loop3A_635, %parallel_loop3A_636] {strides = array<i32>} : memref<2x200x128xf32, #tpu.memory_space<vmem>>, vector<1x1x16xf32>,
        %parallel_loop3A_638 = vector.shape_cast %parallel_loop3A_637 : vector<1x1x16xf32> to vector<16xf32>
        %parallel_loop3A_639 = arith.mulf %parallel_loop3A_638, %parallel_loop3A_607 : vector<16xf32>
        %parallel_loop3A_640 = arith.constant 0 : i32
        %parallel_loop3A_641 = arith.index_cast %parallel_loop3A_640 : i32 to index
        %parallel_loop3A_642 = arith.index_cast %parallel_loop3A_598 : i32 to index
        %parallel_loop3A_643 = arith.constant 80 : index
        %parallel_loop3A_644 = tpu.vector_load %arg8[%parallel_loop3A_641, %parallel_loop3A_642, %parallel_loop3A_643] {strides = array<i32>} : memref<2x200x128xf32, #tpu.memory_space<vmem>>, vector<1x1x16xf32>,
        %parallel_loop3A_645 = vector.shape_cast %parallel_loop3A_644 : vector<1x1x16xf32> to vector<16xf32>
        %parallel_loop3A_646 = arith.mulf %parallel_loop3A_645, %parallel_loop3A_604 : vector<16xf32>
        %parallel_loop3A_647 = arith.addf %parallel_loop3A_639, %parallel_loop3A_646 : vector<16xf32>
        %parallel_loop3A_648 = arith.addf %parallel_loop3A_647, %parallel_loop3A_584 : vector<16xf32>
        %parallel_loop3A_649 = arith.constant 0 : i32
        %parallel_loop3A_650 = arith.constant 0 : i32
        %parallel_loop3A_651 = arith.index_cast %parallel_loop3A_649 : i32 to index
        %parallel_loop3A_652 = arith.index_cast %parallel_loop3A_650 : i32 to index
        %parallel_loop3A_653 = arith.index_cast %parallel_loop3A_572 : i32 to index
        %parallel_loop3A_654 = arith.constant 16 : index
        %parallel_loop3A_655 = tpu.vector_load %arg9[%parallel_loop3A_651, %parallel_loop3A_652, %parallel_loop3A_653, %parallel_loop3A_654] {strides = array<i32>} : memref<2x4x50x64xf32, #tpu.memory_space<vmem>>, vector<1x1x1x16xf32>,
        %parallel_loop3A_656 = vector.shape_cast %parallel_loop3A_655 : vector<1x1x1x16xf32> to vector<16xf32>
        %parallel_loop3A_657 = vector.shape_cast %parallel_loop3A_648 : vector<16xf32> to vector<1x1x1x16xf32>
        tpu.vector_store %arg9[%parallel_loop3A_651, %parallel_loop3A_652, %parallel_loop3A_653, %parallel_loop3A_654], %parallel_loop3A_657 {strides = array<i32>} : memref<2x4x50x64xf32, #tpu.memory_space<vmem>>, vector<1x1x1x16xf32>,
        %parallel_loop3A_658 = arith.constant 0 : i32
        %parallel_loop3A_659 = arith.index_cast %parallel_loop3A_658 : i32 to index
        %parallel_loop3A_660 = arith.index_cast %parallel_loop3A_598 : i32 to index
        %parallel_loop3A_661 = arith.constant 32 : index
        %parallel_loop3A_662 = tpu.vector_load %arg8[%parallel_loop3A_659, %parallel_loop3A_660, %parallel_loop3A_661] {strides = array<i32>} : memref<2x200x128xf32, #tpu.memory_space<vmem>>, vector<1x1x16xf32>,
        %parallel_loop3A_663 = vector.shape_cast %parallel_loop3A_662 : vector<1x1x16xf32> to vector<16xf32>
        %parallel_loop3A_664 = arith.mulf %parallel_loop3A_663, %parallel_loop3A_607 : vector<16xf32>
        %parallel_loop3A_665 = arith.constant 0 : i32
        %parallel_loop3A_666 = arith.index_cast %parallel_loop3A_665 : i32 to index
        %parallel_loop3A_667 = arith.index_cast %parallel_loop3A_598 : i32 to index
        %parallel_loop3A_668 = arith.constant 96 : index
        %parallel_loop3A_669 = tpu.vector_load %arg8[%parallel_loop3A_666, %parallel_loop3A_667, %parallel_loop3A_668] {strides = array<i32>} : memref<2x200x128xf32, #tpu.memory_space<vmem>>, vector<1x1x16xf32>,
        %parallel_loop3A_670 = vector.shape_cast %parallel_loop3A_669 : vector<1x1x16xf32> to vector<16xf32>
        %parallel_loop3A_671 = arith.mulf %parallel_loop3A_670, %parallel_loop3A_604 : vector<16xf32>
        %parallel_loop3A_672 = arith.addf %parallel_loop3A_664, %parallel_loop3A_671 : vector<16xf32>
        %parallel_loop3A_673 = arith.addf %parallel_loop3A_672, %parallel_loop3A_590 : vector<16xf32>
        %parallel_loop3A_674 = arith.constant 0 : i32
        %parallel_loop3A_675 = arith.constant 0 : i32
        %parallel_loop3A_676 = arith.index_cast %parallel_loop3A_674 : i32 to index
        %parallel_loop3A_677 = arith.index_cast %parallel_loop3A_675 : i32 to index
        %parallel_loop3A_678 = arith.index_cast %parallel_loop3A_572 : i32 to index
        %parallel_loop3A_679 = arith.constant 32 : index
        %parallel_loop3A_680 = tpu.vector_load %arg9[%parallel_loop3A_676, %parallel_loop3A_677, %parallel_loop3A_678, %parallel_loop3A_679] {strides = array<i32>} : memref<2x4x50x64xf32, #tpu.memory_space<vmem>>, vector<1x1x1x16xf32>,
        %parallel_loop3A_681 = vector.shape_cast %parallel_loop3A_680 : vector<1x1x1x16xf32> to vector<16xf32>
        %parallel_loop3A_682 = vector.shape_cast %parallel_loop3A_673 : vector<16xf32> to vector<1x1x1x16xf32>
        tpu.vector_store %arg9[%parallel_loop3A_676, %parallel_loop3A_677, %parallel_loop3A_678, %parallel_loop3A_679], %parallel_loop3A_682 {strides = array<i32>} : memref<2x4x50x64xf32, #tpu.memory_space<vmem>>, vector<1x1x1x16xf32>,
        %parallel_loop3A_683 = arith.constant 0 : i32
        %parallel_loop3A_684 = arith.index_cast %parallel_loop3A_683 : i32 to index
        %parallel_loop3A_685 = arith.index_cast %parallel_loop3A_598 : i32 to index
        %parallel_loop3A_686 = arith.constant 48 : index
        %parallel_loop3A_687 = tpu.vector_load %arg8[%parallel_loop3A_684, %parallel_loop3A_685, %parallel_loop3A_686] {strides = array<i32>} : memref<2x200x128xf32, #tpu.memory_space<vmem>>, vector<1x1x16xf32>,
        %parallel_loop3A_688 = vector.shape_cast %parallel_loop3A_687 : vector<1x1x16xf32> to vector<16xf32>
        %parallel_loop3A_689 = arith.mulf %parallel_loop3A_688, %parallel_loop3A_607 : vector<16xf32>
        %parallel_loop3A_690 = arith.constant 0 : i32
        %parallel_loop3A_691 = arith.index_cast %parallel_loop3A_690 : i32 to index
        %parallel_loop3A_692 = arith.index_cast %parallel_loop3A_598 : i32 to index
        %parallel_loop3A_693 = arith.constant 112 : index
        %parallel_loop3A_694 = tpu.vector_load %arg8[%parallel_loop3A_691, %parallel_loop3A_692, %parallel_loop3A_693] {strides = array<i32>} : memref<2x200x128xf32, #tpu.memory_space<vmem>>, vector<1x1x16xf32>,
        %parallel_loop3A_695 = vector.shape_cast %parallel_loop3A_694 : vector<1x1x16xf32> to vector<16xf32>
        %parallel_loop3A_696 = arith.mulf %parallel_loop3A_695, %parallel_loop3A_604 : vector<16xf32>
        %parallel_loop3A_697 = arith.addf %parallel_loop3A_689, %parallel_loop3A_696 : vector<16xf32>
        %parallel_loop3A_698 = arith.addf %parallel_loop3A_697, %parallel_loop3A_596 : vector<16xf32>
        %parallel_loop3A_699 = arith.constant 0 : i32
        %parallel_loop3A_700 = arith.constant 0 : i32
        %parallel_loop3A_701 = arith.index_cast %parallel_loop3A_699 : i32 to index
        %parallel_loop3A_702 = arith.index_cast %parallel_loop3A_700 : i32 to index
        %parallel_loop3A_703 = arith.index_cast %parallel_loop3A_572 : i32 to index
        %parallel_loop3A_704 = arith.constant 48 : index
        %parallel_loop3A_705 = tpu.vector_load %arg9[%parallel_loop3A_701, %parallel_loop3A_702, %parallel_loop3A_703, %parallel_loop3A_704] {strides = array<i32>} : memref<2x4x50x64xf32, #tpu.memory_space<vmem>>, vector<1x1x1x16xf32>,
        %parallel_loop3A_706 = vector.shape_cast %parallel_loop3A_705 : vector<1x1x1x16xf32> to vector<16xf32>
        %parallel_loop3A_707 = vector.shape_cast %parallel_loop3A_698 : vector<16xf32> to vector<1x1x1x16xf32>
        tpu.vector_store %arg9[%parallel_loop3A_701, %parallel_loop3A_702, %parallel_loop3A_703, %parallel_loop3A_704], %parallel_loop3A_707 {strides = array<i32>} : memref<2x4x50x64xf32, #tpu.memory_space<vmem>>, vector<1x1x1x16xf32>,
        %parallel_loop3A_708 = arith.constant 50 : i32
        %parallel_loop3A_709 = arith.addi %parallel_loop3A_708, %parallel_loop3A_572 : i32
        %parallel_loop3A_710 = arith.constant 0 : i32
        %parallel_loop3A_711 = arith.index_cast %parallel_loop3A_710 : i32 to index
        %parallel_loop3A_712 = arith.index_cast %parallel_loop3A_572 : i32 to index
        %parallel_loop3A_713 = arith.constant 16 : index
        %parallel_loop3A_714 = tpu.vector_load %arg7[%parallel_loop3A_711, %parallel_loop3A_712, %parallel_loop3A_713] {strides = array<i32>} : memref<2x50x128xf32, #tpu.memory_space<vmem>>, vector<1x1x16xf32>,
        %parallel_loop3A_715 = vector.shape_cast %parallel_loop3A_714 : vector<1x1x16xf32> to vector<16xf32>
        %parallel_loop3A_716 = arith.constant 1.250000e-01 : f32
        %parallel_loop3A_717 = vector.broadcast %parallel_loop3A_716 : f32 to vector<16xf32>
        %parallel_loop3A_718 = arith.subf %parallel_loop3A_717, %parallel_loop3A_715 : vector<16xf32>
        %parallel_loop3A_719 = arith.constant 0 : i32
        %parallel_loop3A_720 = arith.index_cast %parallel_loop3A_719 : i32 to index
        %parallel_loop3A_721 = arith.index_cast %parallel_loop3A_709 : i32 to index
        %parallel_loop3A_722 = arith.constant 0 : index
        %parallel_loop3A_723 = tpu.vector_load %arg8[%parallel_loop3A_720, %parallel_loop3A_721, %parallel_loop3A_722] {strides = array<i32>} : memref<2x200x128xf32, #tpu.memory_space<vmem>>, vector<1x1x16xf32>,
        %parallel_loop3A_724 = vector.shape_cast %parallel_loop3A_723 : vector<1x1x16xf32> to vector<16xf32>
        %parallel_loop3A_725 = arith.mulf %parallel_loop3A_724, %parallel_loop3A_718 : vector<16xf32>
        %parallel_loop3A_726 = arith.constant 0 : i32
        %parallel_loop3A_727 = arith.index_cast %parallel_loop3A_726 : i32 to index
        %parallel_loop3A_728 = arith.index_cast %parallel_loop3A_709 : i32 to index
        %parallel_loop3A_729 = arith.constant 64 : index
        %parallel_loop3A_730 = tpu.vector_load %arg8[%parallel_loop3A_727, %parallel_loop3A_728, %parallel_loop3A_729] {strides = array<i32>} : memref<2x200x128xf32, #tpu.memory_space<vmem>>, vector<1x1x16xf32>,
        %parallel_loop3A_731 = vector.shape_cast %parallel_loop3A_730 : vector<1x1x16xf32> to vector<16xf32>
        %parallel_loop3A_732 = arith.mulf %parallel_loop3A_731, %parallel_loop3A_715 : vector<16xf32>
        %parallel_loop3A_733 = arith.addf %parallel_loop3A_725, %parallel_loop3A_732 : vector<16xf32>
        %parallel_loop3A_734 = arith.addf %parallel_loop3A_733, %parallel_loop3A_578 : vector<16xf32>
        %parallel_loop3A_735 = arith.constant 0 : i32
        %parallel_loop3A_736 = arith.constant 1 : i32
        %parallel_loop3A_737 = arith.index_cast %parallel_loop3A_735 : i32 to index
        %parallel_loop3A_738 = arith.index_cast %parallel_loop3A_736 : i32 to index
        %parallel_loop3A_739 = arith.index_cast %parallel_loop3A_572 : i32 to index
        %parallel_loop3A_740 = arith.constant 0 : index
        %parallel_loop3A_741 = tpu.vector_load %arg9[%parallel_loop3A_737, %parallel_loop3A_738, %parallel_loop3A_739, %parallel_loop3A_740] {strides = array<i32>} : memref<2x4x50x64xf32, #tpu.memory_space<vmem>>, vector<1x1x1x16xf32>,
        %parallel_loop3A_742 = vector.shape_cast %parallel_loop3A_741 : vector<1x1x1x16xf32> to vector<16xf32>
        %parallel_loop3A_743 = vector.shape_cast %parallel_loop3A_734 : vector<16xf32> to vector<1x1x1x16xf32>
        tpu.vector_store %arg9[%parallel_loop3A_737, %parallel_loop3A_738, %parallel_loop3A_739, %parallel_loop3A_740], %parallel_loop3A_743 {strides = array<i32>} : memref<2x4x50x64xf32, #tpu.memory_space<vmem>>, vector<1x1x1x16xf32>,
        %parallel_loop3A_744 = arith.constant 0 : i32
        %parallel_loop3A_745 = arith.index_cast %parallel_loop3A_744 : i32 to index
        %parallel_loop3A_746 = arith.index_cast %parallel_loop3A_709 : i32 to index
        %parallel_loop3A_747 = arith.constant 16 : index
        %parallel_loop3A_748 = tpu.vector_load %arg8[%parallel_loop3A_745, %parallel_loop3A_746, %parallel_loop3A_747] {strides = array<i32>} : memref<2x200x128xf32, #tpu.memory_space<vmem>>, vector<1x1x16xf32>,
        %parallel_loop3A_749 = vector.shape_cast %parallel_loop3A_748 : vector<1x1x16xf32> to vector<16xf32>
        %parallel_loop3A_750 = arith.mulf %parallel_loop3A_749, %parallel_loop3A_718 : vector<16xf32>
        %parallel_loop3A_751 = arith.constant 0 : i32
        %parallel_loop3A_752 = arith.index_cast %parallel_loop3A_751 : i32 to index
        %parallel_loop3A_753 = arith.index_cast %parallel_loop3A_709 : i32 to index
        %parallel_loop3A_754 = arith.constant 80 : index
        %parallel_loop3A_755 = tpu.vector_load %arg8[%parallel_loop3A_752, %parallel_loop3A_753, %parallel_loop3A_754] {strides = array<i32>} : memref<2x200x128xf32, #tpu.memory_space<vmem>>, vector<1x1x16xf32>,
        %parallel_loop3A_756 = vector.shape_cast %parallel_loop3A_755 : vector<1x1x16xf32> to vector<16xf32>
        %parallel_loop3A_757 = arith.mulf %parallel_loop3A_756, %parallel_loop3A_715 : vector<16xf32>
        %parallel_loop3A_758 = arith.addf %parallel_loop3A_750, %parallel_loop3A_757 : vector<16xf32>
        %parallel_loop3A_759 = arith.addf %parallel_loop3A_758, %parallel_loop3A_584 : vector<16xf32>
        %parallel_loop3A_760 = arith.constant 0 : i32
        %parallel_loop3A_761 = arith.constant 1 : i32
        %parallel_loop3A_762 = arith.index_cast %parallel_loop3A_760 : i32 to index
        %parallel_loop3A_763 = arith.index_cast %parallel_loop3A_761 : i32 to index
        %parallel_loop3A_764 = arith.index_cast %parallel_loop3A_572 : i32 to index
        %parallel_loop3A_765 = arith.constant 16 : index
        %parallel_loop3A_766 = tpu.vector_load %arg9[%parallel_loop3A_762, %parallel_loop3A_763, %parallel_loop3A_764, %parallel_loop3A_765] {strides = array<i32>} : memref<2x4x50x64xf32, #tpu.memory_space<vmem>>, vector<1x1x1x16xf32>,
        %parallel_loop3A_767 = vector.shape_cast %parallel_loop3A_766 : vector<1x1x1x16xf32> to vector<16xf32>
        %parallel_loop3A_768 = vector.shape_cast %parallel_loop3A_759 : vector<16xf32> to vector<1x1x1x16xf32>
        tpu.vector_store %arg9[%parallel_loop3A_762, %parallel_loop3A_763, %parallel_loop3A_764, %parallel_loop3A_765], %parallel_loop3A_768 {strides = array<i32>} : memref<2x4x50x64xf32, #tpu.memory_space<vmem>>, vector<1x1x1x16xf32>,
        %parallel_loop3A_769 = arith.constant 0 : i32
        %parallel_loop3A_770 = arith.index_cast %parallel_loop3A_769 : i32 to index
        %parallel_loop3A_771 = arith.index_cast %parallel_loop3A_709 : i32 to index
        %parallel_loop3A_772 = arith.constant 32 : index
        %parallel_loop3A_773 = tpu.vector_load %arg8[%parallel_loop3A_770, %parallel_loop3A_771, %parallel_loop3A_772] {strides = array<i32>} : memref<2x200x128xf32, #tpu.memory_space<vmem>>, vector<1x1x16xf32>,
        %parallel_loop3A_774 = vector.shape_cast %parallel_loop3A_773 : vector<1x1x16xf32> to vector<16xf32>
        %parallel_loop3A_775 = arith.mulf %parallel_loop3A_774, %parallel_loop3A_718 : vector<16xf32>
        %parallel_loop3A_776 = arith.constant 0 : i32
        %parallel_loop3A_777 = arith.index_cast %parallel_loop3A_776 : i32 to index
        %parallel_loop3A_778 = arith.index_cast %parallel_loop3A_709 : i32 to index
        %parallel_loop3A_779 = arith.constant 96 : index
        %parallel_loop3A_780 = tpu.vector_load %arg8[%parallel_loop3A_777, %parallel_loop3A_778, %parallel_loop3A_779] {strides = array<i32>} : memref<2x200x128xf32, #tpu.memory_space<vmem>>, vector<1x1x16xf32>,
        %parallel_loop3A_781 = vector.shape_cast %parallel_loop3A_780 : vector<1x1x16xf32> to vector<16xf32>
        %parallel_loop3A_782 = arith.mulf %parallel_loop3A_781, %parallel_loop3A_715 : vector<16xf32>
        %parallel_loop3A_783 = arith.addf %parallel_loop3A_775, %parallel_loop3A_782 : vector<16xf32>
        %parallel_loop3A_784 = arith.addf %parallel_loop3A_783, %parallel_loop3A_590 : vector<16xf32>
        %parallel_loop3A_785 = arith.constant 0 : i32
        %parallel_loop3A_786 = arith.constant 1 : i32
        %parallel_loop3A_787 = arith.index_cast %parallel_loop3A_785 : i32 to index
        %parallel_loop3A_788 = arith.index_cast %parallel_loop3A_786 : i32 to index
        %parallel_loop3A_789 = arith.index_cast %parallel_loop3A_572 : i32 to index
        %parallel_loop3A_790 = arith.constant 32 : index
        %parallel_loop3A_791 = tpu.vector_load %arg9[%parallel_loop3A_787, %parallel_loop3A_788, %parallel_loop3A_789, %parallel_loop3A_790] {strides = array<i32>} : memref<2x4x50x64xf32, #tpu.memory_space<vmem>>, vector<1x1x1x16xf32>,
        %parallel_loop3A_792 = vector.shape_cast %parallel_loop3A_791 : vector<1x1x1x16xf32> to vector<16xf32>
        %parallel_loop3A_793 = vector.shape_cast %parallel_loop3A_784 : vector<16xf32> to vector<1x1x1x16xf32>
        tpu.vector_store %arg9[%parallel_loop3A_787, %parallel_loop3A_788, %parallel_loop3A_789, %parallel_loop3A_790], %parallel_loop3A_793 {strides = array<i32>} : memref<2x4x50x64xf32, #tpu.memory_space<vmem>>, vector<1x1x1x16xf32>,
        %parallel_loop3A_794 = arith.constant 0 : i32
        %parallel_loop3A_795 = arith.index_cast %parallel_loop3A_794 : i32 to index
        %parallel_loop3A_796 = arith.index_cast %parallel_loop3A_709 : i32 to index
        %parallel_loop3A_797 = arith.constant 48 : index
        %parallel_loop3A_798 = tpu.vector_load %arg8[%parallel_loop3A_795, %parallel_loop3A_796, %parallel_loop3A_797] {strides = array<i32>} : memref<2x200x128xf32, #tpu.memory_space<vmem>>, vector<1x1x16xf32>,
        %parallel_loop3A_799 = vector.shape_cast %parallel_loop3A_798 : vector<1x1x16xf32> to vector<16xf32>
        %parallel_loop3A_800 = arith.mulf %parallel_loop3A_799, %parallel_loop3A_718 : vector<16xf32>
        %parallel_loop3A_801 = arith.constant 0 : i32
        %parallel_loop3A_802 = arith.index_cast %parallel_loop3A_801 : i32 to index
        %parallel_loop3A_803 = arith.index_cast %parallel_loop3A_709 : i32 to index
        %parallel_loop3A_804 = arith.constant 112 : index
        %parallel_loop3A_805 = tpu.vector_load %arg8[%parallel_loop3A_802, %parallel_loop3A_803, %parallel_loop3A_804] {strides = array<i32>} : memref<2x200x128xf32, #tpu.memory_space<vmem>>, vector<1x1x16xf32>,
        %parallel_loop3A_806 = vector.shape_cast %parallel_loop3A_805 : vector<1x1x16xf32> to vector<16xf32>
        %parallel_loop3A_807 = arith.mulf %parallel_loop3A_806, %parallel_loop3A_715 : vector<16xf32>
        %parallel_loop3A_808 = arith.addf %parallel_loop3A_800, %parallel_loop3A_807 : vector<16xf32>
        %parallel_loop3A_809 = arith.addf %parallel_loop3A_808, %parallel_loop3A_596 : vector<16xf32>
        %parallel_loop3A_810 = arith.constant 0 : i32
        %parallel_loop3A_811 = arith.constant 1 : i32
        %parallel_loop3A_812 = arith.index_cast %parallel_loop3A_810 : i32 to index
        %parallel_loop3A_813 = arith.index_cast %parallel_loop3A_811 : i32 to index
        %parallel_loop3A_814 = arith.index_cast %parallel_loop3A_572 : i32 to index
        %parallel_loop3A_815 = arith.constant 48 : index
        %parallel_loop3A_816 = tpu.vector_load %arg9[%parallel_loop3A_812, %parallel_loop3A_813, %parallel_loop3A_814, %parallel_loop3A_815] {strides = array<i32>} : memref<2x4x50x64xf32, #tpu.memory_space<vmem>>, vector<1x1x1x16xf32>,
        %parallel_loop3A_817 = vector.shape_cast %parallel_loop3A_816 : vector<1x1x1x16xf32> to vector<16xf32>
        %parallel_loop3A_818 = vector.shape_cast %parallel_loop3A_809 : vector<16xf32> to vector<1x1x1x16xf32>
        tpu.vector_store %arg9[%parallel_loop3A_812, %parallel_loop3A_813, %parallel_loop3A_814, %parallel_loop3A_815], %parallel_loop3A_818 {strides = array<i32>} : memref<2x4x50x64xf32, #tpu.memory_space<vmem>>, vector<1x1x1x16xf32>,
        %parallel_loop3A_819 = arith.constant 100 : i32
        %parallel_loop3A_820 = arith.addi %parallel_loop3A_819, %parallel_loop3A_572 : i32
        %parallel_loop3A_821 = arith.constant 0 : i32
        %parallel_loop3A_822 = arith.index_cast %parallel_loop3A_821 : i32 to index
        %parallel_loop3A_823 = arith.index_cast %parallel_loop3A_572 : i32 to index
        %parallel_loop3A_824 = arith.constant 32 : index
        %parallel_loop3A_825 = tpu.vector_load %arg7[%parallel_loop3A_822, %parallel_loop3A_823, %parallel_loop3A_824] {strides = array<i32>} : memref<2x50x128xf32, #tpu.memory_space<vmem>>, vector<1x1x16xf32>,
        %parallel_loop3A_826 = vector.shape_cast %parallel_loop3A_825 : vector<1x1x16xf32> to vector<16xf32>
        %parallel_loop3A_827 = arith.constant 1.250000e-01 : f32
        %parallel_loop3A_828 = vector.broadcast %parallel_loop3A_827 : f32 to vector<16xf32>
        %parallel_loop3A_829 = arith.subf %parallel_loop3A_828, %parallel_loop3A_826 : vector<16xf32>
        %parallel_loop3A_830 = arith.constant 0 : i32
        %parallel_loop3A_831 = arith.index_cast %parallel_loop3A_830 : i32 to index
        %parallel_loop3A_832 = arith.index_cast %parallel_loop3A_820 : i32 to index
        %parallel_loop3A_833 = arith.constant 0 : index
        %parallel_loop3A_834 = tpu.vector_load %arg8[%parallel_loop3A_831, %parallel_loop3A_832, %parallel_loop3A_833] {strides = array<i32>} : memref<2x200x128xf32, #tpu.memory_space<vmem>>, vector<1x1x16xf32>,
        %parallel_loop3A_835 = vector.shape_cast %parallel_loop3A_834 : vector<1x1x16xf32> to vector<16xf32>
        %parallel_loop3A_836 = arith.mulf %parallel_loop3A_835, %parallel_loop3A_829 : vector<16xf32>
        %parallel_loop3A_837 = arith.constant 0 : i32
        %parallel_loop3A_838 = arith.index_cast %parallel_loop3A_837 : i32 to index
        %parallel_loop3A_839 = arith.index_cast %parallel_loop3A_820 : i32 to index
        %parallel_loop3A_840 = arith.constant 64 : index
        %parallel_loop3A_841 = tpu.vector_load %arg8[%parallel_loop3A_838, %parallel_loop3A_839, %parallel_loop3A_840] {strides = array<i32>} : memref<2x200x128xf32, #tpu.memory_space<vmem>>, vector<1x1x16xf32>,
        %parallel_loop3A_842 = vector.shape_cast %parallel_loop3A_841 : vector<1x1x16xf32> to vector<16xf32>
        %parallel_loop3A_843 = arith.mulf %parallel_loop3A_842, %parallel_loop3A_826 : vector<16xf32>
        %parallel_loop3A_844 = arith.addf %parallel_loop3A_836, %parallel_loop3A_843 : vector<16xf32>
        %parallel_loop3A_845 = arith.addf %parallel_loop3A_844, %parallel_loop3A_578 : vector<16xf32>
        %parallel_loop3A_846 = arith.constant 0 : i32
        %parallel_loop3A_847 = arith.constant 2 : i32
        %parallel_loop3A_848 = arith.index_cast %parallel_loop3A_846 : i32 to index
        %parallel_loop3A_849 = arith.index_cast %parallel_loop3A_847 : i32 to index
        %parallel_loop3A_850 = arith.index_cast %parallel_loop3A_572 : i32 to index
        %parallel_loop3A_851 = arith.constant 0 : index
        %parallel_loop3A_852 = tpu.vector_load %arg9[%parallel_loop3A_848, %parallel_loop3A_849, %parallel_loop3A_850, %parallel_loop3A_851] {strides = array<i32>} : memref<2x4x50x64xf32, #tpu.memory_space<vmem>>, vector<1x1x1x16xf32>,
        %parallel_loop3A_853 = vector.shape_cast %parallel_loop3A_852 : vector<1x1x1x16xf32> to vector<16xf32>
        %parallel_loop3A_854 = vector.shape_cast %parallel_loop3A_845 : vector<16xf32> to vector<1x1x1x16xf32>
        tpu.vector_store %arg9[%parallel_loop3A_848, %parallel_loop3A_849, %parallel_loop3A_850, %parallel_loop3A_851], %parallel_loop3A_854 {strides = array<i32>} : memref<2x4x50x64xf32, #tpu.memory_space<vmem>>, vector<1x1x1x16xf32>,
        %parallel_loop3A_855 = arith.constant 0 : i32
        %parallel_loop3A_856 = arith.index_cast %parallel_loop3A_855 : i32 to index
        %parallel_loop3A_857 = arith.index_cast %parallel_loop3A_820 : i32 to index
        %parallel_loop3A_858 = arith.constant 16 : index
        %parallel_loop3A_859 = tpu.vector_load %arg8[%parallel_loop3A_856, %parallel_loop3A_857, %parallel_loop3A_858] {strides = array<i32>} : memref<2x200x128xf32, #tpu.memory_space<vmem>>, vector<1x1x16xf32>,
        %parallel_loop3A_860 = vector.shape_cast %parallel_loop3A_859 : vector<1x1x16xf32> to vector<16xf32>
        %parallel_loop3A_861 = arith.mulf %parallel_loop3A_860, %parallel_loop3A_829 : vector<16xf32>
        %parallel_loop3A_862 = arith.constant 0 : i32
        %parallel_loop3A_863 = arith.index_cast %parallel_loop3A_862 : i32 to index
        %parallel_loop3A_864 = arith.index_cast %parallel_loop3A_820 : i32 to index
        %parallel_loop3A_865 = arith.constant 80 : index
        %parallel_loop3A_866 = tpu.vector_load %arg8[%parallel_loop3A_863, %parallel_loop3A_864, %parallel_loop3A_865] {strides = array<i32>} : memref<2x200x128xf32, #tpu.memory_space<vmem>>, vector<1x1x16xf32>,
        %parallel_loop3A_867 = vector.shape_cast %parallel_loop3A_866 : vector<1x1x16xf32> to vector<16xf32>
        %parallel_loop3A_868 = arith.mulf %parallel_loop3A_867, %parallel_loop3A_826 : vector<16xf32>
        %parallel_loop3A_869 = arith.addf %parallel_loop3A_861, %parallel_loop3A_868 : vector<16xf32>
        %parallel_loop3A_870 = arith.addf %parallel_loop3A_869, %parallel_loop3A_584 : vector<16xf32>
        %parallel_loop3A_871 = arith.constant 0 : i32
        %parallel_loop3A_872 = arith.constant 2 : i32
        %parallel_loop3A_873 = arith.index_cast %parallel_loop3A_871 : i32 to index
        %parallel_loop3A_874 = arith.index_cast %parallel_loop3A_872 : i32 to index
        %parallel_loop3A_875 = arith.index_cast %parallel_loop3A_572 : i32 to index
        %parallel_loop3A_876 = arith.constant 16 : index
        %parallel_loop3A_877 = tpu.vector_load %arg9[%parallel_loop3A_873, %parallel_loop3A_874, %parallel_loop3A_875, %parallel_loop3A_876] {strides = array<i32>} : memref<2x4x50x64xf32, #tpu.memory_space<vmem>>, vector<1x1x1x16xf32>,
        %parallel_loop3A_878 = vector.shape_cast %parallel_loop3A_877 : vector<1x1x1x16xf32> to vector<16xf32>
        %parallel_loop3A_879 = vector.shape_cast %parallel_loop3A_870 : vector<16xf32> to vector<1x1x1x16xf32>
        tpu.vector_store %arg9[%parallel_loop3A_873, %parallel_loop3A_874, %parallel_loop3A_875, %parallel_loop3A_876], %parallel_loop3A_879 {strides = array<i32>} : memref<2x4x50x64xf32, #tpu.memory_space<vmem>>, vector<1x1x1x16xf32>,
        %parallel_loop3A_880 = arith.constant 0 : i32
        %parallel_loop3A_881 = arith.index_cast %parallel_loop3A_880 : i32 to index
        %parallel_loop3A_882 = arith.index_cast %parallel_loop3A_820 : i32 to index
        %parallel_loop3A_883 = arith.constant 32 : index
        %parallel_loop3A_884 = tpu.vector_load %arg8[%parallel_loop3A_881, %parallel_loop3A_882, %parallel_loop3A_883] {strides = array<i32>} : memref<2x200x128xf32, #tpu.memory_space<vmem>>, vector<1x1x16xf32>,
        %parallel_loop3A_885 = vector.shape_cast %parallel_loop3A_884 : vector<1x1x16xf32> to vector<16xf32>
        %parallel_loop3A_886 = arith.mulf %parallel_loop3A_885, %parallel_loop3A_829 : vector<16xf32>
        %parallel_loop3A_887 = arith.constant 0 : i32
        %parallel_loop3A_888 = arith.index_cast %parallel_loop3A_887 : i32 to index
        %parallel_loop3A_889 = arith.index_cast %parallel_loop3A_820 : i32 to index
        %parallel_loop3A_890 = arith.constant 96 : index
        %parallel_loop3A_891 = tpu.vector_load %arg8[%parallel_loop3A_888, %parallel_loop3A_889, %parallel_loop3A_890] {strides = array<i32>} : memref<2x200x128xf32, #tpu.memory_space<vmem>>, vector<1x1x16xf32>,
        %parallel_loop3A_892 = vector.shape_cast %parallel_loop3A_891 : vector<1x1x16xf32> to vector<16xf32>
        %parallel_loop3A_893 = arith.mulf %parallel_loop3A_892, %parallel_loop3A_826 : vector<16xf32>
        %parallel_loop3A_894 = arith.addf %parallel_loop3A_886, %parallel_loop3A_893 : vector<16xf32>
        %parallel_loop3A_895 = arith.addf %parallel_loop3A_894, %parallel_loop3A_590 : vector<16xf32>
        %parallel_loop3A_896 = arith.constant 0 : i32
        %parallel_loop3A_897 = arith.constant 2 : i32
        %parallel_loop3A_898 = arith.index_cast %parallel_loop3A_896 : i32 to index
        %parallel_loop3A_899 = arith.index_cast %parallel_loop3A_897 : i32 to index
        %parallel_loop3A_900 = arith.index_cast %parallel_loop3A_572 : i32 to index
        %parallel_loop3A_901 = arith.constant 32 : index
        %parallel_loop3A_902 = tpu.vector_load %arg9[%parallel_loop3A_898, %parallel_loop3A_899, %parallel_loop3A_900, %parallel_loop3A_901] {strides = array<i32>} : memref<2x4x50x64xf32, #tpu.memory_space<vmem>>, vector<1x1x1x16xf32>,
        %parallel_loop3A_903 = vector.shape_cast %parallel_loop3A_902 : vector<1x1x1x16xf32> to vector<16xf32>
        %parallel_loop3A_904 = vector.shape_cast %parallel_loop3A_895 : vector<16xf32> to vector<1x1x1x16xf32>
        tpu.vector_store %arg9[%parallel_loop3A_898, %parallel_loop3A_899, %parallel_loop3A_900, %parallel_loop3A_901], %parallel_loop3A_904 {strides = array<i32>} : memref<2x4x50x64xf32, #tpu.memory_space<vmem>>, vector<1x1x1x16xf32>,
        %parallel_loop3A_905 = arith.constant 0 : i32
        %parallel_loop3A_906 = arith.index_cast %parallel_loop3A_905 : i32 to index
        %parallel_loop3A_907 = arith.index_cast %parallel_loop3A_820 : i32 to index
        %parallel_loop3A_908 = arith.constant 48 : index
        %parallel_loop3A_909 = tpu.vector_load %arg8[%parallel_loop3A_906, %parallel_loop3A_907, %parallel_loop3A_908] {strides = array<i32>} : memref<2x200x128xf32, #tpu.memory_space<vmem>>, vector<1x1x16xf32>,
        %parallel_loop3A_910 = vector.shape_cast %parallel_loop3A_909 : vector<1x1x16xf32> to vector<16xf32>
        %parallel_loop3A_911 = arith.mulf %parallel_loop3A_910, %parallel_loop3A_829 : vector<16xf32>
        %parallel_loop3A_912 = arith.constant 0 : i32
        %parallel_loop3A_913 = arith.index_cast %parallel_loop3A_912 : i32 to index
        %parallel_loop3A_914 = arith.index_cast %parallel_loop3A_820 : i32 to index
        %parallel_loop3A_915 = arith.constant 112 : index
        %parallel_loop3A_916 = tpu.vector_load %arg8[%parallel_loop3A_913, %parallel_loop3A_914, %parallel_loop3A_915] {strides = array<i32>} : memref<2x200x128xf32, #tpu.memory_space<vmem>>, vector<1x1x16xf32>,
        %parallel_loop3A_917 = vector.shape_cast %parallel_loop3A_916 : vector<1x1x16xf32> to vector<16xf32>
        %parallel_loop3A_918 = arith.mulf %parallel_loop3A_917, %parallel_loop3A_826 : vector<16xf32>
        %parallel_loop3A_919 = arith.addf %parallel_loop3A_911, %parallel_loop3A_918 : vector<16xf32>
        %parallel_loop3A_920 = arith.addf %parallel_loop3A_919, %parallel_loop3A_596 : vector<16xf32>
        %parallel_loop3A_921 = arith.constant 0 : i32
        %parallel_loop3A_922 = arith.constant 2 : i32
        %parallel_loop3A_923 = arith.index_cast %parallel_loop3A_921 : i32 to index
        %parallel_loop3A_924 = arith.index_cast %parallel_loop3A_922 : i32 to index
        %parallel_loop3A_925 = arith.index_cast %parallel_loop3A_572 : i32 to index
        %parallel_loop3A_926 = arith.constant 48 : index
        %parallel_loop3A_927 = tpu.vector_load %arg9[%parallel_loop3A_923, %parallel_loop3A_924, %parallel_loop3A_925, %parallel_loop3A_926] {strides = array<i32>} : memref<2x4x50x64xf32, #tpu.memory_space<vmem>>, vector<1x1x1x16xf32>,
        %parallel_loop3A_928 = vector.shape_cast %parallel_loop3A_927 : vector<1x1x1x16xf32> to vector<16xf32>
        %parallel_loop3A_929 = vector.shape_cast %parallel_loop3A_920 : vector<16xf32> to vector<1x1x1x16xf32>
        tpu.vector_store %arg9[%parallel_loop3A_923, %parallel_loop3A_924, %parallel_loop3A_925, %parallel_loop3A_926], %parallel_loop3A_929 {strides = array<i32>} : memref<2x4x50x64xf32, #tpu.memory_space<vmem>>, vector<1x1x1x16xf32>,
        %parallel_loop3A_930 = arith.constant 150 : i32
        %parallel_loop3A_931 = arith.addi %parallel_loop3A_930, %parallel_loop3A_572 : i32
        %parallel_loop3A_932 = arith.constant 0 : i32
        %parallel_loop3A_933 = arith.index_cast %parallel_loop3A_932 : i32 to index
        %parallel_loop3A_934 = arith.index_cast %parallel_loop3A_572 : i32 to index
        %parallel_loop3A_935 = arith.constant 48 : index
        %parallel_loop3A_936 = tpu.vector_load %arg7[%parallel_loop3A_933, %parallel_loop3A_934, %parallel_loop3A_935] {strides = array<i32>} : memref<2x50x128xf32, #tpu.memory_space<vmem>>, vector<1x1x16xf32>,
        %parallel_loop3A_937 = vector.shape_cast %parallel_loop3A_936 : vector<1x1x16xf32> to vector<16xf32>
        %parallel_loop3A_938 = arith.constant 1.250000e-01 : f32
        %parallel_loop3A_939 = vector.broadcast %parallel_loop3A_938 : f32 to vector<16xf32>
        %parallel_loop3A_940 = arith.subf %parallel_loop3A_939, %parallel_loop3A_937 : vector<16xf32>
        %parallel_loop3A_941 = arith.constant 0 : i32
        %parallel_loop3A_942 = arith.index_cast %parallel_loop3A_941 : i32 to index
        %parallel_loop3A_943 = arith.index_cast %parallel_loop3A_931 : i32 to index
        %parallel_loop3A_944 = arith.constant 0 : index
        %parallel_loop3A_945 = tpu.vector_load %arg8[%parallel_loop3A_942, %parallel_loop3A_943, %parallel_loop3A_944] {strides = array<i32>} : memref<2x200x128xf32, #tpu.memory_space<vmem>>, vector<1x1x16xf32>,
        %parallel_loop3A_946 = vector.shape_cast %parallel_loop3A_945 : vector<1x1x16xf32> to vector<16xf32>
        %parallel_loop3A_947 = arith.mulf %parallel_loop3A_946, %parallel_loop3A_940 : vector<16xf32>
        %parallel_loop3A_948 = arith.constant 0 : i32
        %parallel_loop3A_949 = arith.index_cast %parallel_loop3A_948 : i32 to index
        %parallel_loop3A_950 = arith.index_cast %parallel_loop3A_931 : i32 to index
        %parallel_loop3A_951 = arith.constant 64 : index
        %parallel_loop3A_952 = tpu.vector_load %arg8[%parallel_loop3A_949, %parallel_loop3A_950, %parallel_loop3A_951] {strides = array<i32>} : memref<2x200x128xf32, #tpu.memory_space<vmem>>, vector<1x1x16xf32>,
        %parallel_loop3A_953 = vector.shape_cast %parallel_loop3A_952 : vector<1x1x16xf32> to vector<16xf32>
        %parallel_loop3A_954 = arith.mulf %parallel_loop3A_953, %parallel_loop3A_937 : vector<16xf32>
        %parallel_loop3A_955 = arith.addf %parallel_loop3A_947, %parallel_loop3A_954 : vector<16xf32>
        %parallel_loop3A_956 = arith.addf %parallel_loop3A_955, %parallel_loop3A_578 : vector<16xf32>
        %parallel_loop3A_957 = arith.constant 0 : i32
        %parallel_loop3A_958 = arith.constant 3 : i32
        %parallel_loop3A_959 = arith.index_cast %parallel_loop3A_957 : i32 to index
        %parallel_loop3A_960 = arith.index_cast %parallel_loop3A_958 : i32 to index
        %parallel_loop3A_961 = arith.index_cast %parallel_loop3A_572 : i32 to index
        %parallel_loop3A_962 = arith.constant 0 : index
        %parallel_loop3A_963 = tpu.vector_load %arg9[%parallel_loop3A_959, %parallel_loop3A_960, %parallel_loop3A_961, %parallel_loop3A_962] {strides = array<i32>} : memref<2x4x50x64xf32, #tpu.memory_space<vmem>>, vector<1x1x1x16xf32>,
        %parallel_loop3A_964 = vector.shape_cast %parallel_loop3A_963 : vector<1x1x1x16xf32> to vector<16xf32>
        %parallel_loop3A_965 = vector.shape_cast %parallel_loop3A_956 : vector<16xf32> to vector<1x1x1x16xf32>
        tpu.vector_store %arg9[%parallel_loop3A_959, %parallel_loop3A_960, %parallel_loop3A_961, %parallel_loop3A_962], %parallel_loop3A_965 {strides = array<i32>} : memref<2x4x50x64xf32, #tpu.memory_space<vmem>>, vector<1x1x1x16xf32>,
        %parallel_loop3A_966 = arith.constant 0 : i32
        %parallel_loop3A_967 = arith.index_cast %parallel_loop3A_966 : i32 to index
        %parallel_loop3A_968 = arith.index_cast %parallel_loop3A_931 : i32 to index
        %parallel_loop3A_969 = arith.constant 16 : index
        %parallel_loop3A_970 = tpu.vector_load %arg8[%parallel_loop3A_967, %parallel_loop3A_968, %parallel_loop3A_969] {strides = array<i32>} : memref<2x200x128xf32, #tpu.memory_space<vmem>>, vector<1x1x16xf32>,
        %parallel_loop3A_971 = vector.shape_cast %parallel_loop3A_970 : vector<1x1x16xf32> to vector<16xf32>
        %parallel_loop3A_972 = arith.mulf %parallel_loop3A_971, %parallel_loop3A_940 : vector<16xf32>
        %parallel_loop3A_973 = arith.constant 0 : i32
        %parallel_loop3A_974 = arith.index_cast %parallel_loop3A_973 : i32 to index
        %parallel_loop3A_975 = arith.index_cast %parallel_loop3A_931 : i32 to index
        %parallel_loop3A_976 = arith.constant 80 : index
        %parallel_loop3A_977 = tpu.vector_load %arg8[%parallel_loop3A_974, %parallel_loop3A_975, %parallel_loop3A_976] {strides = array<i32>} : memref<2x200x128xf32, #tpu.memory_space<vmem>>, vector<1x1x16xf32>,
        %parallel_loop3A_978 = vector.shape_cast %parallel_loop3A_977 : vector<1x1x16xf32> to vector<16xf32>
        %parallel_loop3A_979 = arith.mulf %parallel_loop3A_978, %parallel_loop3A_937 : vector<16xf32>
        %parallel_loop3A_980 = arith.addf %parallel_loop3A_972, %parallel_loop3A_979 : vector<16xf32>
        %parallel_loop3A_981 = arith.addf %parallel_loop3A_980, %parallel_loop3A_584 : vector<16xf32>
        %parallel_loop3A_982 = arith.constant 0 : i32
        %parallel_loop3A_983 = arith.constant 3 : i32
        %parallel_loop3A_984 = arith.index_cast %parallel_loop3A_982 : i32 to index
        %parallel_loop3A_985 = arith.index_cast %parallel_loop3A_983 : i32 to index
        %parallel_loop3A_986 = arith.index_cast %parallel_loop3A_572 : i32 to index
        %parallel_loop3A_987 = arith.constant 16 : index
        %parallel_loop3A_988 = tpu.vector_load %arg9[%parallel_loop3A_984, %parallel_loop3A_985, %parallel_loop3A_986, %parallel_loop3A_987] {strides = array<i32>} : memref<2x4x50x64xf32, #tpu.memory_space<vmem>>, vector<1x1x1x16xf32>,
        %parallel_loop3A_989 = vector.shape_cast %parallel_loop3A_988 : vector<1x1x1x16xf32> to vector<16xf32>
        %parallel_loop3A_990 = vector.shape_cast %parallel_loop3A_981 : vector<16xf32> to vector<1x1x1x16xf32>
        tpu.vector_store %arg9[%parallel_loop3A_984, %parallel_loop3A_985, %parallel_loop3A_986, %parallel_loop3A_987], %parallel_loop3A_990 {strides = array<i32>} : memref<2x4x50x64xf32, #tpu.memory_space<vmem>>, vector<1x1x1x16xf32>,
        %parallel_loop3A_991 = arith.constant 0 : i32
        %parallel_loop3A_992 = arith.index_cast %parallel_loop3A_991 : i32 to index
        %parallel_loop3A_993 = arith.index_cast %parallel_loop3A_931 : i32 to index
        %parallel_loop3A_994 = arith.constant 32 : index
        %parallel_loop3A_995 = tpu.vector_load %arg8[%parallel_loop3A_992, %parallel_loop3A_993, %parallel_loop3A_994] {strides = array<i32>} : memref<2x200x128xf32, #tpu.memory_space<vmem>>, vector<1x1x16xf32>,
        %parallel_loop3A_996 = vector.shape_cast %parallel_loop3A_995 : vector<1x1x16xf32> to vector<16xf32>
        %parallel_loop3A_997 = arith.mulf %parallel_loop3A_996, %parallel_loop3A_940 : vector<16xf32>
        %parallel_loop3A_998 = arith.constant 0 : i32
        %parallel_loop3A_999 = arith.index_cast %parallel_loop3A_998 : i32 to index
        %parallel_loop3A_1000 = arith.index_cast %parallel_loop3A_931 : i32 to index
        %parallel_loop3A_1001 = arith.constant 96 : index
        %parallel_loop3A_1002 = tpu.vector_load %arg8[%parallel_loop3A_999, %parallel_loop3A_1000, %parallel_loop3A_1001] {strides = array<i32>} : memref<2x200x128xf32, #tpu.memory_space<vmem>>, vector<1x1x16xf32>,
        %parallel_loop3A_1003 = vector.shape_cast %parallel_loop3A_1002 : vector<1x1x16xf32> to vector<16xf32>
        %parallel_loop3A_1004 = arith.mulf %parallel_loop3A_1003, %parallel_loop3A_937 : vector<16xf32>
        %parallel_loop3A_1005 = arith.addf %parallel_loop3A_997, %parallel_loop3A_1004 : vector<16xf32>
        %parallel_loop3A_1006 = arith.addf %parallel_loop3A_1005, %parallel_loop3A_590 : vector<16xf32>
        %parallel_loop3A_1007 = arith.constant 0 : i32
        %parallel_loop3A_1008 = arith.constant 3 : i32
        %parallel_loop3A_1009 = arith.index_cast %parallel_loop3A_1007 : i32 to index
        %parallel_loop3A_1010 = arith.index_cast %parallel_loop3A_1008 : i32 to index
        %parallel_loop3A_1011 = arith.index_cast %parallel_loop3A_572 : i32 to index
        %parallel_loop3A_1012 = arith.constant 32 : index
        %parallel_loop3A_1013 = tpu.vector_load %arg9[%parallel_loop3A_1009, %parallel_loop3A_1010, %parallel_loop3A_1011, %parallel_loop3A_1012] {strides = array<i32>} : memref<2x4x50x64xf32, #tpu.memory_space<vmem>>, vector<1x1x1x16xf32>,
        %parallel_loop3A_1014 = vector.shape_cast %parallel_loop3A_1013 : vector<1x1x1x16xf32> to vector<16xf32>
        %parallel_loop3A_1015 = vector.shape_cast %parallel_loop3A_1006 : vector<16xf32> to vector<1x1x1x16xf32>
        tpu.vector_store %arg9[%parallel_loop3A_1009, %parallel_loop3A_1010, %parallel_loop3A_1011, %parallel_loop3A_1012], %parallel_loop3A_1015 {strides = array<i32>} : memref<2x4x50x64xf32, #tpu.memory_space<vmem>>, vector<1x1x1x16xf32>,
        %parallel_loop3A_1016 = arith.constant 0 : i32
        %parallel_loop3A_1017 = arith.index_cast %parallel_loop3A_1016 : i32 to index
        %parallel_loop3A_1018 = arith.index_cast %parallel_loop3A_931 : i32 to index
        %parallel_loop3A_1019 = arith.constant 48 : index
        %parallel_loop3A_1020 = tpu.vector_load %arg8[%parallel_loop3A_1017, %parallel_loop3A_1018, %parallel_loop3A_1019] {strides = array<i32>} : memref<2x200x128xf32, #tpu.memory_space<vmem>>, vector<1x1x16xf32>,
        %parallel_loop3A_1021 = vector.shape_cast %parallel_loop3A_1020 : vector<1x1x16xf32> to vector<16xf32>
        %parallel_loop3A_1022 = arith.mulf %parallel_loop3A_1021, %parallel_loop3A_940 : vector<16xf32>
        %parallel_loop3A_1023 = arith.constant 0 : i32
        %parallel_loop3A_1024 = arith.index_cast %parallel_loop3A_1023 : i32 to index
        %parallel_loop3A_1025 = arith.index_cast %parallel_loop3A_931 : i32 to index
        %parallel_loop3A_1026 = arith.constant 112 : index
        %parallel_loop3A_1027 = tpu.vector_load %arg8[%parallel_loop3A_1024, %parallel_loop3A_1025, %parallel_loop3A_1026] {strides = array<i32>} : memref<2x200x128xf32, #tpu.memory_space<vmem>>, vector<1x1x16xf32>,
        %parallel_loop3A_1028 = vector.shape_cast %parallel_loop3A_1027 : vector<1x1x16xf32> to vector<16xf32>
        %parallel_loop3A_1029 = arith.mulf %parallel_loop3A_1028, %parallel_loop3A_937 : vector<16xf32>
        %parallel_loop3A_1030 = arith.addf %parallel_loop3A_1022, %parallel_loop3A_1029 : vector<16xf32>
        %parallel_loop3A_1031 = arith.addf %parallel_loop3A_1030, %parallel_loop3A_596 : vector<16xf32>
        %parallel_loop3A_1032 = arith.constant 0 : i32
        %parallel_loop3A_1033 = arith.constant 3 : i32
        %parallel_loop3A_1034 = arith.index_cast %parallel_loop3A_1032 : i32 to index
        %parallel_loop3A_1035 = arith.index_cast %parallel_loop3A_1033 : i32 to index
        %parallel_loop3A_1036 = arith.index_cast %parallel_loop3A_572 : i32 to index
        %parallel_loop3A_1037 = arith.constant 48 : index
        %parallel_loop3A_1038 = tpu.vector_load %arg9[%parallel_loop3A_1034, %parallel_loop3A_1035, %parallel_loop3A_1036, %parallel_loop3A_1037] {strides = array<i32>} : memref<2x4x50x64xf32, #tpu.memory_space<vmem>>, vector<1x1x1x16xf32>,
        %parallel_loop3A_1039 = vector.shape_cast %parallel_loop3A_1038 : vector<1x1x1x16xf32> to vector<16xf32>
        %parallel_loop3A_1040 = vector.shape_cast %parallel_loop3A_1031 : vector<16xf32> to vector<1x1x1x16xf32>
        tpu.vector_store %arg9[%parallel_loop3A_1034, %parallel_loop3A_1035, %parallel_loop3A_1036, %parallel_loop3A_1037], %parallel_loop3A_1040 {strides = array<i32>} : memref<2x4x50x64xf32, #tpu.memory_space<vmem>>, vector<1x1x1x16xf32>,
      } {sc.loop_unroll_factor = 5 : i64, sc.parallel_access}
      %lt3A = arith.constant 15 : i32
      %lt3A_477 = arith.cmpi slt, %scan3A_450, %lt3A : i32
      %convert_element_type3A_478 = arith.extui %lt3A_477 : i1 to i32
      %cond3A_479 = arith.constant 0 : i32
      %cond3A_480 = arith.cmpi ne, %convert_element_type3A_478, %cond3A_479 : i32
      scf.if %cond3A_480 {
        %add3A_572 = arith.constant 2 : i32
        %add3A_573 = arith.addi %add3A_454, %add3A_572 : i32
        %add3A_574 = arith.addi %mul3A_4, %add3A_573 : i32
        %dma_start3A_575 = arith.constant 0 : i32
        %dma_start3A_576 = arith.constant 0 : i32
        %dma_start3A_577 = arith.constant 0 : i32
        %dma_start3A_578 = arith.constant 0 : i32
        %dma_start3A_579 = tpu.memref_slice %arg6[%dma_start3A_575, %dma_start3A_577, %dma_start3A_578] : memref<2x5x40xi32, #tpu.memory_space<vmem>> -> memref<1x5x40xi32, #tpu.memory_space<vmem>>
        %dma_start3A_580 = tpu.memref_squeeze %dma_start3A_579 : memref<1x5x40xi32, #tpu.memory_space<vmem>> -> memref<5x40xi32, #tpu.memory_space<vmem>>
        %dma_start3A_581 = arith.constant 0 : i32
        %dma_start3A_582 = arith.constant 0 : i32
        %dma_start3A_583 = tpu.memref_slice %arg3[%add3A_574, %dma_start3A_581, %dma_start3A_582] : memref<1024x5x40xi32, #tpu.memory_space<hbm>> -> memref<1x5x40xi32, #tpu.memory_space<hbm>>
        %dma_start3A_584 = tpu.memref_squeeze %dma_start3A_583 : memref<1x5x40xi32, #tpu.memory_space<hbm>> -> memref<5x40xi32, #tpu.memory_space<hbm>>
        %dma_start3A_585 = tpu.memref_slice %arg10[%dma_start3A_576] : memref<2x!tpu.dma_semaphore, #tpu.memory_space<semaphore_mem>> -> memref<1x!tpu.dma_semaphore, #tpu.memory_space<semaphore_mem>>
        %dma_start3A_586 = tpu.memref_squeeze %dma_start3A_585 : memref<1x!tpu.dma_semaphore, #tpu.memory_space<semaphore_mem>> -> memref<!tpu.dma_semaphore, #tpu.memory_space<semaphore_mem>>
        %dma_start3A_587 = arith.constant 0 : i32
        %dma_start3A_588 = arith.constant 0 : i32
        %dma_start3A_589 = tpu.memref_slice %arg6[%dma_start3A_575, %dma_start3A_587, %dma_start3A_588] : memref<2x5x40xi32, #tpu.memory_space<vmem>> -> memref<1x5x40xi32, #tpu.memory_space<vmem>>
        %dma_start3A_590 = tpu.memref_squeeze %dma_start3A_589 : memref<1x5x40xi32, #tpu.memory_space<vmem>> -> memref<5x40xi32, #tpu.memory_space<vmem>>
        %dma_start3A_591 = arith.constant 0 : i32
        %dma_start3A_592 = arith.constant 0 : i32
        %dma_start3A_593 = tpu.memref_slice %arg3[%add3A_574, %dma_start3A_591, %dma_start3A_592] : memref<1024x5x40xi32, #tpu.memory_space<hbm>> -> memref<1x5x40xi32, #tpu.memory_space<hbm>>
        %dma_start3A_594 = tpu.memref_squeeze %dma_start3A_593 : memref<1x5x40xi32, #tpu.memory_space<hbm>> -> memref<5x40xi32, #tpu.memory_space<hbm>>
        tpu.enqueue_dma source(%dma_start3A_594 : memref<5x40xi32, #tpu.memory_space<hbm>>) target(%dma_start3A_590 : memref<5x40xi32, #tpu.memory_space<vmem>>) target_semaphore(%dma_start3A_586 : memref<!tpu.dma_semaphore, #tpu.memory_space<semaphore_mem>>)
        %add3A_595 = arith.addi %mul3A_4, %add3A_573 : i32
        %dma_start3A_596 = arith.constant 0 : i32
        %dma_start3A_597 = arith.constant 0 : i32
        %dma_start3A_598 = arith.constant 0 : i32
        %dma_start3A_599 = arith.constant 0 : i32
        %dma_start3A_600 = tpu.memref_slice %arg7[%dma_start3A_596, %dma_start3A_598, %dma_start3A_599] : memref<2x50x128xf32, #tpu.memory_space<vmem>> -> memref<1x50x128xf32, #tpu.memory_space<vmem>>
        %dma_start3A_601 = tpu.memref_squeeze %dma_start3A_600 : memref<1x50x128xf32, #tpu.memory_space<vmem>> -> memref<50x128xf32, #tpu.memory_space<vmem>>
        %dma_start3A_602 = arith.constant 0 : i32
        %dma_start3A_603 = arith.constant 0 : i32
        %dma_start3A_604 = tpu.memref_slice %arg4[%add3A_595, %dma_start3A_602, %dma_start3A_603] : memref<1024x50x128xf32, #tpu.memory_space<hbm>> -> memref<1x50x128xf32, #tpu.memory_space<hbm>>
        %dma_start3A_605 = tpu.memref_squeeze %dma_start3A_604 : memref<1x50x128xf32, #tpu.memory_space<hbm>> -> memref<50x128xf32, #tpu.memory_space<hbm>>
        %dma_start3A_606 = tpu.memref_slice %arg10[%dma_start3A_597] : memref<2x!tpu.dma_semaphore, #tpu.memory_space<semaphore_mem>> -> memref<1x!tpu.dma_semaphore, #tpu.memory_space<semaphore_mem>>
        %dma_start3A_607 = tpu.memref_squeeze %dma_start3A_606 : memref<1x!tpu.dma_semaphore, #tpu.memory_space<semaphore_mem>> -> memref<!tpu.dma_semaphore, #tpu.memory_space<semaphore_mem>>
        %dma_start3A_608 = arith.constant 0 : i32
        %dma_start3A_609 = arith.constant 0 : i32
        %dma_start3A_610 = tpu.memref_slice %arg7[%dma_start3A_596, %dma_start3A_608, %dma_start3A_609] : memref<2x50x128xf32, #tpu.memory_space<vmem>> -> memref<1x50x128xf32, #tpu.memory_space<vmem>>
        %dma_start3A_611 = tpu.memref_squeeze %dma_start3A_610 : memref<1x50x128xf32, #tpu.memory_space<vmem>> -> memref<50x128xf32, #tpu.memory_space<vmem>>
        %dma_start3A_612 = arith.constant 0 : i32
        %dma_start3A_613 = arith.constant 0 : i32
        %dma_start3A_614 = tpu.memref_slice %arg4[%add3A_595, %dma_start3A_612, %dma_start3A_613] : memref<1024x50x128xf32, #tpu.memory_space<hbm>> -> memref<1x50x128xf32, #tpu.memory_space<hbm>>
        %dma_start3A_615 = tpu.memref_squeeze %dma_start3A_614 : memref<1x50x128xf32, #tpu.memory_space<hbm>> -> memref<50x128xf32, #tpu.memory_space<hbm>>
        tpu.enqueue_dma source(%dma_start3A_615 : memref<50x128xf32, #tpu.memory_space<hbm>>) target(%dma_start3A_611 : memref<50x128xf32, #tpu.memory_space<vmem>>) target_semaphore(%dma_start3A_607 : memref<!tpu.dma_semaphore, #tpu.memory_space<semaphore_mem>>)
      } else {
      }
      %mul3A_481 = arith.constant 4 : i32
      %mul3A_482 = arith.muli %add3A_454, %mul3A_481 : i32
      %add3A_483 = arith.addi %mul3A_2, %mul3A_482 : i32
      %dma_start3A_484 = arith.constant 0 : i32
      %dma_start3A_485 = arith.constant 0 : i32
      %dma_start3A_486 = arith.constant 0 : i32
      %dma_start3A_487 = arith.constant 0 : i32
      %dma_start3A_488 = arith.constant 0 : i32
      %dma_start3A_489 = tpu.memref_slice %arg9[%dma_start3A_484, %dma_start3A_486, %dma_start3A_487, %dma_start3A_488] : memref<2x4x50x64xf32, #tpu.memory_space<vmem>> -> memref<1x4x50x64xf32, #tpu.memory_space<vmem>>
      %dma_start3A_490 = tpu.memref_squeeze %dma_start3A_489 : memref<1x4x50x64xf32, #tpu.memory_space<vmem>> -> memref<4x50x64xf32, #tpu.memory_space<vmem>>
      %dma_start3A_491 = arith.constant 0 : i32
      %dma_start3A_492 = arith.constant 0 : i32
      %dma_start3A_493 = tpu.memref_slice %arg5[%add3A_483, %dma_start3A_491, %dma_start3A_492] : memref<4096x50x64xf32, #tpu.memory_space<hbm>> -> memref<4x50x64xf32, #tpu.memory_space<hbm>>
      %dma_start3A_494 = tpu.memref_slice %arg12[%dma_start3A_485] : memref<2x!tpu.dma_semaphore, #tpu.memory_space<semaphore_mem>> -> memref<1x!tpu.dma_semaphore, #tpu.memory_space<semaphore_mem>>
      %dma_start3A_495 = tpu.memref_squeeze %dma_start3A_494 : memref<1x!tpu.dma_semaphore, #tpu.memory_space<semaphore_mem>> -> memref<!tpu.dma_semaphore, #tpu.memory_space<semaphore_mem>>
      %dma_start3A_496 = arith.constant 0 : i32
      %dma_start3A_497 = arith.constant 0 : i32
      %dma_start3A_498 = tpu.memref_slice %arg5[%add3A_483, %dma_start3A_496, %dma_start3A_497] : memref<4096x50x64xf32, #tpu.memory_space<hbm>> -> memref<4x50x64xf32, #tpu.memory_space<hbm>>
      %dma_start3A_499 = arith.constant 0 : i32
      %dma_start3A_500 = arith.constant 0 : i32
      %dma_start3A_501 = arith.constant 0 : i32
      %dma_start3A_502 = tpu.memref_slice %arg9[%dma_start3A_484, %dma_start3A_499, %dma_start3A_500, %dma_start3A_501] : memref<2x4x50x64xf32, #tpu.memory_space<vmem>> -> memref<1x4x50x64xf32, #tpu.memory_space<vmem>>
      %dma_start3A_503 = tpu.memref_squeeze %dma_start3A_502 : memref<1x4x50x64xf32, #tpu.memory_space<vmem>> -> memref<4x50x64xf32, #tpu.memory_space<vmem>>
      tpu.enqueue_dma source(%dma_start3A_503 : memref<4x50x64xf32, #tpu.memory_space<vmem>>) target(%dma_start3A_498 : memref<4x50x64xf32, #tpu.memory_space<hbm>>) target_semaphore(%dma_start3A_495 : memref<!tpu.dma_semaphore, #tpu.memory_space<semaphore_mem>>)
      %lt3A_504 = arith.constant 15 : i32
      %lt3A_505 = arith.cmpi slt, %scan3A_450, %lt3A_504 : i32
      %convert_element_type3A_506 = arith.extui %lt3A_505 : i1 to i32
      %cond3A_507 = arith.constant 0 : i32
      %cond3A_508 = arith.cmpi ne, %convert_element_type3A_506, %cond3A_507 : i32
      scf.if %cond3A_508 {
        %dma_wait3A_572 = arith.constant 0 : i32
        %dma_wait3A_573 = arith.constant 0 : i32
        %dma_wait3A_574 = arith.constant 0 : i32
        %dma_wait3A_575 = arith.constant 0 : i32
        %dma_wait3A_576 = tpu.memref_slice %arg6[%dma_wait3A_572, %dma_wait3A_574, %dma_wait3A_575] : memref<2x5x40xi32, #tpu.memory_space<vmem>> -> memref<1x5x40xi32, #tpu.memory_space<vmem>>
        %dma_wait3A_577 = tpu.memref_squeeze %dma_wait3A_576 : memref<1x5x40xi32, #tpu.memory_space<vmem>> -> memref<5x40xi32, #tpu.memory_space<vmem>>
        %dma_wait3A_578 = arith.constant 0 : i32
        %dma_wait3A_579 = arith.constant 0 : i32
        %dma_wait3A_580 = arith.constant 0 : i32
        %dma_wait3A_581 = tpu.memref_slice %arg3[%dma_wait3A_578, %dma_wait3A_579, %dma_wait3A_580] : memref<1024x5x40xi32, #tpu.memory_space<hbm>> -> memref<1x5x40xi32, #tpu.memory_space<hbm>>
        %dma_wait3A_582 = tpu.memref_slice %arg10[%dma_wait3A_573] : memref<2x!tpu.dma_semaphore, #tpu.memory_space<semaphore_mem>> -> memref<1x!tpu.dma_semaphore, #tpu.memory_space<semaphore_mem>>
        %dma_wait3A_583 = tpu.memref_squeeze %dma_wait3A_582 : memref<1x!tpu.dma_semaphore, #tpu.memory_space<semaphore_mem>> -> memref<!tpu.dma_semaphore, #tpu.memory_space<semaphore_mem>>
        %dma_wait3A_584 = arith.constant 0 : i32
        %dma_wait3A_585 = arith.constant 0 : i32
        %dma_wait3A_586 = tpu.memref_slice %arg6[%dma_wait3A_572, %dma_wait3A_584, %dma_wait3A_585] : memref<2x5x40xi32, #tpu.memory_space<vmem>> -> memref<1x5x40xi32, #tpu.memory_space<vmem>>
        %dma_wait3A_587 = tpu.memref_squeeze %dma_wait3A_586 : memref<1x5x40xi32, #tpu.memory_space<vmem>> -> memref<5x40xi32, #tpu.memory_space<vmem>>
        %dma_wait3A_588 = arith.constant 0 : i32
        %dma_wait3A_589 = arith.constant 0 : i32
        %dma_wait3A_590 = arith.constant 0 : i32
        %dma_wait3A_591 = tpu.memref_slice %arg3[%dma_wait3A_588, %dma_wait3A_589, %dma_wait3A_590] : memref<1024x5x40xi32, #tpu.memory_space<hbm>> -> memref<1x5x40xi32, #tpu.memory_space<hbm>>
        tpu.wait_dma2 semaphore(%dma_wait3A_583 : memref<!tpu.dma_semaphore, #tpu.memory_space<semaphore_mem>>) src(%dma_wait3A_591 : memref<1x5x40xi32, #tpu.memory_space<hbm>>) dst(%dma_wait3A_587 : memref<5x40xi32, #tpu.memory_space<vmem>>)
        %dma_wait3A_592 = arith.constant 0 : i32
        %dma_wait3A_593 = arith.constant 0 : i32
        %dma_wait3A_594 = arith.constant 0 : i32
        %dma_wait3A_595 = arith.constant 0 : i32
        %dma_wait3A_596 = tpu.memref_slice %arg7[%dma_wait3A_592, %dma_wait3A_594, %dma_wait3A_595] : memref<2x50x128xf32, #tpu.memory_space<vmem>> -> memref<1x50x128xf32, #tpu.memory_space<vmem>>
        %dma_wait3A_597 = tpu.memref_squeeze %dma_wait3A_596 : memref<1x50x128xf32, #tpu.memory_space<vmem>> -> memref<50x128xf32, #tpu.memory_space<vmem>>
        %dma_wait3A_598 = arith.constant 0 : i32
        %dma_wait3A_599 = arith.constant 0 : i32
        %dma_wait3A_600 = arith.constant 0 : i32
        %dma_wait3A_601 = tpu.memref_slice %arg4[%dma_wait3A_598, %dma_wait3A_599, %dma_wait3A_600] : memref<1024x50x128xf32, #tpu.memory_space<hbm>> -> memref<1x50x128xf32, #tpu.memory_space<hbm>>
        %dma_wait3A_602 = tpu.memref_slice %arg10[%dma_wait3A_593] : memref<2x!tpu.dma_semaphore, #tpu.memory_space<semaphore_mem>> -> memref<1x!tpu.dma_semaphore, #tpu.memory_space<semaphore_mem>>
        %dma_wait3A_603 = tpu.memref_squeeze %dma_wait3A_602 : memref<1x!tpu.dma_semaphore, #tpu.memory_space<semaphore_mem>> -> memref<!tpu.dma_semaphore, #tpu.memory_space<semaphore_mem>>
        %dma_wait3A_604 = arith.constant 0 : i32
        %dma_wait3A_605 = arith.constant 0 : i32
        %dma_wait3A_606 = tpu.memref_slice %arg7[%dma_wait3A_592, %dma_wait3A_604, %dma_wait3A_605] : memref<2x50x128xf32, #tpu.memory_space<vmem>> -> memref<1x50x128xf32, #tpu.memory_space<vmem>>
        %dma_wait3A_607 = tpu.memref_squeeze %dma_wait3A_606 : memref<1x50x128xf32, #tpu.memory_space<vmem>> -> memref<50x128xf32, #tpu.memory_space<vmem>>
        %dma_wait3A_608 = arith.constant 0 : i32
        %dma_wait3A_609 = arith.constant 0 : i32
        %dma_wait3A_610 = arith.constant 0 : i32
        %dma_wait3A_611 = tpu.memref_slice %arg4[%dma_wait3A_608, %dma_wait3A_609, %dma_wait3A_610] : memref<1024x50x128xf32, #tpu.memory_space<hbm>> -> memref<1x50x128xf32, #tpu.memory_space<hbm>>
        tpu.wait_dma2 semaphore(%dma_wait3A_603 : memref<!tpu.dma_semaphore, #tpu.memory_space<semaphore_mem>>) src(%dma_wait3A_611 : memref<1x50x128xf32, #tpu.memory_space<hbm>>) dst(%dma_wait3A_607 : memref<50x128xf32, #tpu.memory_space<vmem>>)
        %dma_start3A_612 = arith.constant 0 : i32
        %dma_start3A_613 = arith.constant 0 : i32
        %dma_start3A_614 = arith.constant 0 : i32
        %dma_start3A_615 = arith.constant 0 : i32
        %dma_start3A_616 = arith.constant 0 : i32
        %dma_start3A_617 = arith.constant 0 : i32
        %dma_start3A_618 = tpu.memref_slice %arg8[%dma_start3A_614, %dma_start3A_616, %dma_start3A_617] : memref<2x200x128xf32, #tpu.memory_space<vmem>> -> memref<1x200x128xf32, #tpu.memory_space<vmem>>
        %dma_start3A_619 = tpu.memref_squeeze %dma_start3A_618 : memref<1x200x128xf32, #tpu.memory_space<vmem>> -> memref<200x128xf32, #tpu.memory_space<vmem>>
        %dma_start3A_620 = arith.constant 0 : i32
        %dma_start3A_621 = arith.constant 0 : i32
        %dma_start3A_622 = tpu.memref_slice %dma_start3A_619[%dma_start3A_620, %dma_start3A_621] : memref<200x128xf32, #tpu.memory_space<vmem>> -> memref<40x128xf32, #tpu.memory_space<vmem>>
        %dma_start3A_623 = arith.constant 0 : i32
        %dma_start3A_624 = arith.constant 0 : i32
        %dma_start3A_625 = tpu.memref_slice %arg6[%dma_start3A_612, %dma_start3A_623, %dma_start3A_624] : memref<2x5x40xi32, #tpu.memory_space<vmem>> -> memref<1x5x40xi32, #tpu.memory_space<vmem>>
        %dma_start3A_626 = tpu.memref_squeeze %dma_start3A_625 : memref<1x5x40xi32, #tpu.memory_space<vmem>> -> memref<5x40xi32, #tpu.memory_space<vmem>>
        %dma_start3A_627 = arith.constant 0 : i32
        %dma_start3A_628 = tpu.memref_slice %dma_start3A_626[%dma_start3A_613, %dma_start3A_627] : memref<5x40xi32, #tpu.memory_space<vmem>> -> memref<1x40xi32, #tpu.memory_space<vmem>>
        %dma_start3A_629 = tpu.memref_squeeze %dma_start3A_628 : memref<1x40xi32, #tpu.memory_space<vmem>> -> memref<40xi32, #tpu.memory_space<vmem>>
        %dma_start3A_630 = arith.constant 0 : i32
        %dma_start3A_631 = arith.constant 0 : i32
        %dma_start3A_632 = tpu.memref_slice %arg2[%dma_start3A_630, %dma_start3A_631] : memref<50000x128xf32, #tpu.memory_space<hbm>> -> memref<50000x128xf32, #tpu.memory_space<hbm>>
        %dma_start3A_633 = tpu.memref_slice %arg11[%dma_start3A_615] : memref<2x!tpu.dma_semaphore, #tpu.memory_space<semaphore_mem>> -> memref<1x!tpu.dma_semaphore, #tpu.memory_space<semaphore_mem>>
        %dma_start3A_634 = tpu.memref_squeeze %dma_start3A_633 : memref<1x!tpu.dma_semaphore, #tpu.memory_space<semaphore_mem>> -> memref<!tpu.dma_semaphore, #tpu.memory_space<semaphore_mem>>
        tpu.enqueue_indirect_dma source(%dma_start3A_632 : memref<50000x128xf32, #tpu.memory_space<hbm>>) target(%dma_start3A_622 : memref<40x128xf32, #tpu.memory_space<vmem>>) offsets(%dma_start3A_629 : memref<40xi32, #tpu.memory_space<vmem>>) semaphore(%dma_start3A_634 : memref<!tpu.dma_semaphore, #tpu.memory_space<semaphore_mem>>)
        %dma_start3A_635 = arith.constant 0 : i32
        %dma_start3A_636 = arith.constant 1 : i32
        %dma_start3A_637 = arith.constant 0 : i32
        %dma_start3A_638 = arith.constant 0 : i32
        %dma_start3A_639 = arith.constant 0 : i32
        %dma_start3A_640 = arith.constant 0 : i32
        %dma_start3A_641 = tpu.memref_slice %arg8[%dma_start3A_637, %dma_start3A_639, %dma_start3A_640] : memref<2x200x128xf32, #tpu.memory_space<vmem>> -> memref<1x200x128xf32, #tpu.memory_space<vmem>>
        %dma_start3A_642 = tpu.memref_squeeze %dma_start3A_641 : memref<1x200x128xf32, #tpu.memory_space<vmem>> -> memref<200x128xf32, #tpu.memory_space<vmem>>
        %dma_start3A_643 = arith.constant 40 : i32
        %dma_start3A_644 = arith.constant 0 : i32
        %dma_start3A_645 = tpu.memref_slice %dma_start3A_642[%dma_start3A_643, %dma_start3A_644] : memref<200x128xf32, #tpu.memory_space<vmem>> -> memref<40x128xf32, #tpu.memory_space<vmem>>
        %dma_start3A_646 = arith.constant 0 : i32
        %dma_start3A_647 = arith.constant 0 : i32
        %dma_start3A_648 = tpu.memref_slice %arg6[%dma_start3A_635, %dma_start3A_646, %dma_start3A_647] : memref<2x5x40xi32, #tpu.memory_space<vmem>> -> memref<1x5x40xi32, #tpu.memory_space<vmem>>
        %dma_start3A_649 = tpu.memref_squeeze %dma_start3A_648 : memref<1x5x40xi32, #tpu.memory_space<vmem>> -> memref<5x40xi32, #tpu.memory_space<vmem>>
        %dma_start3A_650 = arith.constant 0 : i32
        %dma_start3A_651 = tpu.memref_slice %dma_start3A_649[%dma_start3A_636, %dma_start3A_650] : memref<5x40xi32, #tpu.memory_space<vmem>> -> memref<1x40xi32, #tpu.memory_space<vmem>>
        %dma_start3A_652 = tpu.memref_squeeze %dma_start3A_651 : memref<1x40xi32, #tpu.memory_space<vmem>> -> memref<40xi32, #tpu.memory_space<vmem>>
        %dma_start3A_653 = arith.constant 0 : i32
        %dma_start3A_654 = arith.constant 0 : i32
        %dma_start3A_655 = tpu.memref_slice %arg2[%dma_start3A_653, %dma_start3A_654] : memref<50000x128xf32, #tpu.memory_space<hbm>> -> memref<50000x128xf32, #tpu.memory_space<hbm>>
        %dma_start3A_656 = tpu.memref_slice %arg11[%dma_start3A_638] : memref<2x!tpu.dma_semaphore, #tpu.memory_space<semaphore_mem>> -> memref<1x!tpu.dma_semaphore, #tpu.memory_space<semaphore_mem>>
        %dma_start3A_657 = tpu.memref_squeeze %dma_start3A_656 : memref<1x!tpu.dma_semaphore, #tpu.memory_space<semaphore_mem>> -> memref<!tpu.dma_semaphore, #tpu.memory_space<semaphore_mem>>
        tpu.enqueue_indirect_dma source(%dma_start3A_655 : memref<50000x128xf32, #tpu.memory_space<hbm>>) target(%dma_start3A_645 : memref<40x128xf32, #tpu.memory_space<vmem>>) offsets(%dma_start3A_652 : memref<40xi32, #tpu.memory_space<vmem>>) semaphore(%dma_start3A_657 : memref<!tpu.dma_semaphore, #tpu.memory_space<semaphore_mem>>)
        %dma_start3A_658 = arith.constant 0 : i32
        %dma_start3A_659 = arith.constant 2 : i32
        %dma_start3A_660 = arith.constant 0 : i32
        %dma_start3A_661 = arith.constant 0 : i32
        %dma_start3A_662 = arith.constant 0 : i32
        %dma_start3A_663 = arith.constant 0 : i32
        %dma_start3A_664 = tpu.memref_slice %arg8[%dma_start3A_660, %dma_start3A_662, %dma_start3A_663] : memref<2x200x128xf32, #tpu.memory_space<vmem>> -> memref<1x200x128xf32, #tpu.memory_space<vmem>>
        %dma_start3A_665 = tpu.memref_squeeze %dma_start3A_664 : memref<1x200x128xf32, #tpu.memory_space<vmem>> -> memref<200x128xf32, #tpu.memory_space<vmem>>
        %dma_start3A_666 = arith.constant 80 : i32
        %dma_start3A_667 = arith.constant 0 : i32
        %dma_start3A_668 = tpu.memref_slice %dma_start3A_665[%dma_start3A_666, %dma_start3A_667] : memref<200x128xf32, #tpu.memory_space<vmem>> -> memref<40x128xf32, #tpu.memory_space<vmem>>
        %dma_start3A_669 = arith.constant 0 : i32
        %dma_start3A_670 = arith.constant 0 : i32
        %dma_start3A_671 = tpu.memref_slice %arg6[%dma_start3A_658, %dma_start3A_669, %dma_start3A_670] : memref<2x5x40xi32, #tpu.memory_space<vmem>> -> memref<1x5x40xi32, #tpu.memory_space<vmem>>
        %dma_start3A_672 = tpu.memref_squeeze %dma_start3A_671 : memref<1x5x40xi32, #tpu.memory_space<vmem>> -> memref<5x40xi32, #tpu.memory_space<vmem>>
        %dma_start3A_673 = arith.constant 0 : i32
        %dma_start3A_674 = tpu.memref_slice %dma_start3A_672[%dma_start3A_659, %dma_start3A_673] : memref<5x40xi32, #tpu.memory_space<vmem>> -> memref<1x40xi32, #tpu.memory_space<vmem>>
        %dma_start3A_675 = tpu.memref_squeeze %dma_start3A_674 : memref<1x40xi32, #tpu.memory_space<vmem>> -> memref<40xi32, #tpu.memory_space<vmem>>
        %dma_start3A_676 = arith.constant 0 : i32
        %dma_start3A_677 = arith.constant 0 : i32
        %dma_start3A_678 = tpu.memref_slice %arg2[%dma_start3A_676, %dma_start3A_677] : memref<50000x128xf32, #tpu.memory_space<hbm>> -> memref<50000x128xf32, #tpu.memory_space<hbm>>
        %dma_start3A_679 = tpu.memref_slice %arg11[%dma_start3A_661] : memref<2x!tpu.dma_semaphore, #tpu.memory_space<semaphore_mem>> -> memref<1x!tpu.dma_semaphore, #tpu.memory_space<semaphore_mem>>
        %dma_start3A_680 = tpu.memref_squeeze %dma_start3A_679 : memref<1x!tpu.dma_semaphore, #tpu.memory_space<semaphore_mem>> -> memref<!tpu.dma_semaphore, #tpu.memory_space<semaphore_mem>>
        tpu.enqueue_indirect_dma source(%dma_start3A_678 : memref<50000x128xf32, #tpu.memory_space<hbm>>) target(%dma_start3A_668 : memref<40x128xf32, #tpu.memory_space<vmem>>) offsets(%dma_start3A_675 : memref<40xi32, #tpu.memory_space<vmem>>) semaphore(%dma_start3A_680 : memref<!tpu.dma_semaphore, #tpu.memory_space<semaphore_mem>>)
        %dma_start3A_681 = arith.constant 0 : i32
        %dma_start3A_682 = arith.constant 3 : i32
        %dma_start3A_683 = arith.constant 0 : i32
        %dma_start3A_684 = arith.constant 0 : i32
        %dma_start3A_685 = arith.constant 0 : i32
        %dma_start3A_686 = arith.constant 0 : i32
        %dma_start3A_687 = tpu.memref_slice %arg8[%dma_start3A_683, %dma_start3A_685, %dma_start3A_686] : memref<2x200x128xf32, #tpu.memory_space<vmem>> -> memref<1x200x128xf32, #tpu.memory_space<vmem>>
        %dma_start3A_688 = tpu.memref_squeeze %dma_start3A_687 : memref<1x200x128xf32, #tpu.memory_space<vmem>> -> memref<200x128xf32, #tpu.memory_space<vmem>>
        %dma_start3A_689 = arith.constant 120 : i32
        %dma_start3A_690 = arith.constant 0 : i32
        %dma_start3A_691 = tpu.memref_slice %dma_start3A_688[%dma_start3A_689, %dma_start3A_690] : memref<200x128xf32, #tpu.memory_space<vmem>> -> memref<40x128xf32, #tpu.memory_space<vmem>>
        %dma_start3A_692 = arith.constant 0 : i32
        %dma_start3A_693 = arith.constant 0 : i32
        %dma_start3A_694 = tpu.memref_slice %arg6[%dma_start3A_681, %dma_start3A_692, %dma_start3A_693] : memref<2x5x40xi32, #tpu.memory_space<vmem>> -> memref<1x5x40xi32, #tpu.memory_space<vmem>>
        %dma_start3A_695 = tpu.memref_squeeze %dma_start3A_694 : memref<1x5x40xi32, #tpu.memory_space<vmem>> -> memref<5x40xi32, #tpu.memory_space<vmem>>
        %dma_start3A_696 = arith.constant 0 : i32
        %dma_start3A_697 = tpu.memref_slice %dma_start3A_695[%dma_start3A_682, %dma_start3A_696] : memref<5x40xi32, #tpu.memory_space<vmem>> -> memref<1x40xi32, #tpu.memory_space<vmem>>
        %dma_start3A_698 = tpu.memref_squeeze %dma_start3A_697 : memref<1x40xi32, #tpu.memory_space<vmem>> -> memref<40xi32, #tpu.memory_space<vmem>>
        %dma_start3A_699 = arith.constant 0 : i32
        %dma_start3A_700 = arith.constant 0 : i32
        %dma_start3A_701 = tpu.memref_slice %arg2[%dma_start3A_699, %dma_start3A_700] : memref<50000x128xf32, #tpu.memory_space<hbm>> -> memref<50000x128xf32, #tpu.memory_space<hbm>>
        %dma_start3A_702 = tpu.memref_slice %arg11[%dma_start3A_684] : memref<2x!tpu.dma_semaphore, #tpu.memory_space<semaphore_mem>> -> memref<1x!tpu.dma_semaphore, #tpu.memory_space<semaphore_mem>>
        %dma_start3A_703 = tpu.memref_squeeze %dma_start3A_702 : memref<1x!tpu.dma_semaphore, #tpu.memory_space<semaphore_mem>> -> memref<!tpu.dma_semaphore, #tpu.memory_space<semaphore_mem>>
        tpu.enqueue_indirect_dma source(%dma_start3A_701 : memref<50000x128xf32, #tpu.memory_space<hbm>>) target(%dma_start3A_691 : memref<40x128xf32, #tpu.memory_space<vmem>>) offsets(%dma_start3A_698 : memref<40xi32, #tpu.memory_space<vmem>>) semaphore(%dma_start3A_703 : memref<!tpu.dma_semaphore, #tpu.memory_space<semaphore_mem>>)
        %dma_start3A_704 = arith.constant 0 : i32
        %dma_start3A_705 = arith.constant 4 : i32
        %dma_start3A_706 = arith.constant 0 : i32
        %dma_start3A_707 = arith.constant 0 : i32
        %dma_start3A_708 = arith.constant 0 : i32
        %dma_start3A_709 = arith.constant 0 : i32
        %dma_start3A_710 = tpu.memref_slice %arg8[%dma_start3A_706, %dma_start3A_708, %dma_start3A_709] : memref<2x200x128xf32, #tpu.memory_space<vmem>> -> memref<1x200x128xf32, #tpu.memory_space<vmem>>
        %dma_start3A_711 = tpu.memref_squeeze %dma_start3A_710 : memref<1x200x128xf32, #tpu.memory_space<vmem>> -> memref<200x128xf32, #tpu.memory_space<vmem>>
        %dma_start3A_712 = arith.constant 160 : i32
        %dma_start3A_713 = arith.constant 0 : i32
        %dma_start3A_714 = tpu.memref_slice %dma_start3A_711[%dma_start3A_712, %dma_start3A_713] : memref<200x128xf32, #tpu.memory_space<vmem>> -> memref<40x128xf32, #tpu.memory_space<vmem>>
        %dma_start3A_715 = arith.constant 0 : i32
        %dma_start3A_716 = arith.constant 0 : i32
        %dma_start3A_717 = tpu.memref_slice %arg6[%dma_start3A_704, %dma_start3A_715, %dma_start3A_716] : memref<2x5x40xi32, #tpu.memory_space<vmem>> -> memref<1x5x40xi32, #tpu.memory_space<vmem>>
        %dma_start3A_718 = tpu.memref_squeeze %dma_start3A_717 : memref<1x5x40xi32, #tpu.memory_space<vmem>> -> memref<5x40xi32, #tpu.memory_space<vmem>>
        %dma_start3A_719 = arith.constant 0 : i32
        %dma_start3A_720 = tpu.memref_slice %dma_start3A_718[%dma_start3A_705, %dma_start3A_719] : memref<5x40xi32, #tpu.memory_space<vmem>> -> memref<1x40xi32, #tpu.memory_space<vmem>>
        %dma_start3A_721 = tpu.memref_squeeze %dma_start3A_720 : memref<1x40xi32, #tpu.memory_space<vmem>> -> memref<40xi32, #tpu.memory_space<vmem>>
        %dma_start3A_722 = arith.constant 0 : i32
        %dma_start3A_723 = arith.constant 0 : i32
        %dma_start3A_724 = tpu.memref_slice %arg2[%dma_start3A_722, %dma_start3A_723] : memref<50000x128xf32, #tpu.memory_space<hbm>> -> memref<50000x128xf32, #tpu.memory_space<hbm>>
        %dma_start3A_725 = tpu.memref_slice %arg11[%dma_start3A_707] : memref<2x!tpu.dma_semaphore, #tpu.memory_space<semaphore_mem>> -> memref<1x!tpu.dma_semaphore, #tpu.memory_space<semaphore_mem>>
        %dma_start3A_726 = tpu.memref_squeeze %dma_start3A_725 : memref<1x!tpu.dma_semaphore, #tpu.memory_space<semaphore_mem>> -> memref<!tpu.dma_semaphore, #tpu.memory_space<semaphore_mem>>
        tpu.enqueue_indirect_dma source(%dma_start3A_724 : memref<50000x128xf32, #tpu.memory_space<hbm>>) target(%dma_start3A_714 : memref<40x128xf32, #tpu.memory_space<vmem>>) offsets(%dma_start3A_721 : memref<40xi32, #tpu.memory_space<vmem>>) semaphore(%dma_start3A_726 : memref<!tpu.dma_semaphore, #tpu.memory_space<semaphore_mem>>)
      } else {
      }
      %mul3A_509 = arith.constant 2 : i32
      %mul3A_510 = arith.muli %scan3A_450, %mul3A_509 : i32
      %add3A_511 = arith.constant 1 : i32
      %add3A_512 = arith.addi %mul3A_510, %add3A_511 : i32
      %dma_wait3A_513 = arith.constant 1 : i32
      %dma_wait3A_514 = arith.constant 1 : i32
      %dma_wait3A_515 = arith.constant 0 : i32
      %dma_wait3A_516 = arith.constant 0 : i32
      %dma_wait3A_517 = tpu.memref_slice %arg8[%dma_wait3A_513, %dma_wait3A_515, %dma_wait3A_516] : memref<2x200x128xf32, #tpu.memory_space<vmem>> -> memref<1x200x128xf32, #tpu.memory_space<vmem>>
      %dma_wait3A_518 = tpu.memref_squeeze %dma_wait3A_517 : memref<1x200x128xf32, #tpu.memory_space<vmem>> -> memref<200x128xf32, #tpu.memory_space<vmem>>
      %dma_wait3A_519 = arith.constant 0 : i32
      %dma_wait3A_520 = arith.constant 0 : i32
      %dma_wait3A_521 = tpu.memref_slice %arg2[%dma_wait3A_519, %dma_wait3A_520] : memref<50000x128xf32, #tpu.memory_space<hbm>> -> memref<200x128xf32, #tpu.memory_space<hbm>>
      %dma_wait3A_522 = tpu.memref_slice %arg11[%dma_wait3A_514] : memref<2x!tpu.dma_semaphore, #tpu.memory_space<semaphore_mem>> -> memref<1x!tpu.dma_semaphore, #tpu.memory_space<semaphore_mem>>
      %dma_wait3A_523 = tpu.memref_squeeze %dma_wait3A_522 : memref<1x!tpu.dma_semaphore, #tpu.memory_space<semaphore_mem>> -> memref<!tpu.dma_semaphore, #tpu.memory_space<semaphore_mem>>
      %dma_wait3A_524 = arith.constant 0 : i32
      %dma_wait3A_525 = arith.constant 0 : i32
      %dma_wait3A_526 = tpu.memref_slice %arg8[%dma_wait3A_513, %dma_wait3A_524, %dma_wait3A_525] : memref<2x200x128xf32, #tpu.memory_space<vmem>> -> memref<1x200x128xf32, #tpu.memory_space<vmem>>
      %dma_wait3A_527 = tpu.memref_squeeze %dma_wait3A_526 : memref<1x200x128xf32, #tpu.memory_space<vmem>> -> memref<200x128xf32, #tpu.memory_space<vmem>>
      %dma_wait3A_528 = arith.constant 0 : i32
      %dma_wait3A_529 = arith.constant 0 : i32
      %dma_wait3A_530 = tpu.memref_slice %arg2[%dma_wait3A_528, %dma_wait3A_529] : memref<50000x128xf32, #tpu.memory_space<hbm>> -> memref<200x128xf32, #tpu.memory_space<hbm>>
      tpu.wait_dma2 semaphore(%dma_wait3A_523 : memref<!tpu.dma_semaphore, #tpu.memory_space<semaphore_mem>>) src(%dma_wait3A_530 : memref<200x128xf32, #tpu.memory_space<hbm>>) dst(%dma_wait3A_527 : memref<200x128xf32, #tpu.memory_space<vmem>>)
      %gt3A_531 = arith.constant 0 : i32
      %gt3A_532 = arith.cmpi sgt, %scan3A_450, %gt3A_531 : i32
      %convert_element_type3A_533 = arith.extui %gt3A_532 : i1 to i32
      %cond3A_534 = arith.constant 0 : i32
      %cond3A_535 = arith.cmpi ne, %convert_element_type3A_533, %cond3A_534 : i32
      scf.if %cond3A_535 {
        %dma_wait3A_572 = arith.constant 1 : i32
        %dma_wait3A_573 = arith.constant 1 : i32
        %dma_wait3A_574 = arith.constant 0 : i32
        %dma_wait3A_575 = arith.constant 0 : i32
        %dma_wait3A_576 = arith.constant 0 : i32
        %dma_wait3A_577 = tpu.memref_slice %arg9[%dma_wait3A_572, %dma_wait3A_574, %dma_wait3A_575, %dma_wait3A_576] : memref<2x4x50x64xf32, #tpu.memory_space<vmem>> -> memref<1x4x50x64xf32, #tpu.memory_space<vmem>>
        %dma_wait3A_578 = tpu.memref_squeeze %dma_wait3A_577 : memref<1x4x50x64xf32, #tpu.memory_space<vmem>> -> memref<4x50x64xf32, #tpu.memory_space<vmem>>
        %dma_wait3A_579 = arith.constant 0 : i32
        %dma_wait3A_580 = arith.constant 0 : i32
        %dma_wait3A_581 = arith.constant 0 : i32
        %dma_wait3A_582 = tpu.memref_slice %arg5[%dma_wait3A_579, %dma_wait3A_580, %dma_wait3A_581] : memref<4096x50x64xf32, #tpu.memory_space<hbm>> -> memref<4x50x64xf32, #tpu.memory_space<hbm>>
        %dma_wait3A_583 = tpu.memref_slice %arg12[%dma_wait3A_573] : memref<2x!tpu.dma_semaphore, #tpu.memory_space<semaphore_mem>> -> memref<1x!tpu.dma_semaphore, #tpu.memory_space<semaphore_mem>>
        %dma_wait3A_584 = tpu.memref_squeeze %dma_wait3A_583 : memref<1x!tpu.dma_semaphore, #tpu.memory_space<semaphore_mem>> -> memref<!tpu.dma_semaphore, #tpu.memory_space<semaphore_mem>>
        %dma_wait3A_585 = arith.constant 0 : i32
        %dma_wait3A_586 = arith.constant 0 : i32
        %dma_wait3A_587 = arith.constant 0 : i32
        %dma_wait3A_588 = tpu.memref_slice %arg5[%dma_wait3A_585, %dma_wait3A_586, %dma_wait3A_587] : memref<4096x50x64xf32, #tpu.memory_space<hbm>> -> memref<4x50x64xf32, #tpu.memory_space<hbm>>
        %dma_wait3A_589 = arith.constant 0 : i32
        %dma_wait3A_590 = arith.constant 0 : i32
        %dma_wait3A_591 = arith.constant 0 : i32
        %dma_wait3A_592 = tpu.memref_slice %arg9[%dma_wait3A_572, %dma_wait3A_589, %dma_wait3A_590, %dma_wait3A_591] : memref<2x4x50x64xf32, #tpu.memory_space<vmem>> -> memref<1x4x50x64xf32, #tpu.memory_space<vmem>>
        %dma_wait3A_593 = tpu.memref_squeeze %dma_wait3A_592 : memref<1x4x50x64xf32, #tpu.memory_space<vmem>> -> memref<4x50x64xf32, #tpu.memory_space<vmem>>
        tpu.wait_dma2 semaphore(%dma_wait3A_584 : memref<!tpu.dma_semaphore, #tpu.memory_space<semaphore_mem>>) src(%dma_wait3A_593 : memref<4x50x64xf32, #tpu.memory_space<vmem>>) dst(%dma_wait3A_588 : memref<4x50x64xf32, #tpu.memory_space<hbm>>)
      } else {
      }
      %parallel_loop3A_536 = arith.constant 0 : i32
      %parallel_loop3A_537 = arith.constant 50 : i32
      %parallel_loop3A_538 = arith.constant 1 : i32
      scf.for %parallel_loop3A_572 = %parallel_loop3A_536 to %parallel_loop3A_537 step %parallel_loop3A_538  : i32 {
        %parallel_loop3A_573 = arith.constant 1 : i32
        %parallel_loop3A_574 = arith.index_cast %parallel_loop3A_573 : i32 to index
        %parallel_loop3A_575 = arith.index_cast %parallel_loop3A_572 : i32 to index
        %parallel_loop3A_576 = arith.constant 64 : index
        %parallel_loop3A_577 = tpu.vector_load %arg7[%parallel_loop3A_574, %parallel_loop3A_575, %parallel_loop3A_576] {strides = array<i32>} : memref<2x50x128xf32, #tpu.memory_space<vmem>>, vector<1x1x16xf32>,
        %parallel_loop3A_578 = vector.shape_cast %parallel_loop3A_577 : vector<1x1x16xf32> to vector<16xf32>
        %parallel_loop3A_579 = arith.constant 1 : i32
        %parallel_loop3A_580 = arith.index_cast %parallel_loop3A_579 : i32 to index
        %parallel_loop3A_581 = arith.index_cast %parallel_loop3A_572 : i32 to index
        %parallel_loop3A_582 = arith.constant 80 : index
        %parallel_loop3A_583 = tpu.vector_load %arg7[%parallel_loop3A_580, %parallel_loop3A_581, %parallel_loop3A_582] {strides = array<i32>} : memref<2x50x128xf32, #tpu.memory_space<vmem>>, vector<1x1x16xf32>,
        %parallel_loop3A_584 = vector.shape_cast %parallel_loop3A_583 : vector<1x1x16xf32> to vector<16xf32>
        %parallel_loop3A_585 = arith.constant 1 : i32
        %parallel_loop3A_586 = arith.index_cast %parallel_loop3A_585 : i32 to index
        %parallel_loop3A_587 = arith.index_cast %parallel_loop3A_572 : i32 to index
        %parallel_loop3A_588 = arith.constant 96 : index
        %parallel_loop3A_589 = tpu.vector_load %arg7[%parallel_loop3A_586, %parallel_loop3A_587, %parallel_loop3A_588] {strides = array<i32>} : memref<2x50x128xf32, #tpu.memory_space<vmem>>, vector<1x1x16xf32>,
        %parallel_loop3A_590 = vector.shape_cast %parallel_loop3A_589 : vector<1x1x16xf32> to vector<16xf32>
        %parallel_loop3A_591 = arith.constant 1 : i32
        %parallel_loop3A_592 = arith.index_cast %parallel_loop3A_591 : i32 to index
        %parallel_loop3A_593 = arith.index_cast %parallel_loop3A_572 : i32 to index
        %parallel_loop3A_594 = arith.constant 112 : index
        %parallel_loop3A_595 = tpu.vector_load %arg7[%parallel_loop3A_592, %parallel_loop3A_593, %parallel_loop3A_594] {strides = array<i32>} : memref<2x50x128xf32, #tpu.memory_space<vmem>>, vector<1x1x16xf32>,
        %parallel_loop3A_596 = vector.shape_cast %parallel_loop3A_595 : vector<1x1x16xf32> to vector<16xf32>
        %parallel_loop3A_597 = arith.constant 0 : i32
        %parallel_loop3A_598 = arith.addi %parallel_loop3A_597, %parallel_loop3A_572 : i32
        %parallel_loop3A_599 = arith.constant 1 : i32
        %parallel_loop3A_600 = arith.index_cast %parallel_loop3A_599 : i32 to index
        %parallel_loop3A_601 = arith.index_cast %parallel_loop3A_572 : i32 to index
        %parallel_loop3A_602 = arith.constant 0 : index
        %parallel_loop3A_603 = tpu.vector_load %arg7[%parallel_loop3A_600, %parallel_loop3A_601, %parallel_loop3A_602] {strides = array<i32>} : memref<2x50x128xf32, #tpu.memory_space<vmem>>, vector<1x1x16xf32>,
        %parallel_loop3A_604 = vector.shape_cast %parallel_loop3A_603 : vector<1x1x16xf32> to vector<16xf32>
        %parallel_loop3A_605 = arith.constant 1.250000e-01 : f32
        %parallel_loop3A_606 = vector.broadcast %parallel_loop3A_605 : f32 to vector<16xf32>
        %parallel_loop3A_607 = arith.subf %parallel_loop3A_606, %parallel_loop3A_604 : vector<16xf32>
        %parallel_loop3A_608 = arith.constant 1 : i32
        %parallel_loop3A_609 = arith.index_cast %parallel_loop3A_608 : i32 to index
        %parallel_loop3A_610 = arith.index_cast %parallel_loop3A_598 : i32 to index
        %parallel_loop3A_611 = arith.constant 0 : index
        %parallel_loop3A_612 = tpu.vector_load %arg8[%parallel_loop3A_609, %parallel_loop3A_610, %parallel_loop3A_611] {strides = array<i32>} : memref<2x200x128xf32, #tpu.memory_space<vmem>>, vector<1x1x16xf32>,
        %parallel_loop3A_613 = vector.shape_cast %parallel_loop3A_612 : vector<1x1x16xf32> to vector<16xf32>
        %parallel_loop3A_614 = arith.mulf %parallel_loop3A_613, %parallel_loop3A_607 : vector<16xf32>
        %parallel_loop3A_615 = arith.constant 1 : i32
        %parallel_loop3A_616 = arith.index_cast %parallel_loop3A_615 : i32 to index
        %parallel_loop3A_617 = arith.index_cast %parallel_loop3A_598 : i32 to index
        %parallel_loop3A_618 = arith.constant 64 : index
        %parallel_loop3A_619 = tpu.vector_load %arg8[%parallel_loop3A_616, %parallel_loop3A_617, %parallel_loop3A_618] {strides = array<i32>} : memref<2x200x128xf32, #tpu.memory_space<vmem>>, vector<1x1x16xf32>,
        %parallel_loop3A_620 = vector.shape_cast %parallel_loop3A_619 : vector<1x1x16xf32> to vector<16xf32>
        %parallel_loop3A_621 = arith.mulf %parallel_loop3A_620, %parallel_loop3A_604 : vector<16xf32>
        %parallel_loop3A_622 = arith.addf %parallel_loop3A_614, %parallel_loop3A_621 : vector<16xf32>
        %parallel_loop3A_623 = arith.addf %parallel_loop3A_622, %parallel_loop3A_578 : vector<16xf32>
        %parallel_loop3A_624 = arith.constant 1 : i32
        %parallel_loop3A_625 = arith.constant 0 : i32
        %parallel_loop3A_626 = arith.index_cast %parallel_loop3A_624 : i32 to index
        %parallel_loop3A_627 = arith.index_cast %parallel_loop3A_625 : i32 to index
        %parallel_loop3A_628 = arith.index_cast %parallel_loop3A_572 : i32 to index
        %parallel_loop3A_629 = arith.constant 0 : index
        %parallel_loop3A_630 = tpu.vector_load %arg9[%parallel_loop3A_626, %parallel_loop3A_627, %parallel_loop3A_628, %parallel_loop3A_629] {strides = array<i32>} : memref<2x4x50x64xf32, #tpu.memory_space<vmem>>, vector<1x1x1x16xf32>,
        %parallel_loop3A_631 = vector.shape_cast %parallel_loop3A_630 : vector<1x1x1x16xf32> to vector<16xf32>
        %parallel_loop3A_632 = vector.shape_cast %parallel_loop3A_623 : vector<16xf32> to vector<1x1x1x16xf32>
        tpu.vector_store %arg9[%parallel_loop3A_626, %parallel_loop3A_627, %parallel_loop3A_628, %parallel_loop3A_629], %parallel_loop3A_632 {strides = array<i32>} : memref<2x4x50x64xf32, #tpu.memory_space<vmem>>, vector<1x1x1x16xf32>,
        %parallel_loop3A_633 = arith.constant 1 : i32
        %parallel_loop3A_634 = arith.index_cast %parallel_loop3A_633 : i32 to index
        %parallel_loop3A_635 = arith.index_cast %parallel_loop3A_598 : i32 to index
        %parallel_loop3A_636 = arith.constant 16 : index
        %parallel_loop3A_637 = tpu.vector_load %arg8[%parallel_loop3A_634, %parallel_loop3A_635, %parallel_loop3A_636] {strides = array<i32>} : memref<2x200x128xf32, #tpu.memory_space<vmem>>, vector<1x1x16xf32>,
        %parallel_loop3A_638 = vector.shape_cast %parallel_loop3A_637 : vector<1x1x16xf32> to vector<16xf32>
        %parallel_loop3A_639 = arith.mulf %parallel_loop3A_638, %parallel_loop3A_607 : vector<16xf32>
        %parallel_loop3A_640 = arith.constant 1 : i32
        %parallel_loop3A_641 = arith.index_cast %parallel_loop3A_640 : i32 to index
        %parallel_loop3A_642 = arith.index_cast %parallel_loop3A_598 : i32 to index
        %parallel_loop3A_643 = arith.constant 80 : index
        %parallel_loop3A_644 = tpu.vector_load %arg8[%parallel_loop3A_641, %parallel_loop3A_642, %parallel_loop3A_643] {strides = array<i32>} : memref<2x200x128xf32, #tpu.memory_space<vmem>>, vector<1x1x16xf32>,
        %parallel_loop3A_645 = vector.shape_cast %parallel_loop3A_644 : vector<1x1x16xf32> to vector<16xf32>
        %parallel_loop3A_646 = arith.mulf %parallel_loop3A_645, %parallel_loop3A_604 : vector<16xf32>
        %parallel_loop3A_647 = arith.addf %parallel_loop3A_639, %parallel_loop3A_646 : vector<16xf32>
        %parallel_loop3A_648 = arith.addf %parallel_loop3A_647, %parallel_loop3A_584 : vector<16xf32>
        %parallel_loop3A_649 = arith.constant 1 : i32
        %parallel_loop3A_650 = arith.constant 0 : i32
        %parallel_loop3A_651 = arith.index_cast %parallel_loop3A_649 : i32 to index
        %parallel_loop3A_652 = arith.index_cast %parallel_loop3A_650 : i32 to index
        %parallel_loop3A_653 = arith.index_cast %parallel_loop3A_572 : i32 to index
        %parallel_loop3A_654 = arith.constant 16 : index
        %parallel_loop3A_655 = tpu.vector_load %arg9[%parallel_loop3A_651, %parallel_loop3A_652, %parallel_loop3A_653, %parallel_loop3A_654] {strides = array<i32>} : memref<2x4x50x64xf32, #tpu.memory_space<vmem>>, vector<1x1x1x16xf32>,
        %parallel_loop3A_656 = vector.shape_cast %parallel_loop3A_655 : vector<1x1x1x16xf32> to vector<16xf32>
        %parallel_loop3A_657 = vector.shape_cast %parallel_loop3A_648 : vector<16xf32> to vector<1x1x1x16xf32>
        tpu.vector_store %arg9[%parallel_loop3A_651, %parallel_loop3A_652, %parallel_loop3A_653, %parallel_loop3A_654], %parallel_loop3A_657 {strides = array<i32>} : memref<2x4x50x64xf32, #tpu.memory_space<vmem>>, vector<1x1x1x16xf32>,
        %parallel_loop3A_658 = arith.constant 1 : i32
        %parallel_loop3A_659 = arith.index_cast %parallel_loop3A_658 : i32 to index
        %parallel_loop3A_660 = arith.index_cast %parallel_loop3A_598 : i32 to index
        %parallel_loop3A_661 = arith.constant 32 : index
        %parallel_loop3A_662 = tpu.vector_load %arg8[%parallel_loop3A_659, %parallel_loop3A_660, %parallel_loop3A_661] {strides = array<i32>} : memref<2x200x128xf32, #tpu.memory_space<vmem>>, vector<1x1x16xf32>,
        %parallel_loop3A_663 = vector.shape_cast %parallel_loop3A_662 : vector<1x1x16xf32> to vector<16xf32>
        %parallel_loop3A_664 = arith.mulf %parallel_loop3A_663, %parallel_loop3A_607 : vector<16xf32>
        %parallel_loop3A_665 = arith.constant 1 : i32
        %parallel_loop3A_666 = arith.index_cast %parallel_loop3A_665 : i32 to index
        %parallel_loop3A_667 = arith.index_cast %parallel_loop3A_598 : i32 to index
        %parallel_loop3A_668 = arith.constant 96 : index
        %parallel_loop3A_669 = tpu.vector_load %arg8[%parallel_loop3A_666, %parallel_loop3A_667, %parallel_loop3A_668] {strides = array<i32>} : memref<2x200x128xf32, #tpu.memory_space<vmem>>, vector<1x1x16xf32>,
        %parallel_loop3A_670 = vector.shape_cast %parallel_loop3A_669 : vector<1x1x16xf32> to vector<16xf32>
        %parallel_loop3A_671 = arith.mulf %parallel_loop3A_670, %parallel_loop3A_604 : vector<16xf32>
        %parallel_loop3A_672 = arith.addf %parallel_loop3A_664, %parallel_loop3A_671 : vector<16xf32>
        %parallel_loop3A_673 = arith.addf %parallel_loop3A_672, %parallel_loop3A_590 : vector<16xf32>
        %parallel_loop3A_674 = arith.constant 1 : i32
        %parallel_loop3A_675 = arith.constant 0 : i32
        %parallel_loop3A_676 = arith.index_cast %parallel_loop3A_674 : i32 to index
        %parallel_loop3A_677 = arith.index_cast %parallel_loop3A_675 : i32 to index
        %parallel_loop3A_678 = arith.index_cast %parallel_loop3A_572 : i32 to index
        %parallel_loop3A_679 = arith.constant 32 : index
        %parallel_loop3A_680 = tpu.vector_load %arg9[%parallel_loop3A_676, %parallel_loop3A_677, %parallel_loop3A_678, %parallel_loop3A_679] {strides = array<i32>} : memref<2x4x50x64xf32, #tpu.memory_space<vmem>>, vector<1x1x1x16xf32>,
        %parallel_loop3A_681 = vector.shape_cast %parallel_loop3A_680 : vector<1x1x1x16xf32> to vector<16xf32>
        %parallel_loop3A_682 = vector.shape_cast %parallel_loop3A_673 : vector<16xf32> to vector<1x1x1x16xf32>
        tpu.vector_store %arg9[%parallel_loop3A_676, %parallel_loop3A_677, %parallel_loop3A_678, %parallel_loop3A_679], %parallel_loop3A_682 {strides = array<i32>} : memref<2x4x50x64xf32, #tpu.memory_space<vmem>>, vector<1x1x1x16xf32>,
        %parallel_loop3A_683 = arith.constant 1 : i32
        %parallel_loop3A_684 = arith.index_cast %parallel_loop3A_683 : i32 to index
        %parallel_loop3A_685 = arith.index_cast %parallel_loop3A_598 : i32 to index
        %parallel_loop3A_686 = arith.constant 48 : index
        %parallel_loop3A_687 = tpu.vector_load %arg8[%parallel_loop3A_684, %parallel_loop3A_685, %parallel_loop3A_686] {strides = array<i32>} : memref<2x200x128xf32, #tpu.memory_space<vmem>>, vector<1x1x16xf32>,
        %parallel_loop3A_688 = vector.shape_cast %parallel_loop3A_687 : vector<1x1x16xf32> to vector<16xf32>
        %parallel_loop3A_689 = arith.mulf %parallel_loop3A_688, %parallel_loop3A_607 : vector<16xf32>
        %parallel_loop3A_690 = arith.constant 1 : i32
        %parallel_loop3A_691 = arith.index_cast %parallel_loop3A_690 : i32 to index
        %parallel_loop3A_692 = arith.index_cast %parallel_loop3A_598 : i32 to index
        %parallel_loop3A_693 = arith.constant 112 : index
        %parallel_loop3A_694 = tpu.vector_load %arg8[%parallel_loop3A_691, %parallel_loop3A_692, %parallel_loop3A_693] {strides = array<i32>} : memref<2x200x128xf32, #tpu.memory_space<vmem>>, vector<1x1x16xf32>,
        %parallel_loop3A_695 = vector.shape_cast %parallel_loop3A_694 : vector<1x1x16xf32> to vector<16xf32>
        %parallel_loop3A_696 = arith.mulf %parallel_loop3A_695, %parallel_loop3A_604 : vector<16xf32>
        %parallel_loop3A_697 = arith.addf %parallel_loop3A_689, %parallel_loop3A_696 : vector<16xf32>
        %parallel_loop3A_698 = arith.addf %parallel_loop3A_697, %parallel_loop3A_596 : vector<16xf32>
        %parallel_loop3A_699 = arith.constant 1 : i32
        %parallel_loop3A_700 = arith.constant 0 : i32
        %parallel_loop3A_701 = arith.index_cast %parallel_loop3A_699 : i32 to index
        %parallel_loop3A_702 = arith.index_cast %parallel_loop3A_700 : i32 to index
        %parallel_loop3A_703 = arith.index_cast %parallel_loop3A_572 : i32 to index
        %parallel_loop3A_704 = arith.constant 48 : index
        %parallel_loop3A_705 = tpu.vector_load %arg9[%parallel_loop3A_701, %parallel_loop3A_702, %parallel_loop3A_703, %parallel_loop3A_704] {strides = array<i32>} : memref<2x4x50x64xf32, #tpu.memory_space<vmem>>, vector<1x1x1x16xf32>,
        %parallel_loop3A_706 = vector.shape_cast %parallel_loop3A_705 : vector<1x1x1x16xf32> to vector<16xf32>
        %parallel_loop3A_707 = vector.shape_cast %parallel_loop3A_698 : vector<16xf32> to vector<1x1x1x16xf32>
        tpu.vector_store %arg9[%parallel_loop3A_701, %parallel_loop3A_702, %parallel_loop3A_703, %parallel_loop3A_704], %parallel_loop3A_707 {strides = array<i32>} : memref<2x4x50x64xf32, #tpu.memory_space<vmem>>, vector<1x1x1x16xf32>,
        %parallel_loop3A_708 = arith.constant 50 : i32
        %parallel_loop3A_709 = arith.addi %parallel_loop3A_708, %parallel_loop3A_572 : i32
        %parallel_loop3A_710 = arith.constant 1 : i32
        %parallel_loop3A_711 = arith.index_cast %parallel_loop3A_710 : i32 to index
        %parallel_loop3A_712 = arith.index_cast %parallel_loop3A_572 : i32 to index
        %parallel_loop3A_713 = arith.constant 16 : index
        %parallel_loop3A_714 = tpu.vector_load %arg7[%parallel_loop3A_711, %parallel_loop3A_712, %parallel_loop3A_713] {strides = array<i32>} : memref<2x50x128xf32, #tpu.memory_space<vmem>>, vector<1x1x16xf32>,
        %parallel_loop3A_715 = vector.shape_cast %parallel_loop3A_714 : vector<1x1x16xf32> to vector<16xf32>
        %parallel_loop3A_716 = arith.constant 1.250000e-01 : f32
        %parallel_loop3A_717 = vector.broadcast %parallel_loop3A_716 : f32 to vector<16xf32>
        %parallel_loop3A_718 = arith.subf %parallel_loop3A_717, %parallel_loop3A_715 : vector<16xf32>
        %parallel_loop3A_719 = arith.constant 1 : i32
        %parallel_loop3A_720 = arith.index_cast %parallel_loop3A_719 : i32 to index
        %parallel_loop3A_721 = arith.index_cast %parallel_loop3A_709 : i32 to index
        %parallel_loop3A_722 = arith.constant 0 : index
        %parallel_loop3A_723 = tpu.vector_load %arg8[%parallel_loop3A_720, %parallel_loop3A_721, %parallel_loop3A_722] {strides = array<i32>} : memref<2x200x128xf32, #tpu.memory_space<vmem>>, vector<1x1x16xf32>,
        %parallel_loop3A_724 = vector.shape_cast %parallel_loop3A_723 : vector<1x1x16xf32> to vector<16xf32>
        %parallel_loop3A_725 = arith.mulf %parallel_loop3A_724, %parallel_loop3A_718 : vector<16xf32>
        %parallel_loop3A_726 = arith.constant 1 : i32
        %parallel_loop3A_727 = arith.index_cast %parallel_loop3A_726 : i32 to index
        %parallel_loop3A_728 = arith.index_cast %parallel_loop3A_709 : i32 to index
        %parallel_loop3A_729 = arith.constant 64 : index
        %parallel_loop3A_730 = tpu.vector_load %arg8[%parallel_loop3A_727, %parallel_loop3A_728, %parallel_loop3A_729] {strides = array<i32>} : memref<2x200x128xf32, #tpu.memory_space<vmem>>, vector<1x1x16xf32>,
        %parallel_loop3A_731 = vector.shape_cast %parallel_loop3A_730 : vector<1x1x16xf32> to vector<16xf32>
        %parallel_loop3A_732 = arith.mulf %parallel_loop3A_731, %parallel_loop3A_715 : vector<16xf32>
        %parallel_loop3A_733 = arith.addf %parallel_loop3A_725, %parallel_loop3A_732 : vector<16xf32>
        %parallel_loop3A_734 = arith.addf %parallel_loop3A_733, %parallel_loop3A_578 : vector<16xf32>
        %parallel_loop3A_735 = arith.constant 1 : i32
        %parallel_loop3A_736 = arith.constant 1 : i32
        %parallel_loop3A_737 = arith.index_cast %parallel_loop3A_735 : i32 to index
        %parallel_loop3A_738 = arith.index_cast %parallel_loop3A_736 : i32 to index
        %parallel_loop3A_739 = arith.index_cast %parallel_loop3A_572 : i32 to index
        %parallel_loop3A_740 = arith.constant 0 : index
        %parallel_loop3A_741 = tpu.vector_load %arg9[%parallel_loop3A_737, %parallel_loop3A_738, %parallel_loop3A_739, %parallel_loop3A_740] {strides = array<i32>} : memref<2x4x50x64xf32, #tpu.memory_space<vmem>>, vector<1x1x1x16xf32>,
        %parallel_loop3A_742 = vector.shape_cast %parallel_loop3A_741 : vector<1x1x1x16xf32> to vector<16xf32>
        %parallel_loop3A_743 = vector.shape_cast %parallel_loop3A_734 : vector<16xf32> to vector<1x1x1x16xf32>
        tpu.vector_store %arg9[%parallel_loop3A_737, %parallel_loop3A_738, %parallel_loop3A_739, %parallel_loop3A_740], %parallel_loop3A_743 {strides = array<i32>} : memref<2x4x50x64xf32, #tpu.memory_space<vmem>>, vector<1x1x1x16xf32>,
        %parallel_loop3A_744 = arith.constant 1 : i32
        %parallel_loop3A_745 = arith.index_cast %parallel_loop3A_744 : i32 to index
        %parallel_loop3A_746 = arith.index_cast %parallel_loop3A_709 : i32 to index
        %parallel_loop3A_747 = arith.constant 16 : index
        %parallel_loop3A_748 = tpu.vector_load %arg8[%parallel_loop3A_745, %parallel_loop3A_746, %parallel_loop3A_747] {strides = array<i32>} : memref<2x200x128xf32, #tpu.memory_space<vmem>>, vector<1x1x16xf32>,
        %parallel_loop3A_749 = vector.shape_cast %parallel_loop3A_748 : vector<1x1x16xf32> to vector<16xf32>
        %parallel_loop3A_750 = arith.mulf %parallel_loop3A_749, %parallel_loop3A_718 : vector<16xf32>
        %parallel_loop3A_751 = arith.constant 1 : i32
        %parallel_loop3A_752 = arith.index_cast %parallel_loop3A_751 : i32 to index
        %parallel_loop3A_753 = arith.index_cast %parallel_loop3A_709 : i32 to index
        %parallel_loop3A_754 = arith.constant 80 : index
        %parallel_loop3A_755 = tpu.vector_load %arg8[%parallel_loop3A_752, %parallel_loop3A_753, %parallel_loop3A_754] {strides = array<i32>} : memref<2x200x128xf32, #tpu.memory_space<vmem>>, vector<1x1x16xf32>,
        %parallel_loop3A_756 = vector.shape_cast %parallel_loop3A_755 : vector<1x1x16xf32> to vector<16xf32>
        %parallel_loop3A_757 = arith.mulf %parallel_loop3A_756, %parallel_loop3A_715 : vector<16xf32>
        %parallel_loop3A_758 = arith.addf %parallel_loop3A_750, %parallel_loop3A_757 : vector<16xf32>
        %parallel_loop3A_759 = arith.addf %parallel_loop3A_758, %parallel_loop3A_584 : vector<16xf32>
        %parallel_loop3A_760 = arith.constant 1 : i32
        %parallel_loop3A_761 = arith.constant 1 : i32
        %parallel_loop3A_762 = arith.index_cast %parallel_loop3A_760 : i32 to index
        %parallel_loop3A_763 = arith.index_cast %parallel_loop3A_761 : i32 to index
        %parallel_loop3A_764 = arith.index_cast %parallel_loop3A_572 : i32 to index
        %parallel_loop3A_765 = arith.constant 16 : index
        %parallel_loop3A_766 = tpu.vector_load %arg9[%parallel_loop3A_762, %parallel_loop3A_763, %parallel_loop3A_764, %parallel_loop3A_765] {strides = array<i32>} : memref<2x4x50x64xf32, #tpu.memory_space<vmem>>, vector<1x1x1x16xf32>,
        %parallel_loop3A_767 = vector.shape_cast %parallel_loop3A_766 : vector<1x1x1x16xf32> to vector<16xf32>
        %parallel_loop3A_768 = vector.shape_cast %parallel_loop3A_759 : vector<16xf32> to vector<1x1x1x16xf32>
        tpu.vector_store %arg9[%parallel_loop3A_762, %parallel_loop3A_763, %parallel_loop3A_764, %parallel_loop3A_765], %parallel_loop3A_768 {strides = array<i32>} : memref<2x4x50x64xf32, #tpu.memory_space<vmem>>, vector<1x1x1x16xf32>,
        %parallel_loop3A_769 = arith.constant 1 : i32
        %parallel_loop3A_770 = arith.index_cast %parallel_loop3A_769 : i32 to index
        %parallel_loop3A_771 = arith.index_cast %parallel_loop3A_709 : i32 to index
        %parallel_loop3A_772 = arith.constant 32 : index
        %parallel_loop3A_773 = tpu.vector_load %arg8[%parallel_loop3A_770, %parallel_loop3A_771, %parallel_loop3A_772] {strides = array<i32>} : memref<2x200x128xf32, #tpu.memory_space<vmem>>, vector<1x1x16xf32>,
        %parallel_loop3A_774 = vector.shape_cast %parallel_loop3A_773 : vector<1x1x16xf32> to vector<16xf32>
        %parallel_loop3A_775 = arith.mulf %parallel_loop3A_774, %parallel_loop3A_718 : vector<16xf32>
        %parallel_loop3A_776 = arith.constant 1 : i32
        %parallel_loop3A_777 = arith.index_cast %parallel_loop3A_776 : i32 to index
        %parallel_loop3A_778 = arith.index_cast %parallel_loop3A_709 : i32 to index
        %parallel_loop3A_779 = arith.constant 96 : index
        %parallel_loop3A_780 = tpu.vector_load %arg8[%parallel_loop3A_777, %parallel_loop3A_778, %parallel_loop3A_779] {strides = array<i32>} : memref<2x200x128xf32, #tpu.memory_space<vmem>>, vector<1x1x16xf32>,
        %parallel_loop3A_781 = vector.shape_cast %parallel_loop3A_780 : vector<1x1x16xf32> to vector<16xf32>
        %parallel_loop3A_782 = arith.mulf %parallel_loop3A_781, %parallel_loop3A_715 : vector<16xf32>
        %parallel_loop3A_783 = arith.addf %parallel_loop3A_775, %parallel_loop3A_782 : vector<16xf32>
        %parallel_loop3A_784 = arith.addf %parallel_loop3A_783, %parallel_loop3A_590 : vector<16xf32>
        %parallel_loop3A_785 = arith.constant 1 : i32
        %parallel_loop3A_786 = arith.constant 1 : i32
        %parallel_loop3A_787 = arith.index_cast %parallel_loop3A_785 : i32 to index
        %parallel_loop3A_788 = arith.index_cast %parallel_loop3A_786 : i32 to index
        %parallel_loop3A_789 = arith.index_cast %parallel_loop3A_572 : i32 to index
        %parallel_loop3A_790 = arith.constant 32 : index
        %parallel_loop3A_791 = tpu.vector_load %arg9[%parallel_loop3A_787, %parallel_loop3A_788, %parallel_loop3A_789, %parallel_loop3A_790] {strides = array<i32>} : memref<2x4x50x64xf32, #tpu.memory_space<vmem>>, vector<1x1x1x16xf32>,
        %parallel_loop3A_792 = vector.shape_cast %parallel_loop3A_791 : vector<1x1x1x16xf32> to vector<16xf32>
        %parallel_loop3A_793 = vector.shape_cast %parallel_loop3A_784 : vector<16xf32> to vector<1x1x1x16xf32>
        tpu.vector_store %arg9[%parallel_loop3A_787, %parallel_loop3A_788, %parallel_loop3A_789, %parallel_loop3A_790], %parallel_loop3A_793 {strides = array<i32>} : memref<2x4x50x64xf32, #tpu.memory_space<vmem>>, vector<1x1x1x16xf32>,
        %parallel_loop3A_794 = arith.constant 1 : i32
        %parallel_loop3A_795 = arith.index_cast %parallel_loop3A_794 : i32 to index
        %parallel_loop3A_796 = arith.index_cast %parallel_loop3A_709 : i32 to index
        %parallel_loop3A_797 = arith.constant 48 : index
        %parallel_loop3A_798 = tpu.vector_load %arg8[%parallel_loop3A_795, %parallel_loop3A_796, %parallel_loop3A_797] {strides = array<i32>} : memref<2x200x128xf32, #tpu.memory_space<vmem>>, vector<1x1x16xf32>,
        %parallel_loop3A_799 = vector.shape_cast %parallel_loop3A_798 : vector<1x1x16xf32> to vector<16xf32>
        %parallel_loop3A_800 = arith.mulf %parallel_loop3A_799, %parallel_loop3A_718 : vector<16xf32>
        %parallel_loop3A_801 = arith.constant 1 : i32
        %parallel_loop3A_802 = arith.index_cast %parallel_loop3A_801 : i32 to index
        %parallel_loop3A_803 = arith.index_cast %parallel_loop3A_709 : i32 to index
        %parallel_loop3A_804 = arith.constant 112 : index
        %parallel_loop3A_805 = tpu.vector_load %arg8[%parallel_loop3A_802, %parallel_loop3A_803, %parallel_loop3A_804] {strides = array<i32>} : memref<2x200x128xf32, #tpu.memory_space<vmem>>, vector<1x1x16xf32>,
        %parallel_loop3A_806 = vector.shape_cast %parallel_loop3A_805 : vector<1x1x16xf32> to vector<16xf32>
        %parallel_loop3A_807 = arith.mulf %parallel_loop3A_806, %parallel_loop3A_715 : vector<16xf32>
        %parallel_loop3A_808 = arith.addf %parallel_loop3A_800, %parallel_loop3A_807 : vector<16xf32>
        %parallel_loop3A_809 = arith.addf %parallel_loop3A_808, %parallel_loop3A_596 : vector<16xf32>
        %parallel_loop3A_810 = arith.constant 1 : i32
        %parallel_loop3A_811 = arith.constant 1 : i32
        %parallel_loop3A_812 = arith.index_cast %parallel_loop3A_810 : i32 to index
        %parallel_loop3A_813 = arith.index_cast %parallel_loop3A_811 : i32 to index
        %parallel_loop3A_814 = arith.index_cast %parallel_loop3A_572 : i32 to index
        %parallel_loop3A_815 = arith.constant 48 : index
        %parallel_loop3A_816 = tpu.vector_load %arg9[%parallel_loop3A_812, %parallel_loop3A_813, %parallel_loop3A_814, %parallel_loop3A_815] {strides = array<i32>} : memref<2x4x50x64xf32, #tpu.memory_space<vmem>>, vector<1x1x1x16xf32>,
        %parallel_loop3A_817 = vector.shape_cast %parallel_loop3A_816 : vector<1x1x1x16xf32> to vector<16xf32>
        %parallel_loop3A_818 = vector.shape_cast %parallel_loop3A_809 : vector<16xf32> to vector<1x1x1x16xf32>
        tpu.vector_store %arg9[%parallel_loop3A_812, %parallel_loop3A_813, %parallel_loop3A_814, %parallel_loop3A_815], %parallel_loop3A_818 {strides = array<i32>} : memref<2x4x50x64xf32, #tpu.memory_space<vmem>>, vector<1x1x1x16xf32>,
        %parallel_loop3A_819 = arith.constant 100 : i32
        %parallel_loop3A_820 = arith.addi %parallel_loop3A_819, %parallel_loop3A_572 : i32
        %parallel_loop3A_821 = arith.constant 1 : i32
        %parallel_loop3A_822 = arith.index_cast %parallel_loop3A_821 : i32 to index
        %parallel_loop3A_823 = arith.index_cast %parallel_loop3A_572 : i32 to index
        %parallel_loop3A_824 = arith.constant 32 : index
        %parallel_loop3A_825 = tpu.vector_load %arg7[%parallel_loop3A_822, %parallel_loop3A_823, %parallel_loop3A_824] {strides = array<i32>} : memref<2x50x128xf32, #tpu.memory_space<vmem>>, vector<1x1x16xf32>,
        %parallel_loop3A_826 = vector.shape_cast %parallel_loop3A_825 : vector<1x1x16xf32> to vector<16xf32>
        %parallel_loop3A_827 = arith.constant 1.250000e-01 : f32
        %parallel_loop3A_828 = vector.broadcast %parallel_loop3A_827 : f32 to vector<16xf32>
        %parallel_loop3A_829 = arith.subf %parallel_loop3A_828, %parallel_loop3A_826 : vector<16xf32>
        %parallel_loop3A_830 = arith.constant 1 : i32
        %parallel_loop3A_831 = arith.index_cast %parallel_loop3A_830 : i32 to index
        %parallel_loop3A_832 = arith.index_cast %parallel_loop3A_820 : i32 to index
        %parallel_loop3A_833 = arith.constant 0 : index
        %parallel_loop3A_834 = tpu.vector_load %arg8[%parallel_loop3A_831, %parallel_loop3A_832, %parallel_loop3A_833] {strides = array<i32>} : memref<2x200x128xf32, #tpu.memory_space<vmem>>, vector<1x1x16xf32>,
        %parallel_loop3A_835 = vector.shape_cast %parallel_loop3A_834 : vector<1x1x16xf32> to vector<16xf32>
        %parallel_loop3A_836 = arith.mulf %parallel_loop3A_835, %parallel_loop3A_829 : vector<16xf32>
        %parallel_loop3A_837 = arith.constant 1 : i32
        %parallel_loop3A_838 = arith.index_cast %parallel_loop3A_837 : i32 to index
        %parallel_loop3A_839 = arith.index_cast %parallel_loop3A_820 : i32 to index
        %parallel_loop3A_840 = arith.constant 64 : index
        %parallel_loop3A_841 = tpu.vector_load %arg8[%parallel_loop3A_838, %parallel_loop3A_839, %parallel_loop3A_840] {strides = array<i32>} : memref<2x200x128xf32, #tpu.memory_space<vmem>>, vector<1x1x16xf32>,
        %parallel_loop3A_842 = vector.shape_cast %parallel_loop3A_841 : vector<1x1x16xf32> to vector<16xf32>
        %parallel_loop3A_843 = arith.mulf %parallel_loop3A_842, %parallel_loop3A_826 : vector<16xf32>
        %parallel_loop3A_844 = arith.addf %parallel_loop3A_836, %parallel_loop3A_843 : vector<16xf32>
        %parallel_loop3A_845 = arith.addf %parallel_loop3A_844, %parallel_loop3A_578 : vector<16xf32>
        %parallel_loop3A_846 = arith.constant 1 : i32
        %parallel_loop3A_847 = arith.constant 2 : i32
        %parallel_loop3A_848 = arith.index_cast %parallel_loop3A_846 : i32 to index
        %parallel_loop3A_849 = arith.index_cast %parallel_loop3A_847 : i32 to index
        %parallel_loop3A_850 = arith.index_cast %parallel_loop3A_572 : i32 to index
        %parallel_loop3A_851 = arith.constant 0 : index
        %parallel_loop3A_852 = tpu.vector_load %arg9[%parallel_loop3A_848, %parallel_loop3A_849, %parallel_loop3A_850, %parallel_loop3A_851] {strides = array<i32>} : memref<2x4x50x64xf32, #tpu.memory_space<vmem>>, vector<1x1x1x16xf32>,
        %parallel_loop3A_853 = vector.shape_cast %parallel_loop3A_852 : vector<1x1x1x16xf32> to vector<16xf32>
        %parallel_loop3A_854 = vector.shape_cast %parallel_loop3A_845 : vector<16xf32> to vector<1x1x1x16xf32>
        tpu.vector_store %arg9[%parallel_loop3A_848, %parallel_loop3A_849, %parallel_loop3A_850, %parallel_loop3A_851], %parallel_loop3A_854 {strides = array<i32>} : memref<2x4x50x64xf32, #tpu.memory_space<vmem>>, vector<1x1x1x16xf32>,
        %parallel_loop3A_855 = arith.constant 1 : i32
        %parallel_loop3A_856 = arith.index_cast %parallel_loop3A_855 : i32 to index
        %parallel_loop3A_857 = arith.index_cast %parallel_loop3A_820 : i32 to index
        %parallel_loop3A_858 = arith.constant 16 : index
        %parallel_loop3A_859 = tpu.vector_load %arg8[%parallel_loop3A_856, %parallel_loop3A_857, %parallel_loop3A_858] {strides = array<i32>} : memref<2x200x128xf32, #tpu.memory_space<vmem>>, vector<1x1x16xf32>,
        %parallel_loop3A_860 = vector.shape_cast %parallel_loop3A_859 : vector<1x1x16xf32> to vector<16xf32>
        %parallel_loop3A_861 = arith.mulf %parallel_loop3A_860, %parallel_loop3A_829 : vector<16xf32>
        %parallel_loop3A_862 = arith.constant 1 : i32
        %parallel_loop3A_863 = arith.index_cast %parallel_loop3A_862 : i32 to index
        %parallel_loop3A_864 = arith.index_cast %parallel_loop3A_820 : i32 to index
        %parallel_loop3A_865 = arith.constant 80 : index
        %parallel_loop3A_866 = tpu.vector_load %arg8[%parallel_loop3A_863, %parallel_loop3A_864, %parallel_loop3A_865] {strides = array<i32>} : memref<2x200x128xf32, #tpu.memory_space<vmem>>, vector<1x1x16xf32>,
        %parallel_loop3A_867 = vector.shape_cast %parallel_loop3A_866 : vector<1x1x16xf32> to vector<16xf32>
        %parallel_loop3A_868 = arith.mulf %parallel_loop3A_867, %parallel_loop3A_826 : vector<16xf32>
        %parallel_loop3A_869 = arith.addf %parallel_loop3A_861, %parallel_loop3A_868 : vector<16xf32>
        %parallel_loop3A_870 = arith.addf %parallel_loop3A_869, %parallel_loop3A_584 : vector<16xf32>
        %parallel_loop3A_871 = arith.constant 1 : i32
        %parallel_loop3A_872 = arith.constant 2 : i32
        %parallel_loop3A_873 = arith.index_cast %parallel_loop3A_871 : i32 to index
        %parallel_loop3A_874 = arith.index_cast %parallel_loop3A_872 : i32 to index
        %parallel_loop3A_875 = arith.index_cast %parallel_loop3A_572 : i32 to index
        %parallel_loop3A_876 = arith.constant 16 : index
        %parallel_loop3A_877 = tpu.vector_load %arg9[%parallel_loop3A_873, %parallel_loop3A_874, %parallel_loop3A_875, %parallel_loop3A_876] {strides = array<i32>} : memref<2x4x50x64xf32, #tpu.memory_space<vmem>>, vector<1x1x1x16xf32>,
        %parallel_loop3A_878 = vector.shape_cast %parallel_loop3A_877 : vector<1x1x1x16xf32> to vector<16xf32>
        %parallel_loop3A_879 = vector.shape_cast %parallel_loop3A_870 : vector<16xf32> to vector<1x1x1x16xf32>
        tpu.vector_store %arg9[%parallel_loop3A_873, %parallel_loop3A_874, %parallel_loop3A_875, %parallel_loop3A_876], %parallel_loop3A_879 {strides = array<i32>} : memref<2x4x50x64xf32, #tpu.memory_space<vmem>>, vector<1x1x1x16xf32>,
        %parallel_loop3A_880 = arith.constant 1 : i32
        %parallel_loop3A_881 = arith.index_cast %parallel_loop3A_880 : i32 to index
        %parallel_loop3A_882 = arith.index_cast %parallel_loop3A_820 : i32 to index
        %parallel_loop3A_883 = arith.constant 32 : index
        %parallel_loop3A_884 = tpu.vector_load %arg8[%parallel_loop3A_881, %parallel_loop3A_882, %parallel_loop3A_883] {strides = array<i32>} : memref<2x200x128xf32, #tpu.memory_space<vmem>>, vector<1x1x16xf32>,
        %parallel_loop3A_885 = vector.shape_cast %parallel_loop3A_884 : vector<1x1x16xf32> to vector<16xf32>
        %parallel_loop3A_886 = arith.mulf %parallel_loop3A_885, %parallel_loop3A_829 : vector<16xf32>
        %parallel_loop3A_887 = arith.constant 1 : i32
        %parallel_loop3A_888 = arith.index_cast %parallel_loop3A_887 : i32 to index
        %parallel_loop3A_889 = arith.index_cast %parallel_loop3A_820 : i32 to index
        %parallel_loop3A_890 = arith.constant 96 : index
        %parallel_loop3A_891 = tpu.vector_load %arg8[%parallel_loop3A_888, %parallel_loop3A_889, %parallel_loop3A_890] {strides = array<i32>} : memref<2x200x128xf32, #tpu.memory_space<vmem>>, vector<1x1x16xf32>,
        %parallel_loop3A_892 = vector.shape_cast %parallel_loop3A_891 : vector<1x1x16xf32> to vector<16xf32>
        %parallel_loop3A_893 = arith.mulf %parallel_loop3A_892, %parallel_loop3A_826 : vector<16xf32>
        %parallel_loop3A_894 = arith.addf %parallel_loop3A_886, %parallel_loop3A_893 : vector<16xf32>
        %parallel_loop3A_895 = arith.addf %parallel_loop3A_894, %parallel_loop3A_590 : vector<16xf32>
        %parallel_loop3A_896 = arith.constant 1 : i32
        %parallel_loop3A_897 = arith.constant 2 : i32
        %parallel_loop3A_898 = arith.index_cast %parallel_loop3A_896 : i32 to index
        %parallel_loop3A_899 = arith.index_cast %parallel_loop3A_897 : i32 to index
        %parallel_loop3A_900 = arith.index_cast %parallel_loop3A_572 : i32 to index
        %parallel_loop3A_901 = arith.constant 32 : index
        %parallel_loop3A_902 = tpu.vector_load %arg9[%parallel_loop3A_898, %parallel_loop3A_899, %parallel_loop3A_900, %parallel_loop3A_901] {strides = array<i32>} : memref<2x4x50x64xf32, #tpu.memory_space<vmem>>, vector<1x1x1x16xf32>,
        %parallel_loop3A_903 = vector.shape_cast %parallel_loop3A_902 : vector<1x1x1x16xf32> to vector<16xf32>
        %parallel_loop3A_904 = vector.shape_cast %parallel_loop3A_895 : vector<16xf32> to vector<1x1x1x16xf32>
        tpu.vector_store %arg9[%parallel_loop3A_898, %parallel_loop3A_899, %parallel_loop3A_900, %parallel_loop3A_901], %parallel_loop3A_904 {strides = array<i32>} : memref<2x4x50x64xf32, #tpu.memory_space<vmem>>, vector<1x1x1x16xf32>,
        %parallel_loop3A_905 = arith.constant 1 : i32
        %parallel_loop3A_906 = arith.index_cast %parallel_loop3A_905 : i32 to index
        %parallel_loop3A_907 = arith.index_cast %parallel_loop3A_820 : i32 to index
        %parallel_loop3A_908 = arith.constant 48 : index
        %parallel_loop3A_909 = tpu.vector_load %arg8[%parallel_loop3A_906, %parallel_loop3A_907, %parallel_loop3A_908] {strides = array<i32>} : memref<2x200x128xf32, #tpu.memory_space<vmem>>, vector<1x1x16xf32>,
        %parallel_loop3A_910 = vector.shape_cast %parallel_loop3A_909 : vector<1x1x16xf32> to vector<16xf32>
        %parallel_loop3A_911 = arith.mulf %parallel_loop3A_910, %parallel_loop3A_829 : vector<16xf32>
        %parallel_loop3A_912 = arith.constant 1 : i32
        %parallel_loop3A_913 = arith.index_cast %parallel_loop3A_912 : i32 to index
        %parallel_loop3A_914 = arith.index_cast %parallel_loop3A_820 : i32 to index
        %parallel_loop3A_915 = arith.constant 112 : index
        %parallel_loop3A_916 = tpu.vector_load %arg8[%parallel_loop3A_913, %parallel_loop3A_914, %parallel_loop3A_915] {strides = array<i32>} : memref<2x200x128xf32, #tpu.memory_space<vmem>>, vector<1x1x16xf32>,
        %parallel_loop3A_917 = vector.shape_cast %parallel_loop3A_916 : vector<1x1x16xf32> to vector<16xf32>
        %parallel_loop3A_918 = arith.mulf %parallel_loop3A_917, %parallel_loop3A_826 : vector<16xf32>
        %parallel_loop3A_919 = arith.addf %parallel_loop3A_911, %parallel_loop3A_918 : vector<16xf32>
        %parallel_loop3A_920 = arith.addf %parallel_loop3A_919, %parallel_loop3A_596 : vector<16xf32>
        %parallel_loop3A_921 = arith.constant 1 : i32
        %parallel_loop3A_922 = arith.constant 2 : i32
        %parallel_loop3A_923 = arith.index_cast %parallel_loop3A_921 : i32 to index
        %parallel_loop3A_924 = arith.index_cast %parallel_loop3A_922 : i32 to index
        %parallel_loop3A_925 = arith.index_cast %parallel_loop3A_572 : i32 to index
        %parallel_loop3A_926 = arith.constant 48 : index
        %parallel_loop3A_927 = tpu.vector_load %arg9[%parallel_loop3A_923, %parallel_loop3A_924, %parallel_loop3A_925, %parallel_loop3A_926] {strides = array<i32>} : memref<2x4x50x64xf32, #tpu.memory_space<vmem>>, vector<1x1x1x16xf32>,
        %parallel_loop3A_928 = vector.shape_cast %parallel_loop3A_927 : vector<1x1x1x16xf32> to vector<16xf32>
        %parallel_loop3A_929 = vector.shape_cast %parallel_loop3A_920 : vector<16xf32> to vector<1x1x1x16xf32>
        tpu.vector_store %arg9[%parallel_loop3A_923, %parallel_loop3A_924, %parallel_loop3A_925, %parallel_loop3A_926], %parallel_loop3A_929 {strides = array<i32>} : memref<2x4x50x64xf32, #tpu.memory_space<vmem>>, vector<1x1x1x16xf32>,
        %parallel_loop3A_930 = arith.constant 150 : i32
        %parallel_loop3A_931 = arith.addi %parallel_loop3A_930, %parallel_loop3A_572 : i32
        %parallel_loop3A_932 = arith.constant 1 : i32
        %parallel_loop3A_933 = arith.index_cast %parallel_loop3A_932 : i32 to index
        %parallel_loop3A_934 = arith.index_cast %parallel_loop3A_572 : i32 to index
        %parallel_loop3A_935 = arith.constant 48 : index
        %parallel_loop3A_936 = tpu.vector_load %arg7[%parallel_loop3A_933, %parallel_loop3A_934, %parallel_loop3A_935] {strides = array<i32>} : memref<2x50x128xf32, #tpu.memory_space<vmem>>, vector<1x1x16xf32>,
        %parallel_loop3A_937 = vector.shape_cast %parallel_loop3A_936 : vector<1x1x16xf32> to vector<16xf32>
        %parallel_loop3A_938 = arith.constant 1.250000e-01 : f32
        %parallel_loop3A_939 = vector.broadcast %parallel_loop3A_938 : f32 to vector<16xf32>
        %parallel_loop3A_940 = arith.subf %parallel_loop3A_939, %parallel_loop3A_937 : vector<16xf32>
        %parallel_loop3A_941 = arith.constant 1 : i32
        %parallel_loop3A_942 = arith.index_cast %parallel_loop3A_941 : i32 to index
        %parallel_loop3A_943 = arith.index_cast %parallel_loop3A_931 : i32 to index
        %parallel_loop3A_944 = arith.constant 0 : index
        %parallel_loop3A_945 = tpu.vector_load %arg8[%parallel_loop3A_942, %parallel_loop3A_943, %parallel_loop3A_944] {strides = array<i32>} : memref<2x200x128xf32, #tpu.memory_space<vmem>>, vector<1x1x16xf32>,
        %parallel_loop3A_946 = vector.shape_cast %parallel_loop3A_945 : vector<1x1x16xf32> to vector<16xf32>
        %parallel_loop3A_947 = arith.mulf %parallel_loop3A_946, %parallel_loop3A_940 : vector<16xf32>
        %parallel_loop3A_948 = arith.constant 1 : i32
        %parallel_loop3A_949 = arith.index_cast %parallel_loop3A_948 : i32 to index
        %parallel_loop3A_950 = arith.index_cast %parallel_loop3A_931 : i32 to index
        %parallel_loop3A_951 = arith.constant 64 : index
        %parallel_loop3A_952 = tpu.vector_load %arg8[%parallel_loop3A_949, %parallel_loop3A_950, %parallel_loop3A_951] {strides = array<i32>} : memref<2x200x128xf32, #tpu.memory_space<vmem>>, vector<1x1x16xf32>,
        %parallel_loop3A_953 = vector.shape_cast %parallel_loop3A_952 : vector<1x1x16xf32> to vector<16xf32>
        %parallel_loop3A_954 = arith.mulf %parallel_loop3A_953, %parallel_loop3A_937 : vector<16xf32>
        %parallel_loop3A_955 = arith.addf %parallel_loop3A_947, %parallel_loop3A_954 : vector<16xf32>
        %parallel_loop3A_956 = arith.addf %parallel_loop3A_955, %parallel_loop3A_578 : vector<16xf32>
        %parallel_loop3A_957 = arith.constant 1 : i32
        %parallel_loop3A_958 = arith.constant 3 : i32
        %parallel_loop3A_959 = arith.index_cast %parallel_loop3A_957 : i32 to index
        %parallel_loop3A_960 = arith.index_cast %parallel_loop3A_958 : i32 to index
        %parallel_loop3A_961 = arith.index_cast %parallel_loop3A_572 : i32 to index
        %parallel_loop3A_962 = arith.constant 0 : index
        %parallel_loop3A_963 = tpu.vector_load %arg9[%parallel_loop3A_959, %parallel_loop3A_960, %parallel_loop3A_961, %parallel_loop3A_962] {strides = array<i32>} : memref<2x4x50x64xf32, #tpu.memory_space<vmem>>, vector<1x1x1x16xf32>,
        %parallel_loop3A_964 = vector.shape_cast %parallel_loop3A_963 : vector<1x1x1x16xf32> to vector<16xf32>
        %parallel_loop3A_965 = vector.shape_cast %parallel_loop3A_956 : vector<16xf32> to vector<1x1x1x16xf32>
        tpu.vector_store %arg9[%parallel_loop3A_959, %parallel_loop3A_960, %parallel_loop3A_961, %parallel_loop3A_962], %parallel_loop3A_965 {strides = array<i32>} : memref<2x4x50x64xf32, #tpu.memory_space<vmem>>, vector<1x1x1x16xf32>,
        %parallel_loop3A_966 = arith.constant 1 : i32
        %parallel_loop3A_967 = arith.index_cast %parallel_loop3A_966 : i32 to index
        %parallel_loop3A_968 = arith.index_cast %parallel_loop3A_931 : i32 to index
        %parallel_loop3A_969 = arith.constant 16 : index
        %parallel_loop3A_970 = tpu.vector_load %arg8[%parallel_loop3A_967, %parallel_loop3A_968, %parallel_loop3A_969] {strides = array<i32>} : memref<2x200x128xf32, #tpu.memory_space<vmem>>, vector<1x1x16xf32>,
        %parallel_loop3A_971 = vector.shape_cast %parallel_loop3A_970 : vector<1x1x16xf32> to vector<16xf32>
        %parallel_loop3A_972 = arith.mulf %parallel_loop3A_971, %parallel_loop3A_940 : vector<16xf32>
        %parallel_loop3A_973 = arith.constant 1 : i32
        %parallel_loop3A_974 = arith.index_cast %parallel_loop3A_973 : i32 to index
        %parallel_loop3A_975 = arith.index_cast %parallel_loop3A_931 : i32 to index
        %parallel_loop3A_976 = arith.constant 80 : index
        %parallel_loop3A_977 = tpu.vector_load %arg8[%parallel_loop3A_974, %parallel_loop3A_975, %parallel_loop3A_976] {strides = array<i32>} : memref<2x200x128xf32, #tpu.memory_space<vmem>>, vector<1x1x16xf32>,
        %parallel_loop3A_978 = vector.shape_cast %parallel_loop3A_977 : vector<1x1x16xf32> to vector<16xf32>
        %parallel_loop3A_979 = arith.mulf %parallel_loop3A_978, %parallel_loop3A_937 : vector<16xf32>
        %parallel_loop3A_980 = arith.addf %parallel_loop3A_972, %parallel_loop3A_979 : vector<16xf32>
        %parallel_loop3A_981 = arith.addf %parallel_loop3A_980, %parallel_loop3A_584 : vector<16xf32>
        %parallel_loop3A_982 = arith.constant 1 : i32
        %parallel_loop3A_983 = arith.constant 3 : i32
        %parallel_loop3A_984 = arith.index_cast %parallel_loop3A_982 : i32 to index
        %parallel_loop3A_985 = arith.index_cast %parallel_loop3A_983 : i32 to index
        %parallel_loop3A_986 = arith.index_cast %parallel_loop3A_572 : i32 to index
        %parallel_loop3A_987 = arith.constant 16 : index
        %parallel_loop3A_988 = tpu.vector_load %arg9[%parallel_loop3A_984, %parallel_loop3A_985, %parallel_loop3A_986, %parallel_loop3A_987] {strides = array<i32>} : memref<2x4x50x64xf32, #tpu.memory_space<vmem>>, vector<1x1x1x16xf32>,
        %parallel_loop3A_989 = vector.shape_cast %parallel_loop3A_988 : vector<1x1x1x16xf32> to vector<16xf32>
        %parallel_loop3A_990 = vector.shape_cast %parallel_loop3A_981 : vector<16xf32> to vector<1x1x1x16xf32>
        tpu.vector_store %arg9[%parallel_loop3A_984, %parallel_loop3A_985, %parallel_loop3A_986, %parallel_loop3A_987], %parallel_loop3A_990 {strides = array<i32>} : memref<2x4x50x64xf32, #tpu.memory_space<vmem>>, vector<1x1x1x16xf32>,
        %parallel_loop3A_991 = arith.constant 1 : i32
        %parallel_loop3A_992 = arith.index_cast %parallel_loop3A_991 : i32 to index
        %parallel_loop3A_993 = arith.index_cast %parallel_loop3A_931 : i32 to index
        %parallel_loop3A_994 = arith.constant 32 : index
        %parallel_loop3A_995 = tpu.vector_load %arg8[%parallel_loop3A_992, %parallel_loop3A_993, %parallel_loop3A_994] {strides = array<i32>} : memref<2x200x128xf32, #tpu.memory_space<vmem>>, vector<1x1x16xf32>,
        %parallel_loop3A_996 = vector.shape_cast %parallel_loop3A_995 : vector<1x1x16xf32> to vector<16xf32>
        %parallel_loop3A_997 = arith.mulf %parallel_loop3A_996, %parallel_loop3A_940 : vector<16xf32>
        %parallel_loop3A_998 = arith.constant 1 : i32
        %parallel_loop3A_999 = arith.index_cast %parallel_loop3A_998 : i32 to index
        %parallel_loop3A_1000 = arith.index_cast %parallel_loop3A_931 : i32 to index
        %parallel_loop3A_1001 = arith.constant 96 : index
        %parallel_loop3A_1002 = tpu.vector_load %arg8[%parallel_loop3A_999, %parallel_loop3A_1000, %parallel_loop3A_1001] {strides = array<i32>} : memref<2x200x128xf32, #tpu.memory_space<vmem>>, vector<1x1x16xf32>,
        %parallel_loop3A_1003 = vector.shape_cast %parallel_loop3A_1002 : vector<1x1x16xf32> to vector<16xf32>
        %parallel_loop3A_1004 = arith.mulf %parallel_loop3A_1003, %parallel_loop3A_937 : vector<16xf32>
        %parallel_loop3A_1005 = arith.addf %parallel_loop3A_997, %parallel_loop3A_1004 : vector<16xf32>
        %parallel_loop3A_1006 = arith.addf %parallel_loop3A_1005, %parallel_loop3A_590 : vector<16xf32>
        %parallel_loop3A_1007 = arith.constant 1 : i32
        %parallel_loop3A_1008 = arith.constant 3 : i32
        %parallel_loop3A_1009 = arith.index_cast %parallel_loop3A_1007 : i32 to index
        %parallel_loop3A_1010 = arith.index_cast %parallel_loop3A_1008 : i32 to index
        %parallel_loop3A_1011 = arith.index_cast %parallel_loop3A_572 : i32 to index
        %parallel_loop3A_1012 = arith.constant 32 : index
        %parallel_loop3A_1013 = tpu.vector_load %arg9[%parallel_loop3A_1009, %parallel_loop3A_1010, %parallel_loop3A_1011, %parallel_loop3A_1012] {strides = array<i32>} : memref<2x4x50x64xf32, #tpu.memory_space<vmem>>, vector<1x1x1x16xf32>,
        %parallel_loop3A_1014 = vector.shape_cast %parallel_loop3A_1013 : vector<1x1x1x16xf32> to vector<16xf32>
        %parallel_loop3A_1015 = vector.shape_cast %parallel_loop3A_1006 : vector<16xf32> to vector<1x1x1x16xf32>
        tpu.vector_store %arg9[%parallel_loop3A_1009, %parallel_loop3A_1010, %parallel_loop3A_1011, %parallel_loop3A_1012], %parallel_loop3A_1015 {strides = array<i32>} : memref<2x4x50x64xf32, #tpu.memory_space<vmem>>, vector<1x1x1x16xf32>,
        %parallel_loop3A_1016 = arith.constant 1 : i32
        %parallel_loop3A_1017 = arith.index_cast %parallel_loop3A_1016 : i32 to index
        %parallel_loop3A_1018 = arith.index_cast %parallel_loop3A_931 : i32 to index
        %parallel_loop3A_1019 = arith.constant 48 : index
        %parallel_loop3A_1020 = tpu.vector_load %arg8[%parallel_loop3A_1017, %parallel_loop3A_1018, %parallel_loop3A_1019] {strides = array<i32>} : memref<2x200x128xf32, #tpu.memory_space<vmem>>, vector<1x1x16xf32>,
        %parallel_loop3A_1021 = vector.shape_cast %parallel_loop3A_1020 : vector<1x1x16xf32> to vector<16xf32>
        %parallel_loop3A_1022 = arith.mulf %parallel_loop3A_1021, %parallel_loop3A_940 : vector<16xf32>
        %parallel_loop3A_1023 = arith.constant 1 : i32
        %parallel_loop3A_1024 = arith.index_cast %parallel_loop3A_1023 : i32 to index
        %parallel_loop3A_1025 = arith.index_cast %parallel_loop3A_931 : i32 to index
        %parallel_loop3A_1026 = arith.constant 112 : index
        %parallel_loop3A_1027 = tpu.vector_load %arg8[%parallel_loop3A_1024, %parallel_loop3A_1025, %parallel_loop3A_1026] {strides = array<i32>} : memref<2x200x128xf32, #tpu.memory_space<vmem>>, vector<1x1x16xf32>,
        %parallel_loop3A_1028 = vector.shape_cast %parallel_loop3A_1027 : vector<1x1x16xf32> to vector<16xf32>
        %parallel_loop3A_1029 = arith.mulf %parallel_loop3A_1028, %parallel_loop3A_937 : vector<16xf32>
        %parallel_loop3A_1030 = arith.addf %parallel_loop3A_1022, %parallel_loop3A_1029 : vector<16xf32>
        %parallel_loop3A_1031 = arith.addf %parallel_loop3A_1030, %parallel_loop3A_596 : vector<16xf32>
        %parallel_loop3A_1032 = arith.constant 1 : i32
        %parallel_loop3A_1033 = arith.constant 3 : i32
        %parallel_loop3A_1034 = arith.index_cast %parallel_loop3A_1032 : i32 to index
        %parallel_loop3A_1035 = arith.index_cast %parallel_loop3A_1033 : i32 to index
        %parallel_loop3A_1036 = arith.index_cast %parallel_loop3A_572 : i32 to index
        %parallel_loop3A_1037 = arith.constant 48 : index
        %parallel_loop3A_1038 = tpu.vector_load %arg9[%parallel_loop3A_1034, %parallel_loop3A_1035, %parallel_loop3A_1036, %parallel_loop3A_1037] {strides = array<i32>} : memref<2x4x50x64xf32, #tpu.memory_space<vmem>>, vector<1x1x1x16xf32>,
        %parallel_loop3A_1039 = vector.shape_cast %parallel_loop3A_1038 : vector<1x1x1x16xf32> to vector<16xf32>
        %parallel_loop3A_1040 = vector.shape_cast %parallel_loop3A_1031 : vector<16xf32> to vector<1x1x1x16xf32>
        tpu.vector_store %arg9[%parallel_loop3A_1034, %parallel_loop3A_1035, %parallel_loop3A_1036, %parallel_loop3A_1037], %parallel_loop3A_1040 {strides = array<i32>} : memref<2x4x50x64xf32, #tpu.memory_space<vmem>>, vector<1x1x1x16xf32>,
      } {sc.loop_unroll_factor = 5 : i64, sc.parallel_access}
      %lt3A_539 = arith.constant 15 : i32
      %lt3A_540 = arith.cmpi slt, %scan3A_450, %lt3A_539 : i32
      %convert_element_type3A_541 = arith.extui %lt3A_540 : i1 to i32
      %cond3A_542 = arith.constant 0 : i32
      %cond3A_543 = arith.cmpi ne, %convert_element_type3A_541, %cond3A_542 : i32
      scf.if %cond3A_543 {
        %add3A_572 = arith.constant 2 : i32
        %add3A_573 = arith.addi %add3A_512, %add3A_572 : i32
        %add3A_574 = arith.addi %mul3A_4, %add3A_573 : i32
        %dma_start3A_575 = arith.constant 1 : i32
        %dma_start3A_576 = arith.constant 1 : i32
        %dma_start3A_577 = arith.constant 0 : i32
        %dma_start3A_578 = arith.constant 0 : i32
        %dma_start3A_579 = tpu.memref_slice %arg6[%dma_start3A_575, %dma_start3A_577, %dma_start3A_578] : memref<2x5x40xi32, #tpu.memory_space<vmem>> -> memref<1x5x40xi32, #tpu.memory_space<vmem>>
        %dma_start3A_580 = tpu.memref_squeeze %dma_start3A_579 : memref<1x5x40xi32, #tpu.memory_space<vmem>> -> memref<5x40xi32, #tpu.memory_space<vmem>>
        %dma_start3A_581 = arith.constant 0 : i32
        %dma_start3A_582 = arith.constant 0 : i32
        %dma_start3A_583 = tpu.memref_slice %arg3[%add3A_574, %dma_start3A_581, %dma_start3A_582] : memref<1024x5x40xi32, #tpu.memory_space<hbm>> -> memref<1x5x40xi32, #tpu.memory_space<hbm>>
        %dma_start3A_584 = tpu.memref_squeeze %dma_start3A_583 : memref<1x5x40xi32, #tpu.memory_space<hbm>> -> memref<5x40xi32, #tpu.memory_space<hbm>>
        %dma_start3A_585 = tpu.memref_slice %arg10[%dma_start3A_576] : memref<2x!tpu.dma_semaphore, #tpu.memory_space<semaphore_mem>> -> memref<1x!tpu.dma_semaphore, #tpu.memory_space<semaphore_mem>>
        %dma_start3A_586 = tpu.memref_squeeze %dma_start3A_585 : memref<1x!tpu.dma_semaphore, #tpu.memory_space<semaphore_mem>> -> memref<!tpu.dma_semaphore, #tpu.memory_space<semaphore_mem>>
        %dma_start3A_587 = arith.constant 0 : i32
        %dma_start3A_588 = arith.constant 0 : i32
        %dma_start3A_589 = tpu.memref_slice %arg6[%dma_start3A_575, %dma_start3A_587, %dma_start3A_588] : memref<2x5x40xi32, #tpu.memory_space<vmem>> -> memref<1x5x40xi32, #tpu.memory_space<vmem>>
        %dma_start3A_590 = tpu.memref_squeeze %dma_start3A_589 : memref<1x5x40xi32, #tpu.memory_space<vmem>> -> memref<5x40xi32, #tpu.memory_space<vmem>>
        %dma_start3A_591 = arith.constant 0 : i32
        %dma_start3A_592 = arith.constant 0 : i32
        %dma_start3A_593 = tpu.memref_slice %arg3[%add3A_574, %dma_start3A_591, %dma_start3A_592] : memref<1024x5x40xi32, #tpu.memory_space<hbm>> -> memref<1x5x40xi32, #tpu.memory_space<hbm>>
        %dma_start3A_594 = tpu.memref_squeeze %dma_start3A_593 : memref<1x5x40xi32, #tpu.memory_space<hbm>> -> memref<5x40xi32, #tpu.memory_space<hbm>>
        tpu.enqueue_dma source(%dma_start3A_594 : memref<5x40xi32, #tpu.memory_space<hbm>>) target(%dma_start3A_590 : memref<5x40xi32, #tpu.memory_space<vmem>>) target_semaphore(%dma_start3A_586 : memref<!tpu.dma_semaphore, #tpu.memory_space<semaphore_mem>>)
        %add3A_595 = arith.addi %mul3A_4, %add3A_573 : i32
        %dma_start3A_596 = arith.constant 1 : i32
        %dma_start3A_597 = arith.constant 1 : i32
        %dma_start3A_598 = arith.constant 0 : i32
        %dma_start3A_599 = arith.constant 0 : i32
        %dma_start3A_600 = tpu.memref_slice %arg7[%dma_start3A_596, %dma_start3A_598, %dma_start3A_599] : memref<2x50x128xf32, #tpu.memory_space<vmem>> -> memref<1x50x128xf32, #tpu.memory_space<vmem>>
        %dma_start3A_601 = tpu.memref_squeeze %dma_start3A_600 : memref<1x50x128xf32, #tpu.memory_space<vmem>> -> memref<50x128xf32, #tpu.memory_space<vmem>>
        %dma_start3A_602 = arith.constant 0 : i32
        %dma_start3A_603 = arith.constant 0 : i32
        %dma_start3A_604 = tpu.memref_slice %arg4[%add3A_595, %dma_start3A_602, %dma_start3A_603] : memref<1024x50x128xf32, #tpu.memory_space<hbm>> -> memref<1x50x128xf32, #tpu.memory_space<hbm>>
        %dma_start3A_605 = tpu.memref_squeeze %dma_start3A_604 : memref<1x50x128xf32, #tpu.memory_space<hbm>> -> memref<50x128xf32, #tpu.memory_space<hbm>>
        %dma_start3A_606 = tpu.memref_slice %arg10[%dma_start3A_597] : memref<2x!tpu.dma_semaphore, #tpu.memory_space<semaphore_mem>> -> memref<1x!tpu.dma_semaphore, #tpu.memory_space<semaphore_mem>>
        %dma_start3A_607 = tpu.memref_squeeze %dma_start3A_606 : memref<1x!tpu.dma_semaphore, #tpu.memory_space<semaphore_mem>> -> memref<!tpu.dma_semaphore, #tpu.memory_space<semaphore_mem>>
        %dma_start3A_608 = arith.constant 0 : i32
        %dma_start3A_609 = arith.constant 0 : i32
        %dma_start3A_610 = tpu.memref_slice %arg7[%dma_start3A_596, %dma_start3A_608, %dma_start3A_609] : memref<2x50x128xf32, #tpu.memory_space<vmem>> -> memref<1x50x128xf32, #tpu.memory_space<vmem>>
        %dma_start3A_611 = tpu.memref_squeeze %dma_start3A_610 : memref<1x50x128xf32, #tpu.memory_space<vmem>> -> memref<50x128xf32, #tpu.memory_space<vmem>>
        %dma_start3A_612 = arith.constant 0 : i32
        %dma_start3A_613 = arith.constant 0 : i32
        %dma_start3A_614 = tpu.memref_slice %arg4[%add3A_595, %dma_start3A_612, %dma_start3A_613] : memref<1024x50x128xf32, #tpu.memory_space<hbm>> -> memref<1x50x128xf32, #tpu.memory_space<hbm>>
        %dma_start3A_615 = tpu.memref_squeeze %dma_start3A_614 : memref<1x50x128xf32, #tpu.memory_space<hbm>> -> memref<50x128xf32, #tpu.memory_space<hbm>>
        tpu.enqueue_dma source(%dma_start3A_615 : memref<50x128xf32, #tpu.memory_space<hbm>>) target(%dma_start3A_611 : memref<50x128xf32, #tpu.memory_space<vmem>>) target_semaphore(%dma_start3A_607 : memref<!tpu.dma_semaphore, #tpu.memory_space<semaphore_mem>>)
      } else {
      }
      %mul3A_544 = arith.constant 4 : i32
      %mul3A_545 = arith.muli %add3A_512, %mul3A_544 : i32
      %add3A_546 = arith.addi %mul3A_2, %mul3A_545 : i32
      %dma_start3A_547 = arith.constant 1 : i32
      %dma_start3A_548 = arith.constant 1 : i32
      %dma_start3A_549 = arith.constant 0 : i32
      %dma_start3A_550 = arith.constant 0 : i32
      %dma_start3A_551 = arith.constant 0 : i32
      %dma_start3A_552 = tpu.memref_slice %arg9[%dma_start3A_547, %dma_start3A_549, %dma_start3A_550, %dma_start3A_551] : memref<2x4x50x64xf32, #tpu.memory_space<vmem>> -> memref<1x4x50x64xf32, #tpu.memory_space<vmem>>
      %dma_start3A_553 = tpu.memref_squeeze %dma_start3A_552 : memref<1x4x50x64xf32, #tpu.memory_space<vmem>> -> memref<4x50x64xf32, #tpu.memory_space<vmem>>
      %dma_start3A_554 = arith.constant 0 : i32
      %dma_start3A_555 = arith.constant 0 : i32
      %dma_start3A_556 = tpu.memref_slice %arg5[%add3A_546, %dma_start3A_554, %dma_start3A_555] : memref<4096x50x64xf32, #tpu.memory_space<hbm>> -> memref<4x50x64xf32, #tpu.memory_space<hbm>>
      %dma_start3A_557 = tpu.memref_slice %arg12[%dma_start3A_548] : memref<2x!tpu.dma_semaphore, #tpu.memory_space<semaphore_mem>> -> memref<1x!tpu.dma_semaphore, #tpu.memory_space<semaphore_mem>>
      %dma_start3A_558 = tpu.memref_squeeze %dma_start3A_557 : memref<1x!tpu.dma_semaphore, #tpu.memory_space<semaphore_mem>> -> memref<!tpu.dma_semaphore, #tpu.memory_space<semaphore_mem>>
      %dma_start3A_559 = arith.constant 0 : i32
      %dma_start3A_560 = arith.constant 0 : i32
      %dma_start3A_561 = tpu.memref_slice %arg5[%add3A_546, %dma_start3A_559, %dma_start3A_560] : memref<4096x50x64xf32, #tpu.memory_space<hbm>> -> memref<4x50x64xf32, #tpu.memory_space<hbm>>
      %dma_start3A_562 = arith.constant 0 : i32
      %dma_start3A_563 = arith.constant 0 : i32
      %dma_start3A_564 = arith.constant 0 : i32
      %dma_start3A_565 = tpu.memref_slice %arg9[%dma_start3A_547, %dma_start3A_562, %dma_start3A_563, %dma_start3A_564] : memref<2x4x50x64xf32, #tpu.memory_space<vmem>> -> memref<1x4x50x64xf32, #tpu.memory_space<vmem>>
      %dma_start3A_566 = tpu.memref_squeeze %dma_start3A_565 : memref<1x4x50x64xf32, #tpu.memory_space<vmem>> -> memref<4x50x64xf32, #tpu.memory_space<vmem>>
      tpu.enqueue_dma source(%dma_start3A_566 : memref<4x50x64xf32, #tpu.memory_space<vmem>>) target(%dma_start3A_561 : memref<4x50x64xf32, #tpu.memory_space<hbm>>) target_semaphore(%dma_start3A_558 : memref<!tpu.dma_semaphore, #tpu.memory_space<semaphore_mem>>)
      %lt3A_567 = arith.constant 15 : i32
      %lt3A_568 = arith.cmpi slt, %scan3A_450, %lt3A_567 : i32
      %convert_element_type3A_569 = arith.extui %lt3A_568 : i1 to i32
      %cond3A_570 = arith.constant 0 : i32
      %cond3A_571 = arith.cmpi ne, %convert_element_type3A_569, %cond3A_570 : i32
      scf.if %cond3A_571 {
        %dma_wait3A_572 = arith.constant 1 : i32
        %dma_wait3A_573 = arith.constant 1 : i32
        %dma_wait3A_574 = arith.constant 0 : i32
        %dma_wait3A_575 = arith.constant 0 : i32
        %dma_wait3A_576 = tpu.memref_slice %arg6[%dma_wait3A_572, %dma_wait3A_574, %dma_wait3A_575] : memref<2x5x40xi32, #tpu.memory_space<vmem>> -> memref<1x5x40xi32, #tpu.memory_space<vmem>>
        %dma_wait3A_577 = tpu.memref_squeeze %dma_wait3A_576 : memref<1x5x40xi32, #tpu.memory_space<vmem>> -> memref<5x40xi32, #tpu.memory_space<vmem>>
        %dma_wait3A_578 = arith.constant 0 : i32
        %dma_wait3A_579 = arith.constant 0 : i32
        %dma_wait3A_580 = arith.constant 0 : i32
        %dma_wait3A_581 = tpu.memref_slice %arg3[%dma_wait3A_578, %dma_wait3A_579, %dma_wait3A_580] : memref<1024x5x40xi32, #tpu.memory_space<hbm>> -> memref<1x5x40xi32, #tpu.memory_space<hbm>>
        %dma_wait3A_582 = tpu.memref_slice %arg10[%dma_wait3A_573] : memref<2x!tpu.dma_semaphore, #tpu.memory_space<semaphore_mem>> -> memref<1x!tpu.dma_semaphore, #tpu.memory_space<semaphore_mem>>
        %dma_wait3A_583 = tpu.memref_squeeze %dma_wait3A_582 : memref<1x!tpu.dma_semaphore, #tpu.memory_space<semaphore_mem>> -> memref<!tpu.dma_semaphore, #tpu.memory_space<semaphore_mem>>
        %dma_wait3A_584 = arith.constant 0 : i32
        %dma_wait3A_585 = arith.constant 0 : i32
        %dma_wait3A_586 = tpu.memref_slice %arg6[%dma_wait3A_572, %dma_wait3A_584, %dma_wait3A_585] : memref<2x5x40xi32, #tpu.memory_space<vmem>> -> memref<1x5x40xi32, #tpu.memory_space<vmem>>
        %dma_wait3A_587 = tpu.memref_squeeze %dma_wait3A_586 : memref<1x5x40xi32, #tpu.memory_space<vmem>> -> memref<5x40xi32, #tpu.memory_space<vmem>>
        %dma_wait3A_588 = arith.constant 0 : i32
        %dma_wait3A_589 = arith.constant 0 : i32
        %dma_wait3A_590 = arith.constant 0 : i32
        %dma_wait3A_591 = tpu.memref_slice %arg3[%dma_wait3A_588, %dma_wait3A_589, %dma_wait3A_590] : memref<1024x5x40xi32, #tpu.memory_space<hbm>> -> memref<1x5x40xi32, #tpu.memory_space<hbm>>
        tpu.wait_dma2 semaphore(%dma_wait3A_583 : memref<!tpu.dma_semaphore, #tpu.memory_space<semaphore_mem>>) src(%dma_wait3A_591 : memref<1x5x40xi32, #tpu.memory_space<hbm>>) dst(%dma_wait3A_587 : memref<5x40xi32, #tpu.memory_space<vmem>>)
        %dma_wait3A_592 = arith.constant 1 : i32
        %dma_wait3A_593 = arith.constant 1 : i32
        %dma_wait3A_594 = arith.constant 0 : i32
        %dma_wait3A_595 = arith.constant 0 : i32
        %dma_wait3A_596 = tpu.memref_slice %arg7[%dma_wait3A_592, %dma_wait3A_594, %dma_wait3A_595] : memref<2x50x128xf32, #tpu.memory_space<vmem>> -> memref<1x50x128xf32, #tpu.memory_space<vmem>>
        %dma_wait3A_597 = tpu.memref_squeeze %dma_wait3A_596 : memref<1x50x128xf32, #tpu.memory_space<vmem>> -> memref<50x128xf32, #tpu.memory_space<vmem>>
        %dma_wait3A_598 = arith.constant 0 : i32
        %dma_wait3A_599 = arith.constant 0 : i32
        %dma_wait3A_600 = arith.constant 0 : i32
        %dma_wait3A_601 = tpu.memref_slice %arg4[%dma_wait3A_598, %dma_wait3A_599, %dma_wait3A_600] : memref<1024x50x128xf32, #tpu.memory_space<hbm>> -> memref<1x50x128xf32, #tpu.memory_space<hbm>>
        %dma_wait3A_602 = tpu.memref_slice %arg10[%dma_wait3A_593] : memref<2x!tpu.dma_semaphore, #tpu.memory_space<semaphore_mem>> -> memref<1x!tpu.dma_semaphore, #tpu.memory_space<semaphore_mem>>
        %dma_wait3A_603 = tpu.memref_squeeze %dma_wait3A_602 : memref<1x!tpu.dma_semaphore, #tpu.memory_space<semaphore_mem>> -> memref<!tpu.dma_semaphore, #tpu.memory_space<semaphore_mem>>
        %dma_wait3A_604 = arith.constant 0 : i32
        %dma_wait3A_605 = arith.constant 0 : i32
        %dma_wait3A_606 = tpu.memref_slice %arg7[%dma_wait3A_592, %dma_wait3A_604, %dma_wait3A_605] : memref<2x50x128xf32, #tpu.memory_space<vmem>> -> memref<1x50x128xf32, #tpu.memory_space<vmem>>
        %dma_wait3A_607 = tpu.memref_squeeze %dma_wait3A_606 : memref<1x50x128xf32, #tpu.memory_space<vmem>> -> memref<50x128xf32, #tpu.memory_space<vmem>>
        %dma_wait3A_608 = arith.constant 0 : i32
        %dma_wait3A_609 = arith.constant 0 : i32
        %dma_wait3A_610 = arith.constant 0 : i32
        %dma_wait3A_611 = tpu.memref_slice %arg4[%dma_wait3A_608, %dma_wait3A_609, %dma_wait3A_610] : memref<1024x50x128xf32, #tpu.memory_space<hbm>> -> memref<1x50x128xf32, #tpu.memory_space<hbm>>
        tpu.wait_dma2 semaphore(%dma_wait3A_603 : memref<!tpu.dma_semaphore, #tpu.memory_space<semaphore_mem>>) src(%dma_wait3A_611 : memref<1x50x128xf32, #tpu.memory_space<hbm>>) dst(%dma_wait3A_607 : memref<50x128xf32, #tpu.memory_space<vmem>>)
        %dma_start3A_612 = arith.constant 1 : i32
        %dma_start3A_613 = arith.constant 0 : i32
        %dma_start3A_614 = arith.constant 1 : i32
        %dma_start3A_615 = arith.constant 1 : i32
        %dma_start3A_616 = arith.constant 0 : i32
        %dma_start3A_617 = arith.constant 0 : i32
        %dma_start3A_618 = tpu.memref_slice %arg8[%dma_start3A_614, %dma_start3A_616, %dma_start3A_617] : memref<2x200x128xf32, #tpu.memory_space<vmem>> -> memref<1x200x128xf32, #tpu.memory_space<vmem>>
        %dma_start3A_619 = tpu.memref_squeeze %dma_start3A_618 : memref<1x200x128xf32, #tpu.memory_space<vmem>> -> memref<200x128xf32, #tpu.memory_space<vmem>>
        %dma_start3A_620 = arith.constant 0 : i32
        %dma_start3A_621 = arith.constant 0 : i32
        %dma_start3A_622 = tpu.memref_slice %dma_start3A_619[%dma_start3A_620, %dma_start3A_621] : memref<200x128xf32, #tpu.memory_space<vmem>> -> memref<40x128xf32, #tpu.memory_space<vmem>>
        %dma_start3A_623 = arith.constant 0 : i32
        %dma_start3A_624 = arith.constant 0 : i32
        %dma_start3A_625 = tpu.memref_slice %arg6[%dma_start3A_612, %dma_start3A_623, %dma_start3A_624] : memref<2x5x40xi32, #tpu.memory_space<vmem>> -> memref<1x5x40xi32, #tpu.memory_space<vmem>>
        %dma_start3A_626 = tpu.memref_squeeze %dma_start3A_625 : memref<1x5x40xi32, #tpu.memory_space<vmem>> -> memref<5x40xi32, #tpu.memory_space<vmem>>
        %dma_start3A_627 = arith.constant 0 : i32
        %dma_start3A_628 = tpu.memref_slice %dma_start3A_626[%dma_start3A_613, %dma_start3A_627] : memref<5x40xi32, #tpu.memory_space<vmem>> -> memref<1x40xi32, #tpu.memory_space<vmem>>
        %dma_start3A_629 = tpu.memref_squeeze %dma_start3A_628 : memref<1x40xi32, #tpu.memory_space<vmem>> -> memref<40xi32, #tpu.memory_space<vmem>>
        %dma_start3A_630 = arith.constant 0 : i32
        %dma_start3A_631 = arith.constant 0 : i32
        %dma_start3A_632 = tpu.memref_slice %arg2[%dma_start3A_630, %dma_start3A_631] : memref<50000x128xf32, #tpu.memory_space<hbm>> -> memref<50000x128xf32, #tpu.memory_space<hbm>>
        %dma_start3A_633 = tpu.memref_slice %arg11[%dma_start3A_615] : memref<2x!tpu.dma_semaphore, #tpu.memory_space<semaphore_mem>> -> memref<1x!tpu.dma_semaphore, #tpu.memory_space<semaphore_mem>>
        %dma_start3A_634 = tpu.memref_squeeze %dma_start3A_633 : memref<1x!tpu.dma_semaphore, #tpu.memory_space<semaphore_mem>> -> memref<!tpu.dma_semaphore, #tpu.memory_space<semaphore_mem>>
        tpu.enqueue_indirect_dma source(%dma_start3A_632 : memref<50000x128xf32, #tpu.memory_space<hbm>>) target(%dma_start3A_622 : memref<40x128xf32, #tpu.memory_space<vmem>>) offsets(%dma_start3A_629 : memref<40xi32, #tpu.memory_space<vmem>>) semaphore(%dma_start3A_634 : memref<!tpu.dma_semaphore, #tpu.memory_space<semaphore_mem>>)
        %dma_start3A_635 = arith.constant 1 : i32
        %dma_start3A_636 = arith.constant 1 : i32
        %dma_start3A_637 = arith.constant 1 : i32
        %dma_start3A_638 = arith.constant 1 : i32
        %dma_start3A_639 = arith.constant 0 : i32
        %dma_start3A_640 = arith.constant 0 : i32
        %dma_start3A_641 = tpu.memref_slice %arg8[%dma_start3A_637, %dma_start3A_639, %dma_start3A_640] : memref<2x200x128xf32, #tpu.memory_space<vmem>> -> memref<1x200x128xf32, #tpu.memory_space<vmem>>
        %dma_start3A_642 = tpu.memref_squeeze %dma_start3A_641 : memref<1x200x128xf32, #tpu.memory_space<vmem>> -> memref<200x128xf32, #tpu.memory_space<vmem>>
        %dma_start3A_643 = arith.constant 40 : i32
        %dma_start3A_644 = arith.constant 0 : i32
        %dma_start3A_645 = tpu.memref_slice %dma_start3A_642[%dma_start3A_643, %dma_start3A_644] : memref<200x128xf32, #tpu.memory_space<vmem>> -> memref<40x128xf32, #tpu.memory_space<vmem>>
        %dma_start3A_646 = arith.constant 0 : i32
        %dma_start3A_647 = arith.constant 0 : i32
        %dma_start3A_648 = tpu.memref_slice %arg6[%dma_start3A_635, %dma_start3A_646, %dma_start3A_647] : memref<2x5x40xi32, #tpu.memory_space<vmem>> -> memref<1x5x40xi32, #tpu.memory_space<vmem>>
        %dma_start3A_649 = tpu.memref_squeeze %dma_start3A_648 : memref<1x5x40xi32, #tpu.memory_space<vmem>> -> memref<5x40xi32, #tpu.memory_space<vmem>>
        %dma_start3A_650 = arith.constant 0 : i32
        %dma_start3A_651 = tpu.memref_slice %dma_start3A_649[%dma_start3A_636, %dma_start3A_650] : memref<5x40xi32, #tpu.memory_space<vmem>> -> memref<1x40xi32, #tpu.memory_space<vmem>>
        %dma_start3A_652 = tpu.memref_squeeze %dma_start3A_651 : memref<1x40xi32, #tpu.memory_space<vmem>> -> memref<40xi32, #tpu.memory_space<vmem>>
        %dma_start3A_653 = arith.constant 0 : i32
        %dma_start3A_654 = arith.constant 0 : i32
        %dma_start3A_655 = tpu.memref_slice %arg2[%dma_start3A_653, %dma_start3A_654] : memref<50000x128xf32, #tpu.memory_space<hbm>> -> memref<50000x128xf32, #tpu.memory_space<hbm>>
        %dma_start3A_656 = tpu.memref_slice %arg11[%dma_start3A_638] : memref<2x!tpu.dma_semaphore, #tpu.memory_space<semaphore_mem>> -> memref<1x!tpu.dma_semaphore, #tpu.memory_space<semaphore_mem>>
        %dma_start3A_657 = tpu.memref_squeeze %dma_start3A_656 : memref<1x!tpu.dma_semaphore, #tpu.memory_space<semaphore_mem>> -> memref<!tpu.dma_semaphore, #tpu.memory_space<semaphore_mem>>
        tpu.enqueue_indirect_dma source(%dma_start3A_655 : memref<50000x128xf32, #tpu.memory_space<hbm>>) target(%dma_start3A_645 : memref<40x128xf32, #tpu.memory_space<vmem>>) offsets(%dma_start3A_652 : memref<40xi32, #tpu.memory_space<vmem>>) semaphore(%dma_start3A_657 : memref<!tpu.dma_semaphore, #tpu.memory_space<semaphore_mem>>)
        %dma_start3A_658 = arith.constant 1 : i32
        %dma_start3A_659 = arith.constant 2 : i32
        %dma_start3A_660 = arith.constant 1 : i32
        %dma_start3A_661 = arith.constant 1 : i32
        %dma_start3A_662 = arith.constant 0 : i32
        %dma_start3A_663 = arith.constant 0 : i32
        %dma_start3A_664 = tpu.memref_slice %arg8[%dma_start3A_660, %dma_start3A_662, %dma_start3A_663] : memref<2x200x128xf32, #tpu.memory_space<vmem>> -> memref<1x200x128xf32, #tpu.memory_space<vmem>>
        %dma_start3A_665 = tpu.memref_squeeze %dma_start3A_664 : memref<1x200x128xf32, #tpu.memory_space<vmem>> -> memref<200x128xf32, #tpu.memory_space<vmem>>
        %dma_start3A_666 = arith.constant 80 : i32
        %dma_start3A_667 = arith.constant 0 : i32
        %dma_start3A_668 = tpu.memref_slice %dma_start3A_665[%dma_start3A_666, %dma_start3A_667] : memref<200x128xf32, #tpu.memory_space<vmem>> -> memref<40x128xf32, #tpu.memory_space<vmem>>
        %dma_start3A_669 = arith.constant 0 : i32
        %dma_start3A_670 = arith.constant 0 : i32
        %dma_start3A_671 = tpu.memref_slice %arg6[%dma_start3A_658, %dma_start3A_669, %dma_start3A_670] : memref<2x5x40xi32, #tpu.memory_space<vmem>> -> memref<1x5x40xi32, #tpu.memory_space<vmem>>
        %dma_start3A_672 = tpu.memref_squeeze %dma_start3A_671 : memref<1x5x40xi32, #tpu.memory_space<vmem>> -> memref<5x40xi32, #tpu.memory_space<vmem>>
        %dma_start3A_673 = arith.constant 0 : i32
        %dma_start3A_674 = tpu.memref_slice %dma_start3A_672[%dma_start3A_659, %dma_start3A_673] : memref<5x40xi32, #tpu.memory_space<vmem>> -> memref<1x40xi32, #tpu.memory_space<vmem>>
        %dma_start3A_675 = tpu.memref_squeeze %dma_start3A_674 : memref<1x40xi32, #tpu.memory_space<vmem>> -> memref<40xi32, #tpu.memory_space<vmem>>
        %dma_start3A_676 = arith.constant 0 : i32
        %dma_start3A_677 = arith.constant 0 : i32
        %dma_start3A_678 = tpu.memref_slice %arg2[%dma_start3A_676, %dma_start3A_677] : memref<50000x128xf32, #tpu.memory_space<hbm>> -> memref<50000x128xf32, #tpu.memory_space<hbm>>
        %dma_start3A_679 = tpu.memref_slice %arg11[%dma_start3A_661] : memref<2x!tpu.dma_semaphore, #tpu.memory_space<semaphore_mem>> -> memref<1x!tpu.dma_semaphore, #tpu.memory_space<semaphore_mem>>
        %dma_start3A_680 = tpu.memref_squeeze %dma_start3A_679 : memref<1x!tpu.dma_semaphore, #tpu.memory_space<semaphore_mem>> -> memref<!tpu.dma_semaphore, #tpu.memory_space<semaphore_mem>>
        tpu.enqueue_indirect_dma source(%dma_start3A_678 : memref<50000x128xf32, #tpu.memory_space<hbm>>) target(%dma_start3A_668 : memref<40x128xf32, #tpu.memory_space<vmem>>) offsets(%dma_start3A_675 : memref<40xi32, #tpu.memory_space<vmem>>) semaphore(%dma_start3A_680 : memref<!tpu.dma_semaphore, #tpu.memory_space<semaphore_mem>>)
        %dma_start3A_681 = arith.constant 1 : i32
        %dma_start3A_682 = arith.constant 3 : i32
        %dma_start3A_683 = arith.constant 1 : i32
        %dma_start3A_684 = arith.constant 1 : i32
        %dma_start3A_685 = arith.constant 0 : i32
        %dma_start3A_686 = arith.constant 0 : i32
        %dma_start3A_687 = tpu.memref_slice %arg8[%dma_start3A_683, %dma_start3A_685, %dma_start3A_686] : memref<2x200x128xf32, #tpu.memory_space<vmem>> -> memref<1x200x128xf32, #tpu.memory_space<vmem>>
        %dma_start3A_688 = tpu.memref_squeeze %dma_start3A_687 : memref<1x200x128xf32, #tpu.memory_space<vmem>> -> memref<200x128xf32, #tpu.memory_space<vmem>>
        %dma_start3A_689 = arith.constant 120 : i32
        %dma_start3A_690 = arith.constant 0 : i32
        %dma_start3A_691 = tpu.memref_slice %dma_start3A_688[%dma_start3A_689, %dma_start3A_690] : memref<200x128xf32, #tpu.memory_space<vmem>> -> memref<40x128xf32, #tpu.memory_space<vmem>>
        %dma_start3A_692 = arith.constant 0 : i32
        %dma_start3A_693 = arith.constant 0 : i32
        %dma_start3A_694 = tpu.memref_slice %arg6[%dma_start3A_681, %dma_start3A_692, %dma_start3A_693] : memref<2x5x40xi32, #tpu.memory_space<vmem>> -> memref<1x5x40xi32, #tpu.memory_space<vmem>>
        %dma_start3A_695 = tpu.memref_squeeze %dma_start3A_694 : memref<1x5x40xi32, #tpu.memory_space<vmem>> -> memref<5x40xi32, #tpu.memory_space<vmem>>
        %dma_start3A_696 = arith.constant 0 : i32
        %dma_start3A_697 = tpu.memref_slice %dma_start3A_695[%dma_start3A_682, %dma_start3A_696] : memref<5x40xi32, #tpu.memory_space<vmem>> -> memref<1x40xi32, #tpu.memory_space<vmem>>
        %dma_start3A_698 = tpu.memref_squeeze %dma_start3A_697 : memref<1x40xi32, #tpu.memory_space<vmem>> -> memref<40xi32, #tpu.memory_space<vmem>>
        %dma_start3A_699 = arith.constant 0 : i32
        %dma_start3A_700 = arith.constant 0 : i32
        %dma_start3A_701 = tpu.memref_slice %arg2[%dma_start3A_699, %dma_start3A_700] : memref<50000x128xf32, #tpu.memory_space<hbm>> -> memref<50000x128xf32, #tpu.memory_space<hbm>>
        %dma_start3A_702 = tpu.memref_slice %arg11[%dma_start3A_684] : memref<2x!tpu.dma_semaphore, #tpu.memory_space<semaphore_mem>> -> memref<1x!tpu.dma_semaphore, #tpu.memory_space<semaphore_mem>>
        %dma_start3A_703 = tpu.memref_squeeze %dma_start3A_702 : memref<1x!tpu.dma_semaphore, #tpu.memory_space<semaphore_mem>> -> memref<!tpu.dma_semaphore, #tpu.memory_space<semaphore_mem>>
        tpu.enqueue_indirect_dma source(%dma_start3A_701 : memref<50000x128xf32, #tpu.memory_space<hbm>>) target(%dma_start3A_691 : memref<40x128xf32, #tpu.memory_space<vmem>>) offsets(%dma_start3A_698 : memref<40xi32, #tpu.memory_space<vmem>>) semaphore(%dma_start3A_703 : memref<!tpu.dma_semaphore, #tpu.memory_space<semaphore_mem>>)
        %dma_start3A_704 = arith.constant 1 : i32
        %dma_start3A_705 = arith.constant 4 : i32
        %dma_start3A_706 = arith.constant 1 : i32
        %dma_start3A_707 = arith.constant 1 : i32
        %dma_start3A_708 = arith.constant 0 : i32
        %dma_start3A_709 = arith.constant 0 : i32
        %dma_start3A_710 = tpu.memref_slice %arg8[%dma_start3A_706, %dma_start3A_708, %dma_start3A_709] : memref<2x200x128xf32, #tpu.memory_space<vmem>> -> memref<1x200x128xf32, #tpu.memory_space<vmem>>
        %dma_start3A_711 = tpu.memref_squeeze %dma_start3A_710 : memref<1x200x128xf32, #tpu.memory_space<vmem>> -> memref<200x128xf32, #tpu.memory_space<vmem>>
        %dma_start3A_712 = arith.constant 160 : i32
        %dma_start3A_713 = arith.constant 0 : i32
        %dma_start3A_714 = tpu.memref_slice %dma_start3A_711[%dma_start3A_712, %dma_start3A_713] : memref<200x128xf32, #tpu.memory_space<vmem>> -> memref<40x128xf32, #tpu.memory_space<vmem>>
        %dma_start3A_715 = arith.constant 0 : i32
        %dma_start3A_716 = arith.constant 0 : i32
        %dma_start3A_717 = tpu.memref_slice %arg6[%dma_start3A_704, %dma_start3A_715, %dma_start3A_716] : memref<2x5x40xi32, #tpu.memory_space<vmem>> -> memref<1x5x40xi32, #tpu.memory_space<vmem>>
        %dma_start3A_718 = tpu.memref_squeeze %dma_start3A_717 : memref<1x5x40xi32, #tpu.memory_space<vmem>> -> memref<5x40xi32, #tpu.memory_space<vmem>>
        %dma_start3A_719 = arith.constant 0 : i32
        %dma_start3A_720 = tpu.memref_slice %dma_start3A_718[%dma_start3A_705, %dma_start3A_719] : memref<5x40xi32, #tpu.memory_space<vmem>> -> memref<1x40xi32, #tpu.memory_space<vmem>>
        %dma_start3A_721 = tpu.memref_squeeze %dma_start3A_720 : memref<1x40xi32, #tpu.memory_space<vmem>> -> memref<40xi32, #tpu.memory_space<vmem>>
        %dma_start3A_722 = arith.constant 0 : i32
        %dma_start3A_723 = arith.constant 0 : i32
        %dma_start3A_724 = tpu.memref_slice %arg2[%dma_start3A_722, %dma_start3A_723] : memref<50000x128xf32, #tpu.memory_space<hbm>> -> memref<50000x128xf32, #tpu.memory_space<hbm>>
        %dma_start3A_725 = tpu.memref_slice %arg11[%dma_start3A_707] : memref<2x!tpu.dma_semaphore, #tpu.memory_space<semaphore_mem>> -> memref<1x!tpu.dma_semaphore, #tpu.memory_space<semaphore_mem>>
        %dma_start3A_726 = tpu.memref_squeeze %dma_start3A_725 : memref<1x!tpu.dma_semaphore, #tpu.memory_space<semaphore_mem>> -> memref<!tpu.dma_semaphore, #tpu.memory_space<semaphore_mem>>
        tpu.enqueue_indirect_dma source(%dma_start3A_724 : memref<50000x128xf32, #tpu.memory_space<hbm>>) target(%dma_start3A_714 : memref<40x128xf32, #tpu.memory_space<vmem>>) offsets(%dma_start3A_721 : memref<40xi32, #tpu.memory_space<vmem>>) semaphore(%dma_start3A_726 : memref<!tpu.dma_semaphore, #tpu.memory_space<semaphore_mem>>)
      } else {
      }
    }
    %scan3A_405 = arith.constant 16 : i32
    %dma_wait3A_406 = arith.constant 0 : i32
    %dma_wait3A_407 = arith.constant 0 : i32
    %dma_wait3A_408 = arith.constant 0 : i32
    %dma_wait3A_409 = arith.constant 0 : i32
    %dma_wait3A_410 = arith.constant 0 : i32
    %dma_wait3A_411 = tpu.memref_slice %arg9[%dma_wait3A_406, %dma_wait3A_408, %dma_wait3A_409, %dma_wait3A_410] : memref<2x4x50x64xf32, #tpu.memory_space<vmem>> -> memref<1x4x50x64xf32, #tpu.memory_space<vmem>>
    %dma_wait3A_412 = tpu.memref_squeeze %dma_wait3A_411 : memref<1x4x50x64xf32, #tpu.memory_space<vmem>> -> memref<4x50x64xf32, #tpu.memory_space<vmem>>
    %dma_wait3A_413 = arith.constant 0 : i32
    %dma_wait3A_414 = arith.constant 0 : i32
    %dma_wait3A_415 = arith.constant 0 : i32
    %dma_wait3A_416 = tpu.memref_slice %arg5[%dma_wait3A_413, %dma_wait3A_414, %dma_wait3A_415] : memref<4096x50x64xf32, #tpu.memory_space<hbm>> -> memref<4x50x64xf32, #tpu.memory_space<hbm>>
    %dma_wait3A_417 = tpu.memref_slice %arg12[%dma_wait3A_407] : memref<2x!tpu.dma_semaphore, #tpu.memory_space<semaphore_mem>> -> memref<1x!tpu.dma_semaphore, #tpu.memory_space<semaphore_mem>>
    %dma_wait3A_418 = tpu.memref_squeeze %dma_wait3A_417 : memref<1x!tpu.dma_semaphore, #tpu.memory_space<semaphore_mem>> -> memref<!tpu.dma_semaphore, #tpu.memory_space<semaphore_mem>>
    %dma_wait3A_419 = arith.constant 0 : i32
    %dma_wait3A_420 = arith.constant 0 : i32
    %dma_wait3A_421 = arith.constant 0 : i32
    %dma_wait3A_422 = tpu.memref_slice %arg5[%dma_wait3A_419, %dma_wait3A_420, %dma_wait3A_421] : memref<4096x50x64xf32, #tpu.memory_space<hbm>> -> memref<4x50x64xf32, #tpu.memory_space<hbm>>
    %dma_wait3A_423 = arith.constant 0 : i32
    %dma_wait3A_424 = arith.constant 0 : i32
    %dma_wait3A_425 = arith.constant 0 : i32
    %dma_wait3A_426 = tpu.memref_slice %arg9[%dma_wait3A_406, %dma_wait3A_423, %dma_wait3A_424, %dma_wait3A_425] : memref<2x4x50x64xf32, #tpu.memory_space<vmem>> -> memref<1x4x50x64xf32, #tpu.memory_space<vmem>>
    %dma_wait3A_427 = tpu.memref_squeeze %dma_wait3A_426 : memref<1x4x50x64xf32, #tpu.memory_space<vmem>> -> memref<4x50x64xf32, #tpu.memory_space<vmem>>
    tpu.wait_dma2 semaphore(%dma_wait3A_418 : memref<!tpu.dma_semaphore, #tpu.memory_space<semaphore_mem>>) src(%dma_wait3A_427 : memref<4x50x64xf32, #tpu.memory_space<vmem>>) dst(%dma_wait3A_422 : memref<4x50x64xf32, #tpu.memory_space<hbm>>)
    %dma_wait3A_428 = arith.constant 1 : i32
    %dma_wait3A_429 = arith.constant 1 : i32
    %dma_wait3A_430 = arith.constant 0 : i32
    %dma_wait3A_431 = arith.constant 0 : i32
    %dma_wait3A_432 = arith.constant 0 : i32
    %dma_wait3A_433 = tpu.memref_slice %arg9[%dma_wait3A_428, %dma_wait3A_430, %dma_wait3A_431, %dma_wait3A_432] : memref<2x4x50x64xf32, #tpu.memory_space<vmem>> -> memref<1x4x50x64xf32, #tpu.memory_space<vmem>>
    %dma_wait3A_434 = tpu.memref_squeeze %dma_wait3A_433 : memref<1x4x50x64xf32, #tpu.memory_space<vmem>> -> memref<4x50x64xf32, #tpu.memory_space<vmem>>
    %dma_wait3A_435 = arith.constant 0 : i32
    %dma_wait3A_436 = arith.constant 0 : i32
    %dma_wait3A_437 = arith.constant 0 : i32
    %dma_wait3A_438 = tpu.memref_slice %arg5[%dma_wait3A_435, %dma_wait3A_436, %dma_wait3A_437] : memref<4096x50x64xf32, #tpu.memory_space<hbm>> -> memref<4x50x64xf32, #tpu.memory_space<hbm>>
    %dma_wait3A_439 = tpu.memref_slice %arg12[%dma_wait3A_429] : memref<2x!tpu.dma_semaphore, #tpu.memory_space<semaphore_mem>> -> memref<1x!tpu.dma_semaphore, #tpu.memory_space<semaphore_mem>>
    %dma_wait3A_440 = tpu.memref_squeeze %dma_wait3A_439 : memref<1x!tpu.dma_semaphore, #tpu.memory_space<semaphore_mem>> -> memref<!tpu.dma_semaphore, #tpu.memory_space<semaphore_mem>>
    %dma_wait3A_441 = arith.constant 0 : i32
    %dma_wait3A_442 = arith.constant 0 : i32
    %dma_wait3A_443 = arith.constant 0 : i32
    %dma_wait3A_444 = tpu.memref_slice %arg5[%dma_wait3A_441, %dma_wait3A_442, %dma_wait3A_443] : memref<4096x50x64xf32, #tpu.memory_space<hbm>> -> memref<4x50x64xf32, #tpu.memory_space<hbm>>
    %dma_wait3A_445 = arith.constant 0 : i32
    %dma_wait3A_446 = arith.constant 0 : i32
    %dma_wait3A_447 = arith.constant 0 : i32
    %dma_wait3A_448 = tpu.memref_slice %arg9[%dma_wait3A_428, %dma_wait3A_445, %dma_wait3A_446, %dma_wait3A_447] : memref<2x4x50x64xf32, #tpu.memory_space<vmem>> -> memref<1x4x50x64xf32, #tpu.memory_space<vmem>>
    %dma_wait3A_449 = tpu.memref_squeeze %dma_wait3A_448 : memref<1x4x50x64xf32, #tpu.memory_space<vmem>> -> memref<4x50x64xf32, #tpu.memory_space<vmem>>
    tpu.wait_dma2 semaphore(%dma_wait3A_440 : memref<!tpu.dma_semaphore, #tpu.memory_space<semaphore_mem>>) src(%dma_wait3A_449 : memref<4x50x64xf32, #tpu.memory_space<vmem>>) dst(%dma_wait3A_444 : memref<4x50x64xf32, #tpu.memory_space<hbm>>)
    return
  }
}

</mosaic_0001>

<sc_bundles>
// kernel: kernel.3.cloned.1.call-start
scs
__scs_entry_jumppad:
0x0: {  	(pc) =	sbr.rel $0x88, $3  }
0x1: {  	(tag) =	ssettag $0x0;
	lr =	simm.s32 $0x1  }
0x2: {  	[smem:$0x3F9F] =	sst lr;
	_ =	strace $0xD0000000  }
0x3: {  	_ = 	snop  }
0x4: {  	_ = 	snop  }
0x5: {  	_ = 	snop  }
0x6: {  	_ = 	snop  }
0x7: {  	_ = 	snop  }
__scs_overlays_trampoline_lowered:
0x8: {  	[smem:$0x3FAE] =	sst s0  }
0x9: {  	[smem:$0x3FAF] =	sst s1  }
0xa: {  	[smem:$0x3FB0] =	sst s2  }
0xb: {  	[smem:$0x3FB1] =	sst s3  }
0xc: {  	[smem:$0x3FB2] =	sst s4  }
0xd: {  	[smem:$0x3FB3] =	sst s5  }
0xe: {  	[smem:$0x3FB4] =	sst s6  }
0xf: {  	[smem:$0x3FB5] =	sst s7  }
0x10: {  	[smem:$0x3FB6] =	sst s8  }
0x11: {  	[smem:$0x3FB7] =	sst s9;
	s0 =	simm.s32 @!p0 $0x0  }
0x12: {  	s1 =	sld [smem:$0x3F9D];
	s0 =	simm.s32 @p0 $0x1  }
0x13: {  	[smem:$0x3FB8] =	sst s0;
	s0 =	simm.s32 @!p1 $0x0  }
0x14: {  	s2 =	sld [smem:$0x3F9C];
	s0 =	simm.s32 @p1 $0x1  }
0x15: {  	[smem:$0x3FB9] =	sst s0;
	s0 =	simm.s32 @!p2 $0x0  }
0x16: {  	s3 =	sld [smem:$0x3FDB];
	s0 =	simm.s32 @p2 $0x1  }
0x17: {  	s4 =	simm.s32 $0x1BF5;
	[smem:$0x3FBB] =	sst s0  }
0x18: {  	s0 =	sld [smem:$0x3F9E];
	_ =	swait.ge [sflag:s4], $0x0  }
0x19: {  	s7 =	sld [smem:$0x3F9F]  }
0x1a: {  	s8 =	sadd.s32 $0xFFFFE003, lr  }
0x1b: {  	s9 =	sadd.s32 $0xFFFFFEF7, lr;
	s5 =	simm.s32 $0xFFFFFFFF;
	p2 =	slt.u32 s8, $0xFFFFF086  }
0x1c: {  	p1 =	slt.u32 s9, $0xF7A;
	s5 =	simm.s32 @!p2 $0x0  }
0x1d: {  	s5 =	simm.s32 @p1 $0x1;
	p0 =	seq.s32 s7, s2  }
0x1e: {  	s7 =	smul.u32 @!p0 $0xF7A, s2;
	p2 =	seq.s32 @!p0 s5, $0x0  }
0x1f: {  	s9 =	smul.u32 $0xF7A, s1;
	s8 =	simm.s32 @!p0 $0x1BF5;
	p2 =	por !p2, p0  }
0x20: {  	[sflag:s8] =	ssyncset.s32 @!p0 $0xFFFFF086;
	s6 =	sadd.s32 @!p0 s3, s7;
	s7 =	simm.s32 @!p0 $0x108  }
0x21: {  	s3 =	sadd.s32 s3, s9;
	s6 =	sadd.s32 @!p0 $0x88, s6;
	s7 =	simm.s32 @p2 $0x1082  }
0x22: {  	[simem:s7], [sflag:s8] =	dma.local @!p0 [hbm:s6], $0xF7A  }
0x23: {  	s9 =	sor.u32 $0xD0000000, s2;
	s6 =	simm.s32 $0x108;
	_ =	swait.ge @!p0 [sflag:s8], $0x0  }
0x24: {  	s3 =	sadd.s32 $0x88, s3;
	s6 =	simm.s32 @!p1 $0x1082;
	[sflag:s4] =	ssyncset.s32 $0xFFFFF086  }
0x25: {  	[simem:s6], [sflag:s4] =	dma.local [hbm:s3], $0xF7A  }
0x26: {  	[smem:$0x3F9F] =	sst s1;
	(tag) =	ssettag s2;
	_ =	strace s9  }
0x27: {  	s1 =	sld [smem:$0x3FAF]  }
0x28: {  	s2 =	sld [smem:$0x3FB0]  }
0x29: {  	s4 =	sld [smem:$0x3FB2]  }
0x2a: {  	p0 =	seq.s32 s5, $0x0;
	s5 =	sld [smem:$0x3FB3]  }
0x2b: {  	s6 =	sld [smem:$0x3FB4]  }
0x2c: {  	s7 =	sld [smem:$0x3FB5]  }
0x2d: {  	s3 =	simm.s32 $0x108;
	s8 =	sld [smem:$0x3FB6]  }
0x2e: {  	s3 =	simm.s32 @!p0 $0x1082;
	s9 =	sld [smem:$0x3FB7]  }
0x2f: {  	lr =	sadd.s32 s0, s3;
	s0 =	sld [smem:$0x3FAE]  }
0x30: {  	s3 =	sld [smem:$0x3FB1]  }
0x31: {  	[smem:$0x3FBA] =	sst s10  }
0x32: {  	s10 =	sld [smem:$0x3FB8];
	_ =	sdelay $0x3  }
0x33: {  	p0 =	seq.s32 s10, $0x1;
	s10 =	sld [smem:$0x3FBA];
	_ =	sdelay $0x3  }
0x34: {  	[smem:$0x3FBA] =	sst s10  }
0x35: {  	s10 =	sld [smem:$0x3FB9];
	_ =	sdelay $0x3  }
0x36: {  	p1 =	seq.s32 s10, $0x1;
	s10 =	sld [smem:$0x3FBA];
	_ =	sdelay $0x3  }
0x37: {  	[smem:$0x3FBA] =	sst s10  }
0x38: {  	s10 =	sld [smem:$0x3FBB]  }
0x39: {  	_ = 	snop;
	(pc) =	sbr.ind lr, $3  }
0x3a: {  	_ = 	snop  }
0x3b: {  	_ = 	snop  }
0x3c: {  	p2 =	seq.s32 s10, $0x1;
	s10 =	sld [smem:$0x3FBA]  }
0x3d: {  	_ =	shalt  }
0x3e: {  	_ =	shalt  }
0x3f: {  	_ =	shalt  }
0x40: {  	_ =	shalt  }
0x41: {  	_ =	shalt  }
0x42: {  	_ =	shalt  }
0x43: {  	_ =	shalt  }
0x44: {  	_ =	shalt  }
0x45: {  	_ =	shalt  }
0x46: {  	_ =	shalt  }
0x47: {  	_ =	shalt  }
0x48: {  	_ =	shalt  }
0x49: {  	_ =	shalt  }
0x4a: {  	_ =	shalt  }
0x4b: {  	_ =	shalt  }
0x4c: {  	_ =	shalt  }
0x4d: {  	_ =	shalt  }
0x4e: {  	_ =	shalt  }
0x4f: {  	_ =	shalt  }
0x50: {  	_ =	shalt  }
0x51: {  	_ =	shalt  }
0x52: {  	_ =	shalt  }
0x53: {  	_ =	shalt  }
0x54: {  	_ =	shalt  }
0x55: {  	_ =	shalt  }
0x56: {  	_ =	shalt  }
0x57: {  	_ =	shalt  }
0x58: {  	_ =	shalt  }
0x59: {  	_ =	shalt  }
0x5a: {  	_ =	shalt  }
0x5b: {  	_ =	shalt  }
0x5c: {  	_ =	shalt  }
0x5d: {  	_ =	shalt  }
0x5e: {  	_ =	shalt  }
0x5f: {  	_ =	shalt  }
0x60: {  	_ =	shalt  }
0x61: {  	_ =	shalt  }
0x62: {  	_ =	shalt  }
0x63: {  	_ =	shalt  }
0x64: {  	_ =	shalt  }
0x65: {  	_ =	shalt  }
0x66: {  	_ =	shalt  }
0x67: {  	_ =	shalt  }
0x68: {  	_ =	shalt  }
0x69: {  	_ =	shalt  }
0x6a: {  	_ =	shalt  }
0x6b: {  	_ =	shalt  }
0x6c: {  	_ =	shalt  }
0x6d: {  	_ =	shalt  }
0x6e: {  	_ =	shalt  }
0x6f: {  	_ =	shalt  }
0x70: {  	_ =	shalt  }
0x71: {  	_ =	shalt  }
0x72: {  	_ =	shalt  }
0x73: {  	_ =	shalt  }
0x74: {  	_ =	shalt  }
0x75: {  	_ =	shalt  }
0x76: {  	_ =	shalt  }
0x77: {  	_ =	shalt  }
0x78: {  	_ =	shalt  }
0x79: {  	_ =	shalt  }
0x7a: {  	_ =	shalt  }
0x7b: {  	_ =	shalt  }
0x7c: {  	_ =	shalt  }
0x7d: {  	_ =	shalt  }
0x7e: {  	_ =	shalt  }
0x7f: {  	_ =	shalt  }
0x80: {  	_ =	shalt  }
0x81: {  	_ =	shalt  }
0x82: {  	_ =	shalt  }
0x83: {  	_ =	shalt  }
0x84: {  	_ =	shalt  }
0x85: {  	_ =	shalt  }
0x86: {  	_ =	shalt  }
0x87: {  	_ =	shalt  }
.Lfunc_end0:
.L_simem_size_0:
called_computation_lowered:
.L_overlay_start_0:
0x88: {  	s2 =	sld [smem:$0x3FD9]  }
0x89: {  	s3 =	sld [smem:$0x3FFE];
	_ =	sdelay $0x1  }
0x8a: {  	s1 =	srdreg.scid  }
0x8b: {  	s0 =	sand.u32 $0x1, s1  }
0x8c: {  	s16 =	sshll.u32 s0, $0xA;
	s2 =	sadd.s32 s3, s2  }
0x8d: {  	s2 =	sadd.s32 s2, s16  }
0x8e: {  	[smem:$0x3FC6] =	sst s2  }
0x8f: {  	_ = 	snop  }
0x90: {  	(tm) =	ssettm $0x1  }
0x91: {  	s17 =	sld [smem:$0x3FFB];
	_ =	sdelay $0x3  }
0x92: {  	_ =	strace s17  }
0x93: {  	s2 =	sld [smem:$0x3FFC];
	_ =	sdelay $0x3  }
0x94: {  	_ =	strace s2  }
0x95: {  	s2 =	sld [smem:$0x3FFD];
	_ =	sdelay $0x3  }
0x96: {  	_ =	strace s2  }
0x97: {  	_ =	strace $0x8FFFFFFF  }
0x98: {  	s18 =	sld [smem:$0x3FDB];
	_ =	sdelay $0x1  }
0x99: {  	s19 =	simm.s32 $_scs_section_size  }
0x9a: {  	s4 =	simm.s32 $_size__tile_overlayer_lowered;
	s5 =	simm.s32 $_tile_overlayer_lowered  }
0x9b: {  	s22 =	simm.s32 $0x1BFF;
	s21 =	sshll.u32 s5, $0x1;
	s2 =	sadd.s32 s19, s18  }
0x9c: {  	s6 =	simm.s32 $0x0;
	s20 =	sshll.u32 s4, $0x1;
	s4 =	sadd.s32 s21, s2  }
0x9d: {  	[timem:s6], [sflag:s22] =	dma.local [hbm:s4], s20  }
0x9e: {  	_ =	swait.ge [sflag:s22], s20  }
0x9f: {  	s3 =	ssub.s32 $0x0, s20;
	[sflag:s22] =	ssyncset.done $0x0  }
0xa0: {  	[sflag:s22] =	ssyncadd.s32 s3;
	_ =	sdelay $0x1  }
0xa1: {  	s23 =	simm.s32 $0x1B8B  }
0xa2: {  	_ =	swait.ge [sflag:s23], $0x1  }
0xa3: {  	[sflag:s23] =	ssyncset.done $0x0  }
0xa4: {  	s25 =	simm.s32 $0x1B8E;
	s24 =	sld [smem:$0x3FFE];
	[sflag:s23] =	ssyncadd.s32 $0xFFFFFFFF  }
0xa5: {  	s26 =	simm.s32 $execute0_lowered;
	[smem:$0x3FD2] =	sst s25  }
0xa6: {  	s4 =	sshll.u32 s26, $0x1;
	_ =	strace $0x80000046;
	[dreg:$0x1] =	wrdreg $0xFFFFFFFF  }
0xa7: {  	s28 =	simm.s32 $_size_execute0_lowered;
	s2 =	sadd.s32 s2, s4;
	[dreg:$0x0] =	wrdreg $0x0  }
0xa8: {  	s4 =	sshll.u32 s28, $0x1;
	[dreg:$0x2] =	wrdreg s2  }
0xa9: {  	[dreg:$0x3] =	wrdreg s4  }
0xaa: {  	[dreg:$0x4] =	wrdreg $0xC0  }
0xab: {  	_ =	task [dreg:s6], $0x5FFFF  }
0xac: {  	[dreg:$0x1] =	wrdreg $0xFFFFFFFF  }
0xad: {  	[dreg:$0x0] =	wrdreg $0x60  }
0xae: {  	[dreg:$0x2] =	wrdreg s24  }
0xaf: {  	[dreg:$0x3] =	wrdreg $0x9  }
0xb0: {  	_ =	task.clear_ibuf [dreg:s6], $0x4FFFF;
	_ =	strace $0x90000046  }
0xb1: {  	s29 =	simm.s32 $0x9;
	_ =	strace $0x80000048  }
0xb2: {  	_ =	swait.ge [sflag:s29], $0x1  }
0xb3: {  	[sflag:s29] =	ssyncadd.s32 $0xFFFFFFFF  }
0xb4: {  	_ =	strace $0x90000048  }
0xb5: {  	_ =	sfence  }
0xb6: {  	s30 =	sld [smem:$0x0];
	_ =	sdelay $0x2  }
0xb7: {  	s31 =	sshll.u32 s1, $0xD;
	s1 =	sshrl.u32 s1, $0x2  }
0xb8: {  	s3 =	sand.u32 $0x4000, s31;
	s1 =	sadd.s32 s1, s30  }
0xb9: {  	s0 =	sor.u32 s3, s0;
	s1 =	sshll.u32 s1, $0x11  }
0xba: {  	s0 =	sor.u32 s1, s0  }
0xbb: {  	s0 =	sadd.s32 $0x8F2B, s0  }
0xbc: {  	[sflag:s0] =	ssyncadd.remote.s32 $0x1  }
0xbd: {  	_ =	sfence.sel $0xFFFF  }
0xbe: {  	[dreg:$0x0] =	wrdreg $0xFFFFFFFF;
	(pc) =	sbr.abs _section_cstart, $3  }
0xbf: {  	[dreg:$0x1] =	wrdreg $0xFFFFFFFF  }
0xc0: {  	_ =	task.clear_ibuf [dreg:s6], $0x2FFFF;
	_ =	strace $0x9FFFFFFF  }
0xc1: {  	(tm) =	ssettm $0x7FFFFFFF  }
tec
execute0_lowered:
.L_overlay_start_1:
0x0: {  	(tag) =	ssettag $0x1  }
0x1: {  	s1 =	rddreg [dreg:$0x0]  }
0x2: {  	s3 =	simm.s32 $0x0;
	s0 =	srdreg.scid;
	s2 =	stileid.u32  }
0x3: {  	s16 =	simm.s32 $0x400;
	s18 =	simm.s32 $0x1;
	s19 =	simm.s32 $0x28  }
0x4: {  	s30 =	simm.s32 $0x2;
	s14 =	simm.s32 $0x3;
	s20 =	simm.s32 $0x10800  }
0x5: {  	s21 =	simm.s32 $0x12400;
	s28 =	simm.s32 $0x19400;
	s29 =	simm.s32 $0x1B000  }
0x6: {  	s31 =	simm.s32 $0x1CC00;
	[smem:$0x7FF] =	sst s3;
	s4 =	sadd.s32 $0x20000, s1  }
0x7: {  	s0 =	sand.u32 $0x1, s0;
	s2 =	sshll.u32 s2, $0x1;
	s5 =	sadd.s32 $0xE3600, s1  }
0x8: {  	s6 =	sadd.s32 $0x1C3600, s1;
	s7 =	ssub.s32 $0x2, s0;
	s0 =	sor.u32 s0, s2  }
0x9: {  	_ =	strace $0x80000047;
	s22 =	sshrl.u32 s7, $0x1;
	s8 =	sshll.u32 s0, $0x5  }
0xa: {  	s9 =	smul.u32 $0x7000, s0;
	s2 =	ssub.s32 s7, s22;
	s10 =	sor.u32 $0x1, s8  }
0xb: {  	s7 =	sshll.u32 s0, $0x7;
	s0 =	sshll.u32 s0, $0xC;
	s12 =	sor.u32 $0x2, s8  }
0xc: {  	s13 =	sor.u32 $0x3, s8;
	s22 =	simm.s32 $0x14000;
	s11 =	smul.u32 $0x380, s10  }
0xd: {  	s0 =	sadd.s32 s1, s0;
	s23 =	sadd.s32 s5, s9;
	s24 =	sshll.u32 s10, $0x7  }
.Ltmp0:
0xe: {  	s26 =	smax.u32 s2, $0x1;
	[dreg:$0x2] =	wrdreg s0;
	(pc) =	sbr.rel .LBB2_1-.Ltmp0, $4  }
0xf: {  	s2 =	simm.s32 $0x0;
	[dreg:$0x3] =	wrdreg s23;
	s0 =	sadd.s32 s1, s24  }
0x10: {  	[dreg:$0x6] =	wrdreg s26;
	s23 =	simm.s32 $0x15C00;
	s24 =	simm.s32 $0x4  }
0x11: {  	s26 =	simm.s32 $0x17800;
	[dreg:$0x4] =	wrdreg s0;
	s25 =	sadd.s32 s5, s11  }
0x12: {  	s11 =	simm.s32 $0xF400;
	[dreg:$0x5] =	wrdreg s25;
	s25 =	simm.s32 $0x6  }
.LBB2_12:
0x13: {  	s0 =	simm.s32 $0x5  }
0x14: {  	_ =	swait.ge [sflag:s0], $0x6400  }
0x15: {  	[sflag:s0] =	ssyncset.done $0x0  }
0x16: {  	[sflag:s0] =	ssyncadd.s32 $0xFFFF9C00  }
0x17: {  	_ =	swait.ge [sflag:s25], $0x6400  }
0x18: {  	s2 =	rddreg [dreg:$0x7]  }
0x19: {  	s17 =	rddreg [dreg:$0x6];
	s2 =	sadd.s32 $0x1, s2  }
0x1a: {  	p0 =	sne.s32 s2, s17  }
.Ltmp1:
0x1b: {  	_ = 	snop;
	(pc) =	sbr.rel @!p0 .LBB2_13-.Ltmp1, $3  }
0x1c: {  	_ =	sdelay $0x1  }
0x1d: {  	[sflag:s25] =	ssyncset.done $0x0  }
0x1e: {  	[sflag:s25] =	ssyncadd.s32 $0xFFFF9C00  }
.LBB2_1:
0x1f: {  	[dreg:$0x7] =	wrdreg s2  }
0x20: {  	s0 =	rddreg [dreg:$0x2]  }
0x21: {  	[tilespmem:s3], [sflag:$0x1] =	stream.linear.gather [hbm4b:s0+s3], $0x280, $0x38;
	[tilespmem:$0x1E800] =	vst v63  }
0x22: {  	s2 =	rddreg [dreg:$0x3];
	s8 =	simm.s32 $0x800  }
0x23: {  	[tilespmem:s8], [sflag:$0x1] =	stream.linear.gather [hbm4b:s2+s3], $0x1900, $0x38;
	[tilespmem:$0x1E800] =	vst v63  }
0x24: {  	s9 =	rddreg [dreg:$0x4]  }
0x25: {  	[tilespmem:s16], [sflag:$0x2] =	stream.linear.gather [hbm4b:s9+s3], $0x280, $0x38;
	[tilespmem:$0x1E800] =	vst v63  }
0x26: {  	s10 =	rddreg [dreg:$0x5];
	s15 =	simm.s32 $0x2400  }
0x27: {  	[tilespmem:s15], [sflag:$0x2] =	stream.linear.gather [hbm4b:s10+s3], $0x1900, $0x38;
	[tilespmem:$0x1E800] =	vst v63  }
0x28: {  	_ =	swait.ge [sflag:s18], $0x280  }
0x29: {  	[sflag:s18] =	ssyncset.done $0x0  }
0x2a: {  	[sflag:s18] =	ssyncadd.s32 $0xFFFFFD80  }
0x2b: {  	_ =	swait.ge [sflag:s18], $0x1900  }
0x2c: {  	[sflag:s18] =	ssyncset.done $0x0  }
0x2d: {  	s17 =	simm.s32 $0x4000;
	[sflag:s18] =	ssyncadd.s32 $0xFFFFE700  }
0x2e: {  	[tilespmem:s17], [sflag:$0x3] =	stream.indirect.gather [hbm4b:s4+s19], $0x80, s3, s19, $0xb8;
	[tilespmem:$0x1E800] =	vst v63  }
0x2f: {  	s2 =	simm.s32 $0x80;
	s8 =	simm.s32 $0x5400  }
0x30: {  	[tilespmem:s8], [sflag:$0x3] =	stream.indirect.gather [hbm4b:s4+s19], $0x80, s2, s19, $0xb8;
	[tilespmem:$0x1E800] =	vst v63  }
0x31: {  	s9 =	simm.s32 $0x100;
	s10 =	simm.s32 $0x6800  }
0x32: {  	[tilespmem:s10], [sflag:$0x3] =	stream.indirect.gather [hbm4b:s4+s19], $0x80, s9, s19, $0xb8;
	[tilespmem:$0x1E800] =	vst v63  }
0x33: {  	s15 =	simm.s32 $0x180;
	s17 =	simm.s32 $0x7C00  }
0x34: {  	[tilespmem:s17], [sflag:$0x3] =	stream.indirect.gather [hbm4b:s4+s19], $0x80, s15, s19, $0xb8;
	[tilespmem:$0x1E800] =	vst v63  }
0x35: {  	s8 =	simm.s32 $0x200;
	s9 =	simm.s32 $0x9000  }
0x36: {  	[tilespmem:s9], [sflag:$0x3] =	stream.indirect.gather [hbm4b:s4+s19], $0x80, s8, s19, $0xb8;
	[tilespmem:$0x1E800] =	vst v63  }
0x37: {  	_ =	swait.ge [sflag:s30], $0x280  }
0x38: {  	[sflag:s30] =	ssyncset.done $0x0  }
0x39: {  	[sflag:s30] =	ssyncadd.s32 $0xFFFFFD80  }
0x3a: {  	_ =	swait.ge [sflag:s30], $0x1900  }
0x3b: {  	[sflag:s30] =	ssyncset.done $0x0  }
0x3c: {  	s10 =	simm.s32 $0xA400;
	[sflag:s30] =	ssyncadd.s32 $0xFFFFE700  }
0x3d: {  	[tilespmem:s10], [sflag:$0x4] =	stream.indirect.gather [hbm4b:s4+s19], $0x80, s16, s19, $0xb8;
	[tilespmem:$0x1E800] =	vst v63  }
0x3e: {  	s15 =	simm.s32 $0x480;
	s17 =	simm.s32 $0xB800  }
0x3f: {  	[tilespmem:s17], [sflag:$0x4] =	stream.indirect.gather [hbm4b:s4+s19], $0x80, s15, s19, $0xb8;
	[tilespmem:$0x1E800] =	vst v63  }
0x40: {  	s8 =	simm.s32 $0x500;
	s9 =	simm.s32 $0xCC00  }
0x41: {  	[tilespmem:s9], [sflag:$0x4] =	stream.indirect.gather [hbm4b:s4+s19], $0x80, s8, s19, $0xb8;
	[tilespmem:$0x1E800] =	vst v63  }
0x42: {  	s10 =	simm.s32 $0x580;
	s15 =	simm.s32 $0xE000  }
0x43: {  	[tilespmem:s15], [sflag:$0x4] =	stream.indirect.gather [hbm4b:s4+s19], $0x80, s10, s19, $0xb8;
	[tilespmem:$0x1E800] =	vst v63  }
0x44: {  	s0 =	simm.s32 $0x0;
	s17 =	simm.s32 $0x600  }
0x45: {  	[tilespmem:s11], [sflag:$0x4] =	stream.indirect.gather [hbm4b:s4+s19], $0x80, s17, s19, $0xb8;
	[tilespmem:$0x1E800] =	vst v63  }
.LBB2_2:
0x46: {  	_ =	swait.ge [sflag:s14], $0x6400  }
0x47: {  	p1 =	seq.s32 s0, $0x0;
	[sflag:s14] =	ssyncset.done $0x0  }
0x48: {  	s2 =	simm.s32 @!p1 $0x5;
	[sflag:s14] =	ssyncadd.s32 $0xFFFF9C00  }
0x49: {  	_ =	swait.ge @!p1 [sflag:s2], $0x6400  }
0x4a: {  	[sflag:s2] =	ssyncset.done @!p1 $0x0  }
0x4b: {  	s15 =	simm.s32 $0x0;
	[sflag:s2] =	ssyncadd.s32 @!p1 $0xFFFF9C00  }
0x4c: {  	v4 =	vld [tilespmem:s15+$0xA30];
	_ =	sdelay $0x4  }
0x4d: {  	[tilespmem:$0x1FE30] =	vst v4  }
0x4e: {  	v3 =	vld [tilespmem:s15+$0xA70]  }
0x4f: {  	v0 =	vld [tilespmem:s15+$0x8D30]  }
0x50: {  	v2 =	vld [tilespmem:s15+$0x8D70]  }
0x51: {  	v15 =	vld [tilespmem:s15+$0x800]  }
0x52: {  	v1 =	vld [tilespmem:s15+$0x810]  }
0x53: {  	v20 =	vld [tilespmem:s15+$0x820];
	[tilespmem:$0x1FCE0] =	vst v3  }
0x54: {  	v14 =	vld [tilespmem:s15+$0x830]  }
0x55: {  	v5 =	vsub.f32 $1.250000000e-01, v4;
	v11 =	vld [tilespmem:s15+$0x880]  }
0x56: {  	v10 =	vld [tilespmem:s15+$0x890]  }
0x57: {  	v13 =	vld [tilespmem:s15+$0x8A0];
	[tilespmem:$0x1FE20] =	vst v5  }
0x58: {  	v0 =	vmul.f32 v0, v5;
	v2 =	vmul.f32 v2, v4;
	v12 =	vld [tilespmem:s15+$0x8B0]  }
0x59: {  	v9 =	vld [tilespmem:s15+$0x900]  }
0x5a: {  	v7 =	vld [tilespmem:s15+$0x910];
	v0 =	vadd.f32 v2, v0  }
0x5b: {  	v8 =	vld [tilespmem:s15+$0x920]  }
0x5c: {  	v23 =	vld [tilespmem:s15+$0x930];
	v0 =	vadd.f32 v0, v3  }
0x5d: {  	v27 =	vld [tilespmem:s15+$0x980]  }
0x5e: {  	[tilespmem:s15+$0x15E30] =	vst v0;
	v0 =	vld [tilespmem:s15+$0xA20]  }
0x5f: {  	v32 =	vld [tilespmem:s15+$0x990]  }
0x60: {  	v25 =	vld [tilespmem:s15+$0x9A0]  }
0x61: {  	v31 =	vld [tilespmem:s15+$0x9B0]  }
0x62: {  	v38 =	vld [tilespmem:s15+$0xA00]  }
0x63: {  	v52 =	vld [tilespmem:s15+$0xA10];
	[tilespmem:$0x1FDC0] =	vst v0  }
0x64: {  	v19 =	vld [tilespmem:s15+$0x4000]  }
0x65: {  	v21 =	vld [tilespmem:s15+$0x4040]  }
0x66: {  	v24 =	vld [tilespmem:s15+$0x4010]  }
0x67: {  	v34 =	vld [tilespmem:s15+$0x4050]  }
0x68: {  	v35 =	vld [tilespmem:s15+$0x4020]  }
0x69: {  	v36 =	vld [tilespmem:s15+$0x4060]  }
0x6a: {  	v39 =	vld [tilespmem:s15+$0x4030]  }
0x6b: {  	v41 =	vld [tilespmem:s15+$0x4070]  }
0x6c: {  	v43 =	vld [tilespmem:s15+$0x5900]  }
0x6d: {  	v48 =	vld [tilespmem:s15+$0x5940]  }
0x6e: {  	v49 =	vld [tilespmem:s15+$0x5910]  }
0x6f: {  	v53 =	vld [tilespmem:s15+$0x5950]  }
0x70: {  	v57 =	vld [tilespmem:s15+$0x5920]  }
0x71: {  	v58 =	vld [tilespmem:s15+$0x5960]  }
0x72: {  	v2 =	vld [tilespmem:s15+$0x5930]  }
0x73: {  	v3 =	vld [tilespmem:s15+$0x5970]  }
0x74: {  	v5 =	vld [tilespmem:s15+$0x7200]  }
0x75: {  	v4 =	vld [tilespmem:s15+$0x7240]  }
0x76: {  	v16 =	vld [tilespmem:s15+$0x7210]  }
0x77: {  	v6 =	vld [tilespmem:s15+$0x7250]  }
0x78: {  	v18 =	vld [tilespmem:s15+$0x7220]  }
0x79: {  	v17 =	vld [tilespmem:s15+$0x7260]  }
0x7a: {  	v26 =	vld [tilespmem:s15+$0x7230]  }
0x7b: {  	v22 =	vld [tilespmem:s15+$0x7270]  }
0x7c: {  	v29 =	vld [tilespmem:s15+$0x8B00]  }
0x7d: {  	v28 =	vld [tilespmem:s15+$0x8B40]  }
0x7e: {  	v37 =	vld [tilespmem:s15+$0x8B10]  }
0x7f: {  	v40 =	vld [tilespmem:s15+$0x8B50]  }
0x80: {  	v33 =	vld [tilespmem:s15+$0x8B20]  }
0x81: {  	v44 =	vld [tilespmem:s15+$0x8B60]  }
0x82: {  	v30 =	vld [tilespmem:s15+$0x8B30]  }
0x83: {  	v42 =	vld [tilespmem:s15+$0x8B70]  }
0x84: {  	v46 =	vld [tilespmem:s15+$0x4080]  }
0x85: {  	v45 =	vld [tilespmem:s15+$0x40C0]  }
0x86: {  	v51 =	vld [tilespmem:s15+$0x4090]  }
0x87: {  	v47 =	vld [tilespmem:s15+$0x40D0]  }
0x88: {  	v55 =	vld [tilespmem:s15+$0x40A0]  }
0x89: {  	v0 =	vld [tilespmem:s15+$0x5990]  }
0x8a: {  	v54 =	vld [tilespmem:s15+$0x40E0]  }
0x8b: {  	v59 =	vld [tilespmem:s15+$0x40B0]  }
0x8c: {  	v56 =	vld [tilespmem:s15+$0x40F0]  }
0x8d: {  	v61 =	vld [tilespmem:s15+$0x5980]  }
0x8e: {  	v60 =	vld [tilespmem:s15+$0x59C0];
	[tilespmem:$0x1F9F0] =	vst v0  }
0x8f: {  	v0 =	vld [tilespmem:s15+$0x59D0];
	_ =	sdelay $0x4  }
0x90: {  	[tilespmem:$0x1FA00] =	vst v0  }
0x91: {  	v0 =	vld [tilespmem:s15+$0x59E0];
	_ =	sdelay $0x4  }
0x92: {  	v63 =	vld [tilespmem:s15+$0x59A0];
	[tilespmem:$0x1FA10] =	vst v0  }
0x93: {  	v0 =	vld [tilespmem:s15+$0x59F0];
	_ =	sdelay $0x4  }
0x94: {  	v62 =	vld [tilespmem:s15+$0x59B0];
	[tilespmem:$0x1FA20] =	vst v0  }
0x95: {  	v0 =	vld [tilespmem:s15+$0x7280];
	_ =	sdelay $0x4  }
0x96: {  	[tilespmem:$0x1FA30] =	vst v0  }
0x97: {  	v0 =	vld [tilespmem:s15+$0x72C0];
	_ =	sdelay $0x4  }
0x98: {  	[tilespmem:$0x1FA40] =	vst v0  }
0x99: {  	v0 =	vld [tilespmem:s15+$0x7290];
	_ =	sdelay $0x4  }
0x9a: {  	[tilespmem:$0x1FA50] =	vst v0  }
0x9b: {  	v0 =	vld [tilespmem:s15+$0x72D0];
	_ =	sdelay $0x4  }
0x9c: {  	[tilespmem:$0x1FA60] =	vst v0  }
0x9d: {  	v0 =	vld [tilespmem:s15+$0x72A0];
	_ =	sdelay $0x4  }
0x9e: {  	[tilespmem:$0x1FA70] =	vst v0  }
0x9f: {  	v0 =	vld [tilespmem:s15+$0x72E0];
	_ =	sdelay $0x4  }
0xa0: {  	[tilespmem:$0x1FA80] =	vst v0  }
0xa1: {  	v0 =	vld [tilespmem:s15+$0x72B0];
	_ =	sdelay $0x4  }
0xa2: {  	[tilespmem:$0x1FA90] =	vst v0  }
0xa3: {  	v0 =	vld [tilespmem:s15+$0x72F0];
	_ =	sdelay $0x4  }
0xa4: {  	[tilespmem:$0x1FAA0] =	vst v0  }
0xa5: {  	v0 =	vld [tilespmem:s15+$0x8B80];
	_ =	sdelay $0x4  }
0xa6: {  	[tilespmem:$0x1FAB0] =	vst v0  }
0xa7: {  	v0 =	vld [tilespmem:s15+$0x8BC0];
	_ =	sdelay $0x4  }
0xa8: {  	[tilespmem:$0x1FAC0] =	vst v0  }
0xa9: {  	v0 =	vld [tilespmem:s15+$0x8B90];
	_ =	sdelay $0x4  }
0xaa: {  	[tilespmem:$0x1FAD0] =	vst v0  }
0xab: {  	v0 =	vld [tilespmem:s15+$0x8BD0];
	_ =	sdelay $0x4  }
0xac: {  	[tilespmem:$0x1FB00] =	vst v0  }
0xad: {  	v0 =	vld [tilespmem:s15+$0x8BA0];
	_ =	sdelay $0x4  }
0xae: {  	[tilespmem:$0x1FAE0] =	vst v0  }
0xaf: {  	v0 =	vld [tilespmem:s15+$0x8BE0];
	_ =	sdelay $0x4  }
0xb0: {  	[tilespmem:$0x1FB10] =	vst v0  }
0xb1: {  	v0 =	vld [tilespmem:s15+$0x8BB0];
	_ =	sdelay $0x4  }
0xb2: {  	[tilespmem:$0x1FAF0] =	vst v0  }
0xb3: {  	v0 =	vld [tilespmem:s15+$0x8BF0];
	_ =	sdelay $0x4  }
0xb4: {  	[tilespmem:$0x1FB20] =	vst v0  }
0xb5: {  	v0 =	vld [tilespmem:s15+$0x4100];
	_ =	sdelay $0x4  }
0xb6: {  	[tilespmem:$0x1FB30] =	vst v0  }
0xb7: {  	v0 =	vld [tilespmem:s15+$0x4140];
	_ =	sdelay $0x4  }
0xb8: {  	[tilespmem:$0x1FB40] =	vst v0  }
0xb9: {  	v0 =	vld [tilespmem:s15+$0x4110];
	_ =	sdelay $0x4  }
0xba: {  	[tilespmem:$0x1FB50] =	vst v0  }
0xbb: {  	v0 =	vld [tilespmem:s15+$0x4150];
	_ =	sdelay $0x4  }
0xbc: {  	[tilespmem:$0x1FB60] =	vst v0  }
0xbd: {  	v0 =	vld [tilespmem:s15+$0x4120];
	_ =	sdelay $0x4  }
0xbe: {  	[tilespmem:$0x1FB70] =	vst v0  }
0xbf: {  	v0 =	vld [tilespmem:s15+$0x4160];
	_ =	sdelay $0x4  }
0xc0: {  	[tilespmem:$0x1FB80] =	vst v0  }
0xc1: {  	v0 =	vld [tilespmem:s15+$0x4130];
	_ =	sdelay $0x4  }
0xc2: {  	[tilespmem:$0x1FB90] =	vst v0  }
0xc3: {  	v0 =	vld [tilespmem:s15+$0x4170];
	_ =	sdelay $0x4  }
0xc4: {  	[tilespmem:$0x1FBA0] =	vst v0  }
0xc5: {  	v0 =	vld [tilespmem:s15+$0x5A00];
	_ =	sdelay $0x4  }
0xc6: {  	[tilespmem:$0x1FBB0] =	vst v0  }
0xc7: {  	v0 =	vld [tilespmem:s15+$0x5A40];
	_ =	sdelay $0x4  }
0xc8: {  	[tilespmem:$0x1FBC0] =	vst v0  }
0xc9: {  	v50 =	vld [tilespmem:s15+$0x5A10];
	_ =	sdelay $0x4  }
0xca: {  	[tilespmem:$0x1FBD0] =	vst v50  }
0xcb: {  	v50 =	vld [tilespmem:s15+$0x5A50];
	_ =	sdelay $0x4  }
0xcc: {  	[tilespmem:$0x1FC00] =	vst v50  }
0xcd: {  	v50 =	vld [tilespmem:s15+$0x5A20];
	_ =	sdelay $0x3  }
0xce: {  	v0 =	vsub.f32 $1.250000000e-01, v15  }
0xcf: {  	[tilespmem:$0x1FBE0] =	vst v50  }
0xd0: {  	v21 =	vmul.f32 v21, v15;
	v19 =	vmul.f32 v0, v19;
	v50 =	vld [tilespmem:s15+$0x5A60];
	_ =	sdelay $0x1  }
0xd1: {  	v19 =	vadd.f32 v21, v19;
	_ =	sdelay $0x1  }
0xd2: {  	[tilespmem:$0x1FE70] =	vst v19  }
0xd3: {  	[tilespmem:$0x1FC10] =	vst v50  }
0xd4: {  	v19 =	vmul.f32 v24, v0;
	v24 =	vld [tilespmem:s15+$0x5A30];
	_ =	sdelay $0x4  }
0xd5: {  	[tilespmem:$0x1FBF0] =	vst v24  }
0xd6: {  	v21 =	vmul.f32 v34, v15;
	v50 =	vld [tilespmem:s15+$0x5A70];
	_ =	sdelay $0x1  }
0xd7: {  	v19 =	vadd.f32 v21, v19;
	_ =	sdelay $0x1  }
0xd8: {  	[tilespmem:$0x1FE90] =	vst v19  }
0xd9: {  	[tilespmem:$0x1FC20] =	vst v50  }
0xda: {  	v19 =	vld [tilespmem:s15+$0x7300];
	_ =	sdelay $0x2  }
0xdb: {  	v34 =	vmul.f32 v36, v15;
	v24 =	vmul.f32 v35, v0  }
0xdc: {  	v15 =	vmul.f32 v41, v15;
	v0 =	vmul.f32 v39, v0  }
0xdd: {  	[tilespmem:$0x1FC30] =	vst v19;
	v19 =	vadd.f32 v34, v24  }
0xde: {  	v0 =	vadd.f32 v15, v0  }
0xdf: {  	[tilespmem:$0x1FEA0] =	vst v19  }
0xe0: {  	v39 =	vld [tilespmem:s15+$0x7340];
	[tilespmem:$0x1FED0] =	vst v0  }
0xe1: {  	v35 =	vsub.f32 $1.250000000e-01, v1;
	v24 =	vld [tilespmem:s15+$0x7310];
	_ =	sdelay $0x1  }
0xe2: {  	v21 =	vmul.f32 v48, v1;
	v19 =	vmul.f32 v35, v43;
	_ =	sdelay $0x1  }
0xe3: {  	v19 =	vadd.f32 v21, v19  }
0xe4: {  	v0 =	vmul.f32 v49, v35;
	[tilespmem:$0x1FC40] =	vst v24;
	v24 =	vmul.f32 v53, v1  }
0xe5: {  	v15 =	vmul.f32 v57, v35;
	v41 =	vld [tilespmem:s15+$0x7350];
	[tilespmem:$0x1FE80] =	vst v19;
	v19 =	vmul.f32 v58, v1  }
0xe6: {  	v2 =	vmul.f32 v2, v35;
	v1 =	vmul.f32 v3, v1;
	v0 =	vadd.f32 v24, v0  }
0xe7: {  	v3 =	vmul.f32 v4, v20;
	v4 =	vadd.f32 v19, v15  }
0xe8: {  	v49 =	vld [tilespmem:s15+$0x7320];
	v1 =	vadd.f32 v1, v2;
	[tilespmem:$0x1FEE0] =	vst v0  }
0xe9: {  	v36 =	vsub.f32 $1.250000000e-01, v20;
	v43 =	vld [tilespmem:s15+$0x7360];
	[tilespmem:$0x1FF10] =	vst v4  }
0xea: {  	[tilespmem:$0x1FF40] =	vst v1  }
0xeb: {  	v0 =	vmul.f32 v36, v5;
	v1 =	vld [tilespmem:s15+$0x7330];
	_ =	sdelay $0x1  }
0xec: {  	v0 =	vadd.f32 v3, v0;
	_ =	sdelay $0x1  }
0xed: {  	[tilespmem:$0x1FEB0] =	vst v0  }
0xee: {  	[tilespmem:$0x1FC50] =	vst v1  }
0xef: {  	v0 =	vmul.f32 v16, v36;
	v1 =	vmul.f32 v6, v20;
	v5 =	vld [tilespmem:s15+$0x8C00];
	_ =	sdelay $0x1  }
0xf0: {  	v2 =	vmul.f32 v18, v36;
	v3 =	vmul.f32 v17, v20;
	v0 =	vadd.f32 v1, v0  }
0xf1: {  	v4 =	vsub.f32 $1.250000000e-01, v14  }
0xf2: {  	v2 =	vadd.f32 v3, v2;
	v48 =	vld [tilespmem:s15+$0x7370];
	v1 =	vmul.f32 v22, v20;
	[tilespmem:$0x1FEF0] =	vst v0;
	v0 =	vmul.f32 v26, v36  }
0xf3: {  	[tilespmem:$0x1FC60] =	vst v5  }
0xf4: {  	v3 =	vmul.f32 v28, v14;
	v0 =	vadd.f32 v1, v0;
	v36 =	vld [tilespmem:s15+$0x8C40];
	[tilespmem:$0x1FF20] =	vst v2;
	v2 =	vmul.f32 v4, v29;
	_ =	sdelay $0x1  }
0xf5: {  	v34 =	vld [tilespmem:s15+$0x8C10];
	[tilespmem:$0x1FF50] =	vst v0;
	v2 =	vadd.f32 v3, v2  }
0xf6: {  	v1 =	vmul.f32 v40, v14;
	v0 =	vmul.f32 v37, v4;
	v35 =	vld [tilespmem:s15+$0x8C50]  }
0xf7: {  	v5 =	vmul.f32 v33, v4;
	v21 =	vld [tilespmem:s15+$0x8C20];
	[tilespmem:$0x1FEC0] =	vst v2;
	v2 =	vmul.f32 v44, v14  }
0xf8: {  	v6 =	vsub.f32 $1.250000000e-01, v11;
	v0 =	vadd.f32 v1, v0  }
0xf9: {  	v4 =	vmul.f32 v30, v4;
	v3 =	vmul.f32 v42, v14;
	v2 =	vadd.f32 v2, v5  }
0xfa: {  	v14 =	vmul.f32 v45, v11;
	v53 =	vld [tilespmem:s15+$0x8C60];
	[tilespmem:$0x1FF00] =	vst v0;
	v0 =	vmul.f32 v6, v46  }
0xfb: {  	v1 =	vld [tilespmem:s15+$0x8C30];
	[tilespmem:$0x1FF30] =	vst v2;
	v2 =	vadd.f32 v3, v4  }
0xfc: {  	v0 =	vadd.f32 v14, v0  }
0xfd: {  	[tilespmem:$0x1FF60] =	vst v2  }
0xfe: {  	v2 =	vmul.f32 v47, v11;
	v19 =	vld [tilespmem:s15+$0x8C70];
	[tilespmem:$0x1FF70] =	vst v0;
	v0 =	vmul.f32 v51, v6  }
0xff: {  	v3 =	vmul.f32 v55, v6;
	v4 =	vmul.f32 v54, v11  }
0x100: {  	v24 =	vld [tilespmem:s15+$0x4180];
	v0 =	vadd.f32 v2, v0  }
0x101: {  	v5 =	vsub.f32 $1.250000000e-01, v10;
	v3 =	vadd.f32 v4, v3;
	v20 =	vld [tilespmem:s15+$0x41C0]  }
0x102: {  	v2 =	vmul.f32 v56, v11;
	v11 =	vld [tilespmem:$0x1FA00];
	[tilespmem:$0x1FF80] =	vst v0;
	v0 =	vmul.f32 v59, v6  }
0x103: {  	v4 =	vmul.f32 v60, v10;
	v6 =	vld [tilespmem:s15+$0x4190];
	[tilespmem:$0x1FF90] =	vst v3;
	v3 =	vmul.f32 v5, v61  }
0x104: {  	v16 =	vld [tilespmem:s15+$0x41D0];
	v0 =	vadd.f32 v2, v0  }
0x105: {  	v3 =	vadd.f32 v4, v3;
	v4 =	vld [tilespmem:$0x1FA20]  }
0x106: {  	[tilespmem:$0x1FFA0] =	vst v0;
	v0 =	vld [tilespmem:$0x1F9F0]  }
0x107: {  	v26 =	vld [tilespmem:s15+$0x41A0]  }
0x108: {  	v58 =	vld [tilespmem:s15+$0x41E0]  }
0x109: {  	[tilespmem:$0x1FFB0] =	vst v3;
	v3 =	vld [tilespmem:$0x1FA10];
	_ =	sdelay $0x1  }
0x10a: {  	v11 =	vmul.f32 v11, v10;
	v0 =	vmul.f32 v0, v5;
	_ =	sdelay $0x1  }
0x10b: {  	v33 =	vld [tilespmem:s15+$0x41B0];
	v0 =	vadd.f32 v11, v0  }
0x10c: {  	v4 =	vmul.f32 v4, v10;
	v3 =	vmul.f32 v3, v10;
	v10 =	vld [tilespmem:$0x1FA40]  }
0x10d: {  	[tilespmem:$0x1FFC0] =	vst v0;
	v0 =	vld [tilespmem:$0x1FA30]  }
0x10e: {  	v2 =	vmul.f32 v63, v5;
	_ =	sdelay $0x1  }
0x10f: {  	v14 =	vsub.f32 $1.250000000e-01, v13;
	v5 =	vmul.f32 v62, v5;
	v2 =	vadd.f32 v3, v2;
	_ =	sdelay $0x1  }
0x110: {  	v37 =	vld [tilespmem:s15+$0x41F0];
	[tilespmem:$0x1FFD0] =	vst v2;
	v2 =	vadd.f32 v4, v5;
	v11 =	vmul.f32 v10, v13;
	v0 =	vmul.f32 v14, v0  }
0x111: {  	v3 =	vld [tilespmem:$0x1FA60]  }
0x112: {  	v10 =	vld [tilespmem:$0x1FA80];
	[tilespmem:$0x1FFE0] =	vst v2;
	v0 =	vadd.f32 v11, v0  }
0x113: {  	v2 =	vld [tilespmem:s15+$0x5A80]  }
0x114: {  	[tilespmem:$0x1FFF0] =	vst v0;
	v0 =	vld [tilespmem:$0x1FA50];
	_ =	sdelay $0x1  }
0x115: {  	v5 =	vld [tilespmem:$0x1FA70];
	_ =	sdelay $0x1  }
0x116: {  	v3 =	vmul.f32 v3, v13  }
0x117: {  	v17 =	vmul.f32 v10, v13;
	v10 =	vld [tilespmem:$0x1FAC0];
	v0 =	vmul.f32 v0, v14  }
0x118: {  	v4 =	vld [tilespmem:s15+$0x5AC0]  }
0x119: {  	v5 =	vmul.f32 v5, v14;
	v0 =	vadd.f32 v3, v0;
	v3 =	vld [tilespmem:$0x1FAA0]  }
0x11a: {  	v40 =	vld [tilespmem:s15+$0x5A90]  }
0x11b: {  	v5 =	vadd.f32 v17, v5;
	[tilespmem:$0x1FDF0] =	vst v0;
	v0 =	vld [tilespmem:$0x1FA90]  }
0x11c: {  	v42 =	vld [tilespmem:s15+$0x5AD0]  }
0x11d: {  	[tilespmem:$0x1FD20] =	vst v5;
	v5 =	vld [tilespmem:$0x1FAB0]  }
0x11e: {  	v3 =	vmul.f32 v3, v13;
	v13 =	vmul.f32 v10, v12;
	v10 =	vld [tilespmem:$0x1FAF0];
	_ =	sdelay $0x1  }
0x11f: {  	v18 =	vsub.f32 $1.250000000e-01, v12;
	v29 =	vld [tilespmem:s15+$0x5AA0]  }
0x120: {  	v45 =	vld [tilespmem:s15+$0x5AE0]  }
0x121: {  	v46 =	vld [tilespmem:s15+$0x5AB0];
	v0 =	vmul.f32 v0, v14;
	v5 =	vmul.f32 v18, v5  }
0x122: {  	v14 =	vmul.f32 v10, v18;
	v10 =	vld [tilespmem:$0x1FB00]  }
0x123: {  	v44 =	vadd.f32 v3, v0;
	v0 =	vld [tilespmem:$0x1FAD0];
	v5 =	vadd.f32 v13, v5  }
0x124: {  	v3 =	vld [tilespmem:$0x1FAE0]  }
0x125: {  	[tilespmem:$0x1FD40] =	vst v5;
	v5 =	vld [tilespmem:$0x1FB10];
	_ =	sdelay $0x1  }
0x126: {  	v17 =	vmul.f32 v10, v12;
	v10 =	vld [tilespmem:$0x1FB20];
	_ =	sdelay $0x1  }
0x127: {  	v0 =	vmul.f32 v0, v18  }
0x128: {  	v3 =	vmul.f32 v3, v18;
	v5 =	vmul.f32 v5, v12  }
0x129: {  	v0 =	vadd.f32 v17, v0  }
0x12a: {  	v3 =	vadd.f32 v5, v3;
	v12 =	vmul.f32 v10, v12  }
0x12b: {  	v47 =	vld [tilespmem:s15+$0x5AF0];
	[tilespmem:$0x1FD80] =	vst v0  }
0x12c: {  	v51 =	vld [tilespmem:s15+$0x7380];
	[tilespmem:$0x1FD50] =	vst v3;
	v3 =	vadd.f32 v12, v14;
	_ =	sdelay $0x1  }
0x12d: {  	[tilespmem:$0x1FDB0] =	vst v3;
	v3 =	vld [tilespmem:$0x1FB60];
	_ =	sdelay $0x3  }
0x12e: {  	v0 =	vld [tilespmem:$0x1FB30]  }
0x12f: {  	v5 =	vmul.f32 v3, v9;
	v3 =	vld [tilespmem:$0x1FB70]  }
0x130: {  	v10 =	vld [tilespmem:$0x1FB40];
	_ =	sdelay $0x1  }
0x131: {  	v18 =	vsub.f32 $1.250000000e-01, v9;
	_ =	sdelay $0x1  }
0x132: {  	v12 =	vmul.f32 v3, v18;
	v3 =	vld [tilespmem:$0x1FB80]  }
0x133: {  	v0 =	vmul.f32 v18, v0;
	v13 =	vmul.f32 v10, v9;
	_ =	sdelay $0x1  }
0x134: {  	v57 =	vadd.f32 v13, v0;
	v0 =	vld [tilespmem:$0x1FB50];
	_ =	sdelay $0x1  }
0x135: {  	v13 =	vmul.f32 v3, v9;
	v3 =	vld [tilespmem:$0x1FBA0];
	_ =	sdelay $0x2  }
0x136: {  	v0 =	vmul.f32 v0, v18;
	_ =	sdelay $0x1  }
0x137: {  	v11 =	vadd.f32 v5, v0;
	v5 =	vmul.f32 v3, v9;
	v3 =	vld [tilespmem:$0x1FBB0];
	_ =	sdelay $0x2  }
0x138: {  	v14 =	vsub.f32 $1.250000000e-01, v7;
	_ =	sdelay $0x1  }
0x139: {  	v9 =	vmul.f32 v14, v3;
	v3 =	vld [tilespmem:$0x1FBC0];
	_ =	sdelay $0x2  }
0x13a: {  	v0 =	vld [tilespmem:$0x1FB90];
	_ =	sdelay $0x1  }
0x13b: {  	v50 =	vadd.f32 v13, v12;
	v12 =	vmul.f32 v3, v7;
	v3 =	vld [tilespmem:$0x1FBE0];
	_ =	sdelay $0x2  }
0x13c: {  	v0 =	vmul.f32 v0, v18;
	_ =	sdelay $0x1  }
0x13d: {  	v63 =	vadd.f32 v5, v0;
	v5 =	vmul.f32 v3, v14;
	v3 =	vld [tilespmem:$0x1FBF0];
	_ =	sdelay $0x3  }
0x13e: {  	v0 =	vld [tilespmem:$0x1FBD0]  }
0x13f: {  	v13 =	vmul.f32 v3, v14;
	v3 =	vld [tilespmem:$0x1FC00];
	_ =	sdelay $0x4  }
0x140: {  	v0 =	vmul.f32 v0, v14;
	v17 =	vmul.f32 v3, v7;
	_ =	sdelay $0x1  }
0x141: {  	v28 =	vadd.f32 v17, v0;
	v0 =	vld [tilespmem:$0x1FC30]  }
0x142: {  	v3 =	vld [tilespmem:$0x1FC10];
	_ =	sdelay $0x1  }
0x143: {  	v22 =	vsub.f32 $1.250000000e-01, v8;
	_ =	sdelay $0x1  }
0x144: {  	v15 =	vld [tilespmem:s15+$0x73C0];
	v18 =	vmul.f32 v39, v8;
	v0 =	vmul.f32 v22, v0  }
0x145: {  	v14 =	vadd.f32 v12, v9;
	v9 =	vmul.f32 v3, v7;
	v3 =	vld [tilespmem:$0x1FC20]  }
0x146: {  	v18 =	vadd.f32 v18, v0;
	v0 =	vld [tilespmem:$0x1FC40]  }
0x147: {  	v54 =	vld [tilespmem:s15+$0x7390]  }
0x148: {  	v55 =	vld [tilespmem:s15+$0x73D0]  }
0x149: {  	v56 =	vld [tilespmem:s15+$0x73A0]  }
0x14a: {  	v59 =	vld [tilespmem:s15+$0x73E0];
	v12 =	vmul.f32 v3, v7  }
0x14b: {  	v60 =	vld [tilespmem:s15+$0x73B0];
	v7 =	vadd.f32 v9, v5;
	v9 =	vmul.f32 v41, v8;
	v0 =	vmul.f32 v0, v22  }
0x14c: {  	v61 =	vld [tilespmem:s15+$0x73F0]  }
0x14d: {  	v9 =	vadd.f32 v9, v0;
	v0 =	vld [tilespmem:$0x1FC50]  }
0x14e: {  	v3 =	vld [tilespmem:$0x1FC60]  }
0x14f: {  	v62 =	vld [tilespmem:s15+$0x8C80]  }
0x150: {  	v10 =	vld [tilespmem:s15+$0x8C90];
	v17 =	vadd.f32 v12, v13  }
0x151: {  	v39 =	vld [tilespmem:s15+$0x8CC0];
	v12 =	vmul.f32 v49, v22;
	v13 =	vmul.f32 v43, v8;
	v43 =	vsub.f32 $1.250000000e-01, v23  }
0x152: {  	v41 =	vld [tilespmem:s15+$0x8CD0];
	v8 =	vmul.f32 v48, v8;
	v0 =	vmul.f32 v0, v22  }
0x153: {  	v49 =	vld [tilespmem:s15+$0x8CA0];
	v13 =	vadd.f32 v13, v12;
	v12 =	vmul.f32 v43, v3;
	v22 =	vmul.f32 v36, v23  }
0x154: {  	v19 =	vmul.f32 v19, v23;
	v48 =	vld [tilespmem:s15+$0x8CE0];
	v30 =	vadd.f32 v8, v0  }
0x155: {  	v36 =	vld [tilespmem:s15+$0x8CB0];
	v8 =	vmul.f32 v21, v43;
	v22 =	vadd.f32 v22, v12;
	v12 =	vmul.f32 v53, v23  }
0x156: {  	v0 =	vmul.f32 v34, v43;
	v34 =	vld [tilespmem:s15+$0x8CF0];
	v21 =	vmul.f32 v35, v23;
	v35 =	vsub.f32 $1.250000000e-01, v27  }
0x157: {  	v16 =	vmul.f32 v16, v27;
	v1 =	vmul.f32 v1, v43;
	v43 =	vld [tilespmem:s15+$0x4200];
	v3 =	vadd.f32 v12, v8  }
0x158: {  	v23 =	vld [tilespmem:s15+$0x4240];
	v21 =	vadd.f32 v21, v0;
	v0 =	vmul.f32 v35, v24;
	v12 =	vmul.f32 v20, v27  }
0x159: {  	v53 =	vld [tilespmem:s15+$0x4210];
	v6 =	vmul.f32 v6, v35;
	v24 =	vmul.f32 v26, v35;
	[tilespmem:$0x1FC70] =	vst v3  }
0x15a: {  	v26 =	vmul.f32 v33, v35;
	v20 =	vsub.f32 $1.250000000e-01, v32;
	v0 =	vadd.f32 v12, v0;
	v33 =	vld [tilespmem:s15+$0x4250]  }
0x15b: {  	v19 =	vadd.f32 v19, v1;
	v1 =	vmul.f32 v58, v27;
	v27 =	vmul.f32 v37, v27;
	v35 =	vld [tilespmem:s15+$0x4220]  }
0x15c: {  	v3 =	vmul.f32 v4, v32;
	v37 =	vld [tilespmem:s15+$0x4260];
	[tilespmem:$0x1FC80] =	vst v0;
	v0 =	vmul.f32 v20, v2;
	v2 =	vadd.f32 v16, v6  }
0x15d: {  	v5 =	vadd.f32 v27, v26  }
0x15e: {  	v6 =	vmul.f32 v42, v32;
	v4 =	vld [tilespmem:s15+$0x4230];
	[tilespmem:$0x1FC90] =	vst v2;
	v3 =	vadd.f32 v3, v0;
	v0 =	vmul.f32 v40, v20  }
0x15f: {  	v26 =	vmul.f32 v29, v20;
	v42 =	vmul.f32 v45, v32;
	v2 =	vadd.f32 v1, v24;
	v1 =	vld [tilespmem:s15+$0x4270];
	[tilespmem:$0x1FCA0] =	vst v5  }
0x160: {  	v20 =	vmul.f32 v46, v20;
	v5 =	vld [tilespmem:s15+$0x5B00];
	v29 =	vadd.f32 v6, v0;
	v0 =	vmul.f32 v47, v32  }
0x161: {  	v8 =	vadd.f32 v42, v26;
	v40 =	vld [tilespmem:s15+$0x5B40]  }
0x162: {  	v27 =	vsub.f32 $1.250000000e-01, v25;
	v58 =	vld [tilespmem:s15+$0x5B10];
	v0 =	vadd.f32 v0, v20  }
0x163: {  	v32 =	vld [tilespmem:s15+$0x5B50];
	[tilespmem:$0x1FCB0] =	vst v8  }
0x164: {  	v45 =	vsub.f32 $1.250000000e-01, v38;
	v6 =	vmul.f32 v27, v51;
	v26 =	vld [tilespmem:s15+$0x5B20];
	[tilespmem:$0x1FCC0] =	vst v0;
	v0 =	vmul.f32 v15, v25;
	_ =	sdelay $0x1  }
0x165: {  	v4 =	vmul.f32 v4, v45;
	v1 =	vmul.f32 v1, v38;
	v0 =	vadd.f32 v0, v6  }
0x166: {  	v20 =	vld [tilespmem:s15+$0x5B60]  }
0x167: {  	v8 =	vmul.f32 v54, v27;
	v1 =	vadd.f32 v1, v4;
	v4 =	vld [tilespmem:s15+$0x5B30];
	[tilespmem:$0x1FCD0] =	vst v0;
	v0 =	vmul.f32 v55, v25  }
0x168: {  	v51 =	vmul.f32 v56, v27;
	v27 =	vmul.f32 v60, v27;
	v60 =	vmov v11;
	v11 =	vld [tilespmem:$0x1FCE0]  }
0x169: {  	v6 =	vmul.f32 v59, v25;
	v0 =	vadd.f32 v0, v8  }
0x16a: {  	v25 =	vmul.f32 v61, v25;
	v46 =	vld [tilespmem:s15+$0x5B70]  }
0x16b: {  	v56 =	vld [tilespmem:s15+$0x7400];
	[tilespmem:$0x1FCF0] =	vst v0;
	v0 =	vadd.f32 v6, v51  }
0x16c: {  	v6 =	vadd.f32 v25, v27  }
0x16d: {  	v47 =	vsub.f32 $1.250000000e-01, v31;
	v1 =	vadd.f32 v1, v11;
	[tilespmem:$0x1FD00] =	vst v0  }
0x16e: {  	v0 =	vld [tilespmem:s15+$0x7440];
	[tilespmem:$0x1FD10] =	vst v6  }
0x16f: {  	v8 =	vmul.f32 v39, v31;
	[tilespmem:s15+$0x10A30] =	vst v1;
	v1 =	vmul.f32 v47, v62;
	_ =	sdelay $0x1  }
0x170: {  	v1 =	vadd.f32 v8, v1  }
0x171: {  	v10 =	vmul.f32 v10, v47;
	v6 =	vmul.f32 v41, v31  }
0x172: {  	v27 =	vld [tilespmem:s15+$0x7410];
	v8 =	vmul.f32 v48, v31;
	[tilespmem:$0x1FD30] =	vst v1;
	v1 =	vmul.f32 v49, v47  }
0x173: {  	v36 =	vmul.f32 v36, v47;
	v25 =	vsub.f32 $1.250000000e-01, v52;
	v6 =	vadd.f32 v6, v10  }
0x174: {  	v41 =	vld [tilespmem:$0x1FD20];
	v10 =	vmul.f32 v46, v52;
	v46 =	vadd.f32 v8, v1;
	v1 =	vmul.f32 v34, v31  }
0x175: {  	v4 =	vmul.f32 v4, v25;
	v39 =	vld [tilespmem:s15+$0x7450];
	[tilespmem:$0x1FD60] =	vst v6  }
0x176: {  	v6 =	vld [tilespmem:s15+$0x7420];
	v1 =	vadd.f32 v1, v36  }
0x177: {  	v23 =	vmul.f32 v23, v38;
	v4 =	vadd.f32 v10, v4;
	v10 =	vmul.f32 v45, v43;
	v8 =	vld [tilespmem:s15+$0x7460]  }
0x178: {  	v33 =	vmul.f32 v33, v38;
	v31 =	vld [tilespmem:s15+$0x7430];
	[tilespmem:$0x1FD70] =	vst v1;
	v1 =	vmul.f32 v53, v45  }
0x179: {  	v59 =	vmov v57;
	v57 =	vld [tilespmem:$0x1FD50];
	v10 =	vadd.f32 v23, v10  }
0x17a: {  	v54 =	vld [tilespmem:s15+$0x7470];
	v1 =	vadd.f32 v33, v1  }
0x17b: {  	v4 =	vadd.f32 v4, v11;
	v61 =	vld [tilespmem:s15+$0x8D00];
	[tilespmem:$0x1FD90] =	vst v10  }
0x17c: {  	v48 =	vld [tilespmem:$0x1FD40];
	[tilespmem:$0x1FDA0] =	vst v1  }
0x17d: {  	v53 =	vld [tilespmem:$0x1FD80];
	[tilespmem:s15+$0x12630] =	vst v4  }
0x17e: {  	v12 =	vld [tilespmem:$0x1FDC0];
	_ =	sdelay $0x1  }
0x17f: {  	v5 =	vmul.f32 v25, v5;
	v4 =	vmul.f32 v40, v52  }
0x180: {  	v23 =	vmul.f32 v32, v52;
	v10 =	vmul.f32 v58, v25  }
0x181: {  	v4 =	vadd.f32 v4, v5  }
0x182: {  	v10 =	vadd.f32 v23, v10;
	v1 =	vld [tilespmem:s15+$0x8D40];
	v42 =	vsub.f32 $1.250000000e-01, v12  }
0x183: {  	v43 =	vld [tilespmem:s15+$0x8D10];
	[tilespmem:$0x1FDD0] =	vst v4;
	v4 =	vmul.f32 v20, v52  }
0x184: {  	v20 =	vld [tilespmem:s15+$0x8D50];
	[tilespmem:$0x1FDE0] =	vst v10;
	v0 =	vmul.f32 v0, v12;
	v10 =	vmul.f32 v42, v56  }
0x185: {  	v5 =	vmul.f32 v26, v25  }
0x186: {  	v0 =	vadd.f32 v0, v10  }
0x187: {  	v23 =	vld [tilespmem:s15+$0x8D20];
	v51 =	vadd.f32 v4, v5;
	v4 =	vmul.f32 v39, v12;
	v5 =	vmul.f32 v27, v42  }
0x188: {  	v25 =	vld [tilespmem:s15+$0x8D60];
	v10 =	vmul.f32 v54, v12;
	[tilespmem:$0x1FE00] =	vst v0;
	v0 =	vmul.f32 v31, v42  }
0x189: {  	v4 =	vadd.f32 v4, v5;
	v5 =	vld [tilespmem:$0x1FE20]  }
0x18a: {  	v0 =	vadd.f32 v10, v0;
	v10 =	vld [tilespmem:$0x1FE30];
	_ =	sdelay $0x2  }
0x18b: {  	v6 =	vmul.f32 v6, v42  }
0x18c: {  	[tilespmem:$0x1FE10] =	vst v4;
	v4 =	vmul.f32 v8, v12  }
0x18d: {  	v8 =	vmul.f32 v5, v61;
	v1 =	vmul.f32 v1, v10  }
0x18e: {  	v26 =	vld [tilespmem:s15+$0x840];
	v54 =	vadd.f32 v4, v6  }
0x18f: {  	v27 =	vld [tilespmem:s15+$0x850];
	v4 =	vmul.f32 v43, v5;
	v6 =	vmovc v5;
	v5 =	vmul.f32 v20, v10;
	v1 =	vadd.f32 v1, v8  }
0x190: {  	v31 =	vld [tilespmem:s15+$0x870]  }
0x191: {  	v6 =	vmul.f32 v23, v6;
	v20 =	vld [tilespmem:s15+$0x860];
	v23 =	vmul.f32 v25, v10;
	[tilespmem:$0x1FE40] =	vst v1;
	v1 =	vadd.f32 v5, v4;
	_ =	sdelay $0x1  }
0x192: {  	[tilespmem:$0x1FE50] =	vst v1;
	v1 =	vadd.f32 v23, v6  }
0x193: {  	v4 =	vld [tilespmem:s15+$0x8C0]  }
0x194: {  	[tilespmem:$0x1FE60] =	vst v1;
	v1 =	vld [tilespmem:$0x1FE70];
	_ =	sdelay $0x2  }
0x195: {  	v0 =	vadd.f32 v0, v11  }
0x196: {  	v58 =	vld [tilespmem:$0x1FDB0]  }
0x197: {  	v39 =	vld [tilespmem:$0x1FDF0];
	[tilespmem:s15+$0x14230] =	vst v0;
	v1 =	vadd.f32 v1, v26  }
0x198: {  	v0 =	vld [tilespmem:$0x1FE80]  }
0x199: {  	v5 =	vld [tilespmem:$0x1FE90];
	[tilespmem:s15+$0x10800] =	vst v1  }
0x19a: {  	v1 =	vld [tilespmem:$0x1FEA0];
	_ =	sdelay $0x4  }
0x19b: {  	v23 =	vadd.f32 v1, v20;
	v1 =	vld [tilespmem:$0x1FEB0];
	_ =	sdelay $0x1  }
0x19c: {  	v6 =	vadd.f32 v5, v27  }
0x19d: {  	v35 =	vmul.f32 v35, v45;
	v55 =	vmul.f32 v37, v38  }
0x19e: {  	[tilespmem:s15+$0x10810] =	vst v6  }
0x19f: {  	v47 =	vadd.f32 v55, v35;
	v35 =	vadd.f32 v1, v26;
	v1 =	vld [tilespmem:$0x1FEC0];
	_ =	sdelay $0x4  }
0x1a0: {  	v6 =	vadd.f32 v1, v26;
	v1 =	vld [tilespmem:$0x1FED0];
	[tilespmem:s15+$0x10820] =	vst v23  }
0x1a1: {  	v5 =	vld [tilespmem:$0x1FEE0];
	_ =	sdelay $0x4  }
0x1a2: {  	v23 =	vadd.f32 v5, v27;
	v5 =	vld [tilespmem:$0x1FEF0];
	_ =	sdelay $0x1  }
0x1a3: {  	v0 =	vadd.f32 v0, v26;
	v26 =	vadd.f32 v1, v31;
	_ =	sdelay $0x1  }
0x1a4: {  	[tilespmem:s15+$0x10830] =	vst v26  }
0x1a5: {  	v45 =	vadd.f32 v5, v27;
	v5 =	vld [tilespmem:$0x1FF00];
	_ =	sdelay $0x4  }
0x1a6: {  	v52 =	vadd.f32 v5, v27;
	v5 =	vld [tilespmem:$0x1FF10];
	[tilespmem:s15+$0x12400] =	vst v0  }
0x1a7: {  	v0 =	vld [tilespmem:$0x1FF20];
	_ =	sdelay $0x4  }
0x1a8: {  	v40 =	vadd.f32 v0, v20;
	v0 =	vld [tilespmem:$0x1FF30];
	_ =	sdelay $0x3  }
0x1a9: {  	[tilespmem:s15+$0x12410] =	vst v23  }
0x1aa: {  	v55 =	vadd.f32 v0, v20;
	v0 =	vld [tilespmem:$0x1FF40];
	_ =	sdelay $0x2  }
0x1ab: {  	v26 =	vadd.f32 v5, v20;
	_ =	sdelay $0x1  }
0x1ac: {  	v27 =	vadd.f32 v0, v31;
	v0 =	vld [tilespmem:$0x1FF50];
	[tilespmem:s15+$0x12420] =	vst v26  }
0x1ad: {  	v5 =	vld [tilespmem:$0x1FF60];
	_ =	sdelay $0x4  }
0x1ae: {  	v0 =	vadd.f32 v0, v31;
	v31 =	vadd.f32 v5, v31;
	v5 =	vld [tilespmem:$0x1FF70];
	_ =	sdelay $0x3  }
0x1af: {  	v34 =	vld [tilespmem:s15+$0x8D0];
	[tilespmem:s15+$0x12430] =	vst v27  }
0x1b0: {  	v56 =	vadd.f32 v5, v4;
	v5 =	vld [tilespmem:$0x1FF80];
	_ =	sdelay $0x3  }
0x1b1: {  	v37 =	vld [tilespmem:s15+$0x8E0]  }
0x1b2: {  	v61 =	vadd.f32 v5, v34;
	v5 =	vld [tilespmem:$0x1FF90];
	_ =	sdelay $0x3  }
0x1b3: {  	v33 =	vld [tilespmem:s15+$0x8F0];
	[tilespmem:s15+$0x14000] =	vst v35  }
0x1b4: {  	v62 =	vmov v50;
	v50 =	vadd.f32 v5, v37;
	v5 =	vld [tilespmem:$0x1FFA0];
	_ =	sdelay $0x4  }
0x1b5: {  	v43 =	vadd.f32 v5, v33;
	v5 =	vld [tilespmem:$0x1FFB0];
	_ =	sdelay $0x3  }
0x1b6: {  	[tilespmem:s15+$0x14010] =	vst v45  }
0x1b7: {  	v38 =	vadd.f32 v5, v4;
	v5 =	vld [tilespmem:$0x1FFC0];
	_ =	sdelay $0x4  }
0x1b8: {  	v45 =	vadd.f32 v5, v34;
	v5 =	vld [tilespmem:$0x1FFD0];
	_ =	sdelay $0x3  }
0x1b9: {  	v25 =	vld [tilespmem:s15+$0x950];
	[tilespmem:s15+$0x14020] =	vst v40  }
0x1ba: {  	v36 =	vadd.f32 v5, v37;
	v5 =	vld [tilespmem:$0x1FFE0]  }
0x1bb: {  	v42 =	vld [tilespmem:s15+$0x960]  }
0x1bc: {  	v49 =	vld [tilespmem:s15+$0x970]  }
0x1bd: {  	v32 =	vld [tilespmem:s15+$0xA40]  }
0x1be: {  	v11 =	vld [tilespmem:s15+$0xA50]  }
0x1bf: {  	v40 =	vadd.f32 v5, v33;
	v5 =	vld [tilespmem:$0x1FFF0]  }
0x1c0: {  	v1 =	vld [tilespmem:s15+$0x940]  }
0x1c1: {  	v23 =	vld [tilespmem:s15+$0x9D0]  }
0x1c2: {  	v20 =	vld [tilespmem:s15+$0x9C0]  }
0x1c3: {  	v26 =	vld [tilespmem:s15+$0x9E0]  }
0x1c4: {  	s17 =	simm.s32 $0x5;
	s2 =	sshll.u32 s0, $0x1;
	v27 =	vld [tilespmem:s15+$0x9F0];
	v35 =	vadd.f32 v5, v4  }
.LBB2_3:
0x1c5: {  	s8 =	sshll.u32 s17, $0x7  }
0x1c6: {  	[tilespmem:s15+$0x14030] =	vst v0;
	v0 =	vld [tilespmem:s8+$0xA30]  }
0x1c7: {  	v15 =	vadd.f32 v39, v34;
	[tilespmem:s15+$0x15C10] =	vst v52;
	v52 =	vadd.f32 v53, v34;
	v34 =	vld [tilespmem:s8+$0x8D70]  }
0x1c8: {  	[tilespmem:s15+$0x15C00] =	vst v6  }
0x1c9: {  	[tilespmem:s15+$0x15C20] =	vst v55  }
0x1ca: {  	v8 =	vadd.f32 v41, v37;
	v41 =	vld [tilespmem:s15+$0xA60];
	[tilespmem:s15+$0x10880] =	vst v56  }
0x1cb: {  	[tilespmem:s15+$0x10890] =	vst v61;
	v6 =	vld [tilespmem:s8+$0x8D30];
	v55 =	vadd.f32 v59, v1  }
0x1cc: {  	v59 =	vadd.f32 v17, v49;
	[tilespmem:$0x1F8E0] =	vst v0;
	v5 =	vsub.f32 $1.250000000e-01, v0;
	v17 =	vmul.f32 v34, v0;
	v0 =	vld [tilespmem:$0x1FC70]  }
0x1cd: {  	[tilespmem:s15+$0x108A0] =	vst v50;
	v10 =	vld [tilespmem:s8+$0xA70]  }
0x1ce: {  	v12 =	vadd.f32 v44, v33;
	[tilespmem:s15+$0x108B0] =	vst v43;
	v50 =	vld [tilespmem:s8+$0x920]  }
0x1cf: {  	[tilespmem:$0x1F7E0] =	vst v46;
	v46 =	vadd.f32 v62, v42;
	v62 =	vadd.f32 v18, v1;
	v18 =	vld [tilespmem:s8+$0x880]  }
0x1d0: {  	[tilespmem:$0x1F800] =	vst v51;
	v51 =	vadd.f32 v14, v1;
	v53 =	vadd.f32 v22, v1;
	v1 =	vld [tilespmem:s8+$0x9A0]  }
0x1d1: {  	v33 =	vadd.f32 v58, v33;
	v58 =	vadd.f32 v0, v42;
	v0 =	vld [tilespmem:$0x1FC80]  }
0x1d2: {  	[tilespmem:s15+$0x12480] =	vst v38;
	v39 =	vadd.f32 v19, v49;
	v19 =	vadd.f32 v29, v23;
	v29 =	vld [tilespmem:s8+$0xA20]  }
0x1d3: {  	[tilespmem:$0x1F7F0] =	vst v47;
	v24 =	vadd.f32 v57, v37;
	v57 =	vadd.f32 v7, v42;
	v14 =	vld [tilespmem:s8+$0x890];
	v7 =	vmul.f32 v6, v5  }
0x1d4: {  	[tilespmem:s15+$0x12490] =	vst v45;
	v45 =	vadd.f32 v2, v26;
	v2 =	vld [tilespmem:s8+$0x9B0]  }
0x1d5: {  	[tilespmem:$0x1F810] =	vst v54;
	v17 =	vadd.f32 v17, v7;
	v7 =	vld [tilespmem:s8+$0x8A0]  }
0x1d6: {  	[tilespmem:s15+$0x124A0] =	vst v36;
	v36 =	vadd.f32 v0, v20;
	v0 =	vld [tilespmem:$0x1FC90]  }
0x1d7: {  	v16 =	vadd.f32 v48, v4;
	v4 =	vld [tilespmem:s8+$0x800];
	[tilespmem:s15+$0x15C30] =	vst v31  }
0x1d8: {  	v56 =	vld [tilespmem:s8+$0x930];
	[tilespmem:$0x1F8B0] =	vst v10  }
0x1d9: {  	v37 =	vld [tilespmem:s8+$0x810];
	v44 =	vadd.f32 v60, v25;
	v47 =	vadd.f32 v63, v49;
	[tilespmem:$0x1F870] =	vst v1  }
0x1da: {  	v31 =	vld [tilespmem:s8+$0x820];
	v54 =	vadd.f32 v28, v25;
	v63 =	vadd.f32 v9, v25;
	[tilespmem:$0x1F8C0] =	vst v29  }
0x1db: {  	v60 =	vadd.f32 v21, v25;
	[tilespmem:$0x1F880] =	vst v2;
	v25 =	vadd.f32 v0, v23;
	v0 =	vld [tilespmem:$0x1FCA0]  }
0x1dc: {  	v9 =	vld [tilespmem:s8+$0x8B0];
	[tilespmem:s15+$0x124B0] =	vst v40  }
0x1dd: {  	[tilespmem:s15+$0x140A0] =	vst v8;
	v61 =	vadd.f32 v17, v10;
	v10 =	vld [tilespmem:s8+$0x980]  }
0x1de: {  	v48 =	vadd.f32 v13, v42;
	v13 =	vld [tilespmem:s8+$0x900];
	[tilespmem:s15+$0x140B0] =	vst v12  }
0x1df: {  	v21 =	vadd.f32 v3, v20;
	v3 =	vld [tilespmem:$0x1FCF0];
	[tilespmem:s15+$0x15C80] =	vst v16  }
0x1e0: {  	v40 =	vld [tilespmem:s8+$0x910];
	[tilespmem:s15+$0x15CA0] =	vst v24;
	v24 =	vadd.f32 v0, v27;
	v0 =	vsub.f32 $1.250000000e-01, v56  }
0x1e1: {  	v1 =	vsub.f32 $1.250000000e-01, v1;
	v12 =	vld [tilespmem:s8+$0x990];
	[tilespmem:s15+$0x10900] =	vst v55  }
0x1e2: {  	v8 =	vld [tilespmem:s8+$0xA00];
	[tilespmem:$0x1F820] =	vst v0;
	v0 =	vsub.f32 $1.250000000e-01, v10  }
0x1e3: {  	[tilespmem:$0x1F860] =	vst v1;
	v1 =	vld [tilespmem:$0x1FCC0]  }
0x1e4: {  	[tilespmem:$0x1F830] =	vst v0;
	v0 =	vld [tilespmem:$0x1FCB0]  }
0x1e5: {  	[tilespmem:s15+$0x10920] =	vst v46;
	v46 =	vsub.f32 $1.250000000e-01, v2;
	v2 =	vld [tilespmem:$0x1FCD0]  }
0x1e6: {  	[tilespmem:s15+$0x12510] =	vst v54;
	v54 =	vsub.f32 $1.250000000e-01, v29;
	v29 =	vld [tilespmem:$0x1FD10]  }
0x1e7: {  	[tilespmem:$0x1F840] =	vst v10;
	v10 =	vld [tilespmem:s8+$0xA10]  }
0x1e8: {  	[tilespmem:s15+$0x10910] =	vst v44;
	v16 =	vadd.f32 v1, v27;
	v1 =	vld [tilespmem:s8+$0x4040]  }
0x1e9: {  	[tilespmem:s15+$0x10930] =	vst v47;
	v44 =	vadd.f32 v0, v26;
	v0 =	vld [tilespmem:s8+$0x4000]  }
0x1ea: {  	[tilespmem:s15+$0x12500] =	vst v51;
	v42 =	vld [tilespmem:$0x1FD30]  }
0x1eb: {  	[tilespmem:s15+$0x12520] =	vst v57;
	v17 =	vadd.f32 v2, v20;
	v2 =	vld [tilespmem:s8+$0x4010]  }
0x1ec: {  	v6 =	vsub.f32 $1.250000000e-01, v4;
	[tilespmem:$0x1F8A0] =	vst v10;
	v51 =	vsub.f32 $1.250000000e-01, v10;
	v10 =	vld [tilespmem:$0x1FD00]  }
0x1ed: {  	[tilespmem:$0x1F890] =	vst v8;
	v47 =	vsub.f32 $1.250000000e-01, v8;
	v8 =	vadd.f32 v3, v23;
	v3 =	vld [tilespmem:s8+$0x4050]  }
0x1ee: {  	[tilespmem:s15+$0x12530] =	vst v59;
	v59 =	vld [tilespmem:$0x1FD60];
	v1 =	vmul.f32 v1, v4;
	v0 =	vmul.f32 v6, v0  }
0x1ef: {  	[tilespmem:s15+$0x14100] =	vst v62;
	v62 =	vld [tilespmem:$0x1FD70]  }
0x1f0: {  	[tilespmem:s15+$0x14110] =	vst v63;
	v57 =	vadd.f32 v29, v27;
	v29 =	vld [tilespmem:s8+$0x4060];
	v0 =	vadd.f32 v1, v0  }
0x1f1: {  	[tilespmem:$0x1F850] =	vst v12;
	v55 =	vsub.f32 $1.250000000e-01, v12;
	v12 =	vadd.f32 v10, v26;
	v10 =	vld [tilespmem:s8+$0x4020]  }
0x1f2: {  	v63 =	vld [tilespmem:$0x1FD90];
	v2 =	vmul.f32 v2, v6;
	[tilespmem:$0x1F8F0] =	vst v0;
	v0 =	vmul.f32 v3, v4  }
0x1f3: {  	[tilespmem:$0x1F8D0] =	vst v5;
	v5 =	vadd.f32 v30, v49;
	v20 =	vadd.f32 v42, v20;
	v42 =	vld [tilespmem:$0x1F7E0]  }
0x1f4: {  	[tilespmem:s15+$0x14120] =	vst v48;
	v48 =	vld [tilespmem:s8+$0x5940];
	v0 =	vadd.f32 v0, v2  }
0x1f5: {  	[tilespmem:s15+$0x14130] =	vst v5;
	v27 =	vadd.f32 v62, v27;
	v62 =	vld [tilespmem:s8+$0x4070]  }
0x1f6: {  	v5 =	vld [tilespmem:$0x1FDD0];
	v10 =	vmul.f32 v10, v6;
	[tilespmem:$0x1F910] =	vst v0;
	v0 =	vmul.f32 v29, v4  }
0x1f7: {  	v23 =	vadd.f32 v59, v23;
	v59 =	vld [tilespmem:s8+$0x4030]  }
0x1f8: {  	v26 =	vadd.f32 v42, v26;
	v42 =	vld [tilespmem:$0x1FDA0];
	v0 =	vadd.f32 v0, v10  }
0x1f9: {  	[tilespmem:s15+$0x15D10] =	vst v60;
	v60 =	vld [tilespmem:$0x1FE00]  }
0x1fa: {  	[tilespmem:$0x1F920] =	vst v0;
	v0 =	vmul.f32 v62, v4;
	v62 =	vld [tilespmem:$0x1FE40]  }
0x1fb: {  	[tilespmem:s15+$0x15D00] =	vst v53;
	v53 =	vld [tilespmem:s8+$0x5950]  }
0x1fc: {  	v43 =	vsub.f32 $1.250000000e-01, v37;
	v1 =	vld [tilespmem:s8+$0x5900]  }
0x1fd: {  	[tilespmem:s15+$0x15CB0] =	vst v33;
	v63 =	vadd.f32 v63, v32;
	v33 =	vadd.f32 v42, v11;
	v42 =	vld [tilespmem:$0x1FDE0];
	v6 =	vmul.f32 v59, v6  }
0x1fe: {  	v5 =	vadd.f32 v5, v32;
	v59 =	vadd.f32 v60, v32;
	v60 =	vld [tilespmem:$0x1FE10]  }
0x1ff: {  	v0 =	vadd.f32 v0, v6;
	v32 =	vadd.f32 v62, v32;
	v62 =	vld [tilespmem:$0x1FE50]  }
0x200: {  	[tilespmem:s15+$0x15D20] =	vst v58;
	v2 =	vld [tilespmem:s8+$0x5910]  }
0x201: {  	v58 =	vld [tilespmem:s8+$0x5960];
	v1 =	vmul.f32 v43, v1;
	[tilespmem:$0x1F930] =	vst v0;
	v0 =	vmul.f32 v48, v37  }
0x202: {  	v4 =	vld [tilespmem:s8+$0x5920]  }
0x203: {  	v42 =	vadd.f32 v42, v11;
	v6 =	vld [tilespmem:s8+$0x5930];
	v0 =	vadd.f32 v0, v1  }
0x204: {  	[tilespmem:s15+$0x10990] =	vst v25;
	v60 =	vadd.f32 v60, v11;
	v11 =	vadd.f32 v62, v11;
	v62 =	vld [tilespmem:s8+$0x5970]  }
0x205: {  	v25 =	vld [tilespmem:s8+$0x7240];
	v2 =	vmul.f32 v2, v43;
	[tilespmem:$0x1F900] =	vst v0;
	v0 =	vmul.f32 v53, v37  }
0x206: {  	[tilespmem:s15+$0x12580] =	vst v21;
	v1 =	vld [tilespmem:s8+$0x7200]  }
0x207: {  	v21 =	vld [tilespmem:s8+$0x7250];
	[tilespmem:s15+$0x109B0] =	vst v24;
	v4 =	vmul.f32 v4, v43;
	v24 =	vadd.f32 v0, v2;
	v0 =	vmul.f32 v58, v37  }
0x208: {  	v38 =	vsub.f32 $1.250000000e-01, v31;
	v2 =	vld [tilespmem:s8+$0x7210]  }
0x209: {  	v28 =	vld [tilespmem:s8+$0x830];
	[tilespmem:s15+$0x109A0] =	vst v45;
	v6 =	vmul.f32 v6, v43;
	v43 =	vadd.f32 v0, v4;
	v0 =	vmul.f32 v62, v37  }
0x20a: {  	[tilespmem:s15+$0x12590] =	vst v19;
	v19 =	vld [tilespmem:s8+$0x7260]  }
0x20b: {  	[tilespmem:s15+$0x125B0] =	vst v16;
	v16 =	vld [tilespmem:s8+$0x7270];
	v1 =	vmul.f32 v38, v1;
	v45 =	vadd.f32 v0, v6;
	v0 =	vmul.f32 v25, v31  }
0x20c: {  	v4 =	vld [tilespmem:s8+$0x7220]  }
0x20d: {  	[tilespmem:s15+$0x14190] =	vst v8;
	v8 =	vld [tilespmem:s8+$0x8B40];
	v2 =	vmul.f32 v2, v38;
	v25 =	vadd.f32 v0, v1;
	v0 =	vmul.f32 v21, v31  }
0x20e: {  	[tilespmem:s15+$0x14080] =	vst v35;
	v6 =	vld [tilespmem:s8+$0x7230]  }
0x20f: {  	[tilespmem:s15+$0x141A0] =	vst v12;
	v12 =	vld [tilespmem:s8+$0x8B50];
	v0 =	vadd.f32 v0, v2  }
0x210: {  	[tilespmem:s15+$0x14090] =	vst v15;
	v1 =	vld [tilespmem:s8+$0x8B00]  }
0x211: {  	v3 =	vld [tilespmem:$0x1F7F0];
	v4 =	vmul.f32 v4, v38;
	[tilespmem:$0x1F940] =	vst v0;
	v0 =	vmul.f32 v19, v31  }
0x212: {  	v34 =	vsub.f32 $1.250000000e-01, v28;
	[tilespmem:s15+$0x15C90] =	vst v52;
	v2 =	vld [tilespmem:s8+$0x8B10]  }
0x213: {  	[tilespmem:s15+$0x15D90] =	vst v23;
	v6 =	vmul.f32 v6, v38;
	v23 =	vadd.f32 v0, v4;
	v0 =	vmul.f32 v16, v31;
	v4 =	vld [tilespmem:s8+$0x8B20]  }
0x214: {  	[tilespmem:s15+$0x15D30] =	vst v39;
	v16 =	vld [tilespmem:s8+$0x8B60]  }
0x215: {  	[tilespmem:s15+$0x15DB0] =	vst v27;
	v1 =	vmul.f32 v34, v1;
	v27 =	vadd.f32 v0, v6;
	v0 =	vmul.f32 v8, v28  }
0x216: {  	[tilespmem:s8+$0x15E30] =	vst v61;
	v3 =	vadd.f32 v3, v41  }
0x217: {  	[tilespmem:s15+$0x10980] =	vst v36;
	v2 =	vmul.f32 v2, v34;
	v6 =	vld [tilespmem:s8+$0x8B30];
	v31 =	vadd.f32 v0, v1;
	v0 =	vmul.f32 v12, v28  }
0x218: {  	[tilespmem:s15+$0x14180] =	vst v17;
	v8 =	vld [tilespmem:s8+$0x8B70]  }
0x219: {  	[tilespmem:s15+$0x10A20] =	vst v3;
	v3 =	vmul.f32 v4, v34;
	v38 =	vadd.f32 v0, v2;
	v0 =	vmul.f32 v16, v28  }
0x21a: {  	[tilespmem:s15+$0x141B0] =	vst v57;
	v29 =	vld [tilespmem:$0x1F800]  }
0x21b: {  	[tilespmem:s15+$0x15D80] =	vst v20;
	v1 =	vld [tilespmem:s8+$0x4080];
	v0 =	vadd.f32 v0, v3  }
0x21c: {  	[tilespmem:s15+$0x12600] =	vst v5;
	v4 =	vld [tilespmem:s8+$0x40C0]  }
0x21d: {  	v10 =	vld [tilespmem:$0x1F810];
	v5 =	vmul.f32 v6, v34;
	[tilespmem:$0x1F950] =	vst v0;
	v0 =	vmul.f32 v8, v28  }
0x21e: {  	[tilespmem:s15+$0x10A00] =	vst v63;
	v48 =	vld [tilespmem:$0x1FE60]  }
0x21f: {  	v30 =	vsub.f32 $1.250000000e-01, v18;
	[tilespmem:s15+$0x125A0] =	vst v44;
	v2 =	vld [tilespmem:s8+$0x4090];
	v0 =	vadd.f32 v0, v5  }
0x220: {  	[tilespmem:s15+$0x15DA0] =	vst v26;
	v6 =	vld [tilespmem:s8+$0x40D0]  }
0x221: {  	v3 =	vld [tilespmem:s8+$0x40A0];
	v1 =	vmul.f32 v30, v1;
	[tilespmem:$0x1F960] =	vst v0;
	v0 =	vmul.f32 v4, v18  }
0x222: {  	[tilespmem:s15+$0x10A10] =	vst v33;
	v8 =	vld [tilespmem:s8+$0x40E0]  }
0x223: {  	[tilespmem:s15+$0x14200] =	vst v59;
	v0 =	vadd.f32 v0, v1  }
0x224: {  	[tilespmem:s15+$0x12610] =	vst v42  }
0x225: {  	v36 =	vadd.f32 v48, v41;
	v2 =	vmul.f32 v2, v30;
	v5 =	vld [tilespmem:s8+$0x40F0];
	[tilespmem:$0x1F970] =	vst v0;
	v0 =	vmul.f32 v6, v18  }
0x226: {  	[tilespmem:s15+$0x14210] =	vst v60;
	v29 =	vadd.f32 v29, v41;
	v10 =	vadd.f32 v10, v41;
	v4 =	vld [tilespmem:s8+$0x40B0]  }
0x227: {  	[tilespmem:s15+$0x15E20] =	vst v36;
	v3 =	vmul.f32 v3, v30;
	v36 =	vadd.f32 v0, v2;
	v0 =	vmul.f32 v8, v18  }
0x228: {  	[tilespmem:s15+$0x12620] =	vst v29  }
0x229: {  	[tilespmem:s15+$0x14220] =	vst v10;
	v1 =	vld [tilespmem:s8+$0x5980];
	v0 =	vadd.f32 v0, v3  }
0x22a: {  	[tilespmem:s15+$0x15E00] =	vst v32;
	v6 =	vld [tilespmem:s8+$0x59C0]  }
0x22b: {  	v4 =	vmul.f32 v4, v30;
	[tilespmem:$0x1F980] =	vst v0;
	v0 =	vmul.f32 v5, v18  }
0x22c: {  	[tilespmem:s15+$0x15E10] =	vst v11;
	s15 =	smov.u32 s8  }
0x22d: {  	v22 =	vsub.f32 $1.250000000e-01, v14;
	v2 =	vld [tilespmem:s15+$0x5990];
	v0 =	vadd.f32 v0, v4  }
0x22e: {  	v8 =	vld [tilespmem:s15+$0x59D0]  }
0x22f: {  	v1 =	vmul.f32 v22, v1;
	[tilespmem:$0x1F990] =	vst v0;
	v0 =	vmul.f32 v6, v14;
	_ =	sdelay $0x1  }
0x230: {  	v3 =	vld [tilespmem:s15+$0x59A0];
	v0 =	vadd.f32 v0, v1  }
0x231: {  	v5 =	vld [tilespmem:s15+$0x59E0]  }
0x232: {  	v2 =	vmul.f32 v2, v22;
	[tilespmem:$0x1F9A0] =	vst v0;
	v0 =	vmul.f32 v8, v14;
	_ =	sdelay $0x1  }
0x233: {  	v4 =	vld [tilespmem:s15+$0x59B0];
	v0 =	vadd.f32 v0, v2  }
0x234: {  	v6 =	vld [tilespmem:s15+$0x59F0]  }
0x235: {  	v3 =	vmul.f32 v3, v22;
	[tilespmem:$0x1F9B0] =	vst v0;
	v0 =	vmul.f32 v5, v14;
	_ =	sdelay $0x1  }
0x236: {  	v1 =	vld [tilespmem:s15+$0x7280];
	v0 =	vadd.f32 v0, v3  }
0x237: {  	v8 =	vld [tilespmem:s15+$0x72C0]  }
0x238: {  	v4 =	vmul.f32 v4, v22;
	[tilespmem:$0x1F9C0] =	vst v0;
	v0 =	vmul.f32 v6, v14  }
0x239: {  	v10 =	vld [tilespmem:$0x1F820]  }
0x23a: {  	v15 =	vsub.f32 $1.250000000e-01, v7;
	v2 =	vld [tilespmem:s15+$0x7290];
	v0 =	vadd.f32 v0, v4  }
0x23b: {  	v5 =	vld [tilespmem:s15+$0x72D0]  }
0x23c: {  	v1 =	vmul.f32 v15, v1;
	v3 =	vld [tilespmem:s15+$0x72A0];
	[tilespmem:$0x1F9D0] =	vst v0;
	v0 =	vmul.f32 v8, v7  }
0x23d: {  	v6 =	vld [tilespmem:s15+$0x72E0]  }
0x23e: {  	v4 =	vld [tilespmem:s15+$0x72B0];
	v0 =	vadd.f32 v0, v1  }
0x23f: {  	v8 =	vld [tilespmem:s15+$0x72F0]  }
0x240: {  	v2 =	vmul.f32 v2, v15;
	v1 =	vld [tilespmem:s15+$0x8B80];
	[tilespmem:$0x1F9E0] =	vst v0;
	v0 =	vmul.f32 v5, v7  }
0x241: {  	v5 =	vld [tilespmem:s15+$0x8BC0]  }
0x242: {  	v3 =	vmul.f32 v3, v15;
	v39 =	vadd.f32 v0, v2;
	v0 =	vmul.f32 v6, v7;
	v2 =	vld [tilespmem:s15+$0x8B90]  }
0x243: {  	v35 =	vsub.f32 $1.250000000e-01, v9;
	v6 =	vld [tilespmem:s15+$0x8BD0]  }
0x244: {  	v4 =	vmul.f32 v4, v15;
	v41 =	vadd.f32 v0, v3;
	v0 =	vmul.f32 v8, v7;
	v3 =	vld [tilespmem:s15+$0x8BA0]  }
0x245: {  	v7 =	vld [tilespmem:s15+$0x8BE0]  }
0x246: {  	v1 =	vmul.f32 v35, v1;
	v44 =	vadd.f32 v0, v4;
	v0 =	vmul.f32 v5, v9;
	v4 =	vld [tilespmem:s15+$0x8BB0]  }
0x247: {  	v5 =	vld [tilespmem:s15+$0x8BF0]  }
0x248: {  	v2 =	vmul.f32 v2, v35;
	v48 =	vadd.f32 v0, v1;
	v0 =	vmul.f32 v6, v9;
	v1 =	vld [tilespmem:s15+$0x4100]  }
0x249: {  	v6 =	vld [tilespmem:s15+$0x4140]  }
0x24a: {  	v3 =	vmul.f32 v3, v35;
	v53 =	vadd.f32 v0, v2;
	v0 =	vmul.f32 v7, v9;
	v2 =	vld [tilespmem:s15+$0x4110]  }
0x24b: {  	v49 =	vsub.f32 $1.250000000e-01, v13;
	v7 =	vld [tilespmem:s15+$0x4150]  }
0x24c: {  	v4 =	vmul.f32 v4, v35;
	v57 =	vadd.f32 v0, v3;
	v0 =	vmul.f32 v5, v9;
	v3 =	vld [tilespmem:s15+$0x4120]  }
0x24d: {  	v5 =	vld [tilespmem:s15+$0x4160]  }
0x24e: {  	v1 =	vmul.f32 v49, v1;
	v58 =	vadd.f32 v0, v4;
	v0 =	vmul.f32 v6, v13;
	v4 =	vld [tilespmem:s15+$0x4130]  }
0x24f: {  	v6 =	vld [tilespmem:s15+$0x4170]  }
0x250: {  	v2 =	vmul.f32 v2, v49;
	v59 =	vadd.f32 v0, v1;
	v0 =	vmul.f32 v7, v13;
	v1 =	vld [tilespmem:s15+$0x5A00]  }
0x251: {  	v7 =	vld [tilespmem:s15+$0x5A40]  }
0x252: {  	v3 =	vmul.f32 v3, v49;
	v60 =	vadd.f32 v0, v2;
	v0 =	vmul.f32 v5, v13;
	v2 =	vld [tilespmem:s15+$0x5A10]  }
0x253: {  	v61 =	vsub.f32 $1.250000000e-01, v40;
	v5 =	vld [tilespmem:s15+$0x5A50]  }
0x254: {  	v4 =	vmul.f32 v4, v49;
	v62 =	vadd.f32 v0, v3;
	v0 =	vmul.f32 v6, v13;
	v3 =	vld [tilespmem:s15+$0x5A20]  }
0x255: {  	v6 =	vld [tilespmem:s15+$0x5A60]  }
0x256: {  	v8 =	vld [tilespmem:s15+$0x5A70];
	v1 =	vmul.f32 v61, v1;
	v63 =	vadd.f32 v0, v4;
	v0 =	vmul.f32 v7, v40  }
0x257: {  	v4 =	vld [tilespmem:s15+$0x5A30]  }
0x258: {  	v2 =	vmul.f32 v2, v61;
	v14 =	vadd.f32 v0, v1;
	v0 =	vmul.f32 v5, v40;
	v1 =	vld [tilespmem:s15+$0x7300]  }
0x259: {  	v5 =	vld [tilespmem:s15+$0x7340]  }
0x25a: {  	v3 =	vmul.f32 v3, v61;
	v28 =	vadd.f32 v0, v2;
	v0 =	vmul.f32 v6, v40;
	v2 =	vld [tilespmem:s15+$0x7310]  }
0x25b: {  	v52 =	vsub.f32 $1.250000000e-01, v50;
	v6 =	vld [tilespmem:s15+$0x7350]  }
0x25c: {  	v4 =	vmul.f32 v4, v61;
	v7 =	vadd.f32 v0, v3;
	v0 =	vmul.f32 v8, v40;
	v3 =	vld [tilespmem:s15+$0x7320]  }
0x25d: {  	v8 =	vld [tilespmem:s15+$0x7360]  }
0x25e: {  	v1 =	vmul.f32 v52, v1;
	v17 =	vadd.f32 v0, v4;
	v0 =	vmul.f32 v5, v50;
	v4 =	vld [tilespmem:s15+$0x7330]  }
0x25f: {  	v5 =	vld [tilespmem:s15+$0x7370]  }
0x260: {  	v2 =	vmul.f32 v2, v52;
	v18 =	vadd.f32 v0, v1;
	v0 =	vmul.f32 v6, v50;
	v1 =	vld [tilespmem:s15+$0x8C00]  }
0x261: {  	v6 =	vld [tilespmem:s15+$0x8C40]  }
0x262: {  	v3 =	vmul.f32 v3, v52;
	v9 =	vadd.f32 v0, v2;
	v0 =	vmul.f32 v8, v50;
	v2 =	vld [tilespmem:s15+$0x8C10]  }
0x263: {  	v8 =	vld [tilespmem:s15+$0x8C50]  }
0x264: {  	v4 =	vmul.f32 v4, v52;
	v13 =	vadd.f32 v0, v3;
	v0 =	vmul.f32 v5, v50;
	v3 =	vld [tilespmem:s15+$0x8C20]  }
0x265: {  	v5 =	vld [tilespmem:s15+$0x8C60]  }
0x266: {  	v11 =	vld [tilespmem:$0x1F840];
	v1 =	vmul.f32 v10, v1;
	v30 =	vadd.f32 v0, v4;
	v0 =	vmul.f32 v6, v56  }
0x267: {  	v12 =	vld [tilespmem:$0x1F830]  }
0x268: {  	v4 =	vld [tilespmem:s15+$0x8C30];
	v2 =	vmul.f32 v2, v10;
	v22 =	vadd.f32 v0, v1;
	v0 =	vmul.f32 v8, v56  }
0x269: {  	v6 =	vld [tilespmem:s15+$0x8C70]  }
0x26a: {  	v1 =	vld [tilespmem:s15+$0x4180];
	v3 =	vmul.f32 v3, v10;
	v21 =	vadd.f32 v0, v2;
	v0 =	vmul.f32 v5, v56  }
0x26b: {  	v8 =	vld [tilespmem:s15+$0x41C0]  }
0x26c: {  	v0 =	vadd.f32 v0, v3;
	_ =	sdelay $0x1  }
0x26d: {  	v2 =	vld [tilespmem:s15+$0x4190];
	v4 =	vmul.f32 v4, v10;
	[tilespmem:$0x1FC70] =	vst v0;
	v0 =	vmul.f32 v6, v56  }
0x26e: {  	v5 =	vld [tilespmem:s15+$0x41D0]  }
0x26f: {  	v1 =	vmul.f32 v12, v1;
	v26 =	vadd.f32 v0, v4;
	v0 =	vmul.f32 v8, v11;
	_ =	sdelay $0x1  }
0x270: {  	v3 =	vld [tilespmem:s15+$0x41A0];
	v0 =	vadd.f32 v0, v1  }
0x271: {  	v6 =	vld [tilespmem:s15+$0x41E0]  }
0x272: {  	v2 =	vmul.f32 v2, v12;
	v4 =	vld [tilespmem:s15+$0x41B0];
	[tilespmem:$0x1FC80] =	vst v0;
	v0 =	vmul.f32 v5, v11  }
0x273: {  	v8 =	vld [tilespmem:s15+$0x41F0]  }
0x274: {  	v0 =	vadd.f32 v0, v2  }
0x275: {  	v1 =	vld [tilespmem:s15+$0x5A80]  }
0x276: {  	v3 =	vmul.f32 v3, v12;
	v5 =	vld [tilespmem:s15+$0x5AC0];
	[tilespmem:$0x1FC90] =	vst v0;
	v0 =	vmul.f32 v6, v11  }
0x277: {  	v4 =	vmul.f32 v4, v12;
	v12 =	vld [tilespmem:$0x1F850]  }
0x278: {  	v10 =	vld [tilespmem:s15+$0x5AD0];
	v2 =	vadd.f32 v0, v3;
	v0 =	vmul.f32 v8, v11  }
0x279: {  	v6 =	vld [tilespmem:s15+$0x5A90]  }
0x27a: {  	v8 =	vld [tilespmem:s15+$0x5AA0];
	v0 =	vadd.f32 v0, v4  }
0x27b: {  	v11 =	vld [tilespmem:s15+$0x5AE0]  }
0x27c: {  	v1 =	vmul.f32 v55, v1;
	[tilespmem:$0x1FCA0] =	vst v0;
	v0 =	vmul.f32 v5, v12;
	_ =	sdelay $0x1  }
0x27d: {  	v5 =	vmul.f32 v6, v55;
	v3 =	vadd.f32 v0, v1;
	v0 =	vmul.f32 v10, v12  }
0x27e: {  	v6 =	vld [tilespmem:s15+$0x5AF0]  }
0x27f: {  	v4 =	vld [tilespmem:s15+$0x5AB0];
	v8 =	vmul.f32 v8, v55;
	v32 =	vadd.f32 v0, v5;
	v0 =	vmul.f32 v11, v12  }
0x280: {  	v15 =	vld [tilespmem:$0x1F860]  }
0x281: {  	v1 =	vld [tilespmem:s15+$0x7380];
	v0 =	vadd.f32 v0, v8  }
0x282: {  	v10 =	vld [tilespmem:s15+$0x73C0]  }
0x283: {  	[tilespmem:$0x1FCB0] =	vst v0;
	v0 =	vmul.f32 v6, v12;
	v12 =	vld [tilespmem:$0x1F870]  }
0x284: {  	v4 =	vmul.f32 v4, v55;
	_ =	sdelay $0x1  }
0x285: {  	v5 =	vld [tilespmem:s15+$0x7390];
	v0 =	vadd.f32 v0, v4  }
0x286: {  	v11 =	vld [tilespmem:s15+$0x73D0]  }
0x287: {  	v1 =	vmul.f32 v15, v1;
	[tilespmem:$0x1FCC0] =	vst v0;
	v0 =	vmul.f32 v10, v12;
	_ =	sdelay $0x1  }
0x288: {  	v8 =	vld [tilespmem:s15+$0x73E0];
	v0 =	vadd.f32 v0, v1  }
0x289: {  	v6 =	vld [tilespmem:s15+$0x73A0]  }
0x28a: {  	v5 =	vmul.f32 v5, v15;
	[tilespmem:$0x1FCD0] =	vst v0;
	v0 =	vmul.f32 v11, v12;
	_ =	sdelay $0x1  }
0x28b: {  	v0 =	vadd.f32 v0, v5  }
0x28c: {  	v10 =	vld [tilespmem:s15+$0x73F0]  }
0x28d: {  	v4 =	vld [tilespmem:s15+$0x73B0];
	v6 =	vmul.f32 v6, v15;
	[tilespmem:$0x1FCF0] =	vst v0;
	v0 =	vmul.f32 v8, v12;
	_ =	sdelay $0x1  }
0x28e: {  	v1 =	vld [tilespmem:s15+$0x8C80];
	v0 =	vadd.f32 v0, v6  }
0x28f: {  	v11 =	vld [tilespmem:s15+$0x8CC0]  }
0x290: {  	[tilespmem:$0x1FD00] =	vst v0;
	v0 =	vmul.f32 v10, v12;
	v12 =	vld [tilespmem:$0x1F880]  }
0x291: {  	v4 =	vmul.f32 v4, v15;
	_ =	sdelay $0x1  }
0x292: {  	v5 =	vld [tilespmem:s15+$0x8C90];
	v0 =	vadd.f32 v0, v4  }
0x293: {  	v8 =	vld [tilespmem:s15+$0x8CD0]  }
0x294: {  	v1 =	vmul.f32 v46, v1;
	[tilespmem:$0x1FD10] =	vst v0;
	v0 =	vmul.f32 v11, v12;
	_ =	sdelay $0x1  }
0x295: {  	v6 =	vld [tilespmem:s15+$0x8CA0];
	v0 =	vadd.f32 v0, v1  }
0x296: {  	v10 =	vld [tilespmem:s15+$0x8CE0]  }
0x297: {  	v5 =	vmul.f32 v5, v46;
	v4 =	vld [tilespmem:s15+$0x8CB0];
	[tilespmem:$0x1FD30] =	vst v0;
	v0 =	vmul.f32 v8, v12  }
0x298: {  	v11 =	vld [tilespmem:s15+$0x8CF0]  }
0x299: {  	v0 =	vadd.f32 v0, v5;
	_ =	sdelay $0x1  }
0x29a: {  	v6 =	vmul.f32 v6, v46;
	v1 =	vld [tilespmem:s15+$0x4200];
	[tilespmem:$0x1FD60] =	vst v0;
	v0 =	vmul.f32 v10, v12  }
0x29b: {  	v8 =	vld [tilespmem:s15+$0x4240]  }
0x29c: {  	v4 =	vmul.f32 v4, v46;
	v46 =	vadd.f32 v0, v6;
	v0 =	vmul.f32 v11, v12;
	v12 =	vld [tilespmem:$0x1F890];
	_ =	sdelay $0x2  }
0x29d: {  	v5 =	vld [tilespmem:s15+$0x4210];
	v0 =	vadd.f32 v0, v4  }
0x29e: {  	v10 =	vld [tilespmem:s15+$0x4250]  }
0x29f: {  	v1 =	vmul.f32 v47, v1;
	[tilespmem:$0x1FD70] =	vst v0;
	v0 =	vmul.f32 v8, v12  }
0x2a0: {  	v16 =	vld [tilespmem:$0x1F8A0]  }
0x2a1: {  	v6 =	vld [tilespmem:s15+$0x4220];
	v0 =	vadd.f32 v0, v1  }
0x2a2: {  	v11 =	vld [tilespmem:s15+$0x4260]  }
0x2a3: {  	v5 =	vmul.f32 v5, v47;
	v4 =	vld [tilespmem:s15+$0x4230];
	[tilespmem:$0x1FD90] =	vst v0;
	v0 =	vmul.f32 v10, v12  }
0x2a4: {  	v8 =	vld [tilespmem:s15+$0x4270]  }
0x2a5: {  	v1 =	vld [tilespmem:s15+$0x5B00];
	v0 =	vadd.f32 v0, v5  }
0x2a6: {  	v10 =	vld [tilespmem:s15+$0x5B40]  }
0x2a7: {  	v6 =	vmul.f32 v6, v47;
	[tilespmem:$0x1FDA0] =	vst v0;
	v0 =	vmul.f32 v11, v12  }
0x2a8: {  	v20 =	vld [tilespmem:$0x1F8B0]  }
0x2a9: {  	v4 =	vmul.f32 v4, v47;
	v5 =	vld [tilespmem:s15+$0x5B10];
	v47 =	vadd.f32 v0, v6;
	v0 =	vmul.f32 v8, v12  }
0x2aa: {  	v11 =	vld [tilespmem:s15+$0x5B50]  }
0x2ab: {  	v1 =	vmul.f32 v51, v1;
	v0 =	vadd.f32 v0, v4;
	v4 =	vmul.f32 v10, v16;
	_ =	sdelay $0x1  }
0x2ac: {  	v6 =	vld [tilespmem:s15+$0x5B20];
	v1 =	vadd.f32 v4, v1  }
0x2ad: {  	v8 =	vld [tilespmem:s15+$0x5B60]  }
0x2ae: {  	v12 =	vld [tilespmem:s15+$0x5B70];
	v5 =	vmul.f32 v5, v51;
	v0 =	vadd.f32 v0, v20;
	[tilespmem:$0x1FDD0] =	vst v1;
	v1 =	vmul.f32 v11, v16  }
0x2af: {  	v10 =	vld [tilespmem:s15+$0x5B30]  }
0x2b0: {  	[tilespmem:s15+$0x10A30] =	vst v0;
	v0 =	vadd.f32 v1, v5;
	_ =	sdelay $0x1  }
0x2b1: {  	v4 =	vld [tilespmem:s15+$0x7400];
	v6 =	vmul.f32 v6, v51;
	[tilespmem:$0x1FDE0] =	vst v0;
	v0 =	vmul.f32 v8, v16  }
0x2b2: {  	v11 =	vld [tilespmem:s15+$0x7440]  }
0x2b3: {  	v5 =	vmul.f32 v10, v51;
	v51 =	vadd.f32 v0, v6;
	v0 =	vmul.f32 v12, v16;
	v16 =	vld [tilespmem:$0x1F8C0];
	_ =	sdelay $0x2  }
0x2b4: {  	v1 =	vld [tilespmem:s15+$0x7410]  }
0x2b5: {  	v8 =	vld [tilespmem:s15+$0x7450]  }
0x2b6: {  	v4 =	vmul.f32 v54, v4;
	v0 =	vadd.f32 v0, v5;
	v5 =	vmul.f32 v11, v16;
	_ =	sdelay $0x1  }
0x2b7: {  	v10 =	vld [tilespmem:s15+$0x7460];
	v4 =	vadd.f32 v5, v4  }
0x2b8: {  	v6 =	vld [tilespmem:s15+$0x7420]  }
0x2b9: {  	v12 =	vld [tilespmem:s15+$0x7470];
	v1 =	vmul.f32 v1, v54;
	v0 =	vadd.f32 v0, v20;
	[tilespmem:$0x1FE00] =	vst v4;
	v4 =	vmul.f32 v8, v16  }
0x2ba: {  	v11 =	vld [tilespmem:s15+$0x7430]  }
0x2bb: {  	[tilespmem:s15+$0x12630] =	vst v0;
	v0 =	vadd.f32 v4, v1  }
0x2bc: {  	v19 =	vld [tilespmem:$0x1F8D0]  }
0x2bd: {  	v6 =	vmul.f32 v6, v54;
	v5 =	vld [tilespmem:s15+$0x8D00];
	[tilespmem:$0x1FE10] =	vst v0;
	v0 =	vmul.f32 v10, v16  }
0x2be: {  	v8 =	vld [tilespmem:s15+$0x8D40]  }
0x2bf: {  	v4 =	vmul.f32 v11, v54;
	v54 =	vadd.f32 v0, v6;
	v0 =	vmul.f32 v12, v16;
	v16 =	vld [tilespmem:$0x1F8E0]  }
0x2c0: {  	v1 =	vld [tilespmem:s15+$0x8D10]  }
0x2c1: {  	v10 =	vld [tilespmem:s15+$0x8D50];
	_ =	sdelay $0x2  }
0x2c2: {  	v5 =	vmul.f32 v19, v5;
	v0 =	vadd.f32 v0, v4;
	v4 =	vmul.f32 v8, v16  }
0x2c3: {  	v1 =	vmul.f32 v1, v19  }
0x2c4: {  	v0 =	vadd.f32 v0, v20;
	v4 =	vadd.f32 v4, v5;
	v5 =	vmul.f32 v10, v16  }
0x2c5: {  	v12 =	vld [tilespmem:s15+$0x840]  }
0x2c6: {  	[tilespmem:s15+$0x14230] =	vst v0;
	v0 =	vadd.f32 v5, v1;
	v5 =	vld [tilespmem:$0x1F900];
	_ =	sdelay $0x2  }
0x2c7: {  	v1 =	vld [tilespmem:$0x1F8F0];
	_ =	sdelay $0x1  }
0x2c8: {  	v15 =	vld [tilespmem:s15+$0x860];
	v5 =	vadd.f32 v5, v12  }
0x2c9: {  	v11 =	vld [tilespmem:s15+$0x8D60]  }
0x2ca: {  	[tilespmem:s15+$0x12400] =	vst v5;
	v5 =	vld [tilespmem:$0x1F950]  }
0x2cb: {  	v6 =	vld [tilespmem:s15+$0x8D20];
	v1 =	vadd.f32 v1, v12  }
0x2cc: {  	v10 =	vld [tilespmem:s15+$0x870]  }
0x2cd: {  	[tilespmem:s15+$0x10800] =	vst v1;
	v1 =	vld [tilespmem:$0x1F930];
	_ =	sdelay $0x1  }
0x2ce: {  	v55 =	vadd.f32 v5, v15;
	v5 =	vld [tilespmem:$0x1F960]  }
0x2cf: {  	v6 =	vmul.f32 v6, v19;
	[tilespmem:$0x1FE50] =	vst v0;
	v0 =	vmul.f32 v11, v16;
	_ =	sdelay $0x1  }
0x2d0: {  	v0 =	vadd.f32 v0, v6;
	v6 =	vadd.f32 v1, v10  }
0x2d1: {  	[tilespmem:$0x1FE40] =	vst v4;
	v4 =	vld [tilespmem:s15+$0x8C0]  }
0x2d2: {  	[tilespmem:s15+$0x10830] =	vst v6;
	v6 =	vadd.f32 v31, v12;
	v31 =	vadd.f32 v5, v10;
	v5 =	vld [tilespmem:$0x1F970];
	_ =	sdelay $0x3  }
0x2d3: {  	v37 =	vld [tilespmem:s15+$0x8E0]  }
0x2d4: {  	v56 =	vadd.f32 v5, v4;
	v5 =	vld [tilespmem:$0x1F980];
	_ =	sdelay $0x1  }
0x2d5: {  	v8 =	vld [tilespmem:s15+$0x850]  }
0x2d6: {  	v11 =	vld [tilespmem:$0x1F910]  }
0x2d7: {  	v33 =	vld [tilespmem:s15+$0x8F0]  }
0x2d8: {  	v50 =	vadd.f32 v5, v37;
	v5 =	vld [tilespmem:$0x1F990];
	_ =	sdelay $0x2  }
0x2d9: {  	v11 =	vadd.f32 v11, v8;
	_ =	sdelay $0x1  }
0x2da: {  	[tilespmem:s15+$0x10810] =	vst v11;
	v11 =	vadd.f32 v43, v15;
	v43 =	vadd.f32 v5, v33;
	v5 =	vld [tilespmem:$0x1F9A0];
	_ =	sdelay $0x3  }
0x2db: {  	v34 =	vld [tilespmem:s15+$0x8D0]  }
0x2dc: {  	v52 =	vadd.f32 v38, v8;
	v38 =	vadd.f32 v5, v4;
	v5 =	vld [tilespmem:$0x1F9B0];
	_ =	sdelay $0x3  }
0x2dd: {  	[tilespmem:$0x1FE60] =	vst v0;
	v0 =	vld [tilespmem:$0x1F920]  }
0x2de: {  	v19 =	vadd.f32 v45, v10;
	v45 =	vadd.f32 v5, v34;
	v5 =	vld [tilespmem:$0x1F9C0];
	_ =	sdelay $0x2  }
0x2df: {  	v42 =	vld [tilespmem:s15+$0x960]  }
0x2e0: {  	v49 =	vld [tilespmem:s15+$0x970];
	v0 =	vadd.f32 v0, v15  }
0x2e1: {  	v61 =	vadd.f32 v36, v34;
	v36 =	vadd.f32 v5, v37;
	v5 =	vld [tilespmem:$0x1F9D0]  }
0x2e2: {  	[tilespmem:s15+$0x10820] =	vst v0;
	v0 =	vld [tilespmem:$0x1F940]  }
0x2e3: {  	v35 =	vadd.f32 v23, v15;
	v23 =	vld [tilespmem:s15+$0x9D0]  }
0x2e4: {  	v20 =	vld [tilespmem:s15+$0x9C0]  }
0x2e5: {  	v16 =	vadd.f32 v24, v8;
	v24 =	vadd.f32 v25, v12;
	v25 =	vld [tilespmem:s15+$0x950]  }
0x2e6: {  	p0 =	slt.u32 s17, $0x2D;
	[tilespmem:s15+$0x14020] =	vst v35;
	v40 =	vadd.f32 v5, v33;
	v5 =	vld [tilespmem:$0x1F9E0]  }
.Ltmp2:
0x2e7: {  	[tilespmem:s15+$0x12430] =	vst v19;
	v19 =	vmov v26;
	v26 =	vld [tilespmem:s15+$0x9E0];
	v29 =	vadd.f32 v0, v8;
	(pc) =	sbr.rel @p0 .LBB2_3-.Ltmp2, $4  }
0x2e8: {  	[tilespmem:s15+$0x12420] =	vst v11;
	v11 =	vld [tilespmem:s15+$0xA50]  }
0x2e9: {  	[tilespmem:s15+$0x12410] =	vst v16;
	v1 =	vld [tilespmem:s15+$0x940]  }
0x2ea: {  	[tilespmem:s15+$0x14000] =	vst v24;
	v0 =	vadd.f32 v27, v10;
	v27 =	vld [tilespmem:s15+$0x9F0]  }
0x2eb: {  	s17 =	sadd.s32 $0x5, s17;
	[tilespmem:s15+$0x14010] =	vst v29;
	v29 =	vmov v32;
	v32 =	vld [tilespmem:s15+$0xA40];
	v35 =	vadd.f32 v5, v4  }
0x2ec: {  	[tilespmem:s15+$0x14030] =	vst v0  }
0x2ed: {  	[tilespmem:s15+$0x15C00] =	vst v6  }
0x2ee: {  	[tilespmem:s15+$0x15C10] =	vst v52  }
0x2ef: {  	[tilespmem:s15+$0x15C20] =	vst v55  }
0x2f0: {  	[tilespmem:s15+$0x15C30] =	vst v31  }
0x2f1: {  	[tilespmem:s15+$0x10880] =	vst v56  }
0x2f2: {  	[tilespmem:s15+$0x10890] =	vst v61  }
0x2f3: {  	[tilespmem:s15+$0x108A0] =	vst v50  }
0x2f4: {  	[tilespmem:s15+$0x108B0] =	vst v43  }
0x2f5: {  	[tilespmem:s15+$0x12480] =	vst v38  }
0x2f6: {  	[tilespmem:s15+$0x12490] =	vst v45  }
0x2f7: {  	[tilespmem:s15+$0x124A0] =	vst v36  }
0x2f8: {  	[tilespmem:s15+$0x124B0] =	vst v40;
	v15 =	vadd.f32 v39, v34  }
0x2f9: {  	v5 =	vadd.f32 v41, v37;
	[tilespmem:s15+$0x14080] =	vst v35  }
0x2fa: {  	v16 =	vadd.f32 v44, v33;
	[tilespmem:s15+$0x14090] =	vst v15  }
0x2fb: {  	v4 =	vadd.f32 v48, v4;
	[tilespmem:s15+$0x140A0] =	vst v5  }
0x2fc: {  	v24 =	vadd.f32 v53, v34;
	[tilespmem:s15+$0x140B0] =	vst v16  }
0x2fd: {  	v31 =	vadd.f32 v57, v37;
	[tilespmem:s15+$0x15C80] =	vst v4  }
0x2fe: {  	v33 =	vadd.f32 v58, v33;
	[tilespmem:s15+$0x15C90] =	vst v24  }
0x2ff: {  	v36 =	vadd.f32 v62, v42;
	[tilespmem:s15+$0x15CA0] =	vst v31  }
0x300: {  	v37 =	vadd.f32 v63, v49;
	[tilespmem:s15+$0x15CB0] =	vst v33  }
0x301: {  	v39 =	vadd.f32 v28, v25;
	[tilespmem:s15+$0x10920] =	vst v36  }
0x302: {  	v40 =	vadd.f32 v7, v42;
	[tilespmem:s15+$0x10930] =	vst v37  }
0x303: {  	v41 =	vadd.f32 v17, v49;
	[tilespmem:s15+$0x12510] =	vst v39  }
0x304: {  	v44 =	vadd.f32 v9, v25;
	[tilespmem:s15+$0x12520] =	vst v40  }
0x305: {  	v45 =	vadd.f32 v13, v42;
	[tilespmem:s15+$0x12530] =	vst v41  }
0x306: {  	v48 =	vadd.f32 v30, v49;
	[tilespmem:s15+$0x14110] =	vst v44  }
0x307: {  	v35 =	vadd.f32 v60, v25;
	[tilespmem:s15+$0x14120] =	vst v45  }
0x308: {  	v34 =	vadd.f32 v59, v1;
	[tilespmem:s15+$0x14130] =	vst v48  }
0x309: {  	v38 =	vadd.f32 v14, v1;
	[tilespmem:s15+$0x10910] =	vst v35  }
0x30a: {  	v43 =	vadd.f32 v18, v1;
	[tilespmem:s15+$0x10900] =	vst v34  }
0x30b: {  	[tilespmem:s15+$0x12500] =	vst v38  }
0x30c: {  	[tilespmem:s15+$0x14100] =	vst v43  }
0x30d: {  	v4 =	vld [tilespmem:$0x1FC70];
	_ =	sdelay $0x2  }
0x30e: {  	v50 =	vadd.f32 v22, v1  }
0x30f: {  	v52 =	vadd.f32 v21, v25  }
0x310: {  	[tilespmem:s15+$0x15D00] =	vst v50;
	v4 =	vadd.f32 v4, v42  }
0x311: {  	v53 =	vadd.f32 v19, v49;
	[tilespmem:s15+$0x15D10] =	vst v52  }
0x312: {  	[tilespmem:s15+$0x15D20] =	vst v4  }
0x313: {  	v0 =	vld [tilespmem:$0x1FC80];
	[tilespmem:s15+$0x15D30] =	vst v53  }
0x314: {  	v1 =	vld [tilespmem:$0x1FC90];
	_ =	sdelay $0x3  }
0x315: {  	v0 =	vadd.f32 v0, v20  }
0x316: {  	v1 =	vadd.f32 v1, v23  }
0x317: {  	[tilespmem:s15+$0x10980] =	vst v0  }
0x318: {  	[tilespmem:s15+$0x10990] =	vst v1  }
0x319: {  	v1 =	vld [tilespmem:$0x1FCA0];
	_ =	sdelay $0x2  }
0x31a: {  	v55 =	vadd.f32 v2, v26  }
0x31b: {  	v56 =	vadd.f32 v3, v20  }
0x31c: {  	[tilespmem:s15+$0x109A0] =	vst v55;
	v1 =	vadd.f32 v1, v27  }
0x31d: {  	v57 =	vadd.f32 v29, v23;
	[tilespmem:s15+$0x12580] =	vst v56  }
0x31e: {  	[tilespmem:s15+$0x109B0] =	vst v1  }
0x31f: {  	v0 =	vld [tilespmem:$0x1FCB0];
	[tilespmem:s15+$0x12590] =	vst v57  }
0x320: {  	v1 =	vld [tilespmem:$0x1FCC0];
	_ =	sdelay $0x3  }
0x321: {  	v0 =	vadd.f32 v0, v26  }
0x322: {  	v1 =	vadd.f32 v1, v27  }
0x323: {  	[tilespmem:s15+$0x125A0] =	vst v0  }
0x324: {  	v0 =	vld [tilespmem:$0x1FCD0];
	[tilespmem:s15+$0x125B0] =	vst v1  }
0x325: {  	v1 =	vld [tilespmem:$0x1FCF0];
	_ =	sdelay $0x3  }
0x326: {  	v0 =	vadd.f32 v0, v20  }
0x327: {  	v1 =	vadd.f32 v1, v23  }
0x328: {  	[tilespmem:s15+$0x14180] =	vst v0  }
0x329: {  	v0 =	vld [tilespmem:$0x1FD00];
	[tilespmem:s15+$0x14190] =	vst v1  }
0x32a: {  	v1 =	vld [tilespmem:$0x1FD10]  }
0x32b: {  	v58 =	vld [tilespmem:$0x1FD30];
	_ =	sdelay $0x2  }
0x32c: {  	v0 =	vadd.f32 v0, v26  }
0x32d: {  	v1 =	vadd.f32 v1, v27  }
0x32e: {  	v2 =	vadd.f32 v58, v20;
	[tilespmem:s15+$0x141A0] =	vst v0  }
0x32f: {  	v0 =	vld [tilespmem:$0x1FD60];
	[tilespmem:s15+$0x141B0] =	vst v1  }
0x330: {  	[tilespmem:s15+$0x15D80] =	vst v2  }
0x331: {  	v2 =	vld [tilespmem:$0x1FD70];
	_ =	sdelay $0x2  }
0x332: {  	v60 =	vadd.f32 v46, v26  }
0x333: {  	v0 =	vadd.f32 v0, v23  }
0x334: {  	[tilespmem:s15+$0x15DA0] =	vst v60;
	v2 =	vadd.f32 v2, v27  }
0x335: {  	[tilespmem:s15+$0x15D90] =	vst v0  }
0x336: {  	v0 =	vld [tilespmem:$0x1FD90];
	[tilespmem:s15+$0x15DB0] =	vst v2  }
0x337: {  	v2 =	vld [tilespmem:$0x1FDA0]  }
0x338: {  	v59 =	vld [tilespmem:s15+$0xA60];
	_ =	sdelay $0x2  }
0x339: {  	v0 =	vadd.f32 v0, v32  }
0x33a: {  	v2 =	vadd.f32 v2, v11  }
0x33b: {  	v61 =	vadd.f32 v47, v59;
	[tilespmem:s15+$0x10A00] =	vst v0  }
0x33c: {  	[tilespmem:s15+$0x10A10] =	vst v2  }
0x33d: {  	v2 =	vld [tilespmem:$0x1FDD0];
	[tilespmem:s15+$0x10A20] =	vst v61  }
0x33e: {  	v0 =	vld [tilespmem:$0x1FDE0];
	_ =	sdelay $0x3  }
0x33f: {  	v2 =	vadd.f32 v2, v32  }
0x340: {  	v0 =	vadd.f32 v0, v11  }
0x341: {  	v62 =	vadd.f32 v51, v59;
	[tilespmem:s15+$0x12600] =	vst v2  }
0x342: {  	[tilespmem:s15+$0x12610] =	vst v0  }
0x343: {  	v0 =	vld [tilespmem:$0x1FE00];
	[tilespmem:s15+$0x12620] =	vst v62  }
0x344: {  	v2 =	vld [tilespmem:$0x1FE10];
	_ =	sdelay $0x3  }
0x345: {  	v0 =	vadd.f32 v0, v32  }
0x346: {  	v2 =	vadd.f32 v2, v11  }
0x347: {  	v63 =	vadd.f32 v54, v59;
	[tilespmem:s15+$0x14200] =	vst v0  }
0x348: {  	v3 =	vld [tilespmem:$0x1FE40];
	[tilespmem:s15+$0x14210] =	vst v2  }
0x349: {  	v2 =	vld [tilespmem:$0x1FE50];
	[tilespmem:s15+$0x14220] =	vst v63  }
0x34a: {  	v0 =	vld [tilespmem:$0x1FE60];
	_ =	sdelay $0x2  }
0x34b: {  	p0 =	seq.s32 s0, $0xF;
	v3 =	vadd.f32 v3, v32  }
0x34c: {  	s8 =	sadd.s32 @!p0 s2, s12;
	v2 =	vadd.f32 v2, v11  }
0x34d: {  	s9 =	sshll.u32 @!p0 s8, $0x7;
	v0 =	vadd.f32 v0, v59;
	[tilespmem:s15+$0x15E00] =	vst v3  }
0x34e: {  	s17 =	simm.s32 @!p0 $0x0;
	s9 =	sand.u32 @!p0 $0x1FFFFF00, s9;
	[tilespmem:s15+$0x15E10] =	vst v2  }
0x34f: {  	s8 =	smul.u32 @!p0 $0x380, s8;
	s9 =	sadd.s32 @!p0 s1, s9;
	[tilespmem:s15+$0x15E20] =	vst v0;
	s15 =	sshll.u32 s0, $0x3  }
0x350: {  	[tilespmem:s17], [sflag:$0x1] =	stream.linear.gather @!p0 [hbm4b:s9+s17], $0x280, $0x38;
	[tilespmem:$0x1E800] =	vst v63  }
0x351: {  	s9 =	sadd.s32 s7, s15  }
0x352: {  	s10 =	simm.s32 @!p0 $0x800;
	s8 =	sadd.s32 @!p0 s5, s8;
	s9 =	smul.u32 $0x380, s9  }
0x353: {  	[tilespmem:s10], [sflag:$0x1] =	stream.linear.gather @!p0 [hbm4b:s8+s17], $0x1900, $0x38;
	[tilespmem:$0x1E800] =	vst v63  }
0x354: {  	s10 =	sadd.s32 s6, s9  }
0x355: {  	[hbm4b:s10+s3] =	stream.linear.scatter [tilespmem:s20], [sflag:$0x5], $0x1900, $0x38;
	[tilespmem:$0x1E800] =	vst v63  }
0x356: {  	p2 =	sne.s32 s0, $0xF;
	s9 =	sadd.s32 $0x380, s10  }
0x357: {  	[hbm4b:s9+s3] =	stream.linear.scatter [tilespmem:s21], [sflag:$0x5], $0x1900, $0x38;
	[tilespmem:$0x1E800] =	vst v63  }
.Ltmp3:
0x358: {  	_ = 	snop;
	(pc) =	sbr.rel @p2 .LBB2_6-.Ltmp3, $4  }
0x359: {  	s17 =	sadd.s32 $0x700, s10  }
0x35a: {  	[hbm4b:s17+s3] =	stream.linear.scatter [tilespmem:s22], [sflag:$0x5], $0x1900, $0x38;
	[tilespmem:$0x1E800] =	vst v63  }
0x35b: {  	s8 =	sadd.s32 $0xA80, s10  }
0x35c: {  	[hbm4b:s8+s3] =	stream.linear.scatter [tilespmem:s23], [sflag:$0x5], $0x1900, $0x38;
	[tilespmem:$0x1E800] =	vst v63  }
.Ltmp4:
0x35d: {  	(pc) =	sbr.rel .LBB2_7-.Ltmp4, $4  }
0x35e: {  	_ = 	snop  }
0x35f: {  	_ =	swait.ge [sflag:s24], $0x6400  }
0x360: {  	[sflag:s24] =	ssyncset.done $0x0  }
0x361: {  	[sflag:s24] =	ssyncadd.s32 $0xFFFF9C00  }
.LBB2_6:
0x362: {  	_ =	swait.ge [sflag:s18], $0x280  }
0x363: {  	[sflag:s18] =	ssyncset.done $0x0  }
0x364: {  	[sflag:s18] =	ssyncadd.s32 $0xFFFFFD80  }
0x365: {  	_ =	swait.ge [sflag:s18], $0x1900  }
0x366: {  	[sflag:s18] =	ssyncset.done $0x0  }
0x367: {  	s8 =	simm.s32 $0x4000;
	[sflag:s18] =	ssyncadd.s32 $0xFFFFE700  }
0x368: {  	[tilespmem:s8], [sflag:$0x3] =	stream.indirect.gather [hbm4b:s4+s19], $0x80, s3, s19, $0xb8;
	[tilespmem:$0x1E800] =	vst v63  }
0x369: {  	s17 =	simm.s32 $0x80;
	s9 =	simm.s32 $0x5400  }
0x36a: {  	[tilespmem:s9], [sflag:$0x3] =	stream.indirect.gather [hbm4b:s4+s19], $0x80, s17, s19, $0xb8;
	[tilespmem:$0x1E800] =	vst v63  }
0x36b: {  	s10 =	simm.s32 $0x100;
	s17 =	simm.s32 $0x6800  }
0x36c: {  	[tilespmem:s17], [sflag:$0x3] =	stream.indirect.gather [hbm4b:s4+s19], $0x80, s10, s19, $0xb8;
	[tilespmem:$0x1E800] =	vst v63  }
0x36d: {  	s10 =	simm.s32 $0x180;
	s17 =	simm.s32 $0x7C00  }
0x36e: {  	[tilespmem:s17], [sflag:$0x3] =	stream.indirect.gather [hbm4b:s4+s19], $0x80, s10, s19, $0xb8;
	[tilespmem:$0x1E800] =	vst v63  }
.Ltmp5:
0x36f: {  	s10 =	simm.s32 $0x200;
	s17 =	simm.s32 $0x9000;
	(pc) =	sbr.rel @p1 .LBB2_8-.Ltmp5, $4  }
0x370: {  	[tilespmem:s17], [sflag:$0x3] =	stream.indirect.gather [hbm4b:s4+s19], $0x80, s10, s19, $0xb8;
	[tilespmem:$0x1E800] =	vst v63  }
0x371: {  	_ =	swait.ge [sflag:s24], $0x6400  }
0x372: {  	[sflag:s24] =	ssyncset.done $0x0  }
0x373: {  	[sflag:s24] =	ssyncadd.s32 $0xFFFF9C00  }
.LBB2_7:
0x374: {  	_ =	swait.ge [sflag:s25], $0x6400  }
0x375: {  	[sflag:s25] =	ssyncset.done $0x0  }
0x376: {  	[sflag:s25] =	ssyncadd.s32 $0xFFFF9C00  }
.LBB2_8:
0x377: {  	s17 =	simm.s32 $0x0  }
0x378: {  	v5 =	vld [tilespmem:s17+$0x2630];
	_ =	sdelay $0x4  }
0x379: {  	[tilespmem:$0x1F610] =	vst v5  }
0x37a: {  	v3 =	vld [tilespmem:s17+$0x2670]  }
0x37b: {  	v0 =	vld [tilespmem:s17+$0xF130]  }
0x37c: {  	v2 =	vld [tilespmem:s17+$0xF170]  }
0x37d: {  	v15 =	vld [tilespmem:s17+$0x2400]  }
0x37e: {  	v1 =	vld [tilespmem:s17+$0x2410]  }
0x37f: {  	v20 =	vld [tilespmem:s17+$0x2420];
	[tilespmem:$0x1F4D0] =	vst v3  }
0x380: {  	v11 =	vld [tilespmem:s17+$0x2430]  }
0x381: {  	v6 =	vsub.f32 $1.250000000e-01, v5;
	v10 =	vld [tilespmem:s17+$0x2480]  }
0x382: {  	v4 =	vld [tilespmem:s17+$0x2490]  }
0x383: {  	v13 =	vld [tilespmem:s17+$0x24A0];
	[tilespmem:$0x1F600] =	vst v6  }
0x384: {  	v0 =	vmul.f32 v0, v6;
	v2 =	vmul.f32 v2, v5;
	v12 =	vld [tilespmem:s17+$0x24B0]  }
0x385: {  	v9 =	vld [tilespmem:s17+$0x2500]  }
0x386: {  	v7 =	vld [tilespmem:s17+$0x2510];
	v0 =	vadd.f32 v2, v0  }
0x387: {  	v8 =	vld [tilespmem:s17+$0x2520]  }
0x388: {  	v23 =	vld [tilespmem:s17+$0x2530];
	v0 =	vadd.f32 v0, v3  }
0x389: {  	v27 =	vld [tilespmem:s17+$0x2580]  }
0x38a: {  	[tilespmem:s17+$0x1CE30] =	vst v0;
	v0 =	vld [tilespmem:s17+$0x2620]  }
0x38b: {  	v32 =	vld [tilespmem:s17+$0x2590]  }
0x38c: {  	v25 =	vld [tilespmem:s17+$0x25A0]  }
0x38d: {  	v34 =	vld [tilespmem:s17+$0x25B0]  }
0x38e: {  	v49 =	vld [tilespmem:s17+$0x2600]  }
0x38f: {  	v52 =	vld [tilespmem:s17+$0x2610];
	[tilespmem:$0x1F5B0] =	vst v0  }
0x390: {  	v16 =	vld [tilespmem:s17+$0xA400]  }
0x391: {  	v19 =	vld [tilespmem:s17+$0xA440]  }
0x392: {  	v29 =	vld [tilespmem:s17+$0xA410]  }
0x393: {  	v30 =	vld [tilespmem:s17+$0xA450]  }
0x394: {  	v35 =	vld [tilespmem:s17+$0xA420]  }
0x395: {  	v37 =	vld [tilespmem:s17+$0xA460]  }
0x396: {  	v39 =	vld [tilespmem:s17+$0xA430]  }
0x397: {  	v41 =	vld [tilespmem:s17+$0xA470]  }
0x398: {  	v43 =	vld [tilespmem:s17+$0xBD00]  }
0x399: {  	v48 =	vld [tilespmem:s17+$0xBD40]  }
0x39a: {  	v54 =	vld [tilespmem:s17+$0xBD10]  }
0x39b: {  	v57 =	vld [tilespmem:s17+$0xBD50]  }
0x39c: {  	v58 =	vld [tilespmem:s17+$0xBD20]  }
0x39d: {  	v5 =	vld [tilespmem:s17+$0xBD60]  }
0x39e: {  	v2 =	vld [tilespmem:s17+$0xBD30]  }
0x39f: {  	v3 =	vld [tilespmem:s17+$0xBD70]  }
0x3a0: {  	v14 =	vld [tilespmem:s17+$0xD600]  }
0x3a1: {  	v6 =	vld [tilespmem:s17+$0xD640]  }
0x3a2: {  	v18 =	vld [tilespmem:s17+$0xD610]  }
0x3a3: {  	v17 =	vld [tilespmem:s17+$0xD650]  }
0x3a4: {  	v22 =	vld [tilespmem:s17+$0xD620]  }
0x3a5: {  	v21 =	vld [tilespmem:s17+$0xD660]  }
0x3a6: {  	v26 =	vld [tilespmem:s17+$0xD630]  }
0x3a7: {  	v24 =	vld [tilespmem:s17+$0xD670]  }
0x3a8: {  	v31 =	vld [tilespmem:s17+$0xEF00]  }
0x3a9: {  	v28 =	vld [tilespmem:s17+$0xEF40]  }
0x3aa: {  	v38 =	vld [tilespmem:s17+$0xEF10]  }
0x3ab: {  	v42 =	vld [tilespmem:s17+$0xEF50]  }
0x3ac: {  	v36 =	vld [tilespmem:s17+$0xEF20]  }
0x3ad: {  	v45 =	vld [tilespmem:s17+$0xEF60]  }
0x3ae: {  	v33 =	vld [tilespmem:s17+$0xEF30]  }
0x3af: {  	v44 =	vld [tilespmem:s17+$0xEF70]  }
0x3b0: {  	v47 =	vld [tilespmem:s17+$0xA480]  }
0x3b1: {  	v46 =	vld [tilespmem:s17+$0xA4C0]  }
0x3b2: {  	v51 =	vld [tilespmem:s17+$0xA490]  }
0x3b3: {  	v50 =	vld [tilespmem:s17+$0xA4D0]  }
0x3b4: {  	v55 =	vld [tilespmem:s17+$0xA4A0]  }
0x3b5: {  	v0 =	vld [tilespmem:s17+$0xBD90]  }
0x3b6: {  	v53 =	vld [tilespmem:s17+$0xA4E0]  }
0x3b7: {  	v59 =	vld [tilespmem:s17+$0xA4B0]  }
0x3b8: {  	v56 =	vld [tilespmem:s17+$0xA4F0]  }
0x3b9: {  	v61 =	vld [tilespmem:s17+$0xBD80]  }
0x3ba: {  	v60 =	vld [tilespmem:s17+$0xBDC0];
	[tilespmem:$0x1F1B0] =	vst v0  }
0x3bb: {  	v0 =	vld [tilespmem:s17+$0xBDD0];
	_ =	sdelay $0x4  }
0x3bc: {  	[tilespmem:$0x1F1C0] =	vst v0  }
0x3bd: {  	v0 =	vld [tilespmem:s17+$0xBDE0];
	_ =	sdelay $0x4  }
0x3be: {  	v63 =	vld [tilespmem:s17+$0xBDA0];
	[tilespmem:$0x1F1D0] =	vst v0  }
0x3bf: {  	v0 =	vld [tilespmem:s17+$0xBDF0];
	_ =	sdelay $0x4  }
0x3c0: {  	v62 =	vld [tilespmem:s17+$0xBDB0];
	[tilespmem:$0x1F1E0] =	vst v0  }
0x3c1: {  	v0 =	vld [tilespmem:s17+$0xD680];
	_ =	sdelay $0x4  }
0x3c2: {  	[tilespmem:$0x1F1F0] =	vst v0  }
0x3c3: {  	v0 =	vld [tilespmem:s17+$0xD6C0];
	_ =	sdelay $0x4  }
0x3c4: {  	[tilespmem:$0x1F200] =	vst v0  }
0x3c5: {  	v0 =	vld [tilespmem:s17+$0xD690];
	_ =	sdelay $0x4  }
0x3c6: {  	[tilespmem:$0x1F210] =	vst v0  }
0x3c7: {  	v0 =	vld [tilespmem:s17+$0xD6D0];
	_ =	sdelay $0x4  }
0x3c8: {  	[tilespmem:$0x1F220] =	vst v0  }
0x3c9: {  	v0 =	vld [tilespmem:s17+$0xD6A0];
	_ =	sdelay $0x4  }
0x3ca: {  	[tilespmem:$0x1F230] =	vst v0  }
0x3cb: {  	v0 =	vld [tilespmem:s17+$0xD6E0];
	_ =	sdelay $0x4  }
0x3cc: {  	[tilespmem:$0x1F240] =	vst v0  }
0x3cd: {  	v0 =	vld [tilespmem:s17+$0xD6B0];
	_ =	sdelay $0x4  }
0x3ce: {  	[tilespmem:$0x1F250] =	vst v0  }
0x3cf: {  	v0 =	vld [tilespmem:s17+$0xD6F0];
	_ =	sdelay $0x4  }
0x3d0: {  	[tilespmem:$0x1F260] =	vst v0  }
0x3d1: {  	v0 =	vld [tilespmem:s17+$0xEF80];
	_ =	sdelay $0x4  }
0x3d2: {  	[tilespmem:$0x1F270] =	vst v0  }
0x3d3: {  	v0 =	vld [tilespmem:s17+$0xEFC0];
	_ =	sdelay $0x4  }
0x3d4: {  	[tilespmem:$0x1F280] =	vst v0  }
0x3d5: {  	v0 =	vld [tilespmem:s17+$0xEF90];
	_ =	sdelay $0x4  }
0x3d6: {  	[tilespmem:$0x1F290] =	vst v0  }
0x3d7: {  	v0 =	vld [tilespmem:s17+$0xEFD0];
	_ =	sdelay $0x4  }
0x3d8: {  	[tilespmem:$0x1F2C0] =	vst v0  }
0x3d9: {  	v0 =	vld [tilespmem:s17+$0xEFA0];
	_ =	sdelay $0x4  }
0x3da: {  	[tilespmem:$0x1F2A0] =	vst v0  }
0x3db: {  	v0 =	vld [tilespmem:s17+$0xEFE0];
	_ =	sdelay $0x4  }
0x3dc: {  	[tilespmem:$0x1F2D0] =	vst v0  }
0x3dd: {  	v0 =	vld [tilespmem:s17+$0xEFB0];
	_ =	sdelay $0x4  }
0x3de: {  	[tilespmem:$0x1F2B0] =	vst v0  }
0x3df: {  	v0 =	vld [tilespmem:s17+$0xEFF0];
	_ =	sdelay $0x4  }
0x3e0: {  	[tilespmem:$0x1F2E0] =	vst v0  }
0x3e1: {  	v0 =	vld [tilespmem:s17+$0xA500];
	_ =	sdelay $0x4  }
0x3e2: {  	[tilespmem:$0x1F2F0] =	vst v0  }
0x3e3: {  	v0 =	vld [tilespmem:s17+$0xA540];
	_ =	sdelay $0x4  }
0x3e4: {  	[tilespmem:$0x1F300] =	vst v0  }
0x3e5: {  	v0 =	vld [tilespmem:s17+$0xA510];
	_ =	sdelay $0x4  }
0x3e6: {  	[tilespmem:$0x1F310] =	vst v0  }
0x3e7: {  	v0 =	vld [tilespmem:s17+$0xA550];
	_ =	sdelay $0x4  }
0x3e8: {  	[tilespmem:$0x1F320] =	vst v0  }
0x3e9: {  	v0 =	vld [tilespmem:s17+$0xA520];
	_ =	sdelay $0x4  }
0x3ea: {  	[tilespmem:$0x1F330] =	vst v0  }
0x3eb: {  	v0 =	vld [tilespmem:s17+$0xA560];
	_ =	sdelay $0x4  }
0x3ec: {  	[tilespmem:$0x1F340] =	vst v0  }
0x3ed: {  	v0 =	vld [tilespmem:s17+$0xA530];
	_ =	sdelay $0x4  }
0x3ee: {  	[tilespmem:$0x1F350] =	vst v0  }
0x3ef: {  	v0 =	vld [tilespmem:s17+$0xA570];
	_ =	sdelay $0x4  }
0x3f0: {  	[tilespmem:$0x1F360] =	vst v0  }
0x3f1: {  	v0 =	vld [tilespmem:s17+$0xBE00];
	_ =	sdelay $0x4  }
0x3f2: {  	[tilespmem:$0x1F370] =	vst v0  }
0x3f3: {  	v0 =	vld [tilespmem:s17+$0xBE40];
	_ =	sdelay $0x4  }
0x3f4: {  	[tilespmem:$0x1F380] =	vst v0  }
0x3f5: {  	v40 =	vld [tilespmem:s17+$0xBE10];
	_ =	sdelay $0x4  }
0x3f6: {  	[tilespmem:$0x1F390] =	vst v40  }
0x3f7: {  	v40 =	vld [tilespmem:s17+$0xBE50];
	_ =	sdelay $0x4  }
0x3f8: {  	[tilespmem:$0x1F3C0] =	vst v40  }
0x3f9: {  	v40 =	vld [tilespmem:s17+$0xBE20];
	_ =	sdelay $0x3  }
0x3fa: {  	v0 =	vsub.f32 $1.250000000e-01, v15  }
0x3fb: {  	[tilespmem:$0x1F3A0] =	vst v40  }
0x3fc: {  	v19 =	vmul.f32 v19, v15;
	v16 =	vmul.f32 v0, v16;
	v40 =	vld [tilespmem:s17+$0xBE60];
	_ =	sdelay $0x1  }
0x3fd: {  	v16 =	vadd.f32 v19, v16;
	_ =	sdelay $0x1  }
0x3fe: {  	[tilespmem:$0x1F650] =	vst v16  }
0x3ff: {  	[tilespmem:$0x1F3D0] =	vst v40  }
0x400: {  	v16 =	vmul.f32 v29, v0;
	v29 =	vld [tilespmem:s17+$0xBE30];
	_ =	sdelay $0x4  }
0x401: {  	[tilespmem:$0x1F3B0] =	vst v29  }
0x402: {  	v19 =	vmul.f32 v30, v15;
	v40 =	vld [tilespmem:s17+$0xBE70];
	_ =	sdelay $0x1  }
0x403: {  	v16 =	vadd.f32 v19, v16;
	_ =	sdelay $0x1  }
0x404: {  	[tilespmem:$0x1F670] =	vst v16  }
0x405: {  	[tilespmem:$0x1F3E0] =	vst v40  }
0x406: {  	v16 =	vld [tilespmem:s17+$0xD700];
	_ =	sdelay $0x2  }
0x407: {  	v30 =	vmul.f32 v37, v15;
	v29 =	vmul.f32 v35, v0  }
0x408: {  	v15 =	vmul.f32 v41, v15;
	v0 =	vmul.f32 v39, v0  }
0x409: {  	[tilespmem:$0x1F3F0] =	vst v16;
	v16 =	vadd.f32 v30, v29  }
0x40a: {  	v0 =	vadd.f32 v15, v0  }
0x40b: {  	[tilespmem:$0x1F680] =	vst v16  }
0x40c: {  	v39 =	vld [tilespmem:s17+$0xD740];
	[tilespmem:$0x1F6B0] =	vst v0  }
0x40d: {  	v29 =	vld [tilespmem:s17+$0xD710];
	_ =	sdelay $0x1  }
0x40e: {  	v35 =	vsub.f32 $1.250000000e-01, v1;
	_ =	sdelay $0x1  }
0x40f: {  	v19 =	vmul.f32 v48, v1;
	v16 =	vmul.f32 v35, v43  }
0x410: {  	v0 =	vmul.f32 v54, v35;
	[tilespmem:$0x1F400] =	vst v29;
	v29 =	vmul.f32 v57, v1  }
0x411: {  	v5 =	vmul.f32 v5, v1;
	v16 =	vadd.f32 v19, v16  }
0x412: {  	v15 =	vmul.f32 v58, v35;
	v30 =	vsub.f32 $1.250000000e-01, v20;
	v0 =	vadd.f32 v29, v0  }
0x413: {  	v2 =	vmul.f32 v2, v35;
	v1 =	vmul.f32 v3, v1;
	v37 =	vld [tilespmem:s17+$0xD750];
	[tilespmem:$0x1F660] =	vst v16  }
0x414: {  	v5 =	vadd.f32 v5, v15;
	v3 =	vmul.f32 v6, v20;
	v43 =	vld [tilespmem:s17+$0xD720];
	[tilespmem:$0x1F6C0] =	vst v0;
	v0 =	vmul.f32 v30, v14  }
0x415: {  	v1 =	vadd.f32 v1, v2  }
0x416: {  	v41 =	vld [tilespmem:s17+$0xD760];
	[tilespmem:$0x1F6F0] =	vst v5;
	v0 =	vadd.f32 v3, v0  }
0x417: {  	[tilespmem:$0x1F720] =	vst v1  }
0x418: {  	v1 =	vmul.f32 v17, v20;
	v48 =	vld [tilespmem:s17+$0xD730];
	[tilespmem:$0x1F690] =	vst v0;
	v0 =	vmul.f32 v18, v30;
	_ =	sdelay $0x1  }
0x419: {  	v2 =	vmul.f32 v22, v30;
	v3 =	vmul.f32 v21, v20;
	v0 =	vadd.f32 v1, v0  }
0x41a: {  	v5 =	vsub.f32 $1.250000000e-01, v11;
	v57 =	vld [tilespmem:s17+$0xD770]  }
0x41b: {  	v2 =	vadd.f32 v3, v2;
	v58 =	vld [tilespmem:s17+$0xF000];
	v1 =	vmul.f32 v24, v20;
	[tilespmem:$0x1F6D0] =	vst v0;
	v0 =	vmul.f32 v26, v30;
	_ =	sdelay $0x1  }
0x41c: {  	v3 =	vmul.f32 v28, v11;
	v30 =	vld [tilespmem:s17+$0xF040];
	[tilespmem:$0x1F700] =	vst v2;
	v2 =	vmul.f32 v5, v31;
	v0 =	vadd.f32 v1, v0;
	_ =	sdelay $0x1  }
0x41d: {  	v35 =	vld [tilespmem:s17+$0xF010];
	v2 =	vadd.f32 v3, v2;
	[tilespmem:$0x1F730] =	vst v0  }
0x41e: {  	v1 =	vmul.f32 v42, v11;
	v0 =	vmul.f32 v38, v5;
	v29 =	vld [tilespmem:s17+$0xF050]  }
0x41f: {  	v6 =	vmul.f32 v36, v5;
	v19 =	vld [tilespmem:s17+$0xF020];
	[tilespmem:$0x1F6A0] =	vst v2;
	v2 =	vmul.f32 v45, v11  }
0x420: {  	v14 =	vsub.f32 $1.250000000e-01, v10;
	v0 =	vadd.f32 v1, v0  }
0x421: {  	v3 =	vmul.f32 v44, v11;
	v5 =	vmul.f32 v33, v5;
	v2 =	vadd.f32 v2, v6  }
0x422: {  	v11 =	vmul.f32 v46, v10;
	v20 =	vld [tilespmem:s17+$0xF060];
	[tilespmem:$0x1F6E0] =	vst v0;
	v0 =	vmul.f32 v14, v47  }
0x423: {  	v1 =	vld [tilespmem:s17+$0xF030];
	[tilespmem:$0x1F710] =	vst v2;
	v2 =	vadd.f32 v3, v5  }
0x424: {  	v0 =	vadd.f32 v11, v0  }
0x425: {  	[tilespmem:$0x1F740] =	vst v2  }
0x426: {  	v16 =	vld [tilespmem:s17+$0xF070];
	[tilespmem:$0x1F750] =	vst v0  }
0x427: {  	v2 =	vmul.f32 v50, v10;
	v0 =	vmul.f32 v51, v14;
	v15 =	vld [tilespmem:s17+$0xA5C0];
	_ =	sdelay $0x1  }
0x428: {  	v3 =	vmul.f32 v55, v14;
	v5 =	vmul.f32 v53, v10;
	v0 =	vadd.f32 v2, v0;
	_ =	sdelay $0x1  }
0x429: {  	v3 =	vadd.f32 v5, v3;
	v11 =	vld [tilespmem:s17+$0xA580];
	v2 =	vmul.f32 v56, v10;
	[tilespmem:$0x1F760] =	vst v0;
	v0 =	vmul.f32 v59, v14  }
0x42a: {  	v10 =	vld [tilespmem:$0x1F1C0];
	[tilespmem:$0x1F420] =	vst v15  }
0x42b: {  	v6 =	vsub.f32 $1.250000000e-01, v4;
	v0 =	vadd.f32 v2, v0;
	v24 =	vld [tilespmem:s17+$0xA590];
	[tilespmem:$0x1F770] =	vst v3  }
0x42c: {  	v26 =	vld [tilespmem:s17+$0xA5D0]  }
0x42d: {  	v5 =	vmul.f32 v60, v4;
	v3 =	vmul.f32 v6, v61;
	[tilespmem:$0x1F780] =	vst v0;
	v0 =	vld [tilespmem:$0x1F1B0]  }
0x42e: {  	v31 =	vld [tilespmem:s17+$0xA5A0]  }
0x42f: {  	v15 =	vld [tilespmem:s17+$0xA5E0];
	v3 =	vadd.f32 v5, v3  }
0x430: {  	v5 =	vld [tilespmem:$0x1F1E0]  }
0x431: {  	[tilespmem:$0x1F790] =	vst v3;
	v3 =	vld [tilespmem:$0x1F1D0];
	_ =	sdelay $0x1  }
0x432: {  	v10 =	vmul.f32 v10, v4;
	v0 =	vmul.f32 v0, v6;
	_ =	sdelay $0x1  }
0x433: {  	[tilespmem:$0x1F440] =	vst v15;
	v0 =	vadd.f32 v10, v0;
	v10 =	vld [tilespmem:$0x1F200]  }
0x434: {  	v3 =	vmul.f32 v3, v4;
	v4 =	vmul.f32 v5, v4;
	v5 =	vld [tilespmem:s17+$0xA5B0]  }
0x435: {  	[tilespmem:$0x1F7A0] =	vst v0;
	v0 =	vld [tilespmem:$0x1F1F0]  }
0x436: {  	v2 =	vmul.f32 v63, v6;
	_ =	sdelay $0x1  }
0x437: {  	v14 =	vsub.f32 $1.250000000e-01, v13;
	v6 =	vmul.f32 v62, v6;
	v2 =	vadd.f32 v3, v2;
	_ =	sdelay $0x1  }
0x438: {  	v36 =	vld [tilespmem:s17+$0xA5F0];
	v17 =	vmul.f32 v10, v13;
	[tilespmem:$0x1F7B0] =	vst v2;
	v2 =	vadd.f32 v4, v6;
	v0 =	vmul.f32 v14, v0;
	_ =	sdelay $0x1  }
0x439: {  	[tilespmem:$0x1F7C0] =	vst v2;
	v0 =	vadd.f32 v17, v0  }
0x43a: {  	v2 =	vld [tilespmem:s17+$0xBE80]  }
0x43b: {  	[tilespmem:$0x1F7D0] =	vst v0;
	v0 =	vld [tilespmem:$0x1F210];
	_ =	sdelay $0x4  }
0x43c: {  	v3 =	vmul.f32 v0, v14;
	v0 =	vld [tilespmem:$0x1F220];
	_ =	sdelay $0x4  }
0x43d: {  	v4 =	vmul.f32 v0, v13;
	v0 =	vld [tilespmem:$0x1F230];
	_ =	sdelay $0x4  }
0x43e: {  	v17 =	vmul.f32 v0, v14;
	v0 =	vld [tilespmem:$0x1F240];
	_ =	sdelay $0x4  }
0x43f: {  	v18 =	vmul.f32 v0, v13;
	v0 =	vld [tilespmem:$0x1F250];
	_ =	sdelay $0x4  }
0x440: {  	v63 =	vadd.f32 v4, v3;
	v3 =	vmul.f32 v0, v14;
	v0 =	vld [tilespmem:$0x1F260];
	_ =	sdelay $0x3  }
0x441: {  	v6 =	vld [tilespmem:s17+$0xBEC0]  }
0x442: {  	v38 =	vld [tilespmem:s17+$0xBE90];
	v4 =	vmul.f32 v0, v13;
	v0 =	vadd.f32 v18, v17  }
0x443: {  	v42 =	vld [tilespmem:s17+$0xBED0]  }
0x444: {  	[tilespmem:$0x1F5A0] =	vst v0;
	v0 =	vld [tilespmem:$0x1F270];
	_ =	sdelay $0x2  }
0x445: {  	v21 =	vsub.f32 $1.250000000e-01, v12;
	_ =	sdelay $0x1  }
0x446: {  	v13 =	vmul.f32 v21, v0;
	v0 =	vld [tilespmem:$0x1F280];
	_ =	sdelay $0x4  }
0x447: {  	v14 =	vmul.f32 v0, v12;
	v0 =	vadd.f32 v4, v3  }
0x448: {  	v33 =	vld [tilespmem:s17+$0xBEA0]  }
0x449: {  	[tilespmem:$0x1F590] =	vst v0;
	v0 =	vld [tilespmem:$0x1F290];
	_ =	sdelay $0x4  }
0x44a: {  	v3 =	vmul.f32 v0, v21;
	v0 =	vld [tilespmem:$0x1F2A0];
	_ =	sdelay $0x4  }
0x44b: {  	v4 =	vmul.f32 v0, v21;
	v0 =	vld [tilespmem:$0x1F2B0];
	_ =	sdelay $0x4  }
0x44c: {  	v17 =	vmul.f32 v0, v21;
	v0 =	vld [tilespmem:$0x1F2C0];
	_ =	sdelay $0x4  }
0x44d: {  	v18 =	vmul.f32 v0, v12;
	v0 =	vld [tilespmem:$0x1F2D0];
	_ =	sdelay $0x4  }
0x44e: {  	v44 =	vadd.f32 v14, v13;
	v13 =	vmul.f32 v0, v12;
	v0 =	vld [tilespmem:$0x1F2E0];
	_ =	sdelay $0x4  }
0x44f: {  	v12 =	vmul.f32 v0, v12;
	v0 =	vld [tilespmem:$0x1F2F0];
	_ =	sdelay $0x2  }
0x450: {  	v21 =	vsub.f32 $1.250000000e-01, v9;
	_ =	sdelay $0x1  }
0x451: {  	v46 =	vadd.f32 v18, v3;
	v3 =	vmul.f32 v21, v0;
	v0 =	vld [tilespmem:$0x1F300];
	_ =	sdelay $0x2  }
0x452: {  	v45 =	vld [tilespmem:s17+$0xBEE0]  }
0x453: {  	v15 =	vld [tilespmem:s17+$0xBEB0]  }
0x454: {  	v40 =	vld [tilespmem:s17+$0xBEF0];
	v14 =	vmul.f32 v0, v9;
	v0 =	vadd.f32 v12, v17  }
0x455: {  	v50 =	vld [tilespmem:s17+$0xD780]  }
0x456: {  	[tilespmem:$0x1F520] =	vst v0;
	v0 =	vld [tilespmem:$0x1F310];
	_ =	sdelay $0x4  }
0x457: {  	v54 =	vadd.f32 v14, v3;
	v3 =	vmul.f32 v0, v21;
	v0 =	vld [tilespmem:$0x1F320];
	_ =	sdelay $0x4  }
0x458: {  	v12 =	vmul.f32 v0, v9;
	v0 =	vld [tilespmem:$0x1F330];
	_ =	sdelay $0x4  }
0x459: {  	v47 =	vadd.f32 v13, v4;
	v13 =	vmul.f32 v0, v21;
	v0 =	vld [tilespmem:$0x1F340];
	_ =	sdelay $0x3  }
0x45a: {  	v4 =	vld [tilespmem:s17+$0xD7C0]  }
0x45b: {  	v51 =	vld [tilespmem:s17+$0xD790];
	v14 =	vmul.f32 v0, v9;
	v0 =	vadd.f32 v12, v3  }
0x45c: {  	v53 =	vld [tilespmem:s17+$0xD7D0]  }
0x45d: {  	[tilespmem:$0x1F540] =	vst v0;
	v0 =	vld [tilespmem:$0x1F350];
	_ =	sdelay $0x4  }
0x45e: {  	v3 =	vmul.f32 v0, v21;
	v0 =	vld [tilespmem:$0x1F360];
	_ =	sdelay $0x4  }
0x45f: {  	v9 =	vmul.f32 v0, v9;
	v0 =	vadd.f32 v14, v13  }
0x460: {  	v55 =	vld [tilespmem:s17+$0xD7A0]  }
0x461: {  	[tilespmem:$0x1F560] =	vst v0;
	v0 =	vld [tilespmem:$0x1F370];
	_ =	sdelay $0x2  }
0x462: {  	v17 =	vsub.f32 $1.250000000e-01, v7;
	_ =	sdelay $0x1  }
0x463: {  	v12 =	vmul.f32 v17, v0;
	v0 =	vld [tilespmem:$0x1F380];
	_ =	sdelay $0x4  }
0x464: {  	v13 =	vmul.f32 v0, v7;
	v0 =	vld [tilespmem:$0x1F390];
	_ =	sdelay $0x4  }
0x465: {  	v10 =	vadd.f32 v9, v3;
	v3 =	vmul.f32 v0, v17;
	v0 =	vld [tilespmem:$0x1F3A0];
	_ =	sdelay $0x4  }
0x466: {  	v9 =	vmul.f32 v0, v17;
	v0 =	vld [tilespmem:$0x1F3B0];
	_ =	sdelay $0x4  }
0x467: {  	v17 =	vmul.f32 v0, v17;
	v0 =	vld [tilespmem:$0x1F3C0];
	_ =	sdelay $0x4  }
0x468: {  	v18 =	vmul.f32 v0, v7;
	v0 =	vld [tilespmem:$0x1F3D0];
	_ =	sdelay $0x4  }
0x469: {  	v14 =	vadd.f32 v13, v12;
	v12 =	vmul.f32 v0, v7;
	v0 =	vld [tilespmem:$0x1F3E0];
	_ =	sdelay $0x4  }
0x46a: {  	v13 =	vmul.f32 v0, v7;
	v0 =	vld [tilespmem:$0x1F3F0];
	_ =	sdelay $0x2  }
0x46b: {  	v21 =	vsub.f32 $1.250000000e-01, v8;
	v56 =	vld [tilespmem:s17+$0xD7E0]  }
0x46c: {  	v59 =	vld [tilespmem:s17+$0xD7B0]  }
0x46d: {  	v28 =	vadd.f32 v18, v3;
	v3 =	vmul.f32 v21, v0;
	v0 =	vld [tilespmem:$0x1F400]  }
0x46e: {  	v60 =	vld [tilespmem:s17+$0xD7F0]  }
0x46f: {  	v61 =	vld [tilespmem:s17+$0xF080];
	v18 =	vmul.f32 v39, v8;
	v7 =	vadd.f32 v12, v9  }
0x470: {  	v62 =	vld [tilespmem:s17+$0xF090];
	v12 =	vmul.f32 v43, v21;
	v17 =	vadd.f32 v13, v17;
	v13 =	vmul.f32 v41, v8  }
0x471: {  	v39 =	vld [tilespmem:s17+$0xF0C0];
	v9 =	vmul.f32 v37, v8  }
0x472: {  	v37 =	vld [tilespmem:s17+$0xF0D0];
	v18 =	vadd.f32 v18, v3;
	v3 =	vmul.f32 v0, v21;
	v0 =	vadd.f32 v13, v12  }
0x473: {  	v43 =	vld [tilespmem:s17+$0xF0E0]  }
0x474: {  	v22 =	vsub.f32 $1.250000000e-01, v23;
	v41 =	vld [tilespmem:s17+$0xF0A0];
	[tilespmem:$0x1F410] =	vst v0  }
0x475: {  	v8 =	vmul.f32 v57, v8;
	v9 =	vadd.f32 v9, v3;
	v3 =	vmul.f32 v48, v21;
	v48 =	vld [tilespmem:s17+$0xF0B0]  }
0x476: {  	v1 =	vmul.f32 v1, v22;
	v12 =	vmul.f32 v22, v58;
	v57 =	vld [tilespmem:s17+$0xA600]  }
0x477: {  	v21 =	vmul.f32 v30, v23;
	v58 =	vld [tilespmem:s17+$0xA610];
	v13 =	vadd.f32 v8, v3;
	v3 =	vmul.f32 v35, v22  }
0x478: {  	v8 =	vmul.f32 v19, v22;
	v35 =	vld [tilespmem:s17+$0xF0F0];
	v19 =	vmul.f32 v29, v23;
	v29 =	vsub.f32 $1.250000000e-01, v27  }
0x479: {  	v30 =	vadd.f32 v21, v12;
	v12 =	vmul.f32 v20, v23;
	v20 =	vmul.f32 v16, v23;
	v23 =	vld [tilespmem:s17+$0xA640]  }
0x47a: {  	v22 =	vadd.f32 v19, v3;
	v19 =	vmul.f32 v31, v29;
	v31 =	vld [tilespmem:s17+$0xA650]  }
0x47b: {  	v0 =	vadd.f32 v12, v8;
	v8 =	vld [tilespmem:$0x1F420];
	v1 =	vadd.f32 v20, v1  }
0x47c: {  	v3 =	vmul.f32 v29, v11;
	v11 =	vmul.f32 v24, v29;
	v24 =	vmov v63;
	v63 =	vld [tilespmem:s17+$0xA620]  }
0x47d: {  	[tilespmem:$0x1F430] =	vst v1;
	v1 =	vld [tilespmem:$0x1F440];
	_ =	sdelay $0x2  }
0x47e: {  	v12 =	vmul.f32 v8, v27  }
0x47f: {  	v16 =	vmul.f32 v26, v27  }
0x480: {  	v26 =	vsub.f32 $1.250000000e-01, v32;
	v1 =	vmul.f32 v1, v27;
	v3 =	vadd.f32 v12, v3  }
0x481: {  	v5 =	vmul.f32 v5, v29;
	v20 =	vmul.f32 v36, v27;
	v8 =	vadd.f32 v16, v11  }
0x482: {  	v27 =	vld [tilespmem:s17+$0xA660];
	[tilespmem:$0x1F450] =	vst v3;
	v1 =	vadd.f32 v1, v19  }
0x483: {  	v2 =	vmul.f32 v26, v2;
	v5 =	vadd.f32 v20, v5;
	v3 =	vmul.f32 v6, v32;
	v6 =	vld [tilespmem:s17+$0xA630];
	[tilespmem:$0x1F460] =	vst v8  }
0x484: {  	[tilespmem:$0x1F470] =	vst v1  }
0x485: {  	v2 =	vadd.f32 v3, v2;
	v3 =	vmul.f32 v38, v26;
	v1 =	vld [tilespmem:s17+$0xA670];
	[tilespmem:$0x1F480] =	vst v5;
	v5 =	vmul.f32 v42, v32;
	_ =	sdelay $0x1  }
0x486: {  	v8 =	vld [tilespmem:s17+$0xBF00];
	v3 =	vadd.f32 v5, v3  }
0x487: {  	v45 =	vmul.f32 v45, v32;
	v11 =	vmul.f32 v33, v26;
	v33 =	vld [tilespmem:s17+$0xBF40]  }
0x488: {  	v26 =	vmul.f32 v15, v26;
	v42 =	vld [tilespmem:s17+$0xBF10];
	[tilespmem:$0x1F490] =	vst v3;
	v3 =	vmul.f32 v40, v32  }
0x489: {  	v11 =	vadd.f32 v45, v11  }
0x48a: {  	v20 =	vsub.f32 $1.250000000e-01, v25;
	v3 =	vadd.f32 v3, v26  }
0x48b: {  	v32 =	vld [tilespmem:s17+$0xBF50];
	[tilespmem:$0x1F4A0] =	vst v11  }
0x48c: {  	v38 =	vsub.f32 $1.250000000e-01, v49;
	v5 =	vmul.f32 v20, v50;
	v11 =	vld [tilespmem:s17+$0xBF20];
	[tilespmem:$0x1F4B0] =	vst v3;
	v3 =	vmul.f32 v4, v25;
	_ =	sdelay $0x1  }
0x48d: {  	v15 =	vld [tilespmem:$0x1F4D0];
	v6 =	vmul.f32 v6, v38;
	v1 =	vmul.f32 v1, v49;
	v3 =	vadd.f32 v3, v5  }
0x48e: {  	v36 =	vmul.f32 v55, v20;
	v4 =	vmul.f32 v51, v20;
	v26 =	vld [tilespmem:s17+$0xBF60]  }
0x48f: {  	v1 =	vadd.f32 v1, v6;
	v6 =	vld [tilespmem:s17+$0xBF30];
	v5 =	vmul.f32 v56, v25;
	[tilespmem:$0x1F4C0] =	vst v3;
	v3 =	vmul.f32 v53, v25  }
0x490: {  	v20 =	vmul.f32 v59, v20;
	v25 =	vmul.f32 v60, v25  }
0x491: {  	v60 =	vadd.f32 v3, v4;
	v3 =	vadd.f32 v5, v36  }
0x492: {  	v45 =	vld [tilespmem:s17+$0xBF70];
	v4 =	vadd.f32 v25, v20  }
0x493: {  	v40 =	vsub.f32 $1.250000000e-01, v34;
	v1 =	vadd.f32 v1, v15;
	v53 =	vld [tilespmem:s17+$0xD800];
	[tilespmem:$0x1F4E0] =	vst v3  }
0x494: {  	v3 =	vld [tilespmem:s17+$0xD840];
	[tilespmem:$0x1F4F0] =	vst v4  }
0x495: {  	v4 =	vmul.f32 v39, v34;
	[tilespmem:s17+$0x17A30] =	vst v1;
	v1 =	vmul.f32 v40, v61;
	_ =	sdelay $0x1  }
0x496: {  	v1 =	vadd.f32 v4, v1  }
0x497: {  	v5 =	vmul.f32 v62, v40;
	v20 =	vmul.f32 v37, v34  }
0x498: {  	v36 =	vld [tilespmem:s17+$0xD810];
	v4 =	vmul.f32 v43, v34;
	[tilespmem:$0x1F500] =	vst v1;
	v1 =	vmul.f32 v41, v40  }
0x499: {  	v25 =	vsub.f32 $1.250000000e-01, v52;
	v5 =	vadd.f32 v20, v5  }
0x49a: {  	v1 =	vadd.f32 v4, v1  }
0x49b: {  	v37 =	vld [tilespmem:s17+$0xD850];
	[tilespmem:$0x1F510] =	vst v5;
	v5 =	vmul.f32 v6, v25;
	v6 =	vmul.f32 v45, v52  }
0x49c: {  	v45 =	vmul.f32 v48, v40;
	v20 =	vld [tilespmem:s17+$0xD820];
	[tilespmem:$0x1F530] =	vst v1;
	v1 =	vmul.f32 v35, v34;
	_ =	sdelay $0x1  }
0x49d: {  	v48 =	vld [tilespmem:$0x1F520];
	v1 =	vadd.f32 v1, v45  }
0x49e: {  	v23 =	vmul.f32 v23, v49;
	v31 =	vmul.f32 v31, v49;
	v4 =	vld [tilespmem:s17+$0xD860]  }
0x49f: {  	v27 =	vmul.f32 v27, v49;
	v56 =	vmov v54;
	v54 =	vld [tilespmem:s17+$0xD830];
	[tilespmem:$0x1F550] =	vst v1;
	v1 =	vmul.f32 v58, v38  }
0x4a0: {  	v5 =	vadd.f32 v6, v5;
	v6 =	vmul.f32 v38, v57;
	v57 =	vld [tilespmem:$0x1F540];
	v38 =	vmul.f32 v63, v38  }
0x4a1: {  	v58 =	vld [tilespmem:$0x1F560];
	v1 =	vadd.f32 v31, v1  }
0x4a2: {  	v63 =	vadd.f32 v23, v6;
	v55 =	vld [tilespmem:s17+$0xD870];
	v6 =	vadd.f32 v27, v38  }
0x4a3: {  	v5 =	vadd.f32 v5, v15;
	v43 =	vld [tilespmem:s17+$0xF100];
	[tilespmem:$0x1F570] =	vst v1  }
0x4a4: {  	v1 =	vld [tilespmem:s17+$0xF140];
	[tilespmem:$0x1F580] =	vst v6  }
0x4a5: {  	v38 =	vld [tilespmem:$0x1F590];
	[tilespmem:s17+$0x19630] =	vst v5  }
0x4a6: {  	v59 =	vmov v10;
	v10 =	vld [tilespmem:$0x1F5B0]  }
0x4a7: {  	v8 =	vmul.f32 v25, v8;
	v5 =	vmul.f32 v33, v52;
	_ =	sdelay $0x1  }
0x4a8: {  	v5 =	vadd.f32 v5, v8  }
0x4a9: {  	v23 =	vmul.f32 v32, v52;
	v6 =	vmul.f32 v42, v25  }
0x4aa: {  	v31 =	vld [tilespmem:s17+$0xF110];
	v8 =	vmul.f32 v11, v25;
	[tilespmem:$0x1F5C0] =	vst v5;
	v5 =	vmul.f32 v26, v52;
	v27 =	vsub.f32 $1.250000000e-01, v10  }
0x4ab: {  	v6 =	vadd.f32 v23, v6  }
0x4ac: {  	v12 =	vld [tilespmem:$0x1F600];
	v51 =	vadd.f32 v5, v8;
	v5 =	vmul.f32 v37, v10;
	v8 =	vmul.f32 v36, v27  }
0x4ad: {  	v11 =	vld [tilespmem:s17+$0xF150];
	[tilespmem:$0x1F5D0] =	vst v6  }
0x4ae: {  	v3 =	vmul.f32 v3, v10;
	v23 =	vld [tilespmem:s17+$0xF120];
	v6 =	vmul.f32 v27, v53;
	v5 =	vadd.f32 v5, v8  }
0x4af: {  	v25 =	vld [tilespmem:s17+$0xF160]  }
0x4b0: {  	v3 =	vadd.f32 v3, v6;
	v6 =	vmul.f32 v55, v10;
	[tilespmem:$0x1F5F0] =	vst v5;
	v5 =	vmul.f32 v4, v10;
	v10 =	vld [tilespmem:$0x1F610];
	_ =	sdelay $0x3  }
0x4b1: {  	v20 =	vmul.f32 v20, v27  }
0x4b2: {  	[tilespmem:$0x1F5E0] =	vst v3;
	v4 =	vmul.f32 v12, v43;
	v1 =	vmul.f32 v1, v10  }
0x4b3: {  	v8 =	vmul.f32 v31, v12;
	v3 =	vmul.f32 v54, v27;
	v26 =	vld [tilespmem:s17+$0x2440]  }
0x4b4: {  	v27 =	vld [tilespmem:s17+$0x2450];
	v54 =	vadd.f32 v5, v20;
	v5 =	vmul.f32 v11, v10;
	v1 =	vadd.f32 v1, v4  }
0x4b5: {  	v31 =	vld [tilespmem:s17+$0x2470]  }
0x4b6: {  	v20 =	vmul.f32 v23, v12;
	v11 =	vld [tilespmem:s17+$0x2460];
	v23 =	vmul.f32 v25, v10;
	[tilespmem:$0x1F620] =	vst v1;
	v1 =	vadd.f32 v5, v8  }
0x4b7: {  	v3 =	vadd.f32 v6, v3  }
0x4b8: {  	[tilespmem:$0x1F630] =	vst v1;
	v1 =	vadd.f32 v23, v20  }
0x4b9: {  	v6 =	vadd.f32 v3, v15;
	v4 =	vld [tilespmem:s17+$0x24C0]  }
0x4ba: {  	[tilespmem:$0x1F640] =	vst v1;
	v1 =	vld [tilespmem:$0x1F650]  }
0x4bb: {  	v32 =	vld [tilespmem:$0x1F5A0];
	[tilespmem:s17+$0x1B230] =	vst v6  }
0x4bc: {  	v3 =	vld [tilespmem:$0x1F660];
	_ =	sdelay $0x2  }
0x4bd: {  	v1 =	vadd.f32 v1, v26;
	_ =	sdelay $0x1  }
0x4be: {  	v20 =	vadd.f32 v3, v26;
	v3 =	vld [tilespmem:$0x1F670];
	[tilespmem:s17+$0x17800] =	vst v1  }
0x4bf: {  	v1 =	vld [tilespmem:$0x1F680];
	_ =	sdelay $0x4  }
0x4c0: {  	v23 =	vadd.f32 v1, v11;
	v1 =	vld [tilespmem:$0x1F690];
	_ =	sdelay $0x1  }
0x4c1: {  	v6 =	vadd.f32 v3, v27;
	_ =	sdelay $0x1  }
0x4c2: {  	[tilespmem:s17+$0x17810] =	vst v6  }
0x4c3: {  	v35 =	vadd.f32 v1, v26;
	v1 =	vld [tilespmem:$0x1F6A0];
	_ =	sdelay $0x4  }
0x4c4: {  	v6 =	vadd.f32 v1, v26;
	v1 =	vld [tilespmem:$0x1F6B0];
	[tilespmem:s17+$0x17820] =	vst v23  }
0x4c5: {  	v3 =	vld [tilespmem:$0x1F6C0];
	_ =	sdelay $0x4  }
0x4c6: {  	v23 =	vadd.f32 v3, v27;
	v3 =	vld [tilespmem:$0x1F6D0];
	_ =	sdelay $0x1  }
0x4c7: {  	v26 =	vadd.f32 v1, v31;
	_ =	sdelay $0x1  }
0x4c8: {  	[tilespmem:s17+$0x17830] =	vst v26  }
0x4c9: {  	v45 =	vadd.f32 v3, v27;
	v3 =	vld [tilespmem:$0x1F6E0];
	_ =	sdelay $0x4  }
0x4ca: {  	v43 =	vadd.f32 v3, v27;
	v3 =	vld [tilespmem:$0x1F6F0];
	_ =	sdelay $0x3  }
0x4cb: {  	[tilespmem:s17+$0x19400] =	vst v20  }
0x4cc: {  	v26 =	vadd.f32 v3, v11;
	v3 =	vld [tilespmem:$0x1F700];
	_ =	sdelay $0x4  }
0x4cd: {  	v40 =	vadd.f32 v3, v11;
	v3 =	vld [tilespmem:$0x1F710];
	_ =	sdelay $0x3  }
0x4ce: {  	[tilespmem:s17+$0x19410] =	vst v23  }
0x4cf: {  	v53 =	vadd.f32 v3, v11;
	v3 =	vld [tilespmem:$0x1F720];
	_ =	sdelay $0x4  }
0x4d0: {  	v11 =	vadd.f32 v3, v31;
	v3 =	vld [tilespmem:$0x1F730];
	_ =	sdelay $0x3  }
0x4d1: {  	[tilespmem:s17+$0x19420] =	vst v26  }
0x4d2: {  	v41 =	vadd.f32 v3, v31;
	v3 =	vld [tilespmem:$0x1F740];
	_ =	sdelay $0x4  }
0x4d3: {  	v31 =	vadd.f32 v3, v31;
	v3 =	vld [tilespmem:$0x1F750];
	_ =	sdelay $0x3  }
0x4d4: {  	v34 =	vld [tilespmem:s17+$0x24D0];
	[tilespmem:s17+$0x19430] =	vst v11  }
0x4d5: {  	v55 =	vadd.f32 v3, v4;
	v3 =	vld [tilespmem:$0x1F760];
	_ =	sdelay $0x3  }
0x4d6: {  	v37 =	vld [tilespmem:s17+$0x24E0]  }
0x4d7: {  	v61 =	vadd.f32 v3, v34;
	v3 =	vld [tilespmem:$0x1F770];
	_ =	sdelay $0x3  }
0x4d8: {  	v33 =	vld [tilespmem:s17+$0x24F0];
	[tilespmem:s17+$0x1B000] =	vst v35  }
0x4d9: {  	v52 =	vadd.f32 v3, v37;
	v3 =	vld [tilespmem:$0x1F780];
	_ =	sdelay $0x4  }
0x4da: {  	v50 =	vadd.f32 v3, v33;
	v3 =	vld [tilespmem:$0x1F790];
	_ =	sdelay $0x3  }
0x4db: {  	[tilespmem:s17+$0x1B010] =	vst v45  }
0x4dc: {  	v39 =	vadd.f32 v3, v4;
	v3 =	vld [tilespmem:$0x1F7A0];
	_ =	sdelay $0x4  }
0x4dd: {  	v45 =	vadd.f32 v3, v34;
	v3 =	vld [tilespmem:$0x1F7B0];
	_ =	sdelay $0x3  }
0x4de: {  	v25 =	vld [tilespmem:s17+$0x2550];
	[tilespmem:s17+$0x1B020] =	vst v40  }
0x4df: {  	v36 =	vadd.f32 v3, v37;
	v3 =	vld [tilespmem:$0x1F7C0]  }
0x4e0: {  	v42 =	vld [tilespmem:s17+$0x2560]  }
0x4e1: {  	v49 =	vld [tilespmem:s17+$0x2570]  }
0x4e2: {  	v29 =	vld [tilespmem:s17+$0x2640]  }
0x4e3: {  	v1 =	vld [tilespmem:s17+$0x2540]  }
0x4e4: {  	v40 =	vadd.f32 v3, v33;
	v3 =	vld [tilespmem:$0x1F7D0]  }
0x4e5: {  	v20 =	vld [tilespmem:s17+$0x25C0]  }
0x4e6: {  	v27 =	vld [tilespmem:s17+$0x25F0]  }
0x4e7: {  	v23 =	vld [tilespmem:s17+$0x25D0]  }
0x4e8: {  	v26 =	vld [tilespmem:s17+$0x25E0]  }
0x4e9: {  	s8 =	simm.s32 $0x5;
	v11 =	vld [tilespmem:s17+$0x2650];
	v35 =	vadd.f32 v3, v4  }
.LBB2_9:
0x4ea: {  	s9 =	sshll.u32 s8, $0x7  }
0x4eb: {  	v15 =	vadd.f32 v24, v34;
	v24 =	vadd.f32 v47, v37;
	v3 =	vld [tilespmem:s9+$0x2630]  }
0x4ec: {  	v47 =	vadd.f32 v58, v42;
	v58 =	vadd.f32 v0, v42;
	v0 =	vld [tilespmem:$0x1F430]  }
0x4ed: {  	[tilespmem:$0x1EFC0] =	vst v51;
	v16 =	vadd.f32 v44, v4;
	v4 =	vld [tilespmem:s9+$0xF130]  }
0x4ee: {  	[tilespmem:s17+$0x1CC00] =	vst v6;
	v6 =	vld [tilespmem:s9+$0xF170]  }
0x4ef: {  	v12 =	vadd.f32 v38, v33;
	v19 =	vadd.f32 v46, v34;
	[tilespmem:s17+$0x178A0] =	vst v52  }
0x4f0: {  	[tilespmem:s17+$0x17880] =	vst v55;
	v46 =	vadd.f32 v57, v25;
	v55 =	vadd.f32 v59, v49  }
0x4f1: {  	[tilespmem:s17+$0x178B0] =	vst v50;
	v5 =	vsub.f32 $1.250000000e-01, v3;
	v38 =	vadd.f32 v0, v49;
	v0 =	vld [tilespmem:$0x1F450]  }
0x4f2: {  	[tilespmem:s17+$0x17890] =	vst v61;
	v10 =	vld [tilespmem:s9+$0x2670];
	v57 =	vadd.f32 v7, v42;
	v59 =	vadd.f32 v17, v49  }
0x4f3: {  	v62 =	vadd.f32 v18, v1;
	v18 =	vld [tilespmem:s9+$0x2480];
	[tilespmem:s17+$0x19480] =	vst v39;
	v17 =	vmul.f32 v6, v3;
	v7 =	vmul.f32 v4, v5  }
0x4f4: {  	v51 =	vadd.f32 v14, v1;
	v14 =	vld [tilespmem:s9+$0x2490];
	[tilespmem:s17+$0x19490] =	vst v45  }
0x4f5: {  	v17 =	vadd.f32 v17, v7;
	v7 =	vld [tilespmem:s9+$0x24A0]  }
0x4f6: {  	[tilespmem:s17+$0x194A0] =	vst v36;
	v36 =	vadd.f32 v0, v20;
	v0 =	vld [tilespmem:$0x1F460];
	_ =	sdelay $0x2  }
0x4f7: {  	[tilespmem:$0x1EFD0] =	vst v54;
	v8 =	vadd.f32 v32, v37;
	v54 =	vadd.f32 v28, v25  }
0x4f8: {  	[tilespmem:s17+$0x1CC20] =	vst v53;
	v32 =	vmov v63;
	v63 =	vadd.f32 v9, v25;
	v53 =	vadd.f32 v17, v10  }
0x4f9: {  	v17 =	vadd.f32 v22, v25;
	v25 =	vadd.f32 v0, v23;
	v0 =	vld [tilespmem:$0x1F470];
	_ =	sdelay $0x3  }
0x4fa: {  	v52 =	vld [tilespmem:s9+$0x2530]  }
0x4fb: {  	v45 =	vadd.f32 v0, v26;
	v0 =	vld [tilespmem:$0x1F480]  }
0x4fc: {  	[tilespmem:s17+$0x1B030] =	vst v41;
	v41 =	vld [tilespmem:s17+$0x2660]  }
0x4fd: {  	[tilespmem:s9+$0x1CE30] =	vst v53;
	v53 =	vld [tilespmem:s9+$0x2580]  }
0x4fe: {  	[tilespmem:s17+$0x1CC10] =	vst v43  }
0x4ff: {  	v43 =	vld [tilespmem:s9+$0x2400];
	[tilespmem:s17+$0x1CC30] =	vst v31  }
0x500: {  	v9 =	vld [tilespmem:s9+$0x24B0];
	[tilespmem:s17+$0x1CC90] =	vst v19;
	v19 =	vadd.f32 v0, v27;
	v0 =	vsub.f32 $1.250000000e-01, v52  }
0x501: {  	v44 =	vadd.f32 v56, v1;
	v56 =	vadd.f32 v30, v1;
	v1 =	vld [tilespmem:s9+$0x25B0];
	[tilespmem:$0x1F0B0] =	vst v3  }
0x502: {  	[tilespmem:$0x1EFE0] =	vst v0;
	v0 =	vsub.f32 $1.250000000e-01, v53  }
0x503: {  	[tilespmem:$0x1F0A0] =	vst v5;
	v5 =	vld [tilespmem:s9+$0x2590]  }
0x504: {  	[tilespmem:$0x1EFF0] =	vst v0;
	v0 =	vld [tilespmem:$0x1F490]  }
0x505: {  	[tilespmem:$0x1F080] =	vst v10  }
0x506: {  	v21 =	vld [tilespmem:s9+$0x2500];
	[tilespmem:$0x1F050] =	vst v1  }
0x507: {  	v50 =	vld [tilespmem:s9+$0x2520];
	[tilespmem:s17+$0x194B0] =	vst v40  }
0x508: {  	v3 =	vld [tilespmem:$0x1F410];
	[tilespmem:s17+$0x1B0A0] =	vst v8  }
0x509: {  	v40 =	vld [tilespmem:s9+$0x2510];
	[tilespmem:s17+$0x17900] =	vst v44;
	v44 =	vadd.f32 v0, v23;
	v0 =	vsub.f32 $1.250000000e-01, v5  }
0x50a: {  	[tilespmem:s17+$0x1B0B0] =	vst v12;
	v12 =	vld [tilespmem:s9+$0x25A0]  }
0x50b: {  	[tilespmem:$0x1F000] =	vst v0;
	v0 =	vld [tilespmem:$0x1F4A0]  }
0x50c: {  	[tilespmem:s17+$0x1CC80] =	vst v16  }
0x50d: {  	v37 =	vld [tilespmem:s9+$0x2410];
	[tilespmem:s17+$0x1CCA0] =	vst v24  }
0x50e: {  	v1 =	vsub.f32 $1.250000000e-01, v1;
	v8 =	vld [tilespmem:s9+$0x2600];
	[tilespmem:s17+$0x17910] =	vst v46  }
0x50f: {  	v33 =	vadd.f32 v48, v33;
	v48 =	vadd.f32 v3, v42;
	v3 =	vld [tilespmem:s9+$0x2610];
	[tilespmem:s17+$0x17920] =	vst v47  }
0x510: {  	[tilespmem:$0x1F040] =	vst v1;
	v1 =	vld [tilespmem:$0x1F4C0];
	v46 =	vadd.f32 v0, v26;
	v0 =	vsub.f32 $1.250000000e-01, v12  }
0x511: {  	v24 =	vadd.f32 v2, v20;
	[tilespmem:s17+$0x17930] =	vst v55;
	v2 =	vld [tilespmem:s9+$0xA450]  }
0x512: {  	[tilespmem:$0x1F020] =	vst v0;
	v0 =	vld [tilespmem:$0x1F4B0]  }
0x513: {  	[tilespmem:s17+$0x19530] =	vst v59;
	v59 =	vld [tilespmem:$0x1F510]  }
0x514: {  	[tilespmem:s17+$0x19500] =	vst v51;
	v10 =	vld [tilespmem:s9+$0x2620]  }
0x515: {  	[tilespmem:s17+$0x1B100] =	vst v62;
	v62 =	vld [tilespmem:$0x1F550]  }
0x516: {  	v13 =	vadd.f32 v13, v49;
	[tilespmem:$0x1F010] =	vst v5;
	v5 =	vld [tilespmem:s9+$0xA400]  }
0x517: {  	[tilespmem:s17+$0x19510] =	vst v54;
	v47 =	vadd.f32 v0, v27;
	v0 =	vld [tilespmem:s9+$0xA440]  }
0x518: {  	[tilespmem:s17+$0x1B130] =	vst v13;
	v13 =	vld [tilespmem:$0x1F5C0]  }
0x519: {  	[tilespmem:$0x1F090] =	vst v10;
	v54 =	vsub.f32 $1.250000000e-01, v10;
	v10 =	vld [tilespmem:$0x1F4F0]  }
0x51a: {  	v6 =	vsub.f32 $1.250000000e-01, v43;
	[tilespmem:$0x1F070] =	vst v3;
	v51 =	vsub.f32 $1.250000000e-01, v3;
	v3 =	vld [tilespmem:$0x1F4E0]  }
0x51b: {  	[tilespmem:s17+$0x19520] =	vst v57;
	v16 =	vadd.f32 v1, v20;
	v1 =	vld [tilespmem:s9+$0xA410]  }
0x51c: {  	[tilespmem:s17+$0x1B110] =	vst v63;
	v63 =	vadd.f32 v32, v29;
	v32 =	vld [tilespmem:$0x1F5D0];
	v5 =	vmul.f32 v6, v5;
	v0 =	vmul.f32 v0, v43  }
0x51d: {  	[tilespmem:$0x1F060] =	vst v8;
	v55 =	vsub.f32 $1.250000000e-01, v8;
	v8 =	vadd.f32 v60, v23;
	v60 =	vld [tilespmem:$0x1F500]  }
0x51e: {  	[tilespmem:s17+$0x1CD00] =	vst v56;
	v57 =	vadd.f32 v10, v27;
	v10 =	vld [tilespmem:s9+$0xA460];
	v0 =	vadd.f32 v0, v5  }
0x51f: {  	[tilespmem:$0x1F030] =	vst v12;
	v12 =	vadd.f32 v3, v26;
	v3 =	vld [tilespmem:s9+$0xA420]  }
0x520: {  	v56 =	vld [tilespmem:s9+$0xBD50];
	v1 =	vmul.f32 v1, v6;
	[tilespmem:$0x1F0C0] =	vst v0;
	v0 =	vmul.f32 v2, v43  }
0x521: {  	[tilespmem:s17+$0x1CD10] =	vst v17;
	v17 =	vld [tilespmem:$0x1F5E0]  }
0x522: {  	v20 =	vadd.f32 v60, v20;
	v60 =	vld [tilespmem:$0x1F530];
	v0 =	vadd.f32 v0, v1  }
0x523: {  	v27 =	vadd.f32 v62, v27;
	v62 =	vld [tilespmem:s9+$0xA470]  }
0x524: {  	v23 =	vadd.f32 v59, v23;
	v59 =	vld [tilespmem:s9+$0xA430];
	v3 =	vmul.f32 v3, v6;
	[tilespmem:$0x1F0D0] =	vst v0;
	v0 =	vmul.f32 v10, v43  }
0x525: {  	[tilespmem:s17+$0x1CD30] =	vst v38;
	v38 =	vld [tilespmem:$0x1F620]  }
0x526: {  	[tilespmem:s17+$0x1B120] =	vst v48;
	v48 =	vld [tilespmem:s9+$0xBD40];
	v0 =	vadd.f32 v0, v3  }
0x527: {  	v26 =	vadd.f32 v60, v26;
	v60 =	vld [tilespmem:$0x1F570]  }
0x528: {  	[tilespmem:$0x1F0E0] =	vst v0;
	v0 =	vmul.f32 v62, v43;
	v62 =	vld [tilespmem:$0x1EFD0]  }
0x529: {  	v6 =	vmul.f32 v59, v6;
	v59 =	vadd.f32 v17, v29;
	v17 =	vld [tilespmem:$0x1F5F0]  }
0x52a: {  	v13 =	vadd.f32 v13, v29;
	v29 =	vadd.f32 v38, v29;
	v38 =	vld [tilespmem:$0x1F640]  }
0x52b: {  	v5 =	vld [tilespmem:$0x1F580]  }
0x52c: {  	v2 =	vld [tilespmem:s9+$0xBD00]  }
0x52d: {  	v43 =	vadd.f32 v62, v41;
	v62 =	vld [tilespmem:$0x1F630]  }
0x52e: {  	v1 =	vld [tilespmem:s9+$0xBD10]  }
0x52f: {  	v4 =	vsub.f32 $1.250000000e-01, v37;
	[tilespmem:s17+$0x1CCB0] =	vst v33;
	v10 =	vld [tilespmem:$0x1EFC0]  }
0x530: {  	[tilespmem:s17+$0x1CD20] =	vst v58;
	v58 =	vld [tilespmem:s9+$0xBD60];
	v33 =	vadd.f32 v32, v11  }
0x531: {  	v60 =	vadd.f32 v60, v11;
	v17 =	vadd.f32 v17, v11;
	v2 =	vmul.f32 v4, v2;
	v3 =	vld [tilespmem:s9+$0xBD20]  }
0x532: {  	v11 =	vadd.f32 v62, v11;
	v62 =	vadd.f32 v0, v6;
	v0 =	vmul.f32 v48, v37  }
0x533: {  	[tilespmem:s17+$0x17980] =	vst v36;
	v36 =	vadd.f32 v38, v41;
	v5 =	vadd.f32 v5, v41;
	v1 =	vmul.f32 v1, v4  }
0x534: {  	v10 =	vadd.f32 v10, v41;
	v6 =	vld [tilespmem:s9+$0xBD30];
	v41 =	vadd.f32 v0, v2;
	v0 =	vmul.f32 v56, v37  }
0x535: {  	v48 =	vld [tilespmem:s9+$0xBD70]  }
0x536: {  	[tilespmem:s17+$0x179A0] =	vst v45;
	v3 =	vmul.f32 v3, v4;
	v45 =	vadd.f32 v0, v1;
	v0 =	vmul.f32 v58, v37  }
0x537: {  	v31 =	vld [tilespmem:s9+$0x2420]  }
0x538: {  	v2 =	vld [tilespmem:s9+$0xD600];
	v0 =	vadd.f32 v0, v3  }
0x539: {  	v56 =	vld [tilespmem:s9+$0xD640]  }
0x53a: {  	v4 =	vmul.f32 v6, v4;
	[tilespmem:$0x1F0F0] =	vst v0;
	v0 =	vmul.f32 v48, v37;
	_ =	sdelay $0x1  }
0x53b: {  	v39 =	vsub.f32 $1.250000000e-01, v31;
	v1 =	vld [tilespmem:s9+$0xD610];
	v0 =	vadd.f32 v0, v4  }
0x53c: {  	[tilespmem:s17+$0x1B080] =	vst v35;
	v6 =	vld [tilespmem:s9+$0xD650]  }
0x53d: {  	v2 =	vmul.f32 v39, v2;
	[tilespmem:$0x1F100] =	vst v0;
	v0 =	vmul.f32 v56, v31  }
0x53e: {  	v28 =	vld [tilespmem:s9+$0x2430];
	[tilespmem:s17+$0x1B090] =	vst v15  }
0x53f: {  	[tilespmem:s17+$0x179B0] =	vst v19;
	v19 =	vld [tilespmem:s9+$0xD660];
	v0 =	vadd.f32 v0, v2  }
0x540: {  	[tilespmem:s17+$0x1B180] =	vst v16;
	v3 =	vld [tilespmem:s9+$0xD620]  }
0x541: {  	v16 =	vld [tilespmem:s9+$0xD670];
	v1 =	vmul.f32 v1, v39;
	[tilespmem:$0x1F110] =	vst v0;
	v0 =	vmul.f32 v6, v31  }
0x542: {  	[tilespmem:s17+$0x19580] =	vst v24;
	v4 =	vld [tilespmem:s9+$0xD630]  }
0x543: {  	[tilespmem:s17+$0x17A00] =	vst v63;
	v2 =	vld [tilespmem:s9+$0xEF00];
	v0 =	vadd.f32 v0, v1  }
0x544: {  	[tilespmem:s17+$0x1B190] =	vst v8;
	v6 =	vld [tilespmem:s9+$0xEF40]  }
0x545: {  	v8 =	vld [tilespmem:s9+$0xEF50];
	v3 =	vmul.f32 v3, v39;
	[tilespmem:$0x1F120] =	vst v0;
	v0 =	vmul.f32 v19, v31  }
0x546: {  	v34 =	vsub.f32 $1.250000000e-01, v28;
	[tilespmem:s17+$0x1CD90] =	vst v23;
	v1 =	vld [tilespmem:s9+$0xEF10]  }
0x547: {  	[tilespmem:s17+$0x1B1A0] =	vst v12;
	v12 =	vld [tilespmem:s9+$0xEF60];
	v4 =	vmul.f32 v4, v39;
	v23 =	vadd.f32 v0, v3;
	v0 =	vmul.f32 v16, v31  }
0x548: {  	[tilespmem:s17+$0x19600] =	vst v13;
	v3 =	vld [tilespmem:s9+$0xEF20]  }
0x549: {  	[tilespmem:s17+$0x1CDA0] =	vst v26;
	v2 =	vmul.f32 v34, v2;
	v26 =	vadd.f32 v0, v4;
	v0 =	vmul.f32 v6, v28;
	v4 =	vld [tilespmem:s9+$0xEF30]  }
0x54a: {  	[tilespmem:s17+$0x19610] =	vst v33;
	v6 =	vld [tilespmem:s9+$0xEF70]  }
0x54b: {  	[tilespmem:s17+$0x1CDB0] =	vst v27;
	v1 =	vmul.f32 v1, v34;
	v27 =	vadd.f32 v0, v2;
	v0 =	vmul.f32 v8, v28  }
0x54c: {  	[tilespmem:s17+$0x17990] =	vst v25  }
0x54d: {  	[tilespmem:s17+$0x17A20] =	vst v5;
	v5 =	vld [tilespmem:s9+$0xA4C0];
	v3 =	vmul.f32 v3, v34;
	v31 =	vadd.f32 v0, v1;
	v0 =	vmul.f32 v12, v28  }
0x54e: {  	[tilespmem:s17+$0x1CD80] =	vst v20;
	v2 =	vld [tilespmem:s9+$0xA480]  }
0x54f: {  	[tilespmem:s17+$0x1B1B0] =	vst v57;
	v8 =	vld [tilespmem:s9+$0xA4D0];
	v4 =	vmul.f32 v4, v34;
	v39 =	vadd.f32 v0, v3;
	v0 =	vmul.f32 v6, v28  }
0x550: {  	[tilespmem:s17+$0x19590] =	vst v44;
	v1 =	vld [tilespmem:s9+$0xA490]  }
0x551: {  	v30 =	vsub.f32 $1.250000000e-01, v18;
	[tilespmem:s17+$0x195A0] =	vst v46;
	v3 =	vld [tilespmem:s9+$0xA4A0];
	v0 =	vadd.f32 v0, v4  }
0x552: {  	[tilespmem:s17+$0x17A10] =	vst v60;
	v6 =	vld [tilespmem:s9+$0xA4E0]  }
0x553: {  	v2 =	vmul.f32 v30, v2;
	[tilespmem:$0x1F130] =	vst v0;
	v0 =	vmul.f32 v5, v18  }
0x554: {  	[tilespmem:s17+$0x1B200] =	vst v59  }
0x555: {  	[tilespmem:s17+$0x1CE00] =	vst v29;
	v4 =	vld [tilespmem:s9+$0xA4B0];
	v1 =	vmul.f32 v1, v30;
	v29 =	vadd.f32 v0, v2;
	v0 =	vmul.f32 v8, v18  }
0x556: {  	[tilespmem:s17+$0x195B0] =	vst v47;
	v5 =	vld [tilespmem:s9+$0xA4F0]  }
0x557: {  	[tilespmem:s17+$0x1CE20] =	vst v36;
	v3 =	vmul.f32 v3, v30;
	v36 =	vadd.f32 v0, v1;
	v0 =	vmul.f32 v6, v18  }
0x558: {  	[tilespmem:s17+$0x1B210] =	vst v17  }
0x559: {  	[tilespmem:s17+$0x19620] =	vst v10;
	v2 =	vld [tilespmem:s9+$0xBD80];
	v0 =	vadd.f32 v0, v3  }
0x55a: {  	[tilespmem:s17+$0x1B220] =	vst v43;
	v8 =	vld [tilespmem:s9+$0xBDC0]  }
0x55b: {  	v4 =	vmul.f32 v4, v30;
	[tilespmem:$0x1F140] =	vst v0;
	v0 =	vmul.f32 v5, v18  }
0x55c: {  	[tilespmem:s17+$0x1CE10] =	vst v11;
	s17 =	smov.u32 s9  }
0x55d: {  	v22 =	vsub.f32 $1.250000000e-01, v14;
	v1 =	vld [tilespmem:s17+$0xBD90];
	v0 =	vadd.f32 v0, v4  }
0x55e: {  	v6 =	vld [tilespmem:s17+$0xBDD0]  }
0x55f: {  	v2 =	vmul.f32 v22, v2;
	[tilespmem:$0x1F150] =	vst v0;
	v0 =	vmul.f32 v8, v14;
	_ =	sdelay $0x1  }
0x560: {  	v3 =	vld [tilespmem:s17+$0xBDA0];
	v0 =	vadd.f32 v0, v2  }
0x561: {  	v5 =	vld [tilespmem:s17+$0xBDE0]  }
0x562: {  	v1 =	vmul.f32 v1, v22;
	[tilespmem:$0x1F160] =	vst v0;
	v0 =	vmul.f32 v6, v14;
	_ =	sdelay $0x1  }
0x563: {  	v4 =	vld [tilespmem:s17+$0xBDB0];
	v0 =	vadd.f32 v0, v1  }
0x564: {  	v8 =	vld [tilespmem:s17+$0xBDF0]  }
0x565: {  	v3 =	vmul.f32 v3, v22;
	[tilespmem:$0x1F170] =	vst v0;
	v0 =	vmul.f32 v5, v14;
	_ =	sdelay $0x1  }
0x566: {  	v2 =	vld [tilespmem:s17+$0xD680];
	v0 =	vadd.f32 v0, v3  }
0x567: {  	v6 =	vld [tilespmem:s17+$0xD6C0]  }
0x568: {  	v4 =	vmul.f32 v4, v22;
	[tilespmem:$0x1F180] =	vst v0;
	v0 =	vmul.f32 v8, v14;
	_ =	sdelay $0x1  }
0x569: {  	v15 =	vsub.f32 $1.250000000e-01, v7;
	v1 =	vld [tilespmem:s17+$0xD690];
	v0 =	vadd.f32 v0, v4  }
0x56a: {  	v5 =	vld [tilespmem:s17+$0xD6D0]  }
0x56b: {  	v2 =	vmul.f32 v15, v2;
	v3 =	vld [tilespmem:s17+$0xD6A0];
	[tilespmem:$0x1F190] =	vst v0;
	v0 =	vmul.f32 v6, v7  }
0x56c: {  	v8 =	vld [tilespmem:s17+$0xD6E0]  }
0x56d: {  	v4 =	vld [tilespmem:s17+$0xD6B0];
	v0 =	vadd.f32 v0, v2  }
0x56e: {  	v6 =	vld [tilespmem:s17+$0xD6F0]  }
0x56f: {  	v1 =	vmul.f32 v1, v15;
	v2 =	vld [tilespmem:s17+$0xEF80];
	[tilespmem:$0x1F1A0] =	vst v0;
	v0 =	vmul.f32 v5, v7  }
0x570: {  	v5 =	vld [tilespmem:s17+$0xEFC0]  }
0x571: {  	v3 =	vmul.f32 v3, v15;
	v24 =	vadd.f32 v0, v1;
	v0 =	vmul.f32 v8, v7;
	v1 =	vld [tilespmem:s17+$0xEF90]  }
0x572: {  	v35 =	vsub.f32 $1.250000000e-01, v9;
	v8 =	vld [tilespmem:s17+$0xEFD0]  }
0x573: {  	v4 =	vmul.f32 v4, v15;
	v32 =	vadd.f32 v0, v3;
	v0 =	vmul.f32 v6, v7;
	v3 =	vld [tilespmem:s17+$0xEFA0]  }
0x574: {  	v6 =	vld [tilespmem:s17+$0xEFE0]  }
0x575: {  	v2 =	vmul.f32 v35, v2;
	v38 =	vadd.f32 v0, v4;
	v0 =	vmul.f32 v5, v9;
	v4 =	vld [tilespmem:s17+$0xEFB0]  }
0x576: {  	v5 =	vld [tilespmem:s17+$0xEFF0]  }
0x577: {  	v7 =	vld [tilespmem:s17+$0xA540];
	v1 =	vmul.f32 v1, v35;
	v44 =	vadd.f32 v0, v2;
	v0 =	vmul.f32 v8, v9  }
0x578: {  	v2 =	vld [tilespmem:s17+$0xA500]  }
0x579: {  	v3 =	vmul.f32 v3, v35;
	v46 =	vadd.f32 v0, v1;
	v0 =	vmul.f32 v6, v9;
	v1 =	vld [tilespmem:s17+$0xA510]  }
0x57a: {  	v42 =	vsub.f32 $1.250000000e-01, v21;
	v6 =	vld [tilespmem:s17+$0xA550]  }
0x57b: {  	v4 =	vmul.f32 v4, v35;
	v47 =	vadd.f32 v0, v3;
	v0 =	vmul.f32 v5, v9;
	v3 =	vld [tilespmem:s17+$0xA520]  }
0x57c: {  	v5 =	vld [tilespmem:s17+$0xA560]  }
0x57d: {  	v2 =	vmul.f32 v42, v2;
	v48 =	vadd.f32 v0, v4;
	v0 =	vmul.f32 v7, v21;
	v4 =	vld [tilespmem:s17+$0xA530]  }
0x57e: {  	v7 =	vld [tilespmem:s17+$0xA570]  }
0x57f: {  	v1 =	vmul.f32 v1, v42;
	v56 =	vadd.f32 v0, v2;
	v0 =	vmul.f32 v6, v21;
	v2 =	vld [tilespmem:s17+$0xBE00]  }
0x580: {  	v6 =	vld [tilespmem:s17+$0xBE40]  }
0x581: {  	v3 =	vmul.f32 v3, v42;
	v57 =	vadd.f32 v0, v1;
	v0 =	vmul.f32 v5, v21;
	v1 =	vld [tilespmem:s17+$0xBE10]  }
0x582: {  	v49 =	vsub.f32 $1.250000000e-01, v40;
	v5 =	vld [tilespmem:s17+$0xBE50]  }
0x583: {  	v4 =	vmul.f32 v4, v42;
	v58 =	vadd.f32 v0, v3;
	v0 =	vmul.f32 v7, v21;
	v3 =	vld [tilespmem:s17+$0xBE20]  }
0x584: {  	v7 =	vld [tilespmem:s17+$0xBE60]  }
0x585: {  	v2 =	vmul.f32 v49, v2;
	v59 =	vadd.f32 v0, v4;
	v0 =	vmul.f32 v6, v40;
	v4 =	vld [tilespmem:s17+$0xBE30]  }
0x586: {  	v6 =	vld [tilespmem:s17+$0xBE70]  }
0x587: {  	v1 =	vmul.f32 v1, v49;
	v14 =	vadd.f32 v0, v2;
	v0 =	vmul.f32 v5, v40;
	v2 =	vld [tilespmem:s17+$0xD700]  }
0x588: {  	v5 =	vld [tilespmem:s17+$0xD740]  }
0x589: {  	v8 =	vld [tilespmem:s17+$0xD750];
	v3 =	vmul.f32 v3, v49;
	v28 =	vadd.f32 v0, v1;
	v0 =	vmul.f32 v7, v40  }
0x58a: {  	v61 =	vsub.f32 $1.250000000e-01, v50;
	v1 =	vld [tilespmem:s17+$0xD710]  }
0x58b: {  	v4 =	vmul.f32 v4, v49;
	v7 =	vadd.f32 v0, v3;
	v0 =	vmul.f32 v6, v40;
	v3 =	vld [tilespmem:s17+$0xD720]  }
0x58c: {  	v6 =	vld [tilespmem:s17+$0xD760]  }
0x58d: {  	v2 =	vmul.f32 v61, v2;
	v17 =	vadd.f32 v0, v4;
	v0 =	vmul.f32 v5, v50  }
0x58e: {  	v10 =	vld [tilespmem:$0x1EFE0]  }
0x58f: {  	v4 =	vld [tilespmem:s17+$0xD730];
	v1 =	vmul.f32 v1, v61;
	v18 =	vadd.f32 v0, v2;
	v0 =	vmul.f32 v8, v50  }
0x590: {  	v5 =	vld [tilespmem:s17+$0xD770]  }
0x591: {  	v2 =	vld [tilespmem:s17+$0xF000];
	v3 =	vmul.f32 v3, v61;
	v9 =	vadd.f32 v0, v1;
	v0 =	vmul.f32 v6, v50  }
0x592: {  	v8 =	vld [tilespmem:s17+$0xF040]  }
0x593: {  	v1 =	vld [tilespmem:s17+$0xF010];
	v0 =	vadd.f32 v0, v3  }
0x594: {  	v6 =	vld [tilespmem:s17+$0xF050]  }
0x595: {  	v4 =	vmul.f32 v4, v61;
	v3 =	vld [tilespmem:s17+$0xF020];
	[tilespmem:$0x1F410] =	vst v0;
	v0 =	vmul.f32 v5, v50  }
0x596: {  	v5 =	vld [tilespmem:s17+$0xF060]  }
0x597: {  	v2 =	vmul.f32 v10, v2;
	v13 =	vadd.f32 v0, v4;
	v0 =	vmul.f32 v8, v52;
	v4 =	vld [tilespmem:s17+$0xF030]  }
0x598: {  	v8 =	vld [tilespmem:s17+$0xF070]  }
0x599: {  	v1 =	vmul.f32 v1, v10;
	v30 =	vadd.f32 v0, v2;
	v0 =	vmul.f32 v6, v52  }
0x59a: {  	v2 =	vld [tilespmem:s17+$0xA580]  }
0x59b: {  	v3 =	vmul.f32 v3, v10;
	v6 =	vld [tilespmem:s17+$0xA5C0];
	v22 =	vadd.f32 v0, v1;
	v1 =	vmul.f32 v5, v52  }
0x59c: {  	v0 =	vld [tilespmem:$0x1EFF0]  }
0x59d: {  	v4 =	vmul.f32 v4, v10;
	v35 =	vadd.f32 v1, v3;
	v1 =	vmul.f32 v8, v52;
	_ =	sdelay $0x1  }
0x59e: {  	v5 =	vld [tilespmem:s17+$0xA590];
	v1 =	vadd.f32 v1, v4  }
0x59f: {  	v10 =	vld [tilespmem:s17+$0xA5D0]  }
0x5a0: {  	v2 =	vmul.f32 v0, v2;
	[tilespmem:$0x1F430] =	vst v1;
	v1 =	vmul.f32 v6, v53;
	_ =	sdelay $0x1  }
0x5a1: {  	v3 =	vld [tilespmem:s17+$0xA5A0];
	v1 =	vadd.f32 v1, v2  }
0x5a2: {  	v8 =	vld [tilespmem:s17+$0xA5E0]  }
0x5a3: {  	v5 =	vmul.f32 v5, v0;
	[tilespmem:$0x1F450] =	vst v1;
	v1 =	vmul.f32 v10, v53  }
0x5a4: {  	v4 =	vld [tilespmem:s17+$0xA5B0]  }
0x5a5: {  	v1 =	vadd.f32 v1, v5  }
0x5a6: {  	v6 =	vld [tilespmem:s17+$0xA5F0]  }
0x5a7: {  	v12 =	vld [tilespmem:$0x1F000];
	v3 =	vmul.f32 v3, v0;
	[tilespmem:$0x1F460] =	vst v1;
	v1 =	vmul.f32 v8, v53  }
0x5a8: {  	v2 =	vld [tilespmem:s17+$0xBE80]  }
0x5a9: {  	v4 =	vmul.f32 v4, v0;
	v0 =	vld [tilespmem:$0x1F010];
	v1 =	vadd.f32 v1, v3  }
0x5aa: {  	v10 =	vld [tilespmem:s17+$0xBEC0]  }
0x5ab: {  	v5 =	vld [tilespmem:s17+$0xBE90];
	[tilespmem:$0x1F470] =	vst v1;
	v1 =	vmul.f32 v6, v53  }
0x5ac: {  	v8 =	vld [tilespmem:s17+$0xBED0]  }
0x5ad: {  	v1 =	vadd.f32 v1, v4;
	_ =	sdelay $0x1  }
0x5ae: {  	v2 =	vmul.f32 v12, v2;
	v3 =	vld [tilespmem:s17+$0xBEA0];
	[tilespmem:$0x1F480] =	vst v1;
	v1 =	vmul.f32 v10, v0  }
0x5af: {  	v6 =	vld [tilespmem:s17+$0xBEE0]  }
0x5b0: {  	v5 =	vmul.f32 v5, v12;
	v2 =	vadd.f32 v1, v2;
	v1 =	vmul.f32 v8, v0;
	_ =	sdelay $0x1  }
0x5b1: {  	v4 =	vld [tilespmem:s17+$0xBEB0];
	v1 =	vadd.f32 v1, v5  }
0x5b2: {  	v10 =	vld [tilespmem:s17+$0xBEF0]  }
0x5b3: {  	v11 =	vld [tilespmem:s17+$0xD7C0];
	v3 =	vmul.f32 v3, v12;
	[tilespmem:$0x1F490] =	vst v1;
	v1 =	vmul.f32 v6, v0  }
0x5b4: {  	v15 =	vld [tilespmem:$0x1F020]  }
0x5b5: {  	v8 =	vld [tilespmem:s17+$0xD780];
	v1 =	vadd.f32 v1, v3  }
0x5b6: {  	v4 =	vmul.f32 v4, v12;
	v12 =	vld [tilespmem:$0x1F030]  }
0x5b7: {  	[tilespmem:$0x1F4A0] =	vst v1;
	v1 =	vmul.f32 v10, v0  }
0x5b8: {  	v5 =	vld [tilespmem:s17+$0xD790]  }
0x5b9: {  	v6 =	vld [tilespmem:s17+$0xD7D0];
	v1 =	vadd.f32 v1, v4  }
0x5ba: {  	v3 =	vld [tilespmem:s17+$0xD7A0]  }
0x5bb: {  	v8 =	vmul.f32 v15, v8;
	v10 =	vld [tilespmem:s17+$0xD7E0];
	[tilespmem:$0x1F4B0] =	vst v1;
	v1 =	vmul.f32 v11, v12  }
0x5bc: {  	v4 =	vld [tilespmem:s17+$0xD7B0]  }
0x5bd: {  	v1 =	vadd.f32 v1, v8  }
0x5be: {  	v11 =	vld [tilespmem:s17+$0xD7F0]  }
0x5bf: {  	v5 =	vmul.f32 v5, v15;
	[tilespmem:$0x1F4C0] =	vst v1;
	v1 =	vmul.f32 v6, v12  }
0x5c0: {  	v3 =	vmul.f32 v3, v15;
	v8 =	vld [tilespmem:s17+$0xF0C0]  }
0x5c1: {  	v4 =	vmul.f32 v4, v15;
	v15 =	vld [tilespmem:$0x1F040];
	v60 =	vadd.f32 v1, v5;
	v1 =	vmul.f32 v10, v12  }
0x5c2: {  	v6 =	vld [tilespmem:s17+$0xF080]  }
0x5c3: {  	v0 =	vadd.f32 v1, v3;
	v1 =	vmul.f32 v11, v12;
	v12 =	vld [tilespmem:$0x1F050]  }
0x5c4: {  	v5 =	vld [tilespmem:s17+$0xF090]  }
0x5c5: {  	v10 =	vld [tilespmem:s17+$0xF0D0]  }
0x5c6: {  	v3 =	vld [tilespmem:s17+$0xF0A0]  }
0x5c7: {  	v11 =	vld [tilespmem:s17+$0xF0E0]  }
0x5c8: {  	v20 =	vld [tilespmem:$0x1F080];
	v6 =	vmul.f32 v15, v6;
	[tilespmem:$0x1F4E0] =	vst v0;
	v0 =	vadd.f32 v1, v4;
	v1 =	vmul.f32 v8, v12  }
0x5c9: {  	v8 =	vld [tilespmem:s17+$0xF0F0]  }
0x5ca: {  	v16 =	vld [tilespmem:$0x1F070];
	v5 =	vmul.f32 v5, v15;
	[tilespmem:$0x1F4F0] =	vst v0;
	v0 =	vadd.f32 v1, v6;
	v1 =	vmul.f32 v10, v12  }
0x5cb: {  	v4 =	vld [tilespmem:s17+$0xF0B0]  }
0x5cc: {  	v3 =	vmul.f32 v3, v15;
	v6 =	vld [tilespmem:s17+$0xA600];
	[tilespmem:$0x1F500] =	vst v0;
	v0 =	vadd.f32 v1, v5;
	v1 =	vmul.f32 v11, v12  }
0x5cd: {  	v10 =	vld [tilespmem:s17+$0xA640]  }
0x5ce: {  	[tilespmem:$0x1F510] =	vst v0;
	v0 =	vadd.f32 v1, v3;
	v1 =	vmul.f32 v8, v12;
	v12 =	vld [tilespmem:$0x1F060]  }
0x5cf: {  	v5 =	vld [tilespmem:s17+$0xA610]  }
0x5d0: {  	v11 =	vld [tilespmem:s17+$0xA650]  }
0x5d1: {  	v4 =	vmul.f32 v4, v15;
	v3 =	vld [tilespmem:s17+$0xA620]  }
0x5d2: {  	v8 =	vld [tilespmem:s17+$0xA660]  }
0x5d3: {  	v6 =	vmul.f32 v55, v6;
	[tilespmem:$0x1F530] =	vst v0;
	v0 =	vadd.f32 v1, v4;
	v4 =	vld [tilespmem:s17+$0xA630];
	v1 =	vmul.f32 v10, v12  }
0x5d4: {  	v10 =	vld [tilespmem:s17+$0xA670]  }
0x5d5: {  	v5 =	vmul.f32 v5, v55;
	v63 =	vadd.f32 v1, v6;
	v1 =	vmul.f32 v11, v12;
	v6 =	vld [tilespmem:s17+$0xBF00]  }
0x5d6: {  	v11 =	vld [tilespmem:s17+$0xBF40]  }
0x5d7: {  	[tilespmem:$0x1F550] =	vst v0;
	v3 =	vmul.f32 v3, v55;
	v0 =	vadd.f32 v1, v5;
	v1 =	vmul.f32 v8, v12;
	v5 =	vld [tilespmem:s17+$0xBF10]  }
0x5d8: {  	v8 =	vld [tilespmem:s17+$0xBF50]  }
0x5d9: {  	v4 =	vmul.f32 v4, v55;
	[tilespmem:$0x1F570] =	vst v0;
	v0 =	vadd.f32 v1, v3;
	v1 =	vmul.f32 v10, v12;
	v3 =	vld [tilespmem:s17+$0xBF20]  }
0x5da: {  	v10 =	vld [tilespmem:s17+$0xBF60]  }
0x5db: {  	v12 =	vld [tilespmem:s17+$0xBF70];
	v1 =	vadd.f32 v1, v4  }
0x5dc: {  	v6 =	vmul.f32 v51, v6;
	v4 =	vmul.f32 v11, v16;
	v11 =	vld [tilespmem:s17+$0xBF30]  }
0x5dd: {  	v1 =	vadd.f32 v1, v20  }
0x5de: {  	[tilespmem:$0x1F580] =	vst v0;
	v5 =	vmul.f32 v5, v51;
	v0 =	vadd.f32 v4, v6;
	v4 =	vmul.f32 v8, v16;
	v6 =	vld [tilespmem:s17+$0xD800]  }
0x5df: {  	v8 =	vld [tilespmem:s17+$0xD840];
	v3 =	vmul.f32 v3, v51;
	[tilespmem:s17+$0x17A30] =	vst v1;
	v1 =	vmul.f32 v10, v16  }
0x5e0: {  	[tilespmem:$0x1F5C0] =	vst v0;
	v0 =	vadd.f32 v4, v5;
	v4 =	vld [tilespmem:s17+$0xD810]  }
0x5e1: {  	v5 =	vmul.f32 v11, v51;
	v51 =	vadd.f32 v1, v3;
	v1 =	vmul.f32 v12, v16;
	v16 =	vld [tilespmem:$0x1F090]  }
0x5e2: {  	v10 =	vld [tilespmem:s17+$0xD850]  }
0x5e3: {  	v11 =	vld [tilespmem:s17+$0xD860]  }
0x5e4: {  	v3 =	vld [tilespmem:s17+$0xD820]  }
0x5e5: {  	v12 =	vld [tilespmem:s17+$0xD870];
	v1 =	vadd.f32 v1, v5  }
0x5e6: {  	v6 =	vmul.f32 v54, v6;
	v5 =	vmul.f32 v8, v16;
	v8 =	vld [tilespmem:s17+$0xD830]  }
0x5e7: {  	v1 =	vadd.f32 v1, v20  }
0x5e8: {  	v19 =	vld [tilespmem:$0x1F0B0];
	[tilespmem:$0x1F5D0] =	vst v0;
	v4 =	vmul.f32 v4, v54;
	v0 =	vadd.f32 v5, v6;
	v5 =	vmul.f32 v10, v16  }
0x5e9: {  	v3 =	vmul.f32 v3, v54;
	[tilespmem:s17+$0x19630] =	vst v1;
	v1 =	vmul.f32 v11, v16;
	v6 =	vld [tilespmem:s17+$0xF100]  }
0x5ea: {  	v10 =	vld [tilespmem:s17+$0xF140];
	[tilespmem:$0x1F5E0] =	vst v0;
	v0 =	vadd.f32 v5, v4  }
0x5eb: {  	v5 =	vmul.f32 v8, v54;
	v54 =	vadd.f32 v1, v3;
	v1 =	vmul.f32 v12, v16;
	v16 =	vld [tilespmem:$0x1F0A0]  }
0x5ec: {  	v4 =	vld [tilespmem:s17+$0xF110]  }
0x5ed: {  	v8 =	vld [tilespmem:s17+$0xF150]  }
0x5ee: {  	v11 =	vld [tilespmem:s17+$0xF160]  }
0x5ef: {  	v3 =	vld [tilespmem:s17+$0xF120];
	v1 =	vadd.f32 v1, v5  }
0x5f0: {  	v5 =	vmul.f32 v10, v19;
	v6 =	vmul.f32 v16, v6  }
0x5f1: {  	v1 =	vadd.f32 v1, v20  }
0x5f2: {  	[tilespmem:$0x1F5F0] =	vst v0;
	v15 =	vmul.f32 v4, v16;
	v0 =	vadd.f32 v5, v6;
	v5 =	vmul.f32 v8, v19  }
0x5f3: {  	v4 =	vmov v16;
	[tilespmem:s17+$0x1B230] =	vst v1  }
0x5f4: {  	v3 =	vmul.f32 v3, v4;
	v1 =	vmul.f32 v11, v19;
	[tilespmem:$0x1F620] =	vst v0;
	v0 =	vadd.f32 v5, v15;
	_ =	sdelay $0x1  }
0x5f5: {  	[tilespmem:$0x1F630] =	vst v0;
	v0 =	vadd.f32 v1, v3  }
0x5f6: {  	v16 =	vld [tilespmem:s17+$0x2460]  }
0x5f7: {  	[tilespmem:$0x1F640] =	vst v0;
	v0 =	vld [tilespmem:$0x1F0F0];
	_ =	sdelay $0x2  }
0x5f8: {  	v1 =	vld [tilespmem:$0x1F0E0]  }
0x5f9: {  	v8 =	vld [tilespmem:s17+$0x2470]  }
0x5fa: {  	v15 =	vadd.f32 v0, v16;
	v0 =	vld [tilespmem:$0x1F100];
	_ =	sdelay $0x2  }
0x5fb: {  	v12 =	vld [tilespmem:s17+$0x2440];
	v3 =	vadd.f32 v1, v16  }
0x5fc: {  	v10 =	vld [tilespmem:s17+$0x2450]  }
0x5fd: {  	[tilespmem:s17+$0x17820] =	vst v3;
	v3 =	vadd.f32 v0, v8;
	v0 =	vld [tilespmem:$0x1F110]  }
0x5fe: {  	v11 =	vld [tilespmem:$0x1F0D0];
	_ =	sdelay $0x3  }
0x5ff: {  	v19 =	vadd.f32 v0, v12;
	v0 =	vld [tilespmem:$0x1F120]  }
0x600: {  	v11 =	vadd.f32 v11, v10;
	_ =	sdelay $0x1  }
0x601: {  	[tilespmem:s17+$0x17810] =	vst v11;
	v11 =	vadd.f32 v62, v8;
	_ =	sdelay $0x1  }
0x602: {  	[tilespmem:s17+$0x17830] =	vst v11;
	v11 =	vadd.f32 v0, v10;
	v0 =	vld [tilespmem:$0x1F130];
	_ =	sdelay $0x3  }
0x603: {  	v37 =	vld [tilespmem:s17+$0x24E0]  }
0x604: {  	v43 =	vadd.f32 v31, v10;
	v31 =	vadd.f32 v0, v8;
	v0 =	vld [tilespmem:$0x1F140];
	_ =	sdelay $0x3  }
0x605: {  	v33 =	vld [tilespmem:s17+$0x24F0]  }
0x606: {  	v52 =	vadd.f32 v0, v37;
	v0 =	vld [tilespmem:$0x1F150];
	_ =	sdelay $0x2  }
0x607: {  	v25 =	vld [tilespmem:s17+$0x2550]  }
0x608: {  	v4 =	vld [tilespmem:s17+$0x24C0]  }
0x609: {  	v50 =	vadd.f32 v0, v33;
	v0 =	vld [tilespmem:$0x1F160]  }
0x60a: {  	v34 =	vld [tilespmem:s17+$0x24D0]  }
0x60b: {  	v42 =	vld [tilespmem:s17+$0x2560]  }
0x60c: {  	v5 =	vld [tilespmem:$0x1F0C0]  }
0x60d: {  	[tilespmem:s17+$0x19430] =	vst v3;
	v3 =	vld [tilespmem:$0x1F190]  }
0x60e: {  	v53 =	vadd.f32 v39, v16;
	v39 =	vadd.f32 v0, v4;
	v0 =	vld [tilespmem:$0x1F170]  }
0x60f: {  	v49 =	vld [tilespmem:s17+$0x2570];
	v6 =	vadd.f32 v41, v12  }
0x610: {  	v20 =	vld [tilespmem:s17+$0x25C0]  }
0x611: {  	[tilespmem:s17+$0x19400] =	vst v6;
	v6 =	vadd.f32 v27, v12;
	v27 =	vld [tilespmem:s17+$0x25F0];
	v5 =	vadd.f32 v5, v12  }
0x612: {  	v21 =	vadd.f32 v23, v16;
	v40 =	vadd.f32 v3, v33;
	v3 =	vld [tilespmem:$0x1F1A0]  }
0x613: {  	p1 =	slt.u32 s8, $0x2D;
	[tilespmem:s17+$0x17800] =	vst v5;
	v5 =	vadd.f32 v45, v10;
	v45 =	vadd.f32 v0, v34;
	v0 =	vld [tilespmem:$0x1F180]  }
.Ltmp6:
0x614: {  	v23 =	vld [tilespmem:s17+$0x25D0];
	[tilespmem:s17+$0x1B020] =	vst v21;
	(pc) =	sbr.rel @p1 .LBB2_9-.Ltmp6, $4  }
0x615: {  	v55 =	vadd.f32 v29, v4;
	v29 =	vld [tilespmem:s17+$0x2640];
	[tilespmem:s17+$0x19410] =	vst v5  }
0x616: {  	v41 =	vadd.f32 v26, v8;
	v26 =	vld [tilespmem:s17+$0x25E0];
	[tilespmem:s17+$0x19420] =	vst v15  }
0x617: {  	v61 =	vadd.f32 v36, v34;
	v1 =	vld [tilespmem:s17+$0x2540];
	[tilespmem:s17+$0x1B000] =	vst v19  }
0x618: {  	s8 =	sadd.s32 $0x5, s8;
	[tilespmem:s17+$0x1B010] =	vst v11;
	v11 =	vld [tilespmem:s17+$0x2650];
	v36 =	vadd.f32 v0, v37;
	v0 =	vmov v35;
	v35 =	vadd.f32 v3, v4  }
0x619: {  	[tilespmem:s17+$0x1B030] =	vst v41  }
0x61a: {  	[tilespmem:s17+$0x1CC00] =	vst v6  }
0x61b: {  	[tilespmem:s17+$0x1CC10] =	vst v43  }
0x61c: {  	[tilespmem:s17+$0x1CC20] =	vst v53  }
0x61d: {  	[tilespmem:s17+$0x1CC30] =	vst v31  }
0x61e: {  	[tilespmem:s17+$0x17880] =	vst v55  }
0x61f: {  	[tilespmem:s17+$0x17890] =	vst v61  }
0x620: {  	[tilespmem:s17+$0x178A0] =	vst v52  }
0x621: {  	[tilespmem:s17+$0x178B0] =	vst v50  }
0x622: {  	[tilespmem:s17+$0x19480] =	vst v39  }
0x623: {  	[tilespmem:s17+$0x19490] =	vst v45  }
0x624: {  	[tilespmem:s17+$0x194B0] =	vst v40  }
0x625: {  	v3 =	vadd.f32 v24, v34;
	[tilespmem:s17+$0x194A0] =	vst v36  }
0x626: {  	v5 =	vadd.f32 v32, v37;
	[tilespmem:s17+$0x1B080] =	vst v35  }
0x627: {  	v32 =	vadd.f32 v38, v33;
	[tilespmem:s17+$0x1B090] =	vst v3  }
0x628: {  	v4 =	vadd.f32 v44, v4;
	[tilespmem:s17+$0x1B0A0] =	vst v5  }
0x629: {  	v39 =	vadd.f32 v57, v25;
	[tilespmem:s17+$0x1B0B0] =	vst v32  }
0x62a: {  	v40 =	vadd.f32 v58, v42;
	[tilespmem:s17+$0x1CC80] =	vst v4  }
0x62b: {  	v41 =	vadd.f32 v59, v49;
	[tilespmem:s17+$0x17910] =	vst v39  }
0x62c: {  	v44 =	vadd.f32 v28, v25;
	[tilespmem:s17+$0x17920] =	vst v40  }
0x62d: {  	v45 =	vadd.f32 v7, v42;
	[tilespmem:s17+$0x17930] =	vst v41  }
0x62e: {  	v35 =	vadd.f32 v46, v34;
	[tilespmem:s17+$0x19510] =	vst v44  }
0x62f: {  	v36 =	vadd.f32 v47, v37;
	[tilespmem:s17+$0x19520] =	vst v45  }
0x630: {  	v37 =	vadd.f32 v48, v33;
	[tilespmem:s17+$0x1CC90] =	vst v35  }
0x631: {  	v46 =	vadd.f32 v17, v49;
	[tilespmem:s17+$0x1CCA0] =	vst v36  }
0x632: {  	v38 =	vadd.f32 v56, v1;
	[tilespmem:s17+$0x1CCB0] =	vst v37  }
0x633: {  	v43 =	vadd.f32 v14, v1;
	[tilespmem:s17+$0x19530] =	vst v46  }
0x634: {  	v47 =	vadd.f32 v18, v1;
	[tilespmem:s17+$0x17900] =	vst v38  }
0x635: {  	[tilespmem:s17+$0x19500] =	vst v43  }
0x636: {  	[tilespmem:s17+$0x1B100] =	vst v47  }
0x637: {  	v3 =	vld [tilespmem:$0x1F410];
	_ =	sdelay $0x1  }
0x638: {  	v48 =	vadd.f32 v9, v25  }
0x639: {  	v50 =	vadd.f32 v13, v49  }
0x63a: {  	v52 =	vadd.f32 v30, v1;
	[tilespmem:s17+$0x1B110] =	vst v48  }
0x63b: {  	[tilespmem:s17+$0x1B130] =	vst v50;
	v3 =	vadd.f32 v3, v42  }
0x63c: {  	[tilespmem:s17+$0x1CD00] =	vst v52  }
0x63d: {  	[tilespmem:s17+$0x1B120] =	vst v3  }
0x63e: {  	v1 =	vld [tilespmem:$0x1F430];
	_ =	sdelay $0x2  }
0x63f: {  	v53 =	vadd.f32 v22, v25  }
0x640: {  	v55 =	vadd.f32 v0, v42  }
0x641: {  	[tilespmem:s17+$0x1CD10] =	vst v53;
	v1 =	vadd.f32 v1, v49  }
0x642: {  	[tilespmem:s17+$0x1CD20] =	vst v55  }
0x643: {  	v56 =	vld [tilespmem:$0x1F450];
	[tilespmem:s17+$0x1CD30] =	vst v1  }
0x644: {  	v1 =	vld [tilespmem:$0x1F460];
	_ =	sdelay $0x3  }
0x645: {  	v0 =	vadd.f32 v56, v20  }
0x646: {  	v1 =	vadd.f32 v1, v23  }
0x647: {  	[tilespmem:s17+$0x17980] =	vst v0  }
0x648: {  	v0 =	vld [tilespmem:$0x1F470];
	[tilespmem:s17+$0x17990] =	vst v1  }
0x649: {  	v1 =	vld [tilespmem:$0x1F480];
	_ =	sdelay $0x3  }
0x64a: {  	v0 =	vadd.f32 v0, v26  }
0x64b: {  	v1 =	vadd.f32 v1, v27  }
0x64c: {  	v57 =	vadd.f32 v2, v20;
	[tilespmem:s17+$0x179A0] =	vst v0  }
0x64d: {  	[tilespmem:s17+$0x179B0] =	vst v1  }
0x64e: {  	v1 =	vld [tilespmem:$0x1F490];
	[tilespmem:s17+$0x19580] =	vst v57  }
0x64f: {  	v0 =	vld [tilespmem:$0x1F4A0];
	_ =	sdelay $0x3  }
0x650: {  	v1 =	vadd.f32 v1, v23  }
0x651: {  	v0 =	vadd.f32 v0, v26  }
0x652: {  	[tilespmem:s17+$0x19590] =	vst v1  }
0x653: {  	v1 =	vld [tilespmem:$0x1F4B0];
	[tilespmem:s17+$0x195A0] =	vst v0  }
0x654: {  	v0 =	vld [tilespmem:$0x1F4C0];
	_ =	sdelay $0x3  }
0x655: {  	v1 =	vadd.f32 v1, v27  }
0x656: {  	v0 =	vadd.f32 v0, v20  }
0x657: {  	v58 =	vadd.f32 v60, v23;
	[tilespmem:s17+$0x195B0] =	vst v1  }
0x658: {  	[tilespmem:s17+$0x1B180] =	vst v0  }
0x659: {  	v0 =	vld [tilespmem:$0x1F4E0];
	[tilespmem:s17+$0x1B190] =	vst v58  }
0x65a: {  	v1 =	vld [tilespmem:$0x1F4F0]  }
0x65b: {  	v59 =	vld [tilespmem:$0x1F500];
	_ =	sdelay $0x2  }
0x65c: {  	v0 =	vadd.f32 v0, v26  }
0x65d: {  	v1 =	vadd.f32 v1, v27  }
0x65e: {  	v2 =	vadd.f32 v59, v20;
	[tilespmem:s17+$0x1B1A0] =	vst v0  }
0x65f: {  	v0 =	vld [tilespmem:$0x1F510];
	[tilespmem:s17+$0x1B1B0] =	vst v1  }
0x660: {  	v3 =	vld [tilespmem:$0x1F530];
	[tilespmem:s17+$0x1CD80] =	vst v2  }
0x661: {  	v2 =	vld [tilespmem:$0x1F550];
	_ =	sdelay $0x2  }
0x662: {  	v0 =	vadd.f32 v0, v23  }
0x663: {  	v3 =	vadd.f32 v3, v26  }
0x664: {  	v2 =	vadd.f32 v2, v27;
	[tilespmem:s17+$0x1CD90] =	vst v0  }
0x665: {  	v61 =	vadd.f32 v63, v29;
	[tilespmem:s17+$0x1CDA0] =	vst v3  }
0x666: {  	v60 =	vld [tilespmem:s17+$0x2660];
	[tilespmem:s17+$0x1CDB0] =	vst v2  }
0x667: {  	v2 =	vld [tilespmem:$0x1F570];
	[tilespmem:s17+$0x17A00] =	vst v61  }
0x668: {  	v0 =	vld [tilespmem:$0x1F580];
	_ =	sdelay $0x3  }
0x669: {  	v2 =	vadd.f32 v2, v11  }
0x66a: {  	v0 =	vadd.f32 v0, v60  }
0x66b: {  	[tilespmem:s17+$0x17A10] =	vst v2  }
0x66c: {  	v2 =	vld [tilespmem:$0x1F5C0];
	[tilespmem:s17+$0x17A20] =	vst v0  }
0x66d: {  	v0 =	vld [tilespmem:$0x1F5D0];
	_ =	sdelay $0x3  }
0x66e: {  	v2 =	vadd.f32 v2, v29  }
0x66f: {  	v0 =	vadd.f32 v0, v11  }
0x670: {  	v62 =	vadd.f32 v51, v60;
	[tilespmem:s17+$0x19600] =	vst v2  }
0x671: {  	[tilespmem:s17+$0x19610] =	vst v0  }
0x672: {  	v0 =	vld [tilespmem:$0x1F5E0];
	[tilespmem:s17+$0x19620] =	vst v62  }
0x673: {  	v2 =	vld [tilespmem:$0x1F5F0];
	_ =	sdelay $0x3  }
0x674: {  	v0 =	vadd.f32 v0, v29  }
0x675: {  	v2 =	vadd.f32 v2, v11  }
0x676: {  	v63 =	vadd.f32 v54, v60;
	[tilespmem:s17+$0x1B200] =	vst v0  }
0x677: {  	v3 =	vld [tilespmem:$0x1F620];
	[tilespmem:s17+$0x1B210] =	vst v2  }
0x678: {  	v2 =	vld [tilespmem:$0x1F630];
	[tilespmem:s17+$0x1B220] =	vst v63  }
0x679: {  	v0 =	vld [tilespmem:$0x1F640];
	_ =	sdelay $0x2  }
0x67a: {  	v3 =	vadd.f32 v3, v29  }
0x67b: {  	s2 =	sadd.s32 @!p0 s2, s13;
	v2 =	vadd.f32 v2, v11  }
0x67c: {  	s8 =	sshll.u32 @!p0 s2, $0x7;
	v0 =	vadd.f32 v0, v60;
	[tilespmem:s17+$0x1CE00] =	vst v3  }
0x67d: {  	s9 =	simm.s32 @!p0 $0x0;
	s10 =	simm.s32 @!p0 $0x400;
	s8 =	sand.u32 @!p0 $0x1FFFFF80, s8;
	[tilespmem:s17+$0x1CE10] =	vst v2  }
0x67e: {  	s2 =	smul.u32 @!p0 $0x380, s2;
	s8 =	sadd.s32 @!p0 s1, s8;
	[tilespmem:s17+$0x1CE20] =	vst v0;
	s17 =	sadd.s32 s15, s7  }
0x67f: {  	[tilespmem:s10], [sflag:$0x2] =	stream.linear.gather @!p0 [hbm4b:s8+s9], $0x280, $0x38;
	[tilespmem:$0x1E800] =	vst v63  }
0x680: {  	s2 =	sadd.s32 @!p0 s5, s2;
	s10 =	simm.s32 @!p0 $0x2400;
	s8 =	smul.u32 $0x380, s17  }
0x681: {  	[tilespmem:s10], [sflag:$0x2] =	stream.linear.gather @!p0 [hbm4b:s2+s9], $0x1900, $0x38;
	[tilespmem:$0x1E800] =	vst v63  }
0x682: {  	s10 =	sadd.s32 s6, s8  }
0x683: {  	s8 =	sadd.s32 $0xE00, s10  }
0x684: {  	[hbm4b:s8+s3] =	stream.linear.scatter [tilespmem:s26], [sflag:$0x6], $0x1900, $0x38;
	[tilespmem:$0x1E800] =	vst v63  }
0x685: {  	s15 =	sadd.s32 $0x1180, s10  }
0x686: {  	[hbm4b:s15+s3] =	stream.linear.scatter [tilespmem:s28], [sflag:$0x6], $0x1900, $0x38;
	[tilespmem:$0x1E800] =	vst v63  }
.Ltmp7:
0x687: {  	_ = 	snop;
	(pc) =	sbr.rel @p0 .LBB2_12-.Ltmp7, $4  }
0x688: {  	s17 =	sadd.s32 $0x1500, s10  }
0x689: {  	[hbm4b:s17+s3] =	stream.linear.scatter [tilespmem:s29], [sflag:$0x6], $0x1900, $0x38;
	[tilespmem:$0x1E800] =	vst v63  }
0x68a: {  	s2 =	sadd.s32 $0x1880, s10  }
0x68b: {  	[hbm4b:s2+s3] =	stream.linear.scatter [tilespmem:s31], [sflag:$0x6], $0x1900, $0x38;
	[tilespmem:$0x1E800] =	vst v63  }
0x68c: {  	_ =	swait.ge [sflag:s30], $0x280  }
0x68d: {  	[sflag:s30] =	ssyncset.done $0x0  }
0x68e: {  	[sflag:s30] =	ssyncadd.s32 $0xFFFFFD80  }
0x68f: {  	_ =	swait.ge [sflag:s30], $0x1900  }
0x690: {  	[sflag:s30] =	ssyncset.done $0x0  }
0x691: {  	s2 =	simm.s32 $0xA400;
	[sflag:s30] =	ssyncadd.s32 $0xFFFFE700  }
0x692: {  	[tilespmem:s2], [sflag:$0x4] =	stream.indirect.gather [hbm4b:s4+s19], $0x80, s16, s19, $0xb8;
	[tilespmem:$0x1E800] =	vst v63  }
0x693: {  	s17 =	simm.s32 $0x480;
	s8 =	simm.s32 $0xB800  }
0x694: {  	[tilespmem:s8], [sflag:$0x4] =	stream.indirect.gather [hbm4b:s4+s19], $0x80, s17, s19, $0xb8;
	[tilespmem:$0x1E800] =	vst v63  }
0x695: {  	s9 =	simm.s32 $0xCC00;
	s8 =	simm.s32 $0x500  }
0x696: {  	[tilespmem:s9], [sflag:$0x4] =	stream.indirect.gather [hbm4b:s4+s19], $0x80, s8, s19, $0xb8;
	[tilespmem:$0x1E800] =	vst v63  }
.Ltmp8:
0x697: {  	_ = 	snop;
	(pc) =	sbr.rel .LBB2_2-.Ltmp8, $4  }
0x698: {  	s10 =	simm.s32 $0x580;
	s15 =	simm.s32 $0xE000  }
0x699: {  	[tilespmem:s15], [sflag:$0x4] =	stream.indirect.gather [hbm4b:s4+s19], $0x80, s10, s19, $0xb8;
	[tilespmem:$0x1E800] =	vst v63  }
0x69a: {  	s0 =	sadd.s32 $0x1, s0;
	s17 =	simm.s32 $0x600  }
0x69b: {  	[tilespmem:s11], [sflag:$0x4] =	stream.indirect.gather [hbm4b:s4+s19], $0x80, s17, s19, $0xb8;
	[tilespmem:$0x1E800] =	vst v63  }
.LBB2_13:
0x69c: {  	_ =	sfence.sel $0x180000  }
0x69d: {  	[bflag:$0x0] =	sbarrier.arrive $0xFFFF  }
0x69e: {  	_ =	strace $0x90000047  }
0x69f: {  	s0 =	stileid.u32;
	[bflag:$0x2] =	sbarrier.arrive $0xFFFF  }
0x6a0: {  	p0 =	sne.s32 s0, $0x0;
	s0 =	rddreg [dreg:$0x1]  }
0x6a1: {  	s0 =	sadd.s32 @!p0 $0x100000, s0  }
0x6a2: {  	[sflag:s0] =	ssyncadd.tile.s32 @!p0 $0x1;
	_ =	shalt  }
.Lfunc_end2:
_tile_overlayer_lowered:
.L_overlay_start_2:
0x6a3: {  	(tag) =	ssettag $0x2  }
0x6a4: {  	s0 =	rddreg [dreg:$0x0];
	s2 =	stileid.u32  }
0x6a5: {  	s1 =	rddreg [dreg:$0x1];
	p0 =	sne.s32 s2, $0x0  }
0x6a6: {  	s3 =	rddreg [dreg:$0x2];
	[bflag:$0x3] =	sbarrier.arrive $0xFFFF;
	s2 =	simm.s32 @!p0 $0x1C07  }
0x6a7: {  	[timem:s3], [sflag:s2] =	dma.local @!p0 [hbm:s0], s1  }
0x6a8: {  	s0 =	simm.s32 @!p0 $0x7  }
0x6a9: {  	_ =	swait.ge @!p0 [sflag:s0], s1  }
0x6aa: {  	s1 =	ssub.s32 @!p0 $0x0, s1;
	[sflag:s0] =	ssyncset.done @!p0 $0x0  }
0x6ab: {  	[sflag:s0] =	ssyncadd.s32 @!p0 s1  }
0x6ac: {  	[bflag:$0x3] =	sbarrier.arrive $0xFFFF  }
0x6ad: {  	_ =	shalt  }

</sc_bundles>
